<compile_context>
chip_gen: v7x
topology: tpu7x:2x2x1
jax: 0.10.2.dev20260603
libtpu: 0.0.44.dev20260713+nightly
codegen_flags: <defaults>
</compile_context>

<pallas_src>
import jax
import jax.numpy as jnp
from jax import lax
from jax.experimental import pallas as pl
from jax.experimental.pallas import tpu as pltpu
from jax.experimental.pallas import tpu_sc as plsc

VOCAB = 1000000
MAX_TOKENS = 1000
EMBED_DIM = 32
BATCH = 16384
SEQ = 20

NUM_CORES = 2
NUM_SUBCORES = 16
LANES = 16
NUM_WORKERS = NUM_CORES * NUM_SUBCORES
B_PER_W = BATCH // NUM_WORKERS
ROW_CHUNKS = B_PER_W // LANES
TILE_W = 128
SUB_W = 128
PIPE = 8


def _body(tid_hbm, tokT_hbm, tabT_hbm, ttabT_hbm, outT_hbm,
          tid_v, blk_v, titleT_v, ttab_v, tok_v, poolT_v, gsems):
    wid = lax.axis_index("s") * NUM_CORES + lax.axis_index("c")
    base = wid * B_PER_W

    pltpu.sync_copy(tid_hbm.at[pl.ds(base, B_PER_W)], tid_v)
    pltpu.sync_copy(tokT_hbm.at[:, pl.ds(base, B_PER_W)], tok_v)
    pltpu.sync_copy(ttabT_hbm, ttab_v)

    iota = lax.iota(jnp.int32, LANES)
    zeros16 = jnp.zeros((LANES,), jnp.float32)

    plsc.store_scatter(ttab_v, [iota, jnp.zeros((LANES,), jnp.int32)], zeros16)
    plsc.store_scatter(ttab_v, [iota + LANES, jnp.zeros((LANES,), jnp.int32)],
                       zeros16)

    def _col_copy(col8, slot):
        c0 = pl.multiple_of(col8, SUB_W)
        return pltpu.make_async_copy(
            tabT_hbm.at[:, pl.ds(c0, SUB_W)], blk_v.at[slot], gsems.at[slot])

    def title_body(c, carry):
        idvec = tid_v[pl.ds(pl.multiple_of(c * LANES, LANES), LANES)]
        col8 = (idvec // SUB_W) * SUB_W
        off8 = lax.rem(idvec, SUB_W)
        for l in range(PIPE):
            _col_copy(col8[l], l).start()
        for l in range(LANES):
            slot = l % PIPE
            _col_copy(col8[l], slot).wait()
            off = jnp.full((LANES,), off8[l], jnp.int32)
            v0 = plsc.load_gather(blk_v.at[slot], [iota, off])
            v1 = plsc.load_gather(blk_v.at[slot], [iota + LANES, off])
            if l + PIPE < LANES:
                _col_copy(col8[l + PIPE], slot).start()
            icol = jnp.full((LANES,), c * LANES + l, jnp.int32)
            plsc.store_scatter(titleT_v, [iota, icol], v0)
            plsc.store_scatter(titleT_v, [iota + LANES, icol], v1)
        return carry

    lax.fori_loop(0, ROW_CHUNKS, title_body, 0)

    def _tree_sum(vals):
        while len(vals) > 1:
            nxt = [a + b for a, b in zip(vals[::2], vals[1::2])]
            if len(vals) % 2:
                nxt.append(vals[-1])
            vals = nxt
        return vals[0]

    def chunk_body(j, carry):
        row_idx = j * LANES + iota
        tks = [
            plsc.load_gather(tok_v, [jnp.full((LANES,), l, jnp.int32), row_idx])
            for l in range(SEQ)
        ]
        cnt = _tree_sum([(tk != 0).astype(jnp.float32) for tk in tks])
        rcp = 1.0 / jnp.maximum(cnt, 1e-9)
        for d in range(EMBED_DIM):
            drow = jnp.full((LANES,), d, jnp.int32)
            s = _tree_sum([plsc.load_gather(ttab_v, [drow, tk]) for tk in tks])
            plsc.store_scatter(poolT_v, [drow, row_idx], s * rcp)
        return carry

    lax.fori_loop(0, ROW_CHUNKS, chunk_body, 0)

    pltpu.sync_copy(titleT_v, outT_hbm.at[pl.ds(0, EMBED_DIM), pl.ds(base, B_PER_W)])
    pltpu.sync_copy(poolT_v, outT_hbm.at[pl.ds(EMBED_DIM, EMBED_DIM), pl.ds(base, B_PER_W)])


@jax.jit
def kernel(title_ids, token_ids, title_table, token_table):
    tokT = token_ids.T
    tabT = title_table.T
    ttabT = token_table.T

    run = pl.kernel(
        _body,
        out_type=jax.ShapeDtypeStruct((2 * EMBED_DIM, BATCH), jnp.float32),
        mesh=plsc.VectorSubcoreMesh(core_axis_name="c", subcore_axis_name="s"),
        compiler_params=pltpu.CompilerParams(
            needs_layout_passes=False, use_tc_tiling_on_sc=True),
        scratch_types=[
            pltpu.VMEM((B_PER_W,), jnp.int32),
            pltpu.VMEM((PIPE, EMBED_DIM, SUB_W), jnp.float32),
            pltpu.VMEM((EMBED_DIM, B_PER_W), jnp.float32),
            pltpu.VMEM((EMBED_DIM, MAX_TOKENS), jnp.float32),
            pltpu.VMEM((SEQ, B_PER_W), jnp.int32),
            pltpu.VMEM((EMBED_DIM, B_PER_W), jnp.float32),
            pltpu.SemaphoreType.DMA((PIPE,)),
        ],
    )
    return run(title_ids, tokT, tabT, ttabT).T

# --- scband reference (transcript-rebuilt; emitter-appended) ---
"""Pipeline reference for scband-candidate-model-45140106281517 (READ-ONLY COPY).

The authoritative reference and input builder live on the scoring server;
editing this copy changes nothing except your own understanding.
"""

import jax, jax.numpy as jnp
import numpy as np

VOCAB = 1000000       # len(unique_title_id)
MAX_TOKENS = 1000     # TextVectorization max_tokens
EMBED_DIM = 32
BATCH = 16384
SEQ = 20              # tokenized title length


def setup_inputs(seed: int = 0) -> dict:
    key = jax.random.key(seed)
    k1, k2, k3, k4 = jax.random.split(key, 4)
    # StringLookup output: integer ids in [0, VOCAB] -> table has VOCAB+1 rows
    title_ids = jax.random.randint(k1, (BATCH,), 0, VOCAB + 1, dtype=jnp.int32)
    # TextVectorization output: token ids in [0, MAX_TOKENS); 0 is the mask token
    token_ids = jax.random.randint(k2, (BATCH, SEQ), 0, MAX_TOKENS, dtype=jnp.int32)
    title_table = jax.random.normal(k3, (VOCAB + 1, EMBED_DIM), dtype=jnp.float32) * 0.05
    token_table = jax.random.normal(k4, (MAX_TOKENS, EMBED_DIM), dtype=jnp.float32) * 0.05
    return {
        "title_ids": title_ids,
        "token_ids": token_ids,
        "title_table": title_table,
        "token_table": token_table,
    }


def reference(title_ids, token_ids, title_table, token_table):
    # Branch 1: StringLookup + Embedding  -> direct row gather
    emb_id = jnp.take(title_table, title_ids, axis=0)  # [B, D]
    # Branch 2: TextVectorization + Embedding(mask_zero=True) + GlobalAveragePooling1D
    tok_emb = jnp.take(token_table, token_ids, axis=0)  # [B, L, D]
    mask = (token_ids != 0).astype(tok_emb.dtype)       # [B, L] mask_zero semantics
    summed = jnp.sum(tok_emb * mask[..., None], axis=1)  # [B, D]
    cnt = jnp.maximum(jnp.sum(mask, axis=1, keepdims=True), 1e-9)
    pooled = summed / cnt                                # masked mean pooling
    # concat along feature axis, as in the Keras call()
    return jnp.concatenate([emb_id, pooled], axis=1)     # [B, 2*D]

if __name__ == "__main__":
    import jax
    _d = setup_inputs()
    print(jax.jit(kernel)(*tuple(_d.values())))

</pallas_src>

<mosaic_0001>
#map = affine_map<(d0, d1) -> (0)>
#map1 = affine_map<(d0, d1) -> (0, 0)>
module attributes {stable_mosaic.version = 14 : i64} {
  func.func @_body(%arg0: i32, %arg1: i32, %arg2: memref<16384xi32, #tpu.memory_space<hbm>>, %arg3: memref<20x16384xi32, #tpu.memory_space<hbm>>, %arg4: memref<32x1000001xf32, #tpu.memory_space<hbm>>, %arg5: memref<32x1000xf32, #tpu.memory_space<hbm>>, %arg6: memref<64x16384xf32, #tpu.memory_space<hbm>>, %arg7: memref<512xi32, #tpu.memory_space<vmem>>, %arg8: memref<8x32x128xf32, #tpu.memory_space<vmem>>, %arg9: memref<32x512xf32, #tpu.memory_space<vmem>>, %arg10: memref<32x1000xf32, #tpu.memory_space<vmem>>, %arg11: memref<20x512xi32, #tpu.memory_space<vmem>>, %arg12: memref<32x512xf32, #tpu.memory_space<vmem>>, %arg13: memref<8x!tpu.dma_semaphore, #tpu.memory_space<semaphore_mem>>) attributes {dimension_semantics = [#tpu.dimension_semantics<core_parallel>, #tpu.dimension_semantics<subcore_parallel>], iteration_bounds = array<i64: 2, 16>, scalar_prefetch = 0 : i64, scratch_operands = 7 : i64, tpu.core_type = #tpu.core_type<sc_vector_subcore>, window_params = [{transform_indices = #map}, {transform_indices = #map1}, {transform_indices = #map1}, {transform_indices = #map1}, {transform_indices = #map1}]} {
    %mul3A = arith.constant 2 : i32
    %mul3A_0 = arith.muli %arg1, %mul3A : i32
    %add3A = arith.addi %mul3A_0, %arg0 : i32
    %mul3A_1 = arith.constant 512 : i32
    %mul3A_2 = arith.muli %add3A, %mul3A_1 : i32
    "tpu.region"() ({
      %run_scoped3A = tpu.sem_alloc : memref<!tpu.dma_semaphore, #tpu.memory_space<semaphore_mem>>
      %dma_start3A = tpu.memref_slice %arg2[%mul3A_2] : memref<16384xi32, #tpu.memory_space<hbm>> -> memref<512xi32, #tpu.memory_space<hbm>>
      %dma_start3A_22 = tpu.memref_slice %arg2[%mul3A_2] : memref<16384xi32, #tpu.memory_space<hbm>> -> memref<512xi32, #tpu.memory_space<hbm>>
      tpu.enqueue_dma source(%dma_start3A_22 : memref<512xi32, #tpu.memory_space<hbm>>) target(%arg7 : memref<512xi32, #tpu.memory_space<vmem>>) target_semaphore(%run_scoped3A : memref<!tpu.dma_semaphore, #tpu.memory_space<semaphore_mem>>)
      %dma_wait3A = tpu.memref_slice %arg2[%mul3A_2] : memref<16384xi32, #tpu.memory_space<hbm>> -> memref<512xi32, #tpu.memory_space<hbm>>
      %dma_wait3A_23 = tpu.memref_slice %arg2[%mul3A_2] : memref<16384xi32, #tpu.memory_space<hbm>> -> memref<512xi32, #tpu.memory_space<hbm>>
      tpu.wait_dma2 semaphore(%run_scoped3A : memref<!tpu.dma_semaphore, #tpu.memory_space<semaphore_mem>>) src(%dma_wait3A_23 : memref<512xi32, #tpu.memory_space<hbm>>) dst(%arg7 : memref<512xi32, #tpu.memory_space<vmem>>)
      tpu.yield
    }) : () -> ()
    "tpu.region"() ({
      %run_scoped3A = tpu.sem_alloc : memref<!tpu.dma_semaphore, #tpu.memory_space<semaphore_mem>>
      %dma_start3A = arith.constant 0 : i32
      %dma_start3A_22 = tpu.memref_slice %arg3[%dma_start3A, %mul3A_2] : memref<20x16384xi32, #tpu.memory_space<hbm>> -> memref<20x512xi32, #tpu.memory_space<hbm>>
      %dma_start3A_23 = arith.constant 0 : i32
      %dma_start3A_24 = tpu.memref_slice %arg3[%dma_start3A_23, %mul3A_2] : memref<20x16384xi32, #tpu.memory_space<hbm>> -> memref<20x512xi32, #tpu.memory_space<hbm>>
      tpu.enqueue_dma source(%dma_start3A_24 : memref<20x512xi32, #tpu.memory_space<hbm>>) target(%arg11 : memref<20x512xi32, #tpu.memory_space<vmem>>) target_semaphore(%run_scoped3A : memref<!tpu.dma_semaphore, #tpu.memory_space<semaphore_mem>>)
      %dma_wait3A = arith.constant 0 : i32
      %dma_wait3A_25 = tpu.memref_slice %arg3[%dma_wait3A, %mul3A_2] : memref<20x16384xi32, #tpu.memory_space<hbm>> -> memref<20x512xi32, #tpu.memory_space<hbm>>
      %dma_wait3A_26 = arith.constant 0 : i32
      %dma_wait3A_27 = tpu.memref_slice %arg3[%dma_wait3A_26, %mul3A_2] : memref<20x16384xi32, #tpu.memory_space<hbm>> -> memref<20x512xi32, #tpu.memory_space<hbm>>
      tpu.wait_dma2 semaphore(%run_scoped3A : memref<!tpu.dma_semaphore, #tpu.memory_space<semaphore_mem>>) src(%dma_wait3A_27 : memref<20x512xi32, #tpu.memory_space<hbm>>) dst(%arg11 : memref<20x512xi32, #tpu.memory_space<vmem>>)
      tpu.yield
    }) : () -> ()
    "tpu.region"() ({
      %run_scoped3A = tpu.sem_alloc : memref<!tpu.dma_semaphore, #tpu.memory_space<semaphore_mem>>
      tpu.enqueue_dma source(%arg5 : memref<32x1000xf32, #tpu.memory_space<hbm>>) target(%arg10 : memref<32x1000xf32, #tpu.memory_space<vmem>>) target_semaphore(%run_scoped3A : memref<!tpu.dma_semaphore, #tpu.memory_space<semaphore_mem>>)
      tpu.wait_dma2 semaphore(%run_scoped3A : memref<!tpu.dma_semaphore, #tpu.memory_space<semaphore_mem>>) src(%arg5 : memref<32x1000xf32, #tpu.memory_space<hbm>>) dst(%arg10 : memref<32x1000xf32, #tpu.memory_space<vmem>>)
      tpu.yield
    }) : () -> ()
    %iota3A = tpu.iota {dimensions = array<i32: 0>} : vector<16xi32>
    %broadcast_in_dim3A = arith.constant 0.000000e+00 : f32
    %broadcast_in_dim3A_3 = vector.broadcast %broadcast_in_dim3A : f32 to vector<16xf32>
    %broadcast_in_dim3A_4 = arith.constant 0 : i32
    %broadcast_in_dim3A_5 = vector.broadcast %broadcast_in_dim3A_4 : i32 to vector<16xi32>
    tpu.vector_store_idx %arg10[%iota3A, %broadcast_in_dim3A_5], %broadcast_in_dim3A_3 : memref<32x1000xf32, #tpu.memory_space<vmem>>[vector<16xi32>, vector<16xi32>], vector<16xf32>,
    %add3A_6 = arith.constant 16 : i32
    %add3A_7 = vector.broadcast %add3A_6 : i32 to vector<16xi32>
    %add3A_8 = arith.addi %iota3A, %add3A_7 : vector<16xi32>
    %broadcast_in_dim3A_9 = arith.constant 0 : i32
    %broadcast_in_dim3A_10 = vector.broadcast %broadcast_in_dim3A_9 : i32 to vector<16xi32>
    tpu.vector_store_idx %arg10[%add3A_8, %broadcast_in_dim3A_10], %broadcast_in_dim3A_3 : memref<32x1000xf32, #tpu.memory_space<vmem>>[vector<16xi32>, vector<16xi32>], vector<16xf32>,
    %scan3A = arith.constant 0 : i32
    %scan3A_11 = arith.constant 0 : i32
    %scan3A_12 = arith.constant 32 : i32
    %scan3A_13 = arith.addi %scan3A_11, %scan3A_12 : i32
    %scan3A_14 = arith.constant 1 : i32
    scf.for %scan3A_22 = %scan3A_11 to %scan3A_13 step %scan3A_14  : i32 {
      %mul3A_23 = arith.constant 16 : i32
      %mul3A_24 = arith.muli %scan3A_22, %mul3A_23 : i32
      %multiple_of3A = tpu.assume_multiple %mul3A_24, 16 : i32
      %get3A = arith.index_cast %multiple_of3A : i32 to index
      %get3A_25 = tpu.vector_load %arg7[%get3A] {strides = array<i32>} : memref<512xi32, #tpu.memory_space<vmem>>, vector<16xi32>,
      %jit3A = arith.constant 128 : i32
      %div3A = vector.broadcast %jit3A : i32 to vector<16xi32>
      %div3A_26 = arith.divsi %get3A_25, %div3A : vector<16xi32>
      %sign3A = arith.constant 0 : i32
      %sign3A_27 = vector.broadcast %sign3A : i32 to vector<16xi32>
      %sign3A_28 = arith.cmpi sgt, %get3A_25, %sign3A_27 : vector<16xi32>
      %sign3A_29 = arith.extui %sign3A_28 : vector<16xi1> to vector<16xi32>
      %sign3A_30 = arith.constant 0 : i32
      %sign3A_31 = vector.broadcast %sign3A_30 : i32 to vector<16xi32>
      %sign3A_32 = arith.cmpi slt, %get3A_25, %sign3A_31 : vector<16xi32>
      %sign3A_33 = arith.extui %sign3A_32 : vector<16xi1> to vector<16xi32>
      %sign3A_34 = arith.subi %sign3A_29, %sign3A_33 : vector<16xi32>
      %sign3A_35 = arith.constant 0 : i32
      %sign3A_36 = arith.cmpi sgt, %jit3A, %sign3A_35 : i32
      %sign3A_37 = arith.extui %sign3A_36 : i1 to i32
      %sign3A_38 = arith.constant 0 : i32
      %sign3A_39 = arith.cmpi slt, %jit3A, %sign3A_38 : i32
      %sign3A_40 = arith.extui %sign3A_39 : i1 to i32
      %sign3A_41 = arith.subi %sign3A_37, %sign3A_40 : i32
      %ne3A = vector.broadcast %sign3A_41 : i32 to vector<16xi32>
      %ne3A_42 = arith.cmpi ne, %sign3A_34, %ne3A : vector<16xi32>
      %rem3A = vector.broadcast %jit3A : i32 to vector<16xi32>
      %rem3A_43 = arith.remsi %get3A_25, %rem3A : vector<16xi32>
      %ne3A_44 = arith.constant 0 : i32
      %ne3A_45 = vector.broadcast %ne3A_44 : i32 to vector<16xi32>
      %ne3A_46 = arith.cmpi ne, %rem3A_43, %ne3A_45 : vector<16xi32>
      %and3A = arith.andi %ne3A_42, %ne3A_46 : vector<16xi1>
      %sub3A = arith.constant 1 : i32
      %sub3A_47 = vector.broadcast %sub3A : i32 to vector<16xi32>
      %sub3A_48 = arith.subi %div3A_26, %sub3A_47 : vector<16xi32>
      %select_n3A = arith.select %and3A, %sub3A_48, %div3A_26 : vector<16xi1>, vector<16xi32>
      %mul3A_49 = arith.constant 128 : i32
      %mul3A_50 = vector.broadcast %mul3A_49 : i32 to vector<16xi32>
      %mul3A_51 = arith.muli %select_n3A, %mul3A_50 : vector<16xi32>
      %rem3A_52 = arith.constant 128 : i32
      %rem3A_53 = vector.broadcast %rem3A_52 : i32 to vector<16xi32>
      %rem3A_54 = arith.remsi %get3A_25, %rem3A_53 : vector<16xi32>
      %slice3A = vector.extract_strided_slice %mul3A_51 {offsets = [0], sizes = [1], strides = [1]} : vector<16xi32> to vector<1xi32>
      %squeeze3A = vector.extract %slice3A[0] : i32 from vector<1xi32>
      %multiple_of3A_55 = tpu.assume_multiple %squeeze3A, 128 : i32
      %dma_start3A = arith.constant 0 : i32
      %dma_start3A_56 = arith.constant 0 : i32
      %dma_start3A_57 = arith.constant 0 : i32
      %dma_start3A_58 = arith.constant 0 : i32
      %dma_start3A_59 = tpu.memref_slice %arg8[%dma_start3A, %dma_start3A_57, %dma_start3A_58] : memref<8x32x128xf32, #tpu.memory_space<vmem>> -> memref<1x32x128xf32, #tpu.memory_space<vmem>>
      %dma_start3A_60 = tpu.memref_squeeze %dma_start3A_59 : memref<1x32x128xf32, #tpu.memory_space<vmem>> -> memref<32x128xf32, #tpu.memory_space<vmem>>
      %dma_start3A_61 = arith.constant 0 : i32
      %dma_start3A_62 = tpu.memref_slice %arg4[%dma_start3A_61, %multiple_of3A_55] : memref<32x1000001xf32, #tpu.memory_space<hbm>> -> memref<32x128xf32, #tpu.memory_space<hbm>>
      %dma_start3A_63 = tpu.memref_slice %arg13[%dma_start3A_56] : memref<8x!tpu.dma_semaphore, #tpu.memory_space<semaphore_mem>> -> memref<1x!tpu.dma_semaphore, #tpu.memory_space<semaphore_mem>>
      %dma_start3A_64 = tpu.memref_squeeze %dma_start3A_63 : memref<1x!tpu.dma_semaphore, #tpu.memory_space<semaphore_mem>> -> memref<!tpu.dma_semaphore, #tpu.memory_space<semaphore_mem>>
      %dma_start3A_65 = arith.constant 0 : i32
      %dma_start3A_66 = arith.constant 0 : i32
      %dma_start3A_67 = tpu.memref_slice %arg8[%dma_start3A, %dma_start3A_65, %dma_start3A_66] : memref<8x32x128xf32, #tpu.memory_space<vmem>> -> memref<1x32x128xf32, #tpu.memory_space<vmem>>
      %dma_start3A_68 = tpu.memref_squeeze %dma_start3A_67 : memref<1x32x128xf32, #tpu.memory_space<vmem>> -> memref<32x128xf32, #tpu.memory_space<vmem>>
      %dma_start3A_69 = arith.constant 0 : i32
      %dma_start3A_70 = tpu.memref_slice %arg4[%dma_start3A_69, %multiple_of3A_55] : memref<32x1000001xf32, #tpu.memory_space<hbm>> -> memref<32x128xf32, #tpu.memory_space<hbm>>
      tpu.enqueue_dma source(%dma_start3A_70 : memref<32x128xf32, #tpu.memory_space<hbm>>) target(%dma_start3A_68 : memref<32x128xf32, #tpu.memory_space<vmem>>) target_semaphore(%dma_start3A_64 : memref<!tpu.dma_semaphore, #tpu.memory_space<semaphore_mem>>)
      %slice3A_71 = vector.extract_strided_slice %mul3A_51 {offsets = [1], sizes = [1], strides = [1]} : vector<16xi32> to vector<1xi32>
      %squeeze3A_72 = vector.extract %slice3A_71[0] : i32 from vector<1xi32>
      %multiple_of3A_73 = tpu.assume_multiple %squeeze3A_72, 128 : i32
      %dma_start3A_74 = arith.constant 1 : i32
      %dma_start3A_75 = arith.constant 1 : i32
      %dma_start3A_76 = arith.constant 0 : i32
      %dma_start3A_77 = arith.constant 0 : i32
      %dma_start3A_78 = tpu.memref_slice %arg8[%dma_start3A_74, %dma_start3A_76, %dma_start3A_77] : memref<8x32x128xf32, #tpu.memory_space<vmem>> -> memref<1x32x128xf32, #tpu.memory_space<vmem>>
      %dma_start3A_79 = tpu.memref_squeeze %dma_start3A_78 : memref<1x32x128xf32, #tpu.memory_space<vmem>> -> memref<32x128xf32, #tpu.memory_space<vmem>>
      %dma_start3A_80 = arith.constant 0 : i32
      %dma_start3A_81 = tpu.memref_slice %arg4[%dma_start3A_80, %multiple_of3A_73] : memref<32x1000001xf32, #tpu.memory_space<hbm>> -> memref<32x128xf32, #tpu.memory_space<hbm>>
      %dma_start3A_82 = tpu.memref_slice %arg13[%dma_start3A_75] : memref<8x!tpu.dma_semaphore, #tpu.memory_space<semaphore_mem>> -> memref<1x!tpu.dma_semaphore, #tpu.memory_space<semaphore_mem>>
      %dma_start3A_83 = tpu.memref_squeeze %dma_start3A_82 : memref<1x!tpu.dma_semaphore, #tpu.memory_space<semaphore_mem>> -> memref<!tpu.dma_semaphore, #tpu.memory_space<semaphore_mem>>
      %dma_start3A_84 = arith.constant 0 : i32
      %dma_start3A_85 = arith.constant 0 : i32
      %dma_start3A_86 = tpu.memref_slice %arg8[%dma_start3A_74, %dma_start3A_84, %dma_start3A_85] : memref<8x32x128xf32, #tpu.memory_space<vmem>> -> memref<1x32x128xf32, #tpu.memory_space<vmem>>
      %dma_start3A_87 = tpu.memref_squeeze %dma_start3A_86 : memref<1x32x128xf32, #tpu.memory_space<vmem>> -> memref<32x128xf32, #tpu.memory_space<vmem>>
      %dma_start3A_88 = arith.constant 0 : i32
      %dma_start3A_89 = tpu.memref_slice %arg4[%dma_start3A_88, %multiple_of3A_73] : memref<32x1000001xf32, #tpu.memory_space<hbm>> -> memref<32x128xf32, #tpu.memory_space<hbm>>
      tpu.enqueue_dma source(%dma_start3A_89 : memref<32x128xf32, #tpu.memory_space<hbm>>) target(%dma_start3A_87 : memref<32x128xf32, #tpu.memory_space<vmem>>) target_semaphore(%dma_start3A_83 : memref<!tpu.dma_semaphore, #tpu.memory_space<semaphore_mem>>)
      %slice3A_90 = vector.extract_strided_slice %mul3A_51 {offsets = [2], sizes = [1], strides = [1]} : vector<16xi32> to vector<1xi32>
      %squeeze3A_91 = vector.extract %slice3A_90[0] : i32 from vector<1xi32>
      %multiple_of3A_92 = tpu.assume_multiple %squeeze3A_91, 128 : i32
      %dma_start3A_93 = arith.constant 2 : i32
      %dma_start3A_94 = arith.constant 2 : i32
      %dma_start3A_95 = arith.constant 0 : i32
      %dma_start3A_96 = arith.constant 0 : i32
      %dma_start3A_97 = tpu.memref_slice %arg8[%dma_start3A_93, %dma_start3A_95, %dma_start3A_96] : memref<8x32x128xf32, #tpu.memory_space<vmem>> -> memref<1x32x128xf32, #tpu.memory_space<vmem>>
      %dma_start3A_98 = tpu.memref_squeeze %dma_start3A_97 : memref<1x32x128xf32, #tpu.memory_space<vmem>> -> memref<32x128xf32, #tpu.memory_space<vmem>>
      %dma_start3A_99 = arith.constant 0 : i32
      %dma_start3A_100 = tpu.memref_slice %arg4[%dma_start3A_99, %multiple_of3A_92] : memref<32x1000001xf32, #tpu.memory_space<hbm>> -> memref<32x128xf32, #tpu.memory_space<hbm>>
      %dma_start3A_101 = tpu.memref_slice %arg13[%dma_start3A_94] : memref<8x!tpu.dma_semaphore, #tpu.memory_space<semaphore_mem>> -> memref<1x!tpu.dma_semaphore, #tpu.memory_space<semaphore_mem>>
      %dma_start3A_102 = tpu.memref_squeeze %dma_start3A_101 : memref<1x!tpu.dma_semaphore, #tpu.memory_space<semaphore_mem>> -> memref<!tpu.dma_semaphore, #tpu.memory_space<semaphore_mem>>
      %dma_start3A_103 = arith.constant 0 : i32
      %dma_start3A_104 = arith.constant 0 : i32
      %dma_start3A_105 = tpu.memref_slice %arg8[%dma_start3A_93, %dma_start3A_103, %dma_start3A_104] : memref<8x32x128xf32, #tpu.memory_space<vmem>> -> memref<1x32x128xf32, #tpu.memory_space<vmem>>
      %dma_start3A_106 = tpu.memref_squeeze %dma_start3A_105 : memref<1x32x128xf32, #tpu.memory_space<vmem>> -> memref<32x128xf32, #tpu.memory_space<vmem>>
      %dma_start3A_107 = arith.constant 0 : i32
      %dma_start3A_108 = tpu.memref_slice %arg4[%dma_start3A_107, %multiple_of3A_92] : memref<32x1000001xf32, #tpu.memory_space<hbm>> -> memref<32x128xf32, #tpu.memory_space<hbm>>
      tpu.enqueue_dma source(%dma_start3A_108 : memref<32x128xf32, #tpu.memory_space<hbm>>) target(%dma_start3A_106 : memref<32x128xf32, #tpu.memory_space<vmem>>) target_semaphore(%dma_start3A_102 : memref<!tpu.dma_semaphore, #tpu.memory_space<semaphore_mem>>)
      %slice3A_109 = vector.extract_strided_slice %mul3A_51 {offsets = [3], sizes = [1], strides = [1]} : vector<16xi32> to vector<1xi32>
      %squeeze3A_110 = vector.extract %slice3A_109[0] : i32 from vector<1xi32>
      %multiple_of3A_111 = tpu.assume_multiple %squeeze3A_110, 128 : i32
      %dma_start3A_112 = arith.constant 3 : i32
      %dma_start3A_113 = arith.constant 3 : i32
      %dma_start3A_114 = arith.constant 0 : i32
      %dma_start3A_115 = arith.constant 0 : i32
      %dma_start3A_116 = tpu.memref_slice %arg8[%dma_start3A_112, %dma_start3A_114, %dma_start3A_115] : memref<8x32x128xf32, #tpu.memory_space<vmem>> -> memref<1x32x128xf32, #tpu.memory_space<vmem>>
      %dma_start3A_117 = tpu.memref_squeeze %dma_start3A_116 : memref<1x32x128xf32, #tpu.memory_space<vmem>> -> memref<32x128xf32, #tpu.memory_space<vmem>>
      %dma_start3A_118 = arith.constant 0 : i32
      %dma_start3A_119 = tpu.memref_slice %arg4[%dma_start3A_118, %multiple_of3A_111] : memref<32x1000001xf32, #tpu.memory_space<hbm>> -> memref<32x128xf32, #tpu.memory_space<hbm>>
      %dma_start3A_120 = tpu.memref_slice %arg13[%dma_start3A_113] : memref<8x!tpu.dma_semaphore, #tpu.memory_space<semaphore_mem>> -> memref<1x!tpu.dma_semaphore, #tpu.memory_space<semaphore_mem>>
      %dma_start3A_121 = tpu.memref_squeeze %dma_start3A_120 : memref<1x!tpu.dma_semaphore, #tpu.memory_space<semaphore_mem>> -> memref<!tpu.dma_semaphore, #tpu.memory_space<semaphore_mem>>
      %dma_start3A_122 = arith.constant 0 : i32
      %dma_start3A_123 = arith.constant 0 : i32
      %dma_start3A_124 = tpu.memref_slice %arg8[%dma_start3A_112, %dma_start3A_122, %dma_start3A_123] : memref<8x32x128xf32, #tpu.memory_space<vmem>> -> memref<1x32x128xf32, #tpu.memory_space<vmem>>
      %dma_start3A_125 = tpu.memref_squeeze %dma_start3A_124 : memref<1x32x128xf32, #tpu.memory_space<vmem>> -> memref<32x128xf32, #tpu.memory_space<vmem>>
      %dma_start3A_126 = arith.constant 0 : i32
      %dma_start3A_127 = tpu.memref_slice %arg4[%dma_start3A_126, %multiple_of3A_111] : memref<32x1000001xf32, #tpu.memory_space<hbm>> -> memref<32x128xf32, #tpu.memory_space<hbm>>
      tpu.enqueue_dma source(%dma_start3A_127 : memref<32x128xf32, #tpu.memory_space<hbm>>) target(%dma_start3A_125 : memref<32x128xf32, #tpu.memory_space<vmem>>) target_semaphore(%dma_start3A_121 : memref<!tpu.dma_semaphore, #tpu.memory_space<semaphore_mem>>)
      %slice3A_128 = vector.extract_strided_slice %mul3A_51 {offsets = [4], sizes = [1], strides = [1]} : vector<16xi32> to vector<1xi32>
      %squeeze3A_129 = vector.extract %slice3A_128[0] : i32 from vector<1xi32>
      %multiple_of3A_130 = tpu.assume_multiple %squeeze3A_129, 128 : i32
      %dma_start3A_131 = arith.constant 4 : i32
      %dma_start3A_132 = arith.constant 4 : i32
      %dma_start3A_133 = arith.constant 0 : i32
      %dma_start3A_134 = arith.constant 0 : i32
      %dma_start3A_135 = tpu.memref_slice %arg8[%dma_start3A_131, %dma_start3A_133, %dma_start3A_134] : memref<8x32x128xf32, #tpu.memory_space<vmem>> -> memref<1x32x128xf32, #tpu.memory_space<vmem>>
      %dma_start3A_136 = tpu.memref_squeeze %dma_start3A_135 : memref<1x32x128xf32, #tpu.memory_space<vmem>> -> memref<32x128xf32, #tpu.memory_space<vmem>>
      %dma_start3A_137 = arith.constant 0 : i32
      %dma_start3A_138 = tpu.memref_slice %arg4[%dma_start3A_137, %multiple_of3A_130] : memref<32x1000001xf32, #tpu.memory_space<hbm>> -> memref<32x128xf32, #tpu.memory_space<hbm>>
      %dma_start3A_139 = tpu.memref_slice %arg13[%dma_start3A_132] : memref<8x!tpu.dma_semaphore, #tpu.memory_space<semaphore_mem>> -> memref<1x!tpu.dma_semaphore, #tpu.memory_space<semaphore_mem>>
      %dma_start3A_140 = tpu.memref_squeeze %dma_start3A_139 : memref<1x!tpu.dma_semaphore, #tpu.memory_space<semaphore_mem>> -> memref<!tpu.dma_semaphore, #tpu.memory_space<semaphore_mem>>
      %dma_start3A_141 = arith.constant 0 : i32
      %dma_start3A_142 = arith.constant 0 : i32
      %dma_start3A_143 = tpu.memref_slice %arg8[%dma_start3A_131, %dma_start3A_141, %dma_start3A_142] : memref<8x32x128xf32, #tpu.memory_space<vmem>> -> memref<1x32x128xf32, #tpu.memory_space<vmem>>
      %dma_start3A_144 = tpu.memref_squeeze %dma_start3A_143 : memref<1x32x128xf32, #tpu.memory_space<vmem>> -> memref<32x128xf32, #tpu.memory_space<vmem>>
      %dma_start3A_145 = arith.constant 0 : i32
      %dma_start3A_146 = tpu.memref_slice %arg4[%dma_start3A_145, %multiple_of3A_130] : memref<32x1000001xf32, #tpu.memory_space<hbm>> -> memref<32x128xf32, #tpu.memory_space<hbm>>
      tpu.enqueue_dma source(%dma_start3A_146 : memref<32x128xf32, #tpu.memory_space<hbm>>) target(%dma_start3A_144 : memref<32x128xf32, #tpu.memory_space<vmem>>) target_semaphore(%dma_start3A_140 : memref<!tpu.dma_semaphore, #tpu.memory_space<semaphore_mem>>)
      %slice3A_147 = vector.extract_strided_slice %mul3A_51 {offsets = [5], sizes = [1], strides = [1]} : vector<16xi32> to vector<1xi32>
      %squeeze3A_148 = vector.extract %slice3A_147[0] : i32 from vector<1xi32>
      %multiple_of3A_149 = tpu.assume_multiple %squeeze3A_148, 128 : i32
      %dma_start3A_150 = arith.constant 5 : i32
      %dma_start3A_151 = arith.constant 5 : i32
      %dma_start3A_152 = arith.constant 0 : i32
      %dma_start3A_153 = arith.constant 0 : i32
      %dma_start3A_154 = tpu.memref_slice %arg8[%dma_start3A_150, %dma_start3A_152, %dma_start3A_153] : memref<8x32x128xf32, #tpu.memory_space<vmem>> -> memref<1x32x128xf32, #tpu.memory_space<vmem>>
      %dma_start3A_155 = tpu.memref_squeeze %dma_start3A_154 : memref<1x32x128xf32, #tpu.memory_space<vmem>> -> memref<32x128xf32, #tpu.memory_space<vmem>>
      %dma_start3A_156 = arith.constant 0 : i32
      %dma_start3A_157 = tpu.memref_slice %arg4[%dma_start3A_156, %multiple_of3A_149] : memref<32x1000001xf32, #tpu.memory_space<hbm>> -> memref<32x128xf32, #tpu.memory_space<hbm>>
      %dma_start3A_158 = tpu.memref_slice %arg13[%dma_start3A_151] : memref<8x!tpu.dma_semaphore, #tpu.memory_space<semaphore_mem>> -> memref<1x!tpu.dma_semaphore, #tpu.memory_space<semaphore_mem>>
      %dma_start3A_159 = tpu.memref_squeeze %dma_start3A_158 : memref<1x!tpu.dma_semaphore, #tpu.memory_space<semaphore_mem>> -> memref<!tpu.dma_semaphore, #tpu.memory_space<semaphore_mem>>
      %dma_start3A_160 = arith.constant 0 : i32
      %dma_start3A_161 = arith.constant 0 : i32
      %dma_start3A_162 = tpu.memref_slice %arg8[%dma_start3A_150, %dma_start3A_160, %dma_start3A_161] : memref<8x32x128xf32, #tpu.memory_space<vmem>> -> memref<1x32x128xf32, #tpu.memory_space<vmem>>
      %dma_start3A_163 = tpu.memref_squeeze %dma_start3A_162 : memref<1x32x128xf32, #tpu.memory_space<vmem>> -> memref<32x128xf32, #tpu.memory_space<vmem>>
      %dma_start3A_164 = arith.constant 0 : i32
      %dma_start3A_165 = tpu.memref_slice %arg4[%dma_start3A_164, %multiple_of3A_149] : memref<32x1000001xf32, #tpu.memory_space<hbm>> -> memref<32x128xf32, #tpu.memory_space<hbm>>
      tpu.enqueue_dma source(%dma_start3A_165 : memref<32x128xf32, #tpu.memory_space<hbm>>) target(%dma_start3A_163 : memref<32x128xf32, #tpu.memory_space<vmem>>) target_semaphore(%dma_start3A_159 : memref<!tpu.dma_semaphore, #tpu.memory_space<semaphore_mem>>)
      %slice3A_166 = vector.extract_strided_slice %mul3A_51 {offsets = [6], sizes = [1], strides = [1]} : vector<16xi32> to vector<1xi32>
      %squeeze3A_167 = vector.extract %slice3A_166[0] : i32 from vector<1xi32>
      %multiple_of3A_168 = tpu.assume_multiple %squeeze3A_167, 128 : i32
      %dma_start3A_169 = arith.constant 6 : i32
      %dma_start3A_170 = arith.constant 6 : i32
      %dma_start3A_171 = arith.constant 0 : i32
      %dma_start3A_172 = arith.constant 0 : i32
      %dma_start3A_173 = tpu.memref_slice %arg8[%dma_start3A_169, %dma_start3A_171, %dma_start3A_172] : memref<8x32x128xf32, #tpu.memory_space<vmem>> -> memref<1x32x128xf32, #tpu.memory_space<vmem>>
      %dma_start3A_174 = tpu.memref_squeeze %dma_start3A_173 : memref<1x32x128xf32, #tpu.memory_space<vmem>> -> memref<32x128xf32, #tpu.memory_space<vmem>>
      %dma_start3A_175 = arith.constant 0 : i32
      %dma_start3A_176 = tpu.memref_slice %arg4[%dma_start3A_175, %multiple_of3A_168] : memref<32x1000001xf32, #tpu.memory_space<hbm>> -> memref<32x128xf32, #tpu.memory_space<hbm>>
      %dma_start3A_177 = tpu.memref_slice %arg13[%dma_start3A_170] : memref<8x!tpu.dma_semaphore, #tpu.memory_space<semaphore_mem>> -> memref<1x!tpu.dma_semaphore, #tpu.memory_space<semaphore_mem>>
      %dma_start3A_178 = tpu.memref_squeeze %dma_start3A_177 : memref<1x!tpu.dma_semaphore, #tpu.memory_space<semaphore_mem>> -> memref<!tpu.dma_semaphore, #tpu.memory_space<semaphore_mem>>
      %dma_start3A_179 = arith.constant 0 : i32
      %dma_start3A_180 = arith.constant 0 : i32
      %dma_start3A_181 = tpu.memref_slice %arg8[%dma_start3A_169, %dma_start3A_179, %dma_start3A_180] : memref<8x32x128xf32, #tpu.memory_space<vmem>> -> memref<1x32x128xf32, #tpu.memory_space<vmem>>
      %dma_start3A_182 = tpu.memref_squeeze %dma_start3A_181 : memref<1x32x128xf32, #tpu.memory_space<vmem>> -> memref<32x128xf32, #tpu.memory_space<vmem>>
      %dma_start3A_183 = arith.constant 0 : i32
      %dma_start3A_184 = tpu.memref_slice %arg4[%dma_start3A_183, %multiple_of3A_168] : memref<32x1000001xf32, #tpu.memory_space<hbm>> -> memref<32x128xf32, #tpu.memory_space<hbm>>
      tpu.enqueue_dma source(%dma_start3A_184 : memref<32x128xf32, #tpu.memory_space<hbm>>) target(%dma_start3A_182 : memref<32x128xf32, #tpu.memory_space<vmem>>) target_semaphore(%dma_start3A_178 : memref<!tpu.dma_semaphore, #tpu.memory_space<semaphore_mem>>)
      %slice3A_185 = vector.extract_strided_slice %mul3A_51 {offsets = [7], sizes = [1], strides = [1]} : vector<16xi32> to vector<1xi32>
      %squeeze3A_186 = vector.extract %slice3A_185[0] : i32 from vector<1xi32>
      %multiple_of3A_187 = tpu.assume_multiple %squeeze3A_186, 128 : i32
      %dma_start3A_188 = arith.constant 7 : i32
      %dma_start3A_189 = arith.constant 7 : i32
      %dma_start3A_190 = arith.constant 0 : i32
      %dma_start3A_191 = arith.constant 0 : i32
      %dma_start3A_192 = tpu.memref_slice %arg8[%dma_start3A_188, %dma_start3A_190, %dma_start3A_191] : memref<8x32x128xf32, #tpu.memory_space<vmem>> -> memref<1x32x128xf32, #tpu.memory_space<vmem>>
      %dma_start3A_193 = tpu.memref_squeeze %dma_start3A_192 : memref<1x32x128xf32, #tpu.memory_space<vmem>> -> memref<32x128xf32, #tpu.memory_space<vmem>>
      %dma_start3A_194 = arith.constant 0 : i32
      %dma_start3A_195 = tpu.memref_slice %arg4[%dma_start3A_194, %multiple_of3A_187] : memref<32x1000001xf32, #tpu.memory_space<hbm>> -> memref<32x128xf32, #tpu.memory_space<hbm>>
      %dma_start3A_196 = tpu.memref_slice %arg13[%dma_start3A_189] : memref<8x!tpu.dma_semaphore, #tpu.memory_space<semaphore_mem>> -> memref<1x!tpu.dma_semaphore, #tpu.memory_space<semaphore_mem>>
      %dma_start3A_197 = tpu.memref_squeeze %dma_start3A_196 : memref<1x!tpu.dma_semaphore, #tpu.memory_space<semaphore_mem>> -> memref<!tpu.dma_semaphore, #tpu.memory_space<semaphore_mem>>
      %dma_start3A_198 = arith.constant 0 : i32
      %dma_start3A_199 = arith.constant 0 : i32
      %dma_start3A_200 = tpu.memref_slice %arg8[%dma_start3A_188, %dma_start3A_198, %dma_start3A_199] : memref<8x32x128xf32, #tpu.memory_space<vmem>> -> memref<1x32x128xf32, #tpu.memory_space<vmem>>
      %dma_start3A_201 = tpu.memref_squeeze %dma_start3A_200 : memref<1x32x128xf32, #tpu.memory_space<vmem>> -> memref<32x128xf32, #tpu.memory_space<vmem>>
      %dma_start3A_202 = arith.constant 0 : i32
      %dma_start3A_203 = tpu.memref_slice %arg4[%dma_start3A_202, %multiple_of3A_187] : memref<32x1000001xf32, #tpu.memory_space<hbm>> -> memref<32x128xf32, #tpu.memory_space<hbm>>
      tpu.enqueue_dma source(%dma_start3A_203 : memref<32x128xf32, #tpu.memory_space<hbm>>) target(%dma_start3A_201 : memref<32x128xf32, #tpu.memory_space<vmem>>) target_semaphore(%dma_start3A_197 : memref<!tpu.dma_semaphore, #tpu.memory_space<semaphore_mem>>)
      %slice3A_204 = vector.extract_strided_slice %mul3A_51 {offsets = [0], sizes = [1], strides = [1]} : vector<16xi32> to vector<1xi32>
      %squeeze3A_205 = vector.extract %slice3A_204[0] : i32 from vector<1xi32>
      %multiple_of3A_206 = tpu.assume_multiple %squeeze3A_205, 128 : i32
      %dma_wait3A = arith.constant 0 : i32
      %dma_wait3A_207 = arith.constant 0 : i32
      %dma_wait3A_208 = arith.constant 0 : i32
      %dma_wait3A_209 = arith.constant 0 : i32
      %dma_wait3A_210 = tpu.memref_slice %arg8[%dma_wait3A, %dma_wait3A_208, %dma_wait3A_209] : memref<8x32x128xf32, #tpu.memory_space<vmem>> -> memref<1x32x128xf32, #tpu.memory_space<vmem>>
      %dma_wait3A_211 = tpu.memref_squeeze %dma_wait3A_210 : memref<1x32x128xf32, #tpu.memory_space<vmem>> -> memref<32x128xf32, #tpu.memory_space<vmem>>
      %dma_wait3A_212 = arith.constant 0 : i32
      %dma_wait3A_213 = tpu.memref_slice %arg4[%dma_wait3A_212, %multiple_of3A_206] : memref<32x1000001xf32, #tpu.memory_space<hbm>> -> memref<32x128xf32, #tpu.memory_space<hbm>>
      %dma_wait3A_214 = tpu.memref_slice %arg13[%dma_wait3A_207] : memref<8x!tpu.dma_semaphore, #tpu.memory_space<semaphore_mem>> -> memref<1x!tpu.dma_semaphore, #tpu.memory_space<semaphore_mem>>
      %dma_wait3A_215 = tpu.memref_squeeze %dma_wait3A_214 : memref<1x!tpu.dma_semaphore, #tpu.memory_space<semaphore_mem>> -> memref<!tpu.dma_semaphore, #tpu.memory_space<semaphore_mem>>
      %dma_wait3A_216 = arith.constant 0 : i32
      %dma_wait3A_217 = arith.constant 0 : i32
      %dma_wait3A_218 = tpu.memref_slice %arg8[%dma_wait3A, %dma_wait3A_216, %dma_wait3A_217] : memref<8x32x128xf32, #tpu.memory_space<vmem>> -> memref<1x32x128xf32, #tpu.memory_space<vmem>>
      %dma_wait3A_219 = tpu.memref_squeeze %dma_wait3A_218 : memref<1x32x128xf32, #tpu.memory_space<vmem>> -> memref<32x128xf32, #tpu.memory_space<vmem>>
      %dma_wait3A_220 = arith.constant 0 : i32
      %dma_wait3A_221 = tpu.memref_slice %arg4[%dma_wait3A_220, %multiple_of3A_206] : memref<32x1000001xf32, #tpu.memory_space<hbm>> -> memref<32x128xf32, #tpu.memory_space<hbm>>
      tpu.wait_dma2 semaphore(%dma_wait3A_215 : memref<!tpu.dma_semaphore, #tpu.memory_space<semaphore_mem>>) src(%dma_wait3A_221 : memref<32x128xf32, #tpu.memory_space<hbm>>) dst(%dma_wait3A_219 : memref<32x128xf32, #tpu.memory_space<vmem>>)
      %slice3A_222 = vector.extract_strided_slice %rem3A_54 {offsets = [0], sizes = [1], strides = [1]} : vector<16xi32> to vector<1xi32>
      %squeeze3A_223 = vector.extract %slice3A_222[0] : i32 from vector<1xi32>
      %broadcast_in_dim3A_224 = vector.broadcast %squeeze3A_223 : i32 to vector<16xi32>
      %gather3A = arith.constant 0 : i32
      %gather3A_225 = arith.constant 0 : i32
      %gather3A_226 = arith.constant 0 : i32
      %gather3A_227 = tpu.memref_slice %arg8[%gather3A, %gather3A_225, %gather3A_226] : memref<8x32x128xf32, #tpu.memory_space<vmem>> -> memref<1x32x128xf32, #tpu.memory_space<vmem>>
      %gather3A_228 = tpu.memref_squeeze %gather3A_227 : memref<1x32x128xf32, #tpu.memory_space<vmem>> -> memref<32x128xf32, #tpu.memory_space<vmem>>
      %gather3A_229 = tpu.vector_load_idx %gather3A_228[%iota3A, %broadcast_in_dim3A_224] : memref<32x128xf32, #tpu.memory_space<vmem>>[vector<16xi32>, vector<16xi32>], vector<16xf32>,
      %add3A_230 = arith.constant 16 : i32
      %add3A_231 = vector.broadcast %add3A_230 : i32 to vector<16xi32>
      %add3A_232 = arith.addi %iota3A, %add3A_231 : vector<16xi32>
      %gather3A_233 = arith.constant 0 : i32
      %gather3A_234 = arith.constant 0 : i32
      %gather3A_235 = arith.constant 0 : i32
      %gather3A_236 = tpu.memref_slice %arg8[%gather3A_233, %gather3A_234, %gather3A_235] : memref<8x32x128xf32, #tpu.memory_space<vmem>> -> memref<1x32x128xf32, #tpu.memory_space<vmem>>
      %gather3A_237 = tpu.memref_squeeze %gather3A_236 : memref<1x32x128xf32, #tpu.memory_space<vmem>> -> memref<32x128xf32, #tpu.memory_space<vmem>>
      %gather3A_238 = tpu.vector_load_idx %gather3A_237[%add3A_232, %broadcast_in_dim3A_224] : memref<32x128xf32, #tpu.memory_space<vmem>>[vector<16xi32>, vector<16xi32>], vector<16xf32>,
      %slice3A_239 = vector.extract_strided_slice %mul3A_51 {offsets = [8], sizes = [1], strides = [1]} : vector<16xi32> to vector<1xi32>
      %squeeze3A_240 = vector.extract %slice3A_239[0] : i32 from vector<1xi32>
      %multiple_of3A_241 = tpu.assume_multiple %squeeze3A_240, 128 : i32
      %dma_start3A_242 = arith.constant 0 : i32
      %dma_start3A_243 = arith.constant 0 : i32
      %dma_start3A_244 = arith.constant 0 : i32
      %dma_start3A_245 = arith.constant 0 : i32
      %dma_start3A_246 = tpu.memref_slice %arg8[%dma_start3A_242, %dma_start3A_244, %dma_start3A_245] : memref<8x32x128xf32, #tpu.memory_space<vmem>> -> memref<1x32x128xf32, #tpu.memory_space<vmem>>
      %dma_start3A_247 = tpu.memref_squeeze %dma_start3A_246 : memref<1x32x128xf32, #tpu.memory_space<vmem>> -> memref<32x128xf32, #tpu.memory_space<vmem>>
      %dma_start3A_248 = arith.constant 0 : i32
      %dma_start3A_249 = tpu.memref_slice %arg4[%dma_start3A_248, %multiple_of3A_241] : memref<32x1000001xf32, #tpu.memory_space<hbm>> -> memref<32x128xf32, #tpu.memory_space<hbm>>
      %dma_start3A_250 = tpu.memref_slice %arg13[%dma_start3A_243] : memref<8x!tpu.dma_semaphore, #tpu.memory_space<semaphore_mem>> -> memref<1x!tpu.dma_semaphore, #tpu.memory_space<semaphore_mem>>
      %dma_start3A_251 = tpu.memref_squeeze %dma_start3A_250 : memref<1x!tpu.dma_semaphore, #tpu.memory_space<semaphore_mem>> -> memref<!tpu.dma_semaphore, #tpu.memory_space<semaphore_mem>>
      %dma_start3A_252 = arith.constant 0 : i32
      %dma_start3A_253 = arith.constant 0 : i32
      %dma_start3A_254 = tpu.memref_slice %arg8[%dma_start3A_242, %dma_start3A_252, %dma_start3A_253] : memref<8x32x128xf32, #tpu.memory_space<vmem>> -> memref<1x32x128xf32, #tpu.memory_space<vmem>>
      %dma_start3A_255 = tpu.memref_squeeze %dma_start3A_254 : memref<1x32x128xf32, #tpu.memory_space<vmem>> -> memref<32x128xf32, #tpu.memory_space<vmem>>
      %dma_start3A_256 = arith.constant 0 : i32
      %dma_start3A_257 = tpu.memref_slice %arg4[%dma_start3A_256, %multiple_of3A_241] : memref<32x1000001xf32, #tpu.memory_space<hbm>> -> memref<32x128xf32, #tpu.memory_space<hbm>>
      tpu.enqueue_dma source(%dma_start3A_257 : memref<32x128xf32, #tpu.memory_space<hbm>>) target(%dma_start3A_255 : memref<32x128xf32, #tpu.memory_space<vmem>>) target_semaphore(%dma_start3A_251 : memref<!tpu.dma_semaphore, #tpu.memory_space<semaphore_mem>>)
      %mul3A_258 = arith.constant 16 : i32
      %mul3A_259 = arith.muli %scan3A_22, %mul3A_258 : i32
      %add3A_260 = arith.constant 0 : i32
      %add3A_261 = arith.addi %mul3A_259, %add3A_260 : i32
      %broadcast_in_dim3A_262 = vector.broadcast %add3A_261 : i32 to vector<16xi32>
      tpu.vector_store_idx %arg9[%iota3A, %broadcast_in_dim3A_262], %gather3A_229 : memref<32x512xf32, #tpu.memory_space<vmem>>[vector<16xi32>, vector<16xi32>], vector<16xf32>,
      %add3A_263 = arith.constant 16 : i32
      %add3A_264 = vector.broadcast %add3A_263 : i32 to vector<16xi32>
      %add3A_265 = arith.addi %iota3A, %add3A_264 : vector<16xi32>
      tpu.vector_store_idx %arg9[%add3A_265, %broadcast_in_dim3A_262], %gather3A_238 : memref<32x512xf32, #tpu.memory_space<vmem>>[vector<16xi32>, vector<16xi32>], vector<16xf32>,
      %slice3A_266 = vector.extract_strided_slice %mul3A_51 {offsets = [1], sizes = [1], strides = [1]} : vector<16xi32> to vector<1xi32>
      %squeeze3A_267 = vector.extract %slice3A_266[0] : i32 from vector<1xi32>
      %multiple_of3A_268 = tpu.assume_multiple %squeeze3A_267, 128 : i32
      %dma_wait3A_269 = arith.constant 1 : i32
      %dma_wait3A_270 = arith.constant 1 : i32
      %dma_wait3A_271 = arith.constant 0 : i32
      %dma_wait3A_272 = arith.constant 0 : i32
      %dma_wait3A_273 = tpu.memref_slice %arg8[%dma_wait3A_269, %dma_wait3A_271, %dma_wait3A_272] : memref<8x32x128xf32, #tpu.memory_space<vmem>> -> memref<1x32x128xf32, #tpu.memory_space<vmem>>
      %dma_wait3A_274 = tpu.memref_squeeze %dma_wait3A_273 : memref<1x32x128xf32, #tpu.memory_space<vmem>> -> memref<32x128xf32, #tpu.memory_space<vmem>>
      %dma_wait3A_275 = arith.constant 0 : i32
      %dma_wait3A_276 = tpu.memref_slice %arg4[%dma_wait3A_275, %multiple_of3A_268] : memref<32x1000001xf32, #tpu.memory_space<hbm>> -> memref<32x128xf32, #tpu.memory_space<hbm>>
      %dma_wait3A_277 = tpu.memref_slice %arg13[%dma_wait3A_270] : memref<8x!tpu.dma_semaphore, #tpu.memory_space<semaphore_mem>> -> memref<1x!tpu.dma_semaphore, #tpu.memory_space<semaphore_mem>>
      %dma_wait3A_278 = tpu.memref_squeeze %dma_wait3A_277 : memref<1x!tpu.dma_semaphore, #tpu.memory_space<semaphore_mem>> -> memref<!tpu.dma_semaphore, #tpu.memory_space<semaphore_mem>>
      %dma_wait3A_279 = arith.constant 0 : i32
      %dma_wait3A_280 = arith.constant 0 : i32
      %dma_wait3A_281 = tpu.memref_slice %arg8[%dma_wait3A_269, %dma_wait3A_279, %dma_wait3A_280] : memref<8x32x128xf32, #tpu.memory_space<vmem>> -> memref<1x32x128xf32, #tpu.memory_space<vmem>>
      %dma_wait3A_282 = tpu.memref_squeeze %dma_wait3A_281 : memref<1x32x128xf32, #tpu.memory_space<vmem>> -> memref<32x128xf32, #tpu.memory_space<vmem>>
      %dma_wait3A_283 = arith.constant 0 : i32
      %dma_wait3A_284 = tpu.memref_slice %arg4[%dma_wait3A_283, %multiple_of3A_268] : memref<32x1000001xf32, #tpu.memory_space<hbm>> -> memref<32x128xf32, #tpu.memory_space<hbm>>
      tpu.wait_dma2 semaphore(%dma_wait3A_278 : memref<!tpu.dma_semaphore, #tpu.memory_space<semaphore_mem>>) src(%dma_wait3A_284 : memref<32x128xf32, #tpu.memory_space<hbm>>) dst(%dma_wait3A_282 : memref<32x128xf32, #tpu.memory_space<vmem>>)
      %slice3A_285 = vector.extract_strided_slice %rem3A_54 {offsets = [1], sizes = [1], strides = [1]} : vector<16xi32> to vector<1xi32>
      %squeeze3A_286 = vector.extract %slice3A_285[0] : i32 from vector<1xi32>
      %broadcast_in_dim3A_287 = vector.broadcast %squeeze3A_286 : i32 to vector<16xi32>
      %gather3A_288 = arith.constant 1 : i32
      %gather3A_289 = arith.constant 0 : i32
      %gather3A_290 = arith.constant 0 : i32
      %gather3A_291 = tpu.memref_slice %arg8[%gather3A_288, %gather3A_289, %gather3A_290] : memref<8x32x128xf32, #tpu.memory_space<vmem>> -> memref<1x32x128xf32, #tpu.memory_space<vmem>>
      %gather3A_292 = tpu.memref_squeeze %gather3A_291 : memref<1x32x128xf32, #tpu.memory_space<vmem>> -> memref<32x128xf32, #tpu.memory_space<vmem>>
      %gather3A_293 = tpu.vector_load_idx %gather3A_292[%iota3A, %broadcast_in_dim3A_287] : memref<32x128xf32, #tpu.memory_space<vmem>>[vector<16xi32>, vector<16xi32>], vector<16xf32>,
      %add3A_294 = arith.constant 16 : i32
      %add3A_295 = vector.broadcast %add3A_294 : i32 to vector<16xi32>
      %add3A_296 = arith.addi %iota3A, %add3A_295 : vector<16xi32>
      %gather3A_297 = arith.constant 1 : i32
      %gather3A_298 = arith.constant 0 : i32
      %gather3A_299 = arith.constant 0 : i32
      %gather3A_300 = tpu.memref_slice %arg8[%gather3A_297, %gather3A_298, %gather3A_299] : memref<8x32x128xf32, #tpu.memory_space<vmem>> -> memref<1x32x128xf32, #tpu.memory_space<vmem>>
      %gather3A_301 = tpu.memref_squeeze %gather3A_300 : memref<1x32x128xf32, #tpu.memory_space<vmem>> -> memref<32x128xf32, #tpu.memory_space<vmem>>
      %gather3A_302 = tpu.vector_load_idx %gather3A_301[%add3A_296, %broadcast_in_dim3A_287] : memref<32x128xf32, #tpu.memory_space<vmem>>[vector<16xi32>, vector<16xi32>], vector<16xf32>,
      %slice3A_303 = vector.extract_strided_slice %mul3A_51 {offsets = [9], sizes = [1], strides = [1]} : vector<16xi32> to vector<1xi32>
      %squeeze3A_304 = vector.extract %slice3A_303[0] : i32 from vector<1xi32>
      %multiple_of3A_305 = tpu.assume_multiple %squeeze3A_304, 128 : i32
      %dma_start3A_306 = arith.constant 1 : i32
      %dma_start3A_307 = arith.constant 1 : i32
      %dma_start3A_308 = arith.constant 0 : i32
      %dma_start3A_309 = arith.constant 0 : i32
      %dma_start3A_310 = tpu.memref_slice %arg8[%dma_start3A_306, %dma_start3A_308, %dma_start3A_309] : memref<8x32x128xf32, #tpu.memory_space<vmem>> -> memref<1x32x128xf32, #tpu.memory_space<vmem>>
      %dma_start3A_311 = tpu.memref_squeeze %dma_start3A_310 : memref<1x32x128xf32, #tpu.memory_space<vmem>> -> memref<32x128xf32, #tpu.memory_space<vmem>>
      %dma_start3A_312 = arith.constant 0 : i32
      %dma_start3A_313 = tpu.memref_slice %arg4[%dma_start3A_312, %multiple_of3A_305] : memref<32x1000001xf32, #tpu.memory_space<hbm>> -> memref<32x128xf32, #tpu.memory_space<hbm>>
      %dma_start3A_314 = tpu.memref_slice %arg13[%dma_start3A_307] : memref<8x!tpu.dma_semaphore, #tpu.memory_space<semaphore_mem>> -> memref<1x!tpu.dma_semaphore, #tpu.memory_space<semaphore_mem>>
      %dma_start3A_315 = tpu.memref_squeeze %dma_start3A_314 : memref<1x!tpu.dma_semaphore, #tpu.memory_space<semaphore_mem>> -> memref<!tpu.dma_semaphore, #tpu.memory_space<semaphore_mem>>
      %dma_start3A_316 = arith.constant 0 : i32
      %dma_start3A_317 = arith.constant 0 : i32
      %dma_start3A_318 = tpu.memref_slice %arg8[%dma_start3A_306, %dma_start3A_316, %dma_start3A_317] : memref<8x32x128xf32, #tpu.memory_space<vmem>> -> memref<1x32x128xf32, #tpu.memory_space<vmem>>
      %dma_start3A_319 = tpu.memref_squeeze %dma_start3A_318 : memref<1x32x128xf32, #tpu.memory_space<vmem>> -> memref<32x128xf32, #tpu.memory_space<vmem>>
      %dma_start3A_320 = arith.constant 0 : i32
      %dma_start3A_321 = tpu.memref_slice %arg4[%dma_start3A_320, %multiple_of3A_305] : memref<32x1000001xf32, #tpu.memory_space<hbm>> -> memref<32x128xf32, #tpu.memory_space<hbm>>
      tpu.enqueue_dma source(%dma_start3A_321 : memref<32x128xf32, #tpu.memory_space<hbm>>) target(%dma_start3A_319 : memref<32x128xf32, #tpu.memory_space<vmem>>) target_semaphore(%dma_start3A_315 : memref<!tpu.dma_semaphore, #tpu.memory_space<semaphore_mem>>)
      %mul3A_322 = arith.constant 16 : i32
      %mul3A_323 = arith.muli %scan3A_22, %mul3A_322 : i32
      %add3A_324 = arith.constant 1 : i32
      %add3A_325 = arith.addi %mul3A_323, %add3A_324 : i32
      %broadcast_in_dim3A_326 = vector.broadcast %add3A_325 : i32 to vector<16xi32>
      tpu.vector_store_idx %arg9[%iota3A, %broadcast_in_dim3A_326], %gather3A_293 : memref<32x512xf32, #tpu.memory_space<vmem>>[vector<16xi32>, vector<16xi32>], vector<16xf32>,
      %add3A_327 = arith.constant 16 : i32
      %add3A_328 = vector.broadcast %add3A_327 : i32 to vector<16xi32>
      %add3A_329 = arith.addi %iota3A, %add3A_328 : vector<16xi32>
      tpu.vector_store_idx %arg9[%add3A_329, %broadcast_in_dim3A_326], %gather3A_302 : memref<32x512xf32, #tpu.memory_space<vmem>>[vector<16xi32>, vector<16xi32>], vector<16xf32>,
      %slice3A_330 = vector.extract_strided_slice %mul3A_51 {offsets = [2], sizes = [1], strides = [1]} : vector<16xi32> to vector<1xi32>
      %squeeze3A_331 = vector.extract %slice3A_330[0] : i32 from vector<1xi32>
      %multiple_of3A_332 = tpu.assume_multiple %squeeze3A_331, 128 : i32
      %dma_wait3A_333 = arith.constant 2 : i32
      %dma_wait3A_334 = arith.constant 2 : i32
      %dma_wait3A_335 = arith.constant 0 : i32
      %dma_wait3A_336 = arith.constant 0 : i32
      %dma_wait3A_337 = tpu.memref_slice %arg8[%dma_wait3A_333, %dma_wait3A_335, %dma_wait3A_336] : memref<8x32x128xf32, #tpu.memory_space<vmem>> -> memref<1x32x128xf32, #tpu.memory_space<vmem>>
      %dma_wait3A_338 = tpu.memref_squeeze %dma_wait3A_337 : memref<1x32x128xf32, #tpu.memory_space<vmem>> -> memref<32x128xf32, #tpu.memory_space<vmem>>
      %dma_wait3A_339 = arith.constant 0 : i32
      %dma_wait3A_340 = tpu.memref_slice %arg4[%dma_wait3A_339, %multiple_of3A_332] : memref<32x1000001xf32, #tpu.memory_space<hbm>> -> memref<32x128xf32, #tpu.memory_space<hbm>>
      %dma_wait3A_341 = tpu.memref_slice %arg13[%dma_wait3A_334] : memref<8x!tpu.dma_semaphore, #tpu.memory_space<semaphore_mem>> -> memref<1x!tpu.dma_semaphore, #tpu.memory_space<semaphore_mem>>
      %dma_wait3A_342 = tpu.memref_squeeze %dma_wait3A_341 : memref<1x!tpu.dma_semaphore, #tpu.memory_space<semaphore_mem>> -> memref<!tpu.dma_semaphore, #tpu.memory_space<semaphore_mem>>
      %dma_wait3A_343 = arith.constant 0 : i32
      %dma_wait3A_344 = arith.constant 0 : i32
      %dma_wait3A_345 = tpu.memref_slice %arg8[%dma_wait3A_333, %dma_wait3A_343, %dma_wait3A_344] : memref<8x32x128xf32, #tpu.memory_space<vmem>> -> memref<1x32x128xf32, #tpu.memory_space<vmem>>
      %dma_wait3A_346 = tpu.memref_squeeze %dma_wait3A_345 : memref<1x32x128xf32, #tpu.memory_space<vmem>> -> memref<32x128xf32, #tpu.memory_space<vmem>>
      %dma_wait3A_347 = arith.constant 0 : i32
      %dma_wait3A_348 = tpu.memref_slice %arg4[%dma_wait3A_347, %multiple_of3A_332] : memref<32x1000001xf32, #tpu.memory_space<hbm>> -> memref<32x128xf32, #tpu.memory_space<hbm>>
      tpu.wait_dma2 semaphore(%dma_wait3A_342 : memref<!tpu.dma_semaphore, #tpu.memory_space<semaphore_mem>>) src(%dma_wait3A_348 : memref<32x128xf32, #tpu.memory_space<hbm>>) dst(%dma_wait3A_346 : memref<32x128xf32, #tpu.memory_space<vmem>>)
      %slice3A_349 = vector.extract_strided_slice %rem3A_54 {offsets = [2], sizes = [1], strides = [1]} : vector<16xi32> to vector<1xi32>
      %squeeze3A_350 = vector.extract %slice3A_349[0] : i32 from vector<1xi32>
      %broadcast_in_dim3A_351 = vector.broadcast %squeeze3A_350 : i32 to vector<16xi32>
      %gather3A_352 = arith.constant 2 : i32
      %gather3A_353 = arith.constant 0 : i32
      %gather3A_354 = arith.constant 0 : i32
      %gather3A_355 = tpu.memref_slice %arg8[%gather3A_352, %gather3A_353, %gather3A_354] : memref<8x32x128xf32, #tpu.memory_space<vmem>> -> memref<1x32x128xf32, #tpu.memory_space<vmem>>
      %gather3A_356 = tpu.memref_squeeze %gather3A_355 : memref<1x32x128xf32, #tpu.memory_space<vmem>> -> memref<32x128xf32, #tpu.memory_space<vmem>>
      %gather3A_357 = tpu.vector_load_idx %gather3A_356[%iota3A, %broadcast_in_dim3A_351] : memref<32x128xf32, #tpu.memory_space<vmem>>[vector<16xi32>, vector<16xi32>], vector<16xf32>,
      %add3A_358 = arith.constant 16 : i32
      %add3A_359 = vector.broadcast %add3A_358 : i32 to vector<16xi32>
      %add3A_360 = arith.addi %iota3A, %add3A_359 : vector<16xi32>
      %gather3A_361 = arith.constant 2 : i32
      %gather3A_362 = arith.constant 0 : i32
      %gather3A_363 = arith.constant 0 : i32
      %gather3A_364 = tpu.memref_slice %arg8[%gather3A_361, %gather3A_362, %gather3A_363] : memref<8x32x128xf32, #tpu.memory_space<vmem>> -> memref<1x32x128xf32, #tpu.memory_space<vmem>>
      %gather3A_365 = tpu.memref_squeeze %gather3A_364 : memref<1x32x128xf32, #tpu.memory_space<vmem>> -> memref<32x128xf32, #tpu.memory_space<vmem>>
      %gather3A_366 = tpu.vector_load_idx %gather3A_365[%add3A_360, %broadcast_in_dim3A_351] : memref<32x128xf32, #tpu.memory_space<vmem>>[vector<16xi32>, vector<16xi32>], vector<16xf32>,
      %slice3A_367 = vector.extract_strided_slice %mul3A_51 {offsets = [10], sizes = [1], strides = [1]} : vector<16xi32> to vector<1xi32>
      %squeeze3A_368 = vector.extract %slice3A_367[0] : i32 from vector<1xi32>
      %multiple_of3A_369 = tpu.assume_multiple %squeeze3A_368, 128 : i32
      %dma_start3A_370 = arith.constant 2 : i32
      %dma_start3A_371 = arith.constant 2 : i32
      %dma_start3A_372 = arith.constant 0 : i32
      %dma_start3A_373 = arith.constant 0 : i32
      %dma_start3A_374 = tpu.memref_slice %arg8[%dma_start3A_370, %dma_start3A_372, %dma_start3A_373] : memref<8x32x128xf32, #tpu.memory_space<vmem>> -> memref<1x32x128xf32, #tpu.memory_space<vmem>>
      %dma_start3A_375 = tpu.memref_squeeze %dma_start3A_374 : memref<1x32x128xf32, #tpu.memory_space<vmem>> -> memref<32x128xf32, #tpu.memory_space<vmem>>
      %dma_start3A_376 = arith.constant 0 : i32
      %dma_start3A_377 = tpu.memref_slice %arg4[%dma_start3A_376, %multiple_of3A_369] : memref<32x1000001xf32, #tpu.memory_space<hbm>> -> memref<32x128xf32, #tpu.memory_space<hbm>>
      %dma_start3A_378 = tpu.memref_slice %arg13[%dma_start3A_371] : memref<8x!tpu.dma_semaphore, #tpu.memory_space<semaphore_mem>> -> memref<1x!tpu.dma_semaphore, #tpu.memory_space<semaphore_mem>>
      %dma_start3A_379 = tpu.memref_squeeze %dma_start3A_378 : memref<1x!tpu.dma_semaphore, #tpu.memory_space<semaphore_mem>> -> memref<!tpu.dma_semaphore, #tpu.memory_space<semaphore_mem>>
      %dma_start3A_380 = arith.constant 0 : i32
      %dma_start3A_381 = arith.constant 0 : i32
      %dma_start3A_382 = tpu.memref_slice %arg8[%dma_start3A_370, %dma_start3A_380, %dma_start3A_381] : memref<8x32x128xf32, #tpu.memory_space<vmem>> -> memref<1x32x128xf32, #tpu.memory_space<vmem>>
      %dma_start3A_383 = tpu.memref_squeeze %dma_start3A_382 : memref<1x32x128xf32, #tpu.memory_space<vmem>> -> memref<32x128xf32, #tpu.memory_space<vmem>>
      %dma_start3A_384 = arith.constant 0 : i32
      %dma_start3A_385 = tpu.memref_slice %arg4[%dma_start3A_384, %multiple_of3A_369] : memref<32x1000001xf32, #tpu.memory_space<hbm>> -> memref<32x128xf32, #tpu.memory_space<hbm>>
      tpu.enqueue_dma source(%dma_start3A_385 : memref<32x128xf32, #tpu.memory_space<hbm>>) target(%dma_start3A_383 : memref<32x128xf32, #tpu.memory_space<vmem>>) target_semaphore(%dma_start3A_379 : memref<!tpu.dma_semaphore, #tpu.memory_space<semaphore_mem>>)
      %mul3A_386 = arith.constant 16 : i32
      %mul3A_387 = arith.muli %scan3A_22, %mul3A_386 : i32
      %add3A_388 = arith.constant 2 : i32
      %add3A_389 = arith.addi %mul3A_387, %add3A_388 : i32
      %broadcast_in_dim3A_390 = vector.broadcast %add3A_389 : i32 to vector<16xi32>
      tpu.vector_store_idx %arg9[%iota3A, %broadcast_in_dim3A_390], %gather3A_357 : memref<32x512xf32, #tpu.memory_space<vmem>>[vector<16xi32>, vector<16xi32>], vector<16xf32>,
      %add3A_391 = arith.constant 16 : i32
      %add3A_392 = vector.broadcast %add3A_391 : i32 to vector<16xi32>
      %add3A_393 = arith.addi %iota3A, %add3A_392 : vector<16xi32>
      tpu.vector_store_idx %arg9[%add3A_393, %broadcast_in_dim3A_390], %gather3A_366 : memref<32x512xf32, #tpu.memory_space<vmem>>[vector<16xi32>, vector<16xi32>], vector<16xf32>,
      %slice3A_394 = vector.extract_strided_slice %mul3A_51 {offsets = [3], sizes = [1], strides = [1]} : vector<16xi32> to vector<1xi32>
      %squeeze3A_395 = vector.extract %slice3A_394[0] : i32 from vector<1xi32>
      %multiple_of3A_396 = tpu.assume_multiple %squeeze3A_395, 128 : i32
      %dma_wait3A_397 = arith.constant 3 : i32
      %dma_wait3A_398 = arith.constant 3 : i32
      %dma_wait3A_399 = arith.constant 0 : i32
      %dma_wait3A_400 = arith.constant 0 : i32
      %dma_wait3A_401 = tpu.memref_slice %arg8[%dma_wait3A_397, %dma_wait3A_399, %dma_wait3A_400] : memref<8x32x128xf32, #tpu.memory_space<vmem>> -> memref<1x32x128xf32, #tpu.memory_space<vmem>>
      %dma_wait3A_402 = tpu.memref_squeeze %dma_wait3A_401 : memref<1x32x128xf32, #tpu.memory_space<vmem>> -> memref<32x128xf32, #tpu.memory_space<vmem>>
      %dma_wait3A_403 = arith.constant 0 : i32
      %dma_wait3A_404 = tpu.memref_slice %arg4[%dma_wait3A_403, %multiple_of3A_396] : memref<32x1000001xf32, #tpu.memory_space<hbm>> -> memref<32x128xf32, #tpu.memory_space<hbm>>
      %dma_wait3A_405 = tpu.memref_slice %arg13[%dma_wait3A_398] : memref<8x!tpu.dma_semaphore, #tpu.memory_space<semaphore_mem>> -> memref<1x!tpu.dma_semaphore, #tpu.memory_space<semaphore_mem>>
      %dma_wait3A_406 = tpu.memref_squeeze %dma_wait3A_405 : memref<1x!tpu.dma_semaphore, #tpu.memory_space<semaphore_mem>> -> memref<!tpu.dma_semaphore, #tpu.memory_space<semaphore_mem>>
      %dma_wait3A_407 = arith.constant 0 : i32
      %dma_wait3A_408 = arith.constant 0 : i32
      %dma_wait3A_409 = tpu.memref_slice %arg8[%dma_wait3A_397, %dma_wait3A_407, %dma_wait3A_408] : memref<8x32x128xf32, #tpu.memory_space<vmem>> -> memref<1x32x128xf32, #tpu.memory_space<vmem>>
      %dma_wait3A_410 = tpu.memref_squeeze %dma_wait3A_409 : memref<1x32x128xf32, #tpu.memory_space<vmem>> -> memref<32x128xf32, #tpu.memory_space<vmem>>
      %dma_wait3A_411 = arith.constant 0 : i32
      %dma_wait3A_412 = tpu.memref_slice %arg4[%dma_wait3A_411, %multiple_of3A_396] : memref<32x1000001xf32, #tpu.memory_space<hbm>> -> memref<32x128xf32, #tpu.memory_space<hbm>>
      tpu.wait_dma2 semaphore(%dma_wait3A_406 : memref<!tpu.dma_semaphore, #tpu.memory_space<semaphore_mem>>) src(%dma_wait3A_412 : memref<32x128xf32, #tpu.memory_space<hbm>>) dst(%dma_wait3A_410 : memref<32x128xf32, #tpu.memory_space<vmem>>)
      %slice3A_413 = vector.extract_strided_slice %rem3A_54 {offsets = [3], sizes = [1], strides = [1]} : vector<16xi32> to vector<1xi32>
      %squeeze3A_414 = vector.extract %slice3A_413[0] : i32 from vector<1xi32>
      %broadcast_in_dim3A_415 = vector.broadcast %squeeze3A_414 : i32 to vector<16xi32>
      %gather3A_416 = arith.constant 3 : i32
      %gather3A_417 = arith.constant 0 : i32
      %gather3A_418 = arith.constant 0 : i32
      %gather3A_419 = tpu.memref_slice %arg8[%gather3A_416, %gather3A_417, %gather3A_418] : memref<8x32x128xf32, #tpu.memory_space<vmem>> -> memref<1x32x128xf32, #tpu.memory_space<vmem>>
      %gather3A_420 = tpu.memref_squeeze %gather3A_419 : memref<1x32x128xf32, #tpu.memory_space<vmem>> -> memref<32x128xf32, #tpu.memory_space<vmem>>
      %gather3A_421 = tpu.vector_load_idx %gather3A_420[%iota3A, %broadcast_in_dim3A_415] : memref<32x128xf32, #tpu.memory_space<vmem>>[vector<16xi32>, vector<16xi32>], vector<16xf32>,
      %add3A_422 = arith.constant 16 : i32
      %add3A_423 = vector.broadcast %add3A_422 : i32 to vector<16xi32>
      %add3A_424 = arith.addi %iota3A, %add3A_423 : vector<16xi32>
      %gather3A_425 = arith.constant 3 : i32
      %gather3A_426 = arith.constant 0 : i32
      %gather3A_427 = arith.constant 0 : i32
      %gather3A_428 = tpu.memref_slice %arg8[%gather3A_425, %gather3A_426, %gather3A_427] : memref<8x32x128xf32, #tpu.memory_space<vmem>> -> memref<1x32x128xf32, #tpu.memory_space<vmem>>
      %gather3A_429 = tpu.memref_squeeze %gather3A_428 : memref<1x32x128xf32, #tpu.memory_space<vmem>> -> memref<32x128xf32, #tpu.memory_space<vmem>>
      %gather3A_430 = tpu.vector_load_idx %gather3A_429[%add3A_424, %broadcast_in_dim3A_415] : memref<32x128xf32, #tpu.memory_space<vmem>>[vector<16xi32>, vector<16xi32>], vector<16xf32>,
      %slice3A_431 = vector.extract_strided_slice %mul3A_51 {offsets = [11], sizes = [1], strides = [1]} : vector<16xi32> to vector<1xi32>
      %squeeze3A_432 = vector.extract %slice3A_431[0] : i32 from vector<1xi32>
      %multiple_of3A_433 = tpu.assume_multiple %squeeze3A_432, 128 : i32
      %dma_start3A_434 = arith.constant 3 : i32
      %dma_start3A_435 = arith.constant 3 : i32
      %dma_start3A_436 = arith.constant 0 : i32
      %dma_start3A_437 = arith.constant 0 : i32
      %dma_start3A_438 = tpu.memref_slice %arg8[%dma_start3A_434, %dma_start3A_436, %dma_start3A_437] : memref<8x32x128xf32, #tpu.memory_space<vmem>> -> memref<1x32x128xf32, #tpu.memory_space<vmem>>
      %dma_start3A_439 = tpu.memref_squeeze %dma_start3A_438 : memref<1x32x128xf32, #tpu.memory_space<vmem>> -> memref<32x128xf32, #tpu.memory_space<vmem>>
      %dma_start3A_440 = arith.constant 0 : i32
      %dma_start3A_441 = tpu.memref_slice %arg4[%dma_start3A_440, %multiple_of3A_433] : memref<32x1000001xf32, #tpu.memory_space<hbm>> -> memref<32x128xf32, #tpu.memory_space<hbm>>
      %dma_start3A_442 = tpu.memref_slice %arg13[%dma_start3A_435] : memref<8x!tpu.dma_semaphore, #tpu.memory_space<semaphore_mem>> -> memref<1x!tpu.dma_semaphore, #tpu.memory_space<semaphore_mem>>
      %dma_start3A_443 = tpu.memref_squeeze %dma_start3A_442 : memref<1x!tpu.dma_semaphore, #tpu.memory_space<semaphore_mem>> -> memref<!tpu.dma_semaphore, #tpu.memory_space<semaphore_mem>>
      %dma_start3A_444 = arith.constant 0 : i32
      %dma_start3A_445 = arith.constant 0 : i32
      %dma_start3A_446 = tpu.memref_slice %arg8[%dma_start3A_434, %dma_start3A_444, %dma_start3A_445] : memref<8x32x128xf32, #tpu.memory_space<vmem>> -> memref<1x32x128xf32, #tpu.memory_space<vmem>>
      %dma_start3A_447 = tpu.memref_squeeze %dma_start3A_446 : memref<1x32x128xf32, #tpu.memory_space<vmem>> -> memref<32x128xf32, #tpu.memory_space<vmem>>
      %dma_start3A_448 = arith.constant 0 : i32
      %dma_start3A_449 = tpu.memref_slice %arg4[%dma_start3A_448, %multiple_of3A_433] : memref<32x1000001xf32, #tpu.memory_space<hbm>> -> memref<32x128xf32, #tpu.memory_space<hbm>>
      tpu.enqueue_dma source(%dma_start3A_449 : memref<32x128xf32, #tpu.memory_space<hbm>>) target(%dma_start3A_447 : memref<32x128xf32, #tpu.memory_space<vmem>>) target_semaphore(%dma_start3A_443 : memref<!tpu.dma_semaphore, #tpu.memory_space<semaphore_mem>>)
      %mul3A_450 = arith.constant 16 : i32
      %mul3A_451 = arith.muli %scan3A_22, %mul3A_450 : i32
      %add3A_452 = arith.constant 3 : i32
      %add3A_453 = arith.addi %mul3A_451, %add3A_452 : i32
      %broadcast_in_dim3A_454 = vector.broadcast %add3A_453 : i32 to vector<16xi32>
      tpu.vector_store_idx %arg9[%iota3A, %broadcast_in_dim3A_454], %gather3A_421 : memref<32x512xf32, #tpu.memory_space<vmem>>[vector<16xi32>, vector<16xi32>], vector<16xf32>,
      %add3A_455 = arith.constant 16 : i32
      %add3A_456 = vector.broadcast %add3A_455 : i32 to vector<16xi32>
      %add3A_457 = arith.addi %iota3A, %add3A_456 : vector<16xi32>
      tpu.vector_store_idx %arg9[%add3A_457, %broadcast_in_dim3A_454], %gather3A_430 : memref<32x512xf32, #tpu.memory_space<vmem>>[vector<16xi32>, vector<16xi32>], vector<16xf32>,
      %slice3A_458 = vector.extract_strided_slice %mul3A_51 {offsets = [4], sizes = [1], strides = [1]} : vector<16xi32> to vector<1xi32>
      %squeeze3A_459 = vector.extract %slice3A_458[0] : i32 from vector<1xi32>
      %multiple_of3A_460 = tpu.assume_multiple %squeeze3A_459, 128 : i32
      %dma_wait3A_461 = arith.constant 4 : i32
      %dma_wait3A_462 = arith.constant 4 : i32
      %dma_wait3A_463 = arith.constant 0 : i32
      %dma_wait3A_464 = arith.constant 0 : i32
      %dma_wait3A_465 = tpu.memref_slice %arg8[%dma_wait3A_461, %dma_wait3A_463, %dma_wait3A_464] : memref<8x32x128xf32, #tpu.memory_space<vmem>> -> memref<1x32x128xf32, #tpu.memory_space<vmem>>
      %dma_wait3A_466 = tpu.memref_squeeze %dma_wait3A_465 : memref<1x32x128xf32, #tpu.memory_space<vmem>> -> memref<32x128xf32, #tpu.memory_space<vmem>>
      %dma_wait3A_467 = arith.constant 0 : i32
      %dma_wait3A_468 = tpu.memref_slice %arg4[%dma_wait3A_467, %multiple_of3A_460] : memref<32x1000001xf32, #tpu.memory_space<hbm>> -> memref<32x128xf32, #tpu.memory_space<hbm>>
      %dma_wait3A_469 = tpu.memref_slice %arg13[%dma_wait3A_462] : memref<8x!tpu.dma_semaphore, #tpu.memory_space<semaphore_mem>> -> memref<1x!tpu.dma_semaphore, #tpu.memory_space<semaphore_mem>>
      %dma_wait3A_470 = tpu.memref_squeeze %dma_wait3A_469 : memref<1x!tpu.dma_semaphore, #tpu.memory_space<semaphore_mem>> -> memref<!tpu.dma_semaphore, #tpu.memory_space<semaphore_mem>>
      %dma_wait3A_471 = arith.constant 0 : i32
      %dma_wait3A_472 = arith.constant 0 : i32
      %dma_wait3A_473 = tpu.memref_slice %arg8[%dma_wait3A_461, %dma_wait3A_471, %dma_wait3A_472] : memref<8x32x128xf32, #tpu.memory_space<vmem>> -> memref<1x32x128xf32, #tpu.memory_space<vmem>>
      %dma_wait3A_474 = tpu.memref_squeeze %dma_wait3A_473 : memref<1x32x128xf32, #tpu.memory_space<vmem>> -> memref<32x128xf32, #tpu.memory_space<vmem>>
      %dma_wait3A_475 = arith.constant 0 : i32
      %dma_wait3A_476 = tpu.memref_slice %arg4[%dma_wait3A_475, %multiple_of3A_460] : memref<32x1000001xf32, #tpu.memory_space<hbm>> -> memref<32x128xf32, #tpu.memory_space<hbm>>
      tpu.wait_dma2 semaphore(%dma_wait3A_470 : memref<!tpu.dma_semaphore, #tpu.memory_space<semaphore_mem>>) src(%dma_wait3A_476 : memref<32x128xf32, #tpu.memory_space<hbm>>) dst(%dma_wait3A_474 : memref<32x128xf32, #tpu.memory_space<vmem>>)
      %slice3A_477 = vector.extract_strided_slice %rem3A_54 {offsets = [4], sizes = [1], strides = [1]} : vector<16xi32> to vector<1xi32>
      %squeeze3A_478 = vector.extract %slice3A_477[0] : i32 from vector<1xi32>
      %broadcast_in_dim3A_479 = vector.broadcast %squeeze3A_478 : i32 to vector<16xi32>
      %gather3A_480 = arith.constant 4 : i32
      %gather3A_481 = arith.constant 0 : i32
      %gather3A_482 = arith.constant 0 : i32
      %gather3A_483 = tpu.memref_slice %arg8[%gather3A_480, %gather3A_481, %gather3A_482] : memref<8x32x128xf32, #tpu.memory_space<vmem>> -> memref<1x32x128xf32, #tpu.memory_space<vmem>>
      %gather3A_484 = tpu.memref_squeeze %gather3A_483 : memref<1x32x128xf32, #tpu.memory_space<vmem>> -> memref<32x128xf32, #tpu.memory_space<vmem>>
      %gather3A_485 = tpu.vector_load_idx %gather3A_484[%iota3A, %broadcast_in_dim3A_479] : memref<32x128xf32, #tpu.memory_space<vmem>>[vector<16xi32>, vector<16xi32>], vector<16xf32>,
      %add3A_486 = arith.constant 16 : i32
      %add3A_487 = vector.broadcast %add3A_486 : i32 to vector<16xi32>
      %add3A_488 = arith.addi %iota3A, %add3A_487 : vector<16xi32>
      %gather3A_489 = arith.constant 4 : i32
      %gather3A_490 = arith.constant 0 : i32
      %gather3A_491 = arith.constant 0 : i32
      %gather3A_492 = tpu.memref_slice %arg8[%gather3A_489, %gather3A_490, %gather3A_491] : memref<8x32x128xf32, #tpu.memory_space<vmem>> -> memref<1x32x128xf32, #tpu.memory_space<vmem>>
      %gather3A_493 = tpu.memref_squeeze %gather3A_492 : memref<1x32x128xf32, #tpu.memory_space<vmem>> -> memref<32x128xf32, #tpu.memory_space<vmem>>
      %gather3A_494 = tpu.vector_load_idx %gather3A_493[%add3A_488, %broadcast_in_dim3A_479] : memref<32x128xf32, #tpu.memory_space<vmem>>[vector<16xi32>, vector<16xi32>], vector<16xf32>,
      %slice3A_495 = vector.extract_strided_slice %mul3A_51 {offsets = [12], sizes = [1], strides = [1]} : vector<16xi32> to vector<1xi32>
      %squeeze3A_496 = vector.extract %slice3A_495[0] : i32 from vector<1xi32>
      %multiple_of3A_497 = tpu.assume_multiple %squeeze3A_496, 128 : i32
      %dma_start3A_498 = arith.constant 4 : i32
      %dma_start3A_499 = arith.constant 4 : i32
      %dma_start3A_500 = arith.constant 0 : i32
      %dma_start3A_501 = arith.constant 0 : i32
      %dma_start3A_502 = tpu.memref_slice %arg8[%dma_start3A_498, %dma_start3A_500, %dma_start3A_501] : memref<8x32x128xf32, #tpu.memory_space<vmem>> -> memref<1x32x128xf32, #tpu.memory_space<vmem>>
      %dma_start3A_503 = tpu.memref_squeeze %dma_start3A_502 : memref<1x32x128xf32, #tpu.memory_space<vmem>> -> memref<32x128xf32, #tpu.memory_space<vmem>>
      %dma_start3A_504 = arith.constant 0 : i32
      %dma_start3A_505 = tpu.memref_slice %arg4[%dma_start3A_504, %multiple_of3A_497] : memref<32x1000001xf32, #tpu.memory_space<hbm>> -> memref<32x128xf32, #tpu.memory_space<hbm>>
      %dma_start3A_506 = tpu.memref_slice %arg13[%dma_start3A_499] : memref<8x!tpu.dma_semaphore, #tpu.memory_space<semaphore_mem>> -> memref<1x!tpu.dma_semaphore, #tpu.memory_space<semaphore_mem>>
      %dma_start3A_507 = tpu.memref_squeeze %dma_start3A_506 : memref<1x!tpu.dma_semaphore, #tpu.memory_space<semaphore_mem>> -> memref<!tpu.dma_semaphore, #tpu.memory_space<semaphore_mem>>
      %dma_start3A_508 = arith.constant 0 : i32
      %dma_start3A_509 = arith.constant 0 : i32
      %dma_start3A_510 = tpu.memref_slice %arg8[%dma_start3A_498, %dma_start3A_508, %dma_start3A_509] : memref<8x32x128xf32, #tpu.memory_space<vmem>> -> memref<1x32x128xf32, #tpu.memory_space<vmem>>
      %dma_start3A_511 = tpu.memref_squeeze %dma_start3A_510 : memref<1x32x128xf32, #tpu.memory_space<vmem>> -> memref<32x128xf32, #tpu.memory_space<vmem>>
      %dma_start3A_512 = arith.constant 0 : i32
      %dma_start3A_513 = tpu.memref_slice %arg4[%dma_start3A_512, %multiple_of3A_497] : memref<32x1000001xf32, #tpu.memory_space<hbm>> -> memref<32x128xf32, #tpu.memory_space<hbm>>
      tpu.enqueue_dma source(%dma_start3A_513 : memref<32x128xf32, #tpu.memory_space<hbm>>) target(%dma_start3A_511 : memref<32x128xf32, #tpu.memory_space<vmem>>) target_semaphore(%dma_start3A_507 : memref<!tpu.dma_semaphore, #tpu.memory_space<semaphore_mem>>)
      %mul3A_514 = arith.constant 16 : i32
      %mul3A_515 = arith.muli %scan3A_22, %mul3A_514 : i32
      %add3A_516 = arith.constant 4 : i32
      %add3A_517 = arith.addi %mul3A_515, %add3A_516 : i32
      %broadcast_in_dim3A_518 = vector.broadcast %add3A_517 : i32 to vector<16xi32>
      tpu.vector_store_idx %arg9[%iota3A, %broadcast_in_dim3A_518], %gather3A_485 : memref<32x512xf32, #tpu.memory_space<vmem>>[vector<16xi32>, vector<16xi32>], vector<16xf32>,
      %add3A_519 = arith.constant 16 : i32
      %add3A_520 = vector.broadcast %add3A_519 : i32 to vector<16xi32>
      %add3A_521 = arith.addi %iota3A, %add3A_520 : vector<16xi32>
      tpu.vector_store_idx %arg9[%add3A_521, %broadcast_in_dim3A_518], %gather3A_494 : memref<32x512xf32, #tpu.memory_space<vmem>>[vector<16xi32>, vector<16xi32>], vector<16xf32>,
      %slice3A_522 = vector.extract_strided_slice %mul3A_51 {offsets = [5], sizes = [1], strides = [1]} : vector<16xi32> to vector<1xi32>
      %squeeze3A_523 = vector.extract %slice3A_522[0] : i32 from vector<1xi32>
      %multiple_of3A_524 = tpu.assume_multiple %squeeze3A_523, 128 : i32
      %dma_wait3A_525 = arith.constant 5 : i32
      %dma_wait3A_526 = arith.constant 5 : i32
      %dma_wait3A_527 = arith.constant 0 : i32
      %dma_wait3A_528 = arith.constant 0 : i32
      %dma_wait3A_529 = tpu.memref_slice %arg8[%dma_wait3A_525, %dma_wait3A_527, %dma_wait3A_528] : memref<8x32x128xf32, #tpu.memory_space<vmem>> -> memref<1x32x128xf32, #tpu.memory_space<vmem>>
      %dma_wait3A_530 = tpu.memref_squeeze %dma_wait3A_529 : memref<1x32x128xf32, #tpu.memory_space<vmem>> -> memref<32x128xf32, #tpu.memory_space<vmem>>
      %dma_wait3A_531 = arith.constant 0 : i32
      %dma_wait3A_532 = tpu.memref_slice %arg4[%dma_wait3A_531, %multiple_of3A_524] : memref<32x1000001xf32, #tpu.memory_space<hbm>> -> memref<32x128xf32, #tpu.memory_space<hbm>>
      %dma_wait3A_533 = tpu.memref_slice %arg13[%dma_wait3A_526] : memref<8x!tpu.dma_semaphore, #tpu.memory_space<semaphore_mem>> -> memref<1x!tpu.dma_semaphore, #tpu.memory_space<semaphore_mem>>
      %dma_wait3A_534 = tpu.memref_squeeze %dma_wait3A_533 : memref<1x!tpu.dma_semaphore, #tpu.memory_space<semaphore_mem>> -> memref<!tpu.dma_semaphore, #tpu.memory_space<semaphore_mem>>
      %dma_wait3A_535 = arith.constant 0 : i32
      %dma_wait3A_536 = arith.constant 0 : i32
      %dma_wait3A_537 = tpu.memref_slice %arg8[%dma_wait3A_525, %dma_wait3A_535, %dma_wait3A_536] : memref<8x32x128xf32, #tpu.memory_space<vmem>> -> memref<1x32x128xf32, #tpu.memory_space<vmem>>
      %dma_wait3A_538 = tpu.memref_squeeze %dma_wait3A_537 : memref<1x32x128xf32, #tpu.memory_space<vmem>> -> memref<32x128xf32, #tpu.memory_space<vmem>>
      %dma_wait3A_539 = arith.constant 0 : i32
      %dma_wait3A_540 = tpu.memref_slice %arg4[%dma_wait3A_539, %multiple_of3A_524] : memref<32x1000001xf32, #tpu.memory_space<hbm>> -> memref<32x128xf32, #tpu.memory_space<hbm>>
      tpu.wait_dma2 semaphore(%dma_wait3A_534 : memref<!tpu.dma_semaphore, #tpu.memory_space<semaphore_mem>>) src(%dma_wait3A_540 : memref<32x128xf32, #tpu.memory_space<hbm>>) dst(%dma_wait3A_538 : memref<32x128xf32, #tpu.memory_space<vmem>>)
      %slice3A_541 = vector.extract_strided_slice %rem3A_54 {offsets = [5], sizes = [1], strides = [1]} : vector<16xi32> to vector<1xi32>
      %squeeze3A_542 = vector.extract %slice3A_541[0] : i32 from vector<1xi32>
      %broadcast_in_dim3A_543 = vector.broadcast %squeeze3A_542 : i32 to vector<16xi32>
      %gather3A_544 = arith.constant 5 : i32
      %gather3A_545 = arith.constant 0 : i32
      %gather3A_546 = arith.constant 0 : i32
      %gather3A_547 = tpu.memref_slice %arg8[%gather3A_544, %gather3A_545, %gather3A_546] : memref<8x32x128xf32, #tpu.memory_space<vmem>> -> memref<1x32x128xf32, #tpu.memory_space<vmem>>
      %gather3A_548 = tpu.memref_squeeze %gather3A_547 : memref<1x32x128xf32, #tpu.memory_space<vmem>> -> memref<32x128xf32, #tpu.memory_space<vmem>>
      %gather3A_549 = tpu.vector_load_idx %gather3A_548[%iota3A, %broadcast_in_dim3A_543] : memref<32x128xf32, #tpu.memory_space<vmem>>[vector<16xi32>, vector<16xi32>], vector<16xf32>,
      %add3A_550 = arith.constant 16 : i32
      %add3A_551 = vector.broadcast %add3A_550 : i32 to vector<16xi32>
      %add3A_552 = arith.addi %iota3A, %add3A_551 : vector<16xi32>
      %gather3A_553 = arith.constant 5 : i32
      %gather3A_554 = arith.constant 0 : i32
      %gather3A_555 = arith.constant 0 : i32
      %gather3A_556 = tpu.memref_slice %arg8[%gather3A_553, %gather3A_554, %gather3A_555] : memref<8x32x128xf32, #tpu.memory_space<vmem>> -> memref<1x32x128xf32, #tpu.memory_space<vmem>>
      %gather3A_557 = tpu.memref_squeeze %gather3A_556 : memref<1x32x128xf32, #tpu.memory_space<vmem>> -> memref<32x128xf32, #tpu.memory_space<vmem>>
      %gather3A_558 = tpu.vector_load_idx %gather3A_557[%add3A_552, %broadcast_in_dim3A_543] : memref<32x128xf32, #tpu.memory_space<vmem>>[vector<16xi32>, vector<16xi32>], vector<16xf32>,
      %slice3A_559 = vector.extract_strided_slice %mul3A_51 {offsets = [13], sizes = [1], strides = [1]} : vector<16xi32> to vector<1xi32>
      %squeeze3A_560 = vector.extract %slice3A_559[0] : i32 from vector<1xi32>
      %multiple_of3A_561 = tpu.assume_multiple %squeeze3A_560, 128 : i32
      %dma_start3A_562 = arith.constant 5 : i32
      %dma_start3A_563 = arith.constant 5 : i32
      %dma_start3A_564 = arith.constant 0 : i32
      %dma_start3A_565 = arith.constant 0 : i32
      %dma_start3A_566 = tpu.memref_slice %arg8[%dma_start3A_562, %dma_start3A_564, %dma_start3A_565] : memref<8x32x128xf32, #tpu.memory_space<vmem>> -> memref<1x32x128xf32, #tpu.memory_space<vmem>>
      %dma_start3A_567 = tpu.memref_squeeze %dma_start3A_566 : memref<1x32x128xf32, #tpu.memory_space<vmem>> -> memref<32x128xf32, #tpu.memory_space<vmem>>
      %dma_start3A_568 = arith.constant 0 : i32
      %dma_start3A_569 = tpu.memref_slice %arg4[%dma_start3A_568, %multiple_of3A_561] : memref<32x1000001xf32, #tpu.memory_space<hbm>> -> memref<32x128xf32, #tpu.memory_space<hbm>>
      %dma_start3A_570 = tpu.memref_slice %arg13[%dma_start3A_563] : memref<8x!tpu.dma_semaphore, #tpu.memory_space<semaphore_mem>> -> memref<1x!tpu.dma_semaphore, #tpu.memory_space<semaphore_mem>>
      %dma_start3A_571 = tpu.memref_squeeze %dma_start3A_570 : memref<1x!tpu.dma_semaphore, #tpu.memory_space<semaphore_mem>> -> memref<!tpu.dma_semaphore, #tpu.memory_space<semaphore_mem>>
      %dma_start3A_572 = arith.constant 0 : i32
      %dma_start3A_573 = arith.constant 0 : i32
      %dma_start3A_574 = tpu.memref_slice %arg8[%dma_start3A_562, %dma_start3A_572, %dma_start3A_573] : memref<8x32x128xf32, #tpu.memory_space<vmem>> -> memref<1x32x128xf32, #tpu.memory_space<vmem>>
      %dma_start3A_575 = tpu.memref_squeeze %dma_start3A_574 : memref<1x32x128xf32, #tpu.memory_space<vmem>> -> memref<32x128xf32, #tpu.memory_space<vmem>>
      %dma_start3A_576 = arith.constant 0 : i32
      %dma_start3A_577 = tpu.memref_slice %arg4[%dma_start3A_576, %multiple_of3A_561] : memref<32x1000001xf32, #tpu.memory_space<hbm>> -> memref<32x128xf32, #tpu.memory_space<hbm>>
      tpu.enqueue_dma source(%dma_start3A_577 : memref<32x128xf32, #tpu.memory_space<hbm>>) target(%dma_start3A_575 : memref<32x128xf32, #tpu.memory_space<vmem>>) target_semaphore(%dma_start3A_571 : memref<!tpu.dma_semaphore, #tpu.memory_space<semaphore_mem>>)
      %mul3A_578 = arith.constant 16 : i32
      %mul3A_579 = arith.muli %scan3A_22, %mul3A_578 : i32
      %add3A_580 = arith.constant 5 : i32
      %add3A_581 = arith.addi %mul3A_579, %add3A_580 : i32
      %broadcast_in_dim3A_582 = vector.broadcast %add3A_581 : i32 to vector<16xi32>
      tpu.vector_store_idx %arg9[%iota3A, %broadcast_in_dim3A_582], %gather3A_549 : memref<32x512xf32, #tpu.memory_space<vmem>>[vector<16xi32>, vector<16xi32>], vector<16xf32>,
      %add3A_583 = arith.constant 16 : i32
      %add3A_584 = vector.broadcast %add3A_583 : i32 to vector<16xi32>
      %add3A_585 = arith.addi %iota3A, %add3A_584 : vector<16xi32>
      tpu.vector_store_idx %arg9[%add3A_585, %broadcast_in_dim3A_582], %gather3A_558 : memref<32x512xf32, #tpu.memory_space<vmem>>[vector<16xi32>, vector<16xi32>], vector<16xf32>,
      %slice3A_586 = vector.extract_strided_slice %mul3A_51 {offsets = [6], sizes = [1], strides = [1]} : vector<16xi32> to vector<1xi32>
      %squeeze3A_587 = vector.extract %slice3A_586[0] : i32 from vector<1xi32>
      %multiple_of3A_588 = tpu.assume_multiple %squeeze3A_587, 128 : i32
      %dma_wait3A_589 = arith.constant 6 : i32
      %dma_wait3A_590 = arith.constant 6 : i32
      %dma_wait3A_591 = arith.constant 0 : i32
      %dma_wait3A_592 = arith.constant 0 : i32
      %dma_wait3A_593 = tpu.memref_slice %arg8[%dma_wait3A_589, %dma_wait3A_591, %dma_wait3A_592] : memref<8x32x128xf32, #tpu.memory_space<vmem>> -> memref<1x32x128xf32, #tpu.memory_space<vmem>>
      %dma_wait3A_594 = tpu.memref_squeeze %dma_wait3A_593 : memref<1x32x128xf32, #tpu.memory_space<vmem>> -> memref<32x128xf32, #tpu.memory_space<vmem>>
      %dma_wait3A_595 = arith.constant 0 : i32
      %dma_wait3A_596 = tpu.memref_slice %arg4[%dma_wait3A_595, %multiple_of3A_588] : memref<32x1000001xf32, #tpu.memory_space<hbm>> -> memref<32x128xf32, #tpu.memory_space<hbm>>
      %dma_wait3A_597 = tpu.memref_slice %arg13[%dma_wait3A_590] : memref<8x!tpu.dma_semaphore, #tpu.memory_space<semaphore_mem>> -> memref<1x!tpu.dma_semaphore, #tpu.memory_space<semaphore_mem>>
      %dma_wait3A_598 = tpu.memref_squeeze %dma_wait3A_597 : memref<1x!tpu.dma_semaphore, #tpu.memory_space<semaphore_mem>> -> memref<!tpu.dma_semaphore, #tpu.memory_space<semaphore_mem>>
      %dma_wait3A_599 = arith.constant 0 : i32
      %dma_wait3A_600 = arith.constant 0 : i32
      %dma_wait3A_601 = tpu.memref_slice %arg8[%dma_wait3A_589, %dma_wait3A_599, %dma_wait3A_600] : memref<8x32x128xf32, #tpu.memory_space<vmem>> -> memref<1x32x128xf32, #tpu.memory_space<vmem>>
      %dma_wait3A_602 = tpu.memref_squeeze %dma_wait3A_601 : memref<1x32x128xf32, #tpu.memory_space<vmem>> -> memref<32x128xf32, #tpu.memory_space<vmem>>
      %dma_wait3A_603 = arith.constant 0 : i32
      %dma_wait3A_604 = tpu.memref_slice %arg4[%dma_wait3A_603, %multiple_of3A_588] : memref<32x1000001xf32, #tpu.memory_space<hbm>> -> memref<32x128xf32, #tpu.memory_space<hbm>>
      tpu.wait_dma2 semaphore(%dma_wait3A_598 : memref<!tpu.dma_semaphore, #tpu.memory_space<semaphore_mem>>) src(%dma_wait3A_604 : memref<32x128xf32, #tpu.memory_space<hbm>>) dst(%dma_wait3A_602 : memref<32x128xf32, #tpu.memory_space<vmem>>)
      %slice3A_605 = vector.extract_strided_slice %rem3A_54 {offsets = [6], sizes = [1], strides = [1]} : vector<16xi32> to vector<1xi32>
      %squeeze3A_606 = vector.extract %slice3A_605[0] : i32 from vector<1xi32>
      %broadcast_in_dim3A_607 = vector.broadcast %squeeze3A_606 : i32 to vector<16xi32>
      %gather3A_608 = arith.constant 6 : i32
      %gather3A_609 = arith.constant 0 : i32
      %gather3A_610 = arith.constant 0 : i32
      %gather3A_611 = tpu.memref_slice %arg8[%gather3A_608, %gather3A_609, %gather3A_610] : memref<8x32x128xf32, #tpu.memory_space<vmem>> -> memref<1x32x128xf32, #tpu.memory_space<vmem>>
      %gather3A_612 = tpu.memref_squeeze %gather3A_611 : memref<1x32x128xf32, #tpu.memory_space<vmem>> -> memref<32x128xf32, #tpu.memory_space<vmem>>
      %gather3A_613 = tpu.vector_load_idx %gather3A_612[%iota3A, %broadcast_in_dim3A_607] : memref<32x128xf32, #tpu.memory_space<vmem>>[vector<16xi32>, vector<16xi32>], vector<16xf32>,
      %add3A_614 = arith.constant 16 : i32
      %add3A_615 = vector.broadcast %add3A_614 : i32 to vector<16xi32>
      %add3A_616 = arith.addi %iota3A, %add3A_615 : vector<16xi32>
      %gather3A_617 = arith.constant 6 : i32
      %gather3A_618 = arith.constant 0 : i32
      %gather3A_619 = arith.constant 0 : i32
      %gather3A_620 = tpu.memref_slice %arg8[%gather3A_617, %gather3A_618, %gather3A_619] : memref<8x32x128xf32, #tpu.memory_space<vmem>> -> memref<1x32x128xf32, #tpu.memory_space<vmem>>
      %gather3A_621 = tpu.memref_squeeze %gather3A_620 : memref<1x32x128xf32, #tpu.memory_space<vmem>> -> memref<32x128xf32, #tpu.memory_space<vmem>>
      %gather3A_622 = tpu.vector_load_idx %gather3A_621[%add3A_616, %broadcast_in_dim3A_607] : memref<32x128xf32, #tpu.memory_space<vmem>>[vector<16xi32>, vector<16xi32>], vector<16xf32>,
      %slice3A_623 = vector.extract_strided_slice %mul3A_51 {offsets = [14], sizes = [1], strides = [1]} : vector<16xi32> to vector<1xi32>
      %squeeze3A_624 = vector.extract %slice3A_623[0] : i32 from vector<1xi32>
      %multiple_of3A_625 = tpu.assume_multiple %squeeze3A_624, 128 : i32
      %dma_start3A_626 = arith.constant 6 : i32
      %dma_start3A_627 = arith.constant 6 : i32
      %dma_start3A_628 = arith.constant 0 : i32
      %dma_start3A_629 = arith.constant 0 : i32
      %dma_start3A_630 = tpu.memref_slice %arg8[%dma_start3A_626, %dma_start3A_628, %dma_start3A_629] : memref<8x32x128xf32, #tpu.memory_space<vmem>> -> memref<1x32x128xf32, #tpu.memory_space<vmem>>
      %dma_start3A_631 = tpu.memref_squeeze %dma_start3A_630 : memref<1x32x128xf32, #tpu.memory_space<vmem>> -> memref<32x128xf32, #tpu.memory_space<vmem>>
      %dma_start3A_632 = arith.constant 0 : i32
      %dma_start3A_633 = tpu.memref_slice %arg4[%dma_start3A_632, %multiple_of3A_625] : memref<32x1000001xf32, #tpu.memory_space<hbm>> -> memref<32x128xf32, #tpu.memory_space<hbm>>
      %dma_start3A_634 = tpu.memref_slice %arg13[%dma_start3A_627] : memref<8x!tpu.dma_semaphore, #tpu.memory_space<semaphore_mem>> -> memref<1x!tpu.dma_semaphore, #tpu.memory_space<semaphore_mem>>
      %dma_start3A_635 = tpu.memref_squeeze %dma_start3A_634 : memref<1x!tpu.dma_semaphore, #tpu.memory_space<semaphore_mem>> -> memref<!tpu.dma_semaphore, #tpu.memory_space<semaphore_mem>>
      %dma_start3A_636 = arith.constant 0 : i32
      %dma_start3A_637 = arith.constant 0 : i32
      %dma_start3A_638 = tpu.memref_slice %arg8[%dma_start3A_626, %dma_start3A_636, %dma_start3A_637] : memref<8x32x128xf32, #tpu.memory_space<vmem>> -> memref<1x32x128xf32, #tpu.memory_space<vmem>>
      %dma_start3A_639 = tpu.memref_squeeze %dma_start3A_638 : memref<1x32x128xf32, #tpu.memory_space<vmem>> -> memref<32x128xf32, #tpu.memory_space<vmem>>
      %dma_start3A_640 = arith.constant 0 : i32
      %dma_start3A_641 = tpu.memref_slice %arg4[%dma_start3A_640, %multiple_of3A_625] : memref<32x1000001xf32, #tpu.memory_space<hbm>> -> memref<32x128xf32, #tpu.memory_space<hbm>>
      tpu.enqueue_dma source(%dma_start3A_641 : memref<32x128xf32, #tpu.memory_space<hbm>>) target(%dma_start3A_639 : memref<32x128xf32, #tpu.memory_space<vmem>>) target_semaphore(%dma_start3A_635 : memref<!tpu.dma_semaphore, #tpu.memory_space<semaphore_mem>>)
      %mul3A_642 = arith.constant 16 : i32
      %mul3A_643 = arith.muli %scan3A_22, %mul3A_642 : i32
      %add3A_644 = arith.constant 6 : i32
      %add3A_645 = arith.addi %mul3A_643, %add3A_644 : i32
      %broadcast_in_dim3A_646 = vector.broadcast %add3A_645 : i32 to vector<16xi32>
      tpu.vector_store_idx %arg9[%iota3A, %broadcast_in_dim3A_646], %gather3A_613 : memref<32x512xf32, #tpu.memory_space<vmem>>[vector<16xi32>, vector<16xi32>], vector<16xf32>,
      %add3A_647 = arith.constant 16 : i32
      %add3A_648 = vector.broadcast %add3A_647 : i32 to vector<16xi32>
      %add3A_649 = arith.addi %iota3A, %add3A_648 : vector<16xi32>
      tpu.vector_store_idx %arg9[%add3A_649, %broadcast_in_dim3A_646], %gather3A_622 : memref<32x512xf32, #tpu.memory_space<vmem>>[vector<16xi32>, vector<16xi32>], vector<16xf32>,
      %slice3A_650 = vector.extract_strided_slice %mul3A_51 {offsets = [7], sizes = [1], strides = [1]} : vector<16xi32> to vector<1xi32>
      %squeeze3A_651 = vector.extract %slice3A_650[0] : i32 from vector<1xi32>
      %multiple_of3A_652 = tpu.assume_multiple %squeeze3A_651, 128 : i32
      %dma_wait3A_653 = arith.constant 7 : i32
      %dma_wait3A_654 = arith.constant 7 : i32
      %dma_wait3A_655 = arith.constant 0 : i32
      %dma_wait3A_656 = arith.constant 0 : i32
      %dma_wait3A_657 = tpu.memref_slice %arg8[%dma_wait3A_653, %dma_wait3A_655, %dma_wait3A_656] : memref<8x32x128xf32, #tpu.memory_space<vmem>> -> memref<1x32x128xf32, #tpu.memory_space<vmem>>
      %dma_wait3A_658 = tpu.memref_squeeze %dma_wait3A_657 : memref<1x32x128xf32, #tpu.memory_space<vmem>> -> memref<32x128xf32, #tpu.memory_space<vmem>>
      %dma_wait3A_659 = arith.constant 0 : i32
      %dma_wait3A_660 = tpu.memref_slice %arg4[%dma_wait3A_659, %multiple_of3A_652] : memref<32x1000001xf32, #tpu.memory_space<hbm>> -> memref<32x128xf32, #tpu.memory_space<hbm>>
      %dma_wait3A_661 = tpu.memref_slice %arg13[%dma_wait3A_654] : memref<8x!tpu.dma_semaphore, #tpu.memory_space<semaphore_mem>> -> memref<1x!tpu.dma_semaphore, #tpu.memory_space<semaphore_mem>>
      %dma_wait3A_662 = tpu.memref_squeeze %dma_wait3A_661 : memref<1x!tpu.dma_semaphore, #tpu.memory_space<semaphore_mem>> -> memref<!tpu.dma_semaphore, #tpu.memory_space<semaphore_mem>>
      %dma_wait3A_663 = arith.constant 0 : i32
      %dma_wait3A_664 = arith.constant 0 : i32
      %dma_wait3A_665 = tpu.memref_slice %arg8[%dma_wait3A_653, %dma_wait3A_663, %dma_wait3A_664] : memref<8x32x128xf32, #tpu.memory_space<vmem>> -> memref<1x32x128xf32, #tpu.memory_space<vmem>>
      %dma_wait3A_666 = tpu.memref_squeeze %dma_wait3A_665 : memref<1x32x128xf32, #tpu.memory_space<vmem>> -> memref<32x128xf32, #tpu.memory_space<vmem>>
      %dma_wait3A_667 = arith.constant 0 : i32
      %dma_wait3A_668 = tpu.memref_slice %arg4[%dma_wait3A_667, %multiple_of3A_652] : memref<32x1000001xf32, #tpu.memory_space<hbm>> -> memref<32x128xf32, #tpu.memory_space<hbm>>
      tpu.wait_dma2 semaphore(%dma_wait3A_662 : memref<!tpu.dma_semaphore, #tpu.memory_space<semaphore_mem>>) src(%dma_wait3A_668 : memref<32x128xf32, #tpu.memory_space<hbm>>) dst(%dma_wait3A_666 : memref<32x128xf32, #tpu.memory_space<vmem>>)
      %slice3A_669 = vector.extract_strided_slice %rem3A_54 {offsets = [7], sizes = [1], strides = [1]} : vector<16xi32> to vector<1xi32>
      %squeeze3A_670 = vector.extract %slice3A_669[0] : i32 from vector<1xi32>
      %broadcast_in_dim3A_671 = vector.broadcast %squeeze3A_670 : i32 to vector<16xi32>
      %gather3A_672 = arith.constant 7 : i32
      %gather3A_673 = arith.constant 0 : i32
      %gather3A_674 = arith.constant 0 : i32
      %gather3A_675 = tpu.memref_slice %arg8[%gather3A_672, %gather3A_673, %gather3A_674] : memref<8x32x128xf32, #tpu.memory_space<vmem>> -> memref<1x32x128xf32, #tpu.memory_space<vmem>>
      %gather3A_676 = tpu.memref_squeeze %gather3A_675 : memref<1x32x128xf32, #tpu.memory_space<vmem>> -> memref<32x128xf32, #tpu.memory_space<vmem>>
      %gather3A_677 = tpu.vector_load_idx %gather3A_676[%iota3A, %broadcast_in_dim3A_671] : memref<32x128xf32, #tpu.memory_space<vmem>>[vector<16xi32>, vector<16xi32>], vector<16xf32>,
      %add3A_678 = arith.constant 16 : i32
      %add3A_679 = vector.broadcast %add3A_678 : i32 to vector<16xi32>
      %add3A_680 = arith.addi %iota3A, %add3A_679 : vector<16xi32>
      %gather3A_681 = arith.constant 7 : i32
      %gather3A_682 = arith.constant 0 : i32
      %gather3A_683 = arith.constant 0 : i32
      %gather3A_684 = tpu.memref_slice %arg8[%gather3A_681, %gather3A_682, %gather3A_683] : memref<8x32x128xf32, #tpu.memory_space<vmem>> -> memref<1x32x128xf32, #tpu.memory_space<vmem>>
      %gather3A_685 = tpu.memref_squeeze %gather3A_684 : memref<1x32x128xf32, #tpu.memory_space<vmem>> -> memref<32x128xf32, #tpu.memory_space<vmem>>
      %gather3A_686 = tpu.vector_load_idx %gather3A_685[%add3A_680, %broadcast_in_dim3A_671] : memref<32x128xf32, #tpu.memory_space<vmem>>[vector<16xi32>, vector<16xi32>], vector<16xf32>,
      %slice3A_687 = vector.extract_strided_slice %mul3A_51 {offsets = [15], sizes = [1], strides = [1]} : vector<16xi32> to vector<1xi32>
      %squeeze3A_688 = vector.extract %slice3A_687[0] : i32 from vector<1xi32>
      %multiple_of3A_689 = tpu.assume_multiple %squeeze3A_688, 128 : i32
      %dma_start3A_690 = arith.constant 7 : i32
      %dma_start3A_691 = arith.constant 7 : i32
      %dma_start3A_692 = arith.constant 0 : i32
      %dma_start3A_693 = arith.constant 0 : i32
      %dma_start3A_694 = tpu.memref_slice %arg8[%dma_start3A_690, %dma_start3A_692, %dma_start3A_693] : memref<8x32x128xf32, #tpu.memory_space<vmem>> -> memref<1x32x128xf32, #tpu.memory_space<vmem>>
      %dma_start3A_695 = tpu.memref_squeeze %dma_start3A_694 : memref<1x32x128xf32, #tpu.memory_space<vmem>> -> memref<32x128xf32, #tpu.memory_space<vmem>>
      %dma_start3A_696 = arith.constant 0 : i32
      %dma_start3A_697 = tpu.memref_slice %arg4[%dma_start3A_696, %multiple_of3A_689] : memref<32x1000001xf32, #tpu.memory_space<hbm>> -> memref<32x128xf32, #tpu.memory_space<hbm>>
      %dma_start3A_698 = tpu.memref_slice %arg13[%dma_start3A_691] : memref<8x!tpu.dma_semaphore, #tpu.memory_space<semaphore_mem>> -> memref<1x!tpu.dma_semaphore, #tpu.memory_space<semaphore_mem>>
      %dma_start3A_699 = tpu.memref_squeeze %dma_start3A_698 : memref<1x!tpu.dma_semaphore, #tpu.memory_space<semaphore_mem>> -> memref<!tpu.dma_semaphore, #tpu.memory_space<semaphore_mem>>
      %dma_start3A_700 = arith.constant 0 : i32
      %dma_start3A_701 = arith.constant 0 : i32
      %dma_start3A_702 = tpu.memref_slice %arg8[%dma_start3A_690, %dma_start3A_700, %dma_start3A_701] : memref<8x32x128xf32, #tpu.memory_space<vmem>> -> memref<1x32x128xf32, #tpu.memory_space<vmem>>
      %dma_start3A_703 = tpu.memref_squeeze %dma_start3A_702 : memref<1x32x128xf32, #tpu.memory_space<vmem>> -> memref<32x128xf32, #tpu.memory_space<vmem>>
      %dma_start3A_704 = arith.constant 0 : i32
      %dma_start3A_705 = tpu.memref_slice %arg4[%dma_start3A_704, %multiple_of3A_689] : memref<32x1000001xf32, #tpu.memory_space<hbm>> -> memref<32x128xf32, #tpu.memory_space<hbm>>
      tpu.enqueue_dma source(%dma_start3A_705 : memref<32x128xf32, #tpu.memory_space<hbm>>) target(%dma_start3A_703 : memref<32x128xf32, #tpu.memory_space<vmem>>) target_semaphore(%dma_start3A_699 : memref<!tpu.dma_semaphore, #tpu.memory_space<semaphore_mem>>)
      %mul3A_706 = arith.constant 16 : i32
      %mul3A_707 = arith.muli %scan3A_22, %mul3A_706 : i32
      %add3A_708 = arith.constant 7 : i32
      %add3A_709 = arith.addi %mul3A_707, %add3A_708 : i32
      %broadcast_in_dim3A_710 = vector.broadcast %add3A_709 : i32 to vector<16xi32>
      tpu.vector_store_idx %arg9[%iota3A, %broadcast_in_dim3A_710], %gather3A_677 : memref<32x512xf32, #tpu.memory_space<vmem>>[vector<16xi32>, vector<16xi32>], vector<16xf32>,
      %add3A_711 = arith.constant 16 : i32
      %add3A_712 = vector.broadcast %add3A_711 : i32 to vector<16xi32>
      %add3A_713 = arith.addi %iota3A, %add3A_712 : vector<16xi32>
      tpu.vector_store_idx %arg9[%add3A_713, %broadcast_in_dim3A_710], %gather3A_686 : memref<32x512xf32, #tpu.memory_space<vmem>>[vector<16xi32>, vector<16xi32>], vector<16xf32>,
      %slice3A_714 = vector.extract_strided_slice %mul3A_51 {offsets = [8], sizes = [1], strides = [1]} : vector<16xi32> to vector<1xi32>
      %squeeze3A_715 = vector.extract %slice3A_714[0] : i32 from vector<1xi32>
      %multiple_of3A_716 = tpu.assume_multiple %squeeze3A_715, 128 : i32
      %dma_wait3A_717 = arith.constant 0 : i32
      %dma_wait3A_718 = arith.constant 0 : i32
      %dma_wait3A_719 = arith.constant 0 : i32
      %dma_wait3A_720 = arith.constant 0 : i32
      %dma_wait3A_721 = tpu.memref_slice %arg8[%dma_wait3A_717, %dma_wait3A_719, %dma_wait3A_720] : memref<8x32x128xf32, #tpu.memory_space<vmem>> -> memref<1x32x128xf32, #tpu.memory_space<vmem>>
      %dma_wait3A_722 = tpu.memref_squeeze %dma_wait3A_721 : memref<1x32x128xf32, #tpu.memory_space<vmem>> -> memref<32x128xf32, #tpu.memory_space<vmem>>
      %dma_wait3A_723 = arith.constant 0 : i32
      %dma_wait3A_724 = tpu.memref_slice %arg4[%dma_wait3A_723, %multiple_of3A_716] : memref<32x1000001xf32, #tpu.memory_space<hbm>> -> memref<32x128xf32, #tpu.memory_space<hbm>>
      %dma_wait3A_725 = tpu.memref_slice %arg13[%dma_wait3A_718] : memref<8x!tpu.dma_semaphore, #tpu.memory_space<semaphore_mem>> -> memref<1x!tpu.dma_semaphore, #tpu.memory_space<semaphore_mem>>
      %dma_wait3A_726 = tpu.memref_squeeze %dma_wait3A_725 : memref<1x!tpu.dma_semaphore, #tpu.memory_space<semaphore_mem>> -> memref<!tpu.dma_semaphore, #tpu.memory_space<semaphore_mem>>
      %dma_wait3A_727 = arith.constant 0 : i32
      %dma_wait3A_728 = arith.constant 0 : i32
      %dma_wait3A_729 = tpu.memref_slice %arg8[%dma_wait3A_717, %dma_wait3A_727, %dma_wait3A_728] : memref<8x32x128xf32, #tpu.memory_space<vmem>> -> memref<1x32x128xf32, #tpu.memory_space<vmem>>
      %dma_wait3A_730 = tpu.memref_squeeze %dma_wait3A_729 : memref<1x32x128xf32, #tpu.memory_space<vmem>> -> memref<32x128xf32, #tpu.memory_space<vmem>>
      %dma_wait3A_731 = arith.constant 0 : i32
      %dma_wait3A_732 = tpu.memref_slice %arg4[%dma_wait3A_731, %multiple_of3A_716] : memref<32x1000001xf32, #tpu.memory_space<hbm>> -> memref<32x128xf32, #tpu.memory_space<hbm>>
      tpu.wait_dma2 semaphore(%dma_wait3A_726 : memref<!tpu.dma_semaphore, #tpu.memory_space<semaphore_mem>>) src(%dma_wait3A_732 : memref<32x128xf32, #tpu.memory_space<hbm>>) dst(%dma_wait3A_730 : memref<32x128xf32, #tpu.memory_space<vmem>>)
      %slice3A_733 = vector.extract_strided_slice %rem3A_54 {offsets = [8], sizes = [1], strides = [1]} : vector<16xi32> to vector<1xi32>
      %squeeze3A_734 = vector.extract %slice3A_733[0] : i32 from vector<1xi32>
      %broadcast_in_dim3A_735 = vector.broadcast %squeeze3A_734 : i32 to vector<16xi32>
      %gather3A_736 = arith.constant 0 : i32
      %gather3A_737 = arith.constant 0 : i32
      %gather3A_738 = arith.constant 0 : i32
      %gather3A_739 = tpu.memref_slice %arg8[%gather3A_736, %gather3A_737, %gather3A_738] : memref<8x32x128xf32, #tpu.memory_space<vmem>> -> memref<1x32x128xf32, #tpu.memory_space<vmem>>
      %gather3A_740 = tpu.memref_squeeze %gather3A_739 : memref<1x32x128xf32, #tpu.memory_space<vmem>> -> memref<32x128xf32, #tpu.memory_space<vmem>>
      %gather3A_741 = tpu.vector_load_idx %gather3A_740[%iota3A, %broadcast_in_dim3A_735] : memref<32x128xf32, #tpu.memory_space<vmem>>[vector<16xi32>, vector<16xi32>], vector<16xf32>,
      %add3A_742 = arith.constant 16 : i32
      %add3A_743 = vector.broadcast %add3A_742 : i32 to vector<16xi32>
      %add3A_744 = arith.addi %iota3A, %add3A_743 : vector<16xi32>
      %gather3A_745 = arith.constant 0 : i32
      %gather3A_746 = arith.constant 0 : i32
      %gather3A_747 = arith.constant 0 : i32
      %gather3A_748 = tpu.memref_slice %arg8[%gather3A_745, %gather3A_746, %gather3A_747] : memref<8x32x128xf32, #tpu.memory_space<vmem>> -> memref<1x32x128xf32, #tpu.memory_space<vmem>>
      %gather3A_749 = tpu.memref_squeeze %gather3A_748 : memref<1x32x128xf32, #tpu.memory_space<vmem>> -> memref<32x128xf32, #tpu.memory_space<vmem>>
      %gather3A_750 = tpu.vector_load_idx %gather3A_749[%add3A_744, %broadcast_in_dim3A_735] : memref<32x128xf32, #tpu.memory_space<vmem>>[vector<16xi32>, vector<16xi32>], vector<16xf32>,
      %mul3A_751 = arith.constant 16 : i32
      %mul3A_752 = arith.muli %scan3A_22, %mul3A_751 : i32
      %add3A_753 = arith.constant 8 : i32
      %add3A_754 = arith.addi %mul3A_752, %add3A_753 : i32
      %broadcast_in_dim3A_755 = vector.broadcast %add3A_754 : i32 to vector<16xi32>
      tpu.vector_store_idx %arg9[%iota3A, %broadcast_in_dim3A_755], %gather3A_741 : memref<32x512xf32, #tpu.memory_space<vmem>>[vector<16xi32>, vector<16xi32>], vector<16xf32>,
      %add3A_756 = arith.constant 16 : i32
      %add3A_757 = vector.broadcast %add3A_756 : i32 to vector<16xi32>
      %add3A_758 = arith.addi %iota3A, %add3A_757 : vector<16xi32>
      tpu.vector_store_idx %arg9[%add3A_758, %broadcast_in_dim3A_755], %gather3A_750 : memref<32x512xf32, #tpu.memory_space<vmem>>[vector<16xi32>, vector<16xi32>], vector<16xf32>,
      %slice3A_759 = vector.extract_strided_slice %mul3A_51 {offsets = [9], sizes = [1], strides = [1]} : vector<16xi32> to vector<1xi32>
      %squeeze3A_760 = vector.extract %slice3A_759[0] : i32 from vector<1xi32>
      %multiple_of3A_761 = tpu.assume_multiple %squeeze3A_760, 128 : i32
      %dma_wait3A_762 = arith.constant 1 : i32
      %dma_wait3A_763 = arith.constant 1 : i32
      %dma_wait3A_764 = arith.constant 0 : i32
      %dma_wait3A_765 = arith.constant 0 : i32
      %dma_wait3A_766 = tpu.memref_slice %arg8[%dma_wait3A_762, %dma_wait3A_764, %dma_wait3A_765] : memref<8x32x128xf32, #tpu.memory_space<vmem>> -> memref<1x32x128xf32, #tpu.memory_space<vmem>>
      %dma_wait3A_767 = tpu.memref_squeeze %dma_wait3A_766 : memref<1x32x128xf32, #tpu.memory_space<vmem>> -> memref<32x128xf32, #tpu.memory_space<vmem>>
      %dma_wait3A_768 = arith.constant 0 : i32
      %dma_wait3A_769 = tpu.memref_slice %arg4[%dma_wait3A_768, %multiple_of3A_761] : memref<32x1000001xf32, #tpu.memory_space<hbm>> -> memref<32x128xf32, #tpu.memory_space<hbm>>
      %dma_wait3A_770 = tpu.memref_slice %arg13[%dma_wait3A_763] : memref<8x!tpu.dma_semaphore, #tpu.memory_space<semaphore_mem>> -> memref<1x!tpu.dma_semaphore, #tpu.memory_space<semaphore_mem>>
      %dma_wait3A_771 = tpu.memref_squeeze %dma_wait3A_770 : memref<1x!tpu.dma_semaphore, #tpu.memory_space<semaphore_mem>> -> memref<!tpu.dma_semaphore, #tpu.memory_space<semaphore_mem>>
      %dma_wait3A_772 = arith.constant 0 : i32
      %dma_wait3A_773 = arith.constant 0 : i32
      %dma_wait3A_774 = tpu.memref_slice %arg8[%dma_wait3A_762, %dma_wait3A_772, %dma_wait3A_773] : memref<8x32x128xf32, #tpu.memory_space<vmem>> -> memref<1x32x128xf32, #tpu.memory_space<vmem>>
      %dma_wait3A_775 = tpu.memref_squeeze %dma_wait3A_774 : memref<1x32x128xf32, #tpu.memory_space<vmem>> -> memref<32x128xf32, #tpu.memory_space<vmem>>
      %dma_wait3A_776 = arith.constant 0 : i32
      %dma_wait3A_777 = tpu.memref_slice %arg4[%dma_wait3A_776, %multiple_of3A_761] : memref<32x1000001xf32, #tpu.memory_space<hbm>> -> memref<32x128xf32, #tpu.memory_space<hbm>>
      tpu.wait_dma2 semaphore(%dma_wait3A_771 : memref<!tpu.dma_semaphore, #tpu.memory_space<semaphore_mem>>) src(%dma_wait3A_777 : memref<32x128xf32, #tpu.memory_space<hbm>>) dst(%dma_wait3A_775 : memref<32x128xf32, #tpu.memory_space<vmem>>)
      %slice3A_778 = vector.extract_strided_slice %rem3A_54 {offsets = [9], sizes = [1], strides = [1]} : vector<16xi32> to vector<1xi32>
      %squeeze3A_779 = vector.extract %slice3A_778[0] : i32 from vector<1xi32>
      %broadcast_in_dim3A_780 = vector.broadcast %squeeze3A_779 : i32 to vector<16xi32>
      %gather3A_781 = arith.constant 1 : i32
      %gather3A_782 = arith.constant 0 : i32
      %gather3A_783 = arith.constant 0 : i32
      %gather3A_784 = tpu.memref_slice %arg8[%gather3A_781, %gather3A_782, %gather3A_783] : memref<8x32x128xf32, #tpu.memory_space<vmem>> -> memref<1x32x128xf32, #tpu.memory_space<vmem>>
      %gather3A_785 = tpu.memref_squeeze %gather3A_784 : memref<1x32x128xf32, #tpu.memory_space<vmem>> -> memref<32x128xf32, #tpu.memory_space<vmem>>
      %gather3A_786 = tpu.vector_load_idx %gather3A_785[%iota3A, %broadcast_in_dim3A_780] : memref<32x128xf32, #tpu.memory_space<vmem>>[vector<16xi32>, vector<16xi32>], vector<16xf32>,
      %add3A_787 = arith.constant 16 : i32
      %add3A_788 = vector.broadcast %add3A_787 : i32 to vector<16xi32>
      %add3A_789 = arith.addi %iota3A, %add3A_788 : vector<16xi32>
      %gather3A_790 = arith.constant 1 : i32
      %gather3A_791 = arith.constant 0 : i32
      %gather3A_792 = arith.constant 0 : i32
      %gather3A_793 = tpu.memref_slice %arg8[%gather3A_790, %gather3A_791, %gather3A_792] : memref<8x32x128xf32, #tpu.memory_space<vmem>> -> memref<1x32x128xf32, #tpu.memory_space<vmem>>
      %gather3A_794 = tpu.memref_squeeze %gather3A_793 : memref<1x32x128xf32, #tpu.memory_space<vmem>> -> memref<32x128xf32, #tpu.memory_space<vmem>>
      %gather3A_795 = tpu.vector_load_idx %gather3A_794[%add3A_789, %broadcast_in_dim3A_780] : memref<32x128xf32, #tpu.memory_space<vmem>>[vector<16xi32>, vector<16xi32>], vector<16xf32>,
      %mul3A_796 = arith.constant 16 : i32
      %mul3A_797 = arith.muli %scan3A_22, %mul3A_796 : i32
      %add3A_798 = arith.constant 9 : i32
      %add3A_799 = arith.addi %mul3A_797, %add3A_798 : i32
      %broadcast_in_dim3A_800 = vector.broadcast %add3A_799 : i32 to vector<16xi32>
      tpu.vector_store_idx %arg9[%iota3A, %broadcast_in_dim3A_800], %gather3A_786 : memref<32x512xf32, #tpu.memory_space<vmem>>[vector<16xi32>, vector<16xi32>], vector<16xf32>,
      %add3A_801 = arith.constant 16 : i32
      %add3A_802 = vector.broadcast %add3A_801 : i32 to vector<16xi32>
      %add3A_803 = arith.addi %iota3A, %add3A_802 : vector<16xi32>
      tpu.vector_store_idx %arg9[%add3A_803, %broadcast_in_dim3A_800], %gather3A_795 : memref<32x512xf32, #tpu.memory_space<vmem>>[vector<16xi32>, vector<16xi32>], vector<16xf32>,
      %slice3A_804 = vector.extract_strided_slice %mul3A_51 {offsets = [10], sizes = [1], strides = [1]} : vector<16xi32> to vector<1xi32>
      %squeeze3A_805 = vector.extract %slice3A_804[0] : i32 from vector<1xi32>
      %multiple_of3A_806 = tpu.assume_multiple %squeeze3A_805, 128 : i32
      %dma_wait3A_807 = arith.constant 2 : i32
      %dma_wait3A_808 = arith.constant 2 : i32
      %dma_wait3A_809 = arith.constant 0 : i32
      %dma_wait3A_810 = arith.constant 0 : i32
      %dma_wait3A_811 = tpu.memref_slice %arg8[%dma_wait3A_807, %dma_wait3A_809, %dma_wait3A_810] : memref<8x32x128xf32, #tpu.memory_space<vmem>> -> memref<1x32x128xf32, #tpu.memory_space<vmem>>
      %dma_wait3A_812 = tpu.memref_squeeze %dma_wait3A_811 : memref<1x32x128xf32, #tpu.memory_space<vmem>> -> memref<32x128xf32, #tpu.memory_space<vmem>>
      %dma_wait3A_813 = arith.constant 0 : i32
      %dma_wait3A_814 = tpu.memref_slice %arg4[%dma_wait3A_813, %multiple_of3A_806] : memref<32x1000001xf32, #tpu.memory_space<hbm>> -> memref<32x128xf32, #tpu.memory_space<hbm>>
      %dma_wait3A_815 = tpu.memref_slice %arg13[%dma_wait3A_808] : memref<8x!tpu.dma_semaphore, #tpu.memory_space<semaphore_mem>> -> memref<1x!tpu.dma_semaphore, #tpu.memory_space<semaphore_mem>>
      %dma_wait3A_816 = tpu.memref_squeeze %dma_wait3A_815 : memref<1x!tpu.dma_semaphore, #tpu.memory_space<semaphore_mem>> -> memref<!tpu.dma_semaphore, #tpu.memory_space<semaphore_mem>>
      %dma_wait3A_817 = arith.constant 0 : i32
      %dma_wait3A_818 = arith.constant 0 : i32
      %dma_wait3A_819 = tpu.memref_slice %arg8[%dma_wait3A_807, %dma_wait3A_817, %dma_wait3A_818] : memref<8x32x128xf32, #tpu.memory_space<vmem>> -> memref<1x32x128xf32, #tpu.memory_space<vmem>>
      %dma_wait3A_820 = tpu.memref_squeeze %dma_wait3A_819 : memref<1x32x128xf32, #tpu.memory_space<vmem>> -> memref<32x128xf32, #tpu.memory_space<vmem>>
      %dma_wait3A_821 = arith.constant 0 : i32
      %dma_wait3A_822 = tpu.memref_slice %arg4[%dma_wait3A_821, %multiple_of3A_806] : memref<32x1000001xf32, #tpu.memory_space<hbm>> -> memref<32x128xf32, #tpu.memory_space<hbm>>
      tpu.wait_dma2 semaphore(%dma_wait3A_816 : memref<!tpu.dma_semaphore, #tpu.memory_space<semaphore_mem>>) src(%dma_wait3A_822 : memref<32x128xf32, #tpu.memory_space<hbm>>) dst(%dma_wait3A_820 : memref<32x128xf32, #tpu.memory_space<vmem>>)
      %slice3A_823 = vector.extract_strided_slice %rem3A_54 {offsets = [10], sizes = [1], strides = [1]} : vector<16xi32> to vector<1xi32>
      %squeeze3A_824 = vector.extract %slice3A_823[0] : i32 from vector<1xi32>
      %broadcast_in_dim3A_825 = vector.broadcast %squeeze3A_824 : i32 to vector<16xi32>
      %gather3A_826 = arith.constant 2 : i32
      %gather3A_827 = arith.constant 0 : i32
      %gather3A_828 = arith.constant 0 : i32
      %gather3A_829 = tpu.memref_slice %arg8[%gather3A_826, %gather3A_827, %gather3A_828] : memref<8x32x128xf32, #tpu.memory_space<vmem>> -> memref<1x32x128xf32, #tpu.memory_space<vmem>>
      %gather3A_830 = tpu.memref_squeeze %gather3A_829 : memref<1x32x128xf32, #tpu.memory_space<vmem>> -> memref<32x128xf32, #tpu.memory_space<vmem>>
      %gather3A_831 = tpu.vector_load_idx %gather3A_830[%iota3A, %broadcast_in_dim3A_825] : memref<32x128xf32, #tpu.memory_space<vmem>>[vector<16xi32>, vector<16xi32>], vector<16xf32>,
      %add3A_832 = arith.constant 16 : i32
      %add3A_833 = vector.broadcast %add3A_832 : i32 to vector<16xi32>
      %add3A_834 = arith.addi %iota3A, %add3A_833 : vector<16xi32>
      %gather3A_835 = arith.constant 2 : i32
      %gather3A_836 = arith.constant 0 : i32
      %gather3A_837 = arith.constant 0 : i32
      %gather3A_838 = tpu.memref_slice %arg8[%gather3A_835, %gather3A_836, %gather3A_837] : memref<8x32x128xf32, #tpu.memory_space<vmem>> -> memref<1x32x128xf32, #tpu.memory_space<vmem>>
      %gather3A_839 = tpu.memref_squeeze %gather3A_838 : memref<1x32x128xf32, #tpu.memory_space<vmem>> -> memref<32x128xf32, #tpu.memory_space<vmem>>
      %gather3A_840 = tpu.vector_load_idx %gather3A_839[%add3A_834, %broadcast_in_dim3A_825] : memref<32x128xf32, #tpu.memory_space<vmem>>[vector<16xi32>, vector<16xi32>], vector<16xf32>,
      %mul3A_841 = arith.constant 16 : i32
      %mul3A_842 = arith.muli %scan3A_22, %mul3A_841 : i32
      %add3A_843 = arith.constant 10 : i32
      %add3A_844 = arith.addi %mul3A_842, %add3A_843 : i32
      %broadcast_in_dim3A_845 = vector.broadcast %add3A_844 : i32 to vector<16xi32>
      tpu.vector_store_idx %arg9[%iota3A, %broadcast_in_dim3A_845], %gather3A_831 : memref<32x512xf32, #tpu.memory_space<vmem>>[vector<16xi32>, vector<16xi32>], vector<16xf32>,
      %add3A_846 = arith.constant 16 : i32
      %add3A_847 = vector.broadcast %add3A_846 : i32 to vector<16xi32>
      %add3A_848 = arith.addi %iota3A, %add3A_847 : vector<16xi32>
      tpu.vector_store_idx %arg9[%add3A_848, %broadcast_in_dim3A_845], %gather3A_840 : memref<32x512xf32, #tpu.memory_space<vmem>>[vector<16xi32>, vector<16xi32>], vector<16xf32>,
      %slice3A_849 = vector.extract_strided_slice %mul3A_51 {offsets = [11], sizes = [1], strides = [1]} : vector<16xi32> to vector<1xi32>
      %squeeze3A_850 = vector.extract %slice3A_849[0] : i32 from vector<1xi32>
      %multiple_of3A_851 = tpu.assume_multiple %squeeze3A_850, 128 : i32
      %dma_wait3A_852 = arith.constant 3 : i32
      %dma_wait3A_853 = arith.constant 3 : i32
      %dma_wait3A_854 = arith.constant 0 : i32
      %dma_wait3A_855 = arith.constant 0 : i32
      %dma_wait3A_856 = tpu.memref_slice %arg8[%dma_wait3A_852, %dma_wait3A_854, %dma_wait3A_855] : memref<8x32x128xf32, #tpu.memory_space<vmem>> -> memref<1x32x128xf32, #tpu.memory_space<vmem>>
      %dma_wait3A_857 = tpu.memref_squeeze %dma_wait3A_856 : memref<1x32x128xf32, #tpu.memory_space<vmem>> -> memref<32x128xf32, #tpu.memory_space<vmem>>
      %dma_wait3A_858 = arith.constant 0 : i32
      %dma_wait3A_859 = tpu.memref_slice %arg4[%dma_wait3A_858, %multiple_of3A_851] : memref<32x1000001xf32, #tpu.memory_space<hbm>> -> memref<32x128xf32, #tpu.memory_space<hbm>>
      %dma_wait3A_860 = tpu.memref_slice %arg13[%dma_wait3A_853] : memref<8x!tpu.dma_semaphore, #tpu.memory_space<semaphore_mem>> -> memref<1x!tpu.dma_semaphore, #tpu.memory_space<semaphore_mem>>
      %dma_wait3A_861 = tpu.memref_squeeze %dma_wait3A_860 : memref<1x!tpu.dma_semaphore, #tpu.memory_space<semaphore_mem>> -> memref<!tpu.dma_semaphore, #tpu.memory_space<semaphore_mem>>
      %dma_wait3A_862 = arith.constant 0 : i32
      %dma_wait3A_863 = arith.constant 0 : i32
      %dma_wait3A_864 = tpu.memref_slice %arg8[%dma_wait3A_852, %dma_wait3A_862, %dma_wait3A_863] : memref<8x32x128xf32, #tpu.memory_space<vmem>> -> memref<1x32x128xf32, #tpu.memory_space<vmem>>
      %dma_wait3A_865 = tpu.memref_squeeze %dma_wait3A_864 : memref<1x32x128xf32, #tpu.memory_space<vmem>> -> memref<32x128xf32, #tpu.memory_space<vmem>>
      %dma_wait3A_866 = arith.constant 0 : i32
      %dma_wait3A_867 = tpu.memref_slice %arg4[%dma_wait3A_866, %multiple_of3A_851] : memref<32x1000001xf32, #tpu.memory_space<hbm>> -> memref<32x128xf32, #tpu.memory_space<hbm>>
      tpu.wait_dma2 semaphore(%dma_wait3A_861 : memref<!tpu.dma_semaphore, #tpu.memory_space<semaphore_mem>>) src(%dma_wait3A_867 : memref<32x128xf32, #tpu.memory_space<hbm>>) dst(%dma_wait3A_865 : memref<32x128xf32, #tpu.memory_space<vmem>>)
      %slice3A_868 = vector.extract_strided_slice %rem3A_54 {offsets = [11], sizes = [1], strides = [1]} : vector<16xi32> to vector<1xi32>
      %squeeze3A_869 = vector.extract %slice3A_868[0] : i32 from vector<1xi32>
      %broadcast_in_dim3A_870 = vector.broadcast %squeeze3A_869 : i32 to vector<16xi32>
      %gather3A_871 = arith.constant 3 : i32
      %gather3A_872 = arith.constant 0 : i32
      %gather3A_873 = arith.constant 0 : i32
      %gather3A_874 = tpu.memref_slice %arg8[%gather3A_871, %gather3A_872, %gather3A_873] : memref<8x32x128xf32, #tpu.memory_space<vmem>> -> memref<1x32x128xf32, #tpu.memory_space<vmem>>
      %gather3A_875 = tpu.memref_squeeze %gather3A_874 : memref<1x32x128xf32, #tpu.memory_space<vmem>> -> memref<32x128xf32, #tpu.memory_space<vmem>>
      %gather3A_876 = tpu.vector_load_idx %gather3A_875[%iota3A, %broadcast_in_dim3A_870] : memref<32x128xf32, #tpu.memory_space<vmem>>[vector<16xi32>, vector<16xi32>], vector<16xf32>,
      %add3A_877 = arith.constant 16 : i32
      %add3A_878 = vector.broadcast %add3A_877 : i32 to vector<16xi32>
      %add3A_879 = arith.addi %iota3A, %add3A_878 : vector<16xi32>
      %gather3A_880 = arith.constant 3 : i32
      %gather3A_881 = arith.constant 0 : i32
      %gather3A_882 = arith.constant 0 : i32
      %gather3A_883 = tpu.memref_slice %arg8[%gather3A_880, %gather3A_881, %gather3A_882] : memref<8x32x128xf32, #tpu.memory_space<vmem>> -> memref<1x32x128xf32, #tpu.memory_space<vmem>>
      %gather3A_884 = tpu.memref_squeeze %gather3A_883 : memref<1x32x128xf32, #tpu.memory_space<vmem>> -> memref<32x128xf32, #tpu.memory_space<vmem>>
      %gather3A_885 = tpu.vector_load_idx %gather3A_884[%add3A_879, %broadcast_in_dim3A_870] : memref<32x128xf32, #tpu.memory_space<vmem>>[vector<16xi32>, vector<16xi32>], vector<16xf32>,
      %mul3A_886 = arith.constant 16 : i32
      %mul3A_887 = arith.muli %scan3A_22, %mul3A_886 : i32
      %add3A_888 = arith.constant 11 : i32
      %add3A_889 = arith.addi %mul3A_887, %add3A_888 : i32
      %broadcast_in_dim3A_890 = vector.broadcast %add3A_889 : i32 to vector<16xi32>
      tpu.vector_store_idx %arg9[%iota3A, %broadcast_in_dim3A_890], %gather3A_876 : memref<32x512xf32, #tpu.memory_space<vmem>>[vector<16xi32>, vector<16xi32>], vector<16xf32>,
      %add3A_891 = arith.constant 16 : i32
      %add3A_892 = vector.broadcast %add3A_891 : i32 to vector<16xi32>
      %add3A_893 = arith.addi %iota3A, %add3A_892 : vector<16xi32>
      tpu.vector_store_idx %arg9[%add3A_893, %broadcast_in_dim3A_890], %gather3A_885 : memref<32x512xf32, #tpu.memory_space<vmem>>[vector<16xi32>, vector<16xi32>], vector<16xf32>,
      %slice3A_894 = vector.extract_strided_slice %mul3A_51 {offsets = [12], sizes = [1], strides = [1]} : vector<16xi32> to vector<1xi32>
      %squeeze3A_895 = vector.extract %slice3A_894[0] : i32 from vector<1xi32>
      %multiple_of3A_896 = tpu.assume_multiple %squeeze3A_895, 128 : i32
      %dma_wait3A_897 = arith.constant 4 : i32
      %dma_wait3A_898 = arith.constant 4 : i32
      %dma_wait3A_899 = arith.constant 0 : i32
      %dma_wait3A_900 = arith.constant 0 : i32
      %dma_wait3A_901 = tpu.memref_slice %arg8[%dma_wait3A_897, %dma_wait3A_899, %dma_wait3A_900] : memref<8x32x128xf32, #tpu.memory_space<vmem>> -> memref<1x32x128xf32, #tpu.memory_space<vmem>>
      %dma_wait3A_902 = tpu.memref_squeeze %dma_wait3A_901 : memref<1x32x128xf32, #tpu.memory_space<vmem>> -> memref<32x128xf32, #tpu.memory_space<vmem>>
      %dma_wait3A_903 = arith.constant 0 : i32
      %dma_wait3A_904 = tpu.memref_slice %arg4[%dma_wait3A_903, %multiple_of3A_896] : memref<32x1000001xf32, #tpu.memory_space<hbm>> -> memref<32x128xf32, #tpu.memory_space<hbm>>
      %dma_wait3A_905 = tpu.memref_slice %arg13[%dma_wait3A_898] : memref<8x!tpu.dma_semaphore, #tpu.memory_space<semaphore_mem>> -> memref<1x!tpu.dma_semaphore, #tpu.memory_space<semaphore_mem>>
      %dma_wait3A_906 = tpu.memref_squeeze %dma_wait3A_905 : memref<1x!tpu.dma_semaphore, #tpu.memory_space<semaphore_mem>> -> memref<!tpu.dma_semaphore, #tpu.memory_space<semaphore_mem>>
      %dma_wait3A_907 = arith.constant 0 : i32
      %dma_wait3A_908 = arith.constant 0 : i32
      %dma_wait3A_909 = tpu.memref_slice %arg8[%dma_wait3A_897, %dma_wait3A_907, %dma_wait3A_908] : memref<8x32x128xf32, #tpu.memory_space<vmem>> -> memref<1x32x128xf32, #tpu.memory_space<vmem>>
      %dma_wait3A_910 = tpu.memref_squeeze %dma_wait3A_909 : memref<1x32x128xf32, #tpu.memory_space<vmem>> -> memref<32x128xf32, #tpu.memory_space<vmem>>
      %dma_wait3A_911 = arith.constant 0 : i32
      %dma_wait3A_912 = tpu.memref_slice %arg4[%dma_wait3A_911, %multiple_of3A_896] : memref<32x1000001xf32, #tpu.memory_space<hbm>> -> memref<32x128xf32, #tpu.memory_space<hbm>>
      tpu.wait_dma2 semaphore(%dma_wait3A_906 : memref<!tpu.dma_semaphore, #tpu.memory_space<semaphore_mem>>) src(%dma_wait3A_912 : memref<32x128xf32, #tpu.memory_space<hbm>>) dst(%dma_wait3A_910 : memref<32x128xf32, #tpu.memory_space<vmem>>)
      %slice3A_913 = vector.extract_strided_slice %rem3A_54 {offsets = [12], sizes = [1], strides = [1]} : vector<16xi32> to vector<1xi32>
      %squeeze3A_914 = vector.extract %slice3A_913[0] : i32 from vector<1xi32>
      %broadcast_in_dim3A_915 = vector.broadcast %squeeze3A_914 : i32 to vector<16xi32>
      %gather3A_916 = arith.constant 4 : i32
      %gather3A_917 = arith.constant 0 : i32
      %gather3A_918 = arith.constant 0 : i32
      %gather3A_919 = tpu.memref_slice %arg8[%gather3A_916, %gather3A_917, %gather3A_918] : memref<8x32x128xf32, #tpu.memory_space<vmem>> -> memref<1x32x128xf32, #tpu.memory_space<vmem>>
      %gather3A_920 = tpu.memref_squeeze %gather3A_919 : memref<1x32x128xf32, #tpu.memory_space<vmem>> -> memref<32x128xf32, #tpu.memory_space<vmem>>
      %gather3A_921 = tpu.vector_load_idx %gather3A_920[%iota3A, %broadcast_in_dim3A_915] : memref<32x128xf32, #tpu.memory_space<vmem>>[vector<16xi32>, vector<16xi32>], vector<16xf32>,
      %add3A_922 = arith.constant 16 : i32
      %add3A_923 = vector.broadcast %add3A_922 : i32 to vector<16xi32>
      %add3A_924 = arith.addi %iota3A, %add3A_923 : vector<16xi32>
      %gather3A_925 = arith.constant 4 : i32
      %gather3A_926 = arith.constant 0 : i32
      %gather3A_927 = arith.constant 0 : i32
      %gather3A_928 = tpu.memref_slice %arg8[%gather3A_925, %gather3A_926, %gather3A_927] : memref<8x32x128xf32, #tpu.memory_space<vmem>> -> memref<1x32x128xf32, #tpu.memory_space<vmem>>
      %gather3A_929 = tpu.memref_squeeze %gather3A_928 : memref<1x32x128xf32, #tpu.memory_space<vmem>> -> memref<32x128xf32, #tpu.memory_space<vmem>>
      %gather3A_930 = tpu.vector_load_idx %gather3A_929[%add3A_924, %broadcast_in_dim3A_915] : memref<32x128xf32, #tpu.memory_space<vmem>>[vector<16xi32>, vector<16xi32>], vector<16xf32>,
      %mul3A_931 = arith.constant 16 : i32
      %mul3A_932 = arith.muli %scan3A_22, %mul3A_931 : i32
      %add3A_933 = arith.constant 12 : i32
      %add3A_934 = arith.addi %mul3A_932, %add3A_933 : i32
      %broadcast_in_dim3A_935 = vector.broadcast %add3A_934 : i32 to vector<16xi32>
      tpu.vector_store_idx %arg9[%iota3A, %broadcast_in_dim3A_935], %gather3A_921 : memref<32x512xf32, #tpu.memory_space<vmem>>[vector<16xi32>, vector<16xi32>], vector<16xf32>,
      %add3A_936 = arith.constant 16 : i32
      %add3A_937 = vector.broadcast %add3A_936 : i32 to vector<16xi32>
      %add3A_938 = arith.addi %iota3A, %add3A_937 : vector<16xi32>
      tpu.vector_store_idx %arg9[%add3A_938, %broadcast_in_dim3A_935], %gather3A_930 : memref<32x512xf32, #tpu.memory_space<vmem>>[vector<16xi32>, vector<16xi32>], vector<16xf32>,
      %slice3A_939 = vector.extract_strided_slice %mul3A_51 {offsets = [13], sizes = [1], strides = [1]} : vector<16xi32> to vector<1xi32>
      %squeeze3A_940 = vector.extract %slice3A_939[0] : i32 from vector<1xi32>
      %multiple_of3A_941 = tpu.assume_multiple %squeeze3A_940, 128 : i32
      %dma_wait3A_942 = arith.constant 5 : i32
      %dma_wait3A_943 = arith.constant 5 : i32
      %dma_wait3A_944 = arith.constant 0 : i32
      %dma_wait3A_945 = arith.constant 0 : i32
      %dma_wait3A_946 = tpu.memref_slice %arg8[%dma_wait3A_942, %dma_wait3A_944, %dma_wait3A_945] : memref<8x32x128xf32, #tpu.memory_space<vmem>> -> memref<1x32x128xf32, #tpu.memory_space<vmem>>
      %dma_wait3A_947 = tpu.memref_squeeze %dma_wait3A_946 : memref<1x32x128xf32, #tpu.memory_space<vmem>> -> memref<32x128xf32, #tpu.memory_space<vmem>>
      %dma_wait3A_948 = arith.constant 0 : i32
      %dma_wait3A_949 = tpu.memref_slice %arg4[%dma_wait3A_948, %multiple_of3A_941] : memref<32x1000001xf32, #tpu.memory_space<hbm>> -> memref<32x128xf32, #tpu.memory_space<hbm>>
      %dma_wait3A_950 = tpu.memref_slice %arg13[%dma_wait3A_943] : memref<8x!tpu.dma_semaphore, #tpu.memory_space<semaphore_mem>> -> memref<1x!tpu.dma_semaphore, #tpu.memory_space<semaphore_mem>>
      %dma_wait3A_951 = tpu.memref_squeeze %dma_wait3A_950 : memref<1x!tpu.dma_semaphore, #tpu.memory_space<semaphore_mem>> -> memref<!tpu.dma_semaphore, #tpu.memory_space<semaphore_mem>>
      %dma_wait3A_952 = arith.constant 0 : i32
      %dma_wait3A_953 = arith.constant 0 : i32
      %dma_wait3A_954 = tpu.memref_slice %arg8[%dma_wait3A_942, %dma_wait3A_952, %dma_wait3A_953] : memref<8x32x128xf32, #tpu.memory_space<vmem>> -> memref<1x32x128xf32, #tpu.memory_space<vmem>>
      %dma_wait3A_955 = tpu.memref_squeeze %dma_wait3A_954 : memref<1x32x128xf32, #tpu.memory_space<vmem>> -> memref<32x128xf32, #tpu.memory_space<vmem>>
      %dma_wait3A_956 = arith.constant 0 : i32
      %dma_wait3A_957 = tpu.memref_slice %arg4[%dma_wait3A_956, %multiple_of3A_941] : memref<32x1000001xf32, #tpu.memory_space<hbm>> -> memref<32x128xf32, #tpu.memory_space<hbm>>
      tpu.wait_dma2 semaphore(%dma_wait3A_951 : memref<!tpu.dma_semaphore, #tpu.memory_space<semaphore_mem>>) src(%dma_wait3A_957 : memref<32x128xf32, #tpu.memory_space<hbm>>) dst(%dma_wait3A_955 : memref<32x128xf32, #tpu.memory_space<vmem>>)
      %slice3A_958 = vector.extract_strided_slice %rem3A_54 {offsets = [13], sizes = [1], strides = [1]} : vector<16xi32> to vector<1xi32>
      %squeeze3A_959 = vector.extract %slice3A_958[0] : i32 from vector<1xi32>
      %broadcast_in_dim3A_960 = vector.broadcast %squeeze3A_959 : i32 to vector<16xi32>
      %gather3A_961 = arith.constant 5 : i32
      %gather3A_962 = arith.constant 0 : i32
      %gather3A_963 = arith.constant 0 : i32
      %gather3A_964 = tpu.memref_slice %arg8[%gather3A_961, %gather3A_962, %gather3A_963] : memref<8x32x128xf32, #tpu.memory_space<vmem>> -> memref<1x32x128xf32, #tpu.memory_space<vmem>>
      %gather3A_965 = tpu.memref_squeeze %gather3A_964 : memref<1x32x128xf32, #tpu.memory_space<vmem>> -> memref<32x128xf32, #tpu.memory_space<vmem>>
      %gather3A_966 = tpu.vector_load_idx %gather3A_965[%iota3A, %broadcast_in_dim3A_960] : memref<32x128xf32, #tpu.memory_space<vmem>>[vector<16xi32>, vector<16xi32>], vector<16xf32>,
      %add3A_967 = arith.constant 16 : i32
      %add3A_968 = vector.broadcast %add3A_967 : i32 to vector<16xi32>
      %add3A_969 = arith.addi %iota3A, %add3A_968 : vector<16xi32>
      %gather3A_970 = arith.constant 5 : i32
      %gather3A_971 = arith.constant 0 : i32
      %gather3A_972 = arith.constant 0 : i32
      %gather3A_973 = tpu.memref_slice %arg8[%gather3A_970, %gather3A_971, %gather3A_972] : memref<8x32x128xf32, #tpu.memory_space<vmem>> -> memref<1x32x128xf32, #tpu.memory_space<vmem>>
      %gather3A_974 = tpu.memref_squeeze %gather3A_973 : memref<1x32x128xf32, #tpu.memory_space<vmem>> -> memref<32x128xf32, #tpu.memory_space<vmem>>
      %gather3A_975 = tpu.vector_load_idx %gather3A_974[%add3A_969, %broadcast_in_dim3A_960] : memref<32x128xf32, #tpu.memory_space<vmem>>[vector<16xi32>, vector<16xi32>], vector<16xf32>,
      %mul3A_976 = arith.constant 16 : i32
      %mul3A_977 = arith.muli %scan3A_22, %mul3A_976 : i32
      %add3A_978 = arith.constant 13 : i32
      %add3A_979 = arith.addi %mul3A_977, %add3A_978 : i32
      %broadcast_in_dim3A_980 = vector.broadcast %add3A_979 : i32 to vector<16xi32>
      tpu.vector_store_idx %arg9[%iota3A, %broadcast_in_dim3A_980], %gather3A_966 : memref<32x512xf32, #tpu.memory_space<vmem>>[vector<16xi32>, vector<16xi32>], vector<16xf32>,
      %add3A_981 = arith.constant 16 : i32
      %add3A_982 = vector.broadcast %add3A_981 : i32 to vector<16xi32>
      %add3A_983 = arith.addi %iota3A, %add3A_982 : vector<16xi32>
      tpu.vector_store_idx %arg9[%add3A_983, %broadcast_in_dim3A_980], %gather3A_975 : memref<32x512xf32, #tpu.memory_space<vmem>>[vector<16xi32>, vector<16xi32>], vector<16xf32>,
      %slice3A_984 = vector.extract_strided_slice %mul3A_51 {offsets = [14], sizes = [1], strides = [1]} : vector<16xi32> to vector<1xi32>
      %squeeze3A_985 = vector.extract %slice3A_984[0] : i32 from vector<1xi32>
      %multiple_of3A_986 = tpu.assume_multiple %squeeze3A_985, 128 : i32
      %dma_wait3A_987 = arith.constant 6 : i32
      %dma_wait3A_988 = arith.constant 6 : i32
      %dma_wait3A_989 = arith.constant 0 : i32
      %dma_wait3A_990 = arith.constant 0 : i32
      %dma_wait3A_991 = tpu.memref_slice %arg8[%dma_wait3A_987, %dma_wait3A_989, %dma_wait3A_990] : memref<8x32x128xf32, #tpu.memory_space<vmem>> -> memref<1x32x128xf32, #tpu.memory_space<vmem>>
      %dma_wait3A_992 = tpu.memref_squeeze %dma_wait3A_991 : memref<1x32x128xf32, #tpu.memory_space<vmem>> -> memref<32x128xf32, #tpu.memory_space<vmem>>
      %dma_wait3A_993 = arith.constant 0 : i32
      %dma_wait3A_994 = tpu.memref_slice %arg4[%dma_wait3A_993, %multiple_of3A_986] : memref<32x1000001xf32, #tpu.memory_space<hbm>> -> memref<32x128xf32, #tpu.memory_space<hbm>>
      %dma_wait3A_995 = tpu.memref_slice %arg13[%dma_wait3A_988] : memref<8x!tpu.dma_semaphore, #tpu.memory_space<semaphore_mem>> -> memref<1x!tpu.dma_semaphore, #tpu.memory_space<semaphore_mem>>
      %dma_wait3A_996 = tpu.memref_squeeze %dma_wait3A_995 : memref<1x!tpu.dma_semaphore, #tpu.memory_space<semaphore_mem>> -> memref<!tpu.dma_semaphore, #tpu.memory_space<semaphore_mem>>
      %dma_wait3A_997 = arith.constant 0 : i32
      %dma_wait3A_998 = arith.constant 0 : i32
      %dma_wait3A_999 = tpu.memref_slice %arg8[%dma_wait3A_987, %dma_wait3A_997, %dma_wait3A_998] : memref<8x32x128xf32, #tpu.memory_space<vmem>> -> memref<1x32x128xf32, #tpu.memory_space<vmem>>
      %dma_wait3A_1000 = tpu.memref_squeeze %dma_wait3A_999 : memref<1x32x128xf32, #tpu.memory_space<vmem>> -> memref<32x128xf32, #tpu.memory_space<vmem>>
      %dma_wait3A_1001 = arith.constant 0 : i32
      %dma_wait3A_1002 = tpu.memref_slice %arg4[%dma_wait3A_1001, %multiple_of3A_986] : memref<32x1000001xf32, #tpu.memory_space<hbm>> -> memref<32x128xf32, #tpu.memory_space<hbm>>
      tpu.wait_dma2 semaphore(%dma_wait3A_996 : memref<!tpu.dma_semaphore, #tpu.memory_space<semaphore_mem>>) src(%dma_wait3A_1002 : memref<32x128xf32, #tpu.memory_space<hbm>>) dst(%dma_wait3A_1000 : memref<32x128xf32, #tpu.memory_space<vmem>>)
      %slice3A_1003 = vector.extract_strided_slice %rem3A_54 {offsets = [14], sizes = [1], strides = [1]} : vector<16xi32> to vector<1xi32>
      %squeeze3A_1004 = vector.extract %slice3A_1003[0] : i32 from vector<1xi32>
      %broadcast_in_dim3A_1005 = vector.broadcast %squeeze3A_1004 : i32 to vector<16xi32>
      %gather3A_1006 = arith.constant 6 : i32
      %gather3A_1007 = arith.constant 0 : i32
      %gather3A_1008 = arith.constant 0 : i32
      %gather3A_1009 = tpu.memref_slice %arg8[%gather3A_1006, %gather3A_1007, %gather3A_1008] : memref<8x32x128xf32, #tpu.memory_space<vmem>> -> memref<1x32x128xf32, #tpu.memory_space<vmem>>
      %gather3A_1010 = tpu.memref_squeeze %gather3A_1009 : memref<1x32x128xf32, #tpu.memory_space<vmem>> -> memref<32x128xf32, #tpu.memory_space<vmem>>
      %gather3A_1011 = tpu.vector_load_idx %gather3A_1010[%iota3A, %broadcast_in_dim3A_1005] : memref<32x128xf32, #tpu.memory_space<vmem>>[vector<16xi32>, vector<16xi32>], vector<16xf32>,
      %add3A_1012 = arith.constant 16 : i32
      %add3A_1013 = vector.broadcast %add3A_1012 : i32 to vector<16xi32>
      %add3A_1014 = arith.addi %iota3A, %add3A_1013 : vector<16xi32>
      %gather3A_1015 = arith.constant 6 : i32
      %gather3A_1016 = arith.constant 0 : i32
      %gather3A_1017 = arith.constant 0 : i32
      %gather3A_1018 = tpu.memref_slice %arg8[%gather3A_1015, %gather3A_1016, %gather3A_1017] : memref<8x32x128xf32, #tpu.memory_space<vmem>> -> memref<1x32x128xf32, #tpu.memory_space<vmem>>
      %gather3A_1019 = tpu.memref_squeeze %gather3A_1018 : memref<1x32x128xf32, #tpu.memory_space<vmem>> -> memref<32x128xf32, #tpu.memory_space<vmem>>
      %gather3A_1020 = tpu.vector_load_idx %gather3A_1019[%add3A_1014, %broadcast_in_dim3A_1005] : memref<32x128xf32, #tpu.memory_space<vmem>>[vector<16xi32>, vector<16xi32>], vector<16xf32>,
      %mul3A_1021 = arith.constant 16 : i32
      %mul3A_1022 = arith.muli %scan3A_22, %mul3A_1021 : i32
      %add3A_1023 = arith.constant 14 : i32
      %add3A_1024 = arith.addi %mul3A_1022, %add3A_1023 : i32
      %broadcast_in_dim3A_1025 = vector.broadcast %add3A_1024 : i32 to vector<16xi32>
      tpu.vector_store_idx %arg9[%iota3A, %broadcast_in_dim3A_1025], %gather3A_1011 : memref<32x512xf32, #tpu.memory_space<vmem>>[vector<16xi32>, vector<16xi32>], vector<16xf32>,
      %add3A_1026 = arith.constant 16 : i32
      %add3A_1027 = vector.broadcast %add3A_1026 : i32 to vector<16xi32>
      %add3A_1028 = arith.addi %iota3A, %add3A_1027 : vector<16xi32>
      tpu.vector_store_idx %arg9[%add3A_1028, %broadcast_in_dim3A_1025], %gather3A_1020 : memref<32x512xf32, #tpu.memory_space<vmem>>[vector<16xi32>, vector<16xi32>], vector<16xf32>,
      %slice3A_1029 = vector.extract_strided_slice %mul3A_51 {offsets = [15], sizes = [1], strides = [1]} : vector<16xi32> to vector<1xi32>
      %squeeze3A_1030 = vector.extract %slice3A_1029[0] : i32 from vector<1xi32>
      %multiple_of3A_1031 = tpu.assume_multiple %squeeze3A_1030, 128 : i32
      %dma_wait3A_1032 = arith.constant 7 : i32
      %dma_wait3A_1033 = arith.constant 7 : i32
      %dma_wait3A_1034 = arith.constant 0 : i32
      %dma_wait3A_1035 = arith.constant 0 : i32
      %dma_wait3A_1036 = tpu.memref_slice %arg8[%dma_wait3A_1032, %dma_wait3A_1034, %dma_wait3A_1035] : memref<8x32x128xf32, #tpu.memory_space<vmem>> -> memref<1x32x128xf32, #tpu.memory_space<vmem>>
      %dma_wait3A_1037 = tpu.memref_squeeze %dma_wait3A_1036 : memref<1x32x128xf32, #tpu.memory_space<vmem>> -> memref<32x128xf32, #tpu.memory_space<vmem>>
      %dma_wait3A_1038 = arith.constant 0 : i32
      %dma_wait3A_1039 = tpu.memref_slice %arg4[%dma_wait3A_1038, %multiple_of3A_1031] : memref<32x1000001xf32, #tpu.memory_space<hbm>> -> memref<32x128xf32, #tpu.memory_space<hbm>>
      %dma_wait3A_1040 = tpu.memref_slice %arg13[%dma_wait3A_1033] : memref<8x!tpu.dma_semaphore, #tpu.memory_space<semaphore_mem>> -> memref<1x!tpu.dma_semaphore, #tpu.memory_space<semaphore_mem>>
      %dma_wait3A_1041 = tpu.memref_squeeze %dma_wait3A_1040 : memref<1x!tpu.dma_semaphore, #tpu.memory_space<semaphore_mem>> -> memref<!tpu.dma_semaphore, #tpu.memory_space<semaphore_mem>>
      %dma_wait3A_1042 = arith.constant 0 : i32
      %dma_wait3A_1043 = arith.constant 0 : i32
      %dma_wait3A_1044 = tpu.memref_slice %arg8[%dma_wait3A_1032, %dma_wait3A_1042, %dma_wait3A_1043] : memref<8x32x128xf32, #tpu.memory_space<vmem>> -> memref<1x32x128xf32, #tpu.memory_space<vmem>>
      %dma_wait3A_1045 = tpu.memref_squeeze %dma_wait3A_1044 : memref<1x32x128xf32, #tpu.memory_space<vmem>> -> memref<32x128xf32, #tpu.memory_space<vmem>>
      %dma_wait3A_1046 = arith.constant 0 : i32
      %dma_wait3A_1047 = tpu.memref_slice %arg4[%dma_wait3A_1046, %multiple_of3A_1031] : memref<32x1000001xf32, #tpu.memory_space<hbm>> -> memref<32x128xf32, #tpu.memory_space<hbm>>
      tpu.wait_dma2 semaphore(%dma_wait3A_1041 : memref<!tpu.dma_semaphore, #tpu.memory_space<semaphore_mem>>) src(%dma_wait3A_1047 : memref<32x128xf32, #tpu.memory_space<hbm>>) dst(%dma_wait3A_1045 : memref<32x128xf32, #tpu.memory_space<vmem>>)
      %slice3A_1048 = vector.extract_strided_slice %rem3A_54 {offsets = [15], sizes = [1], strides = [1]} : vector<16xi32> to vector<1xi32>
      %squeeze3A_1049 = vector.extract %slice3A_1048[0] : i32 from vector<1xi32>
      %broadcast_in_dim3A_1050 = vector.broadcast %squeeze3A_1049 : i32 to vector<16xi32>
      %gather3A_1051 = arith.constant 7 : i32
      %gather3A_1052 = arith.constant 0 : i32
      %gather3A_1053 = arith.constant 0 : i32
      %gather3A_1054 = tpu.memref_slice %arg8[%gather3A_1051, %gather3A_1052, %gather3A_1053] : memref<8x32x128xf32, #tpu.memory_space<vmem>> -> memref<1x32x128xf32, #tpu.memory_space<vmem>>
      %gather3A_1055 = tpu.memref_squeeze %gather3A_1054 : memref<1x32x128xf32, #tpu.memory_space<vmem>> -> memref<32x128xf32, #tpu.memory_space<vmem>>
      %gather3A_1056 = tpu.vector_load_idx %gather3A_1055[%iota3A, %broadcast_in_dim3A_1050] : memref<32x128xf32, #tpu.memory_space<vmem>>[vector<16xi32>, vector<16xi32>], vector<16xf32>,
      %add3A_1057 = arith.constant 16 : i32
      %add3A_1058 = vector.broadcast %add3A_1057 : i32 to vector<16xi32>
      %add3A_1059 = arith.addi %iota3A, %add3A_1058 : vector<16xi32>
      %gather3A_1060 = arith.constant 7 : i32
      %gather3A_1061 = arith.constant 0 : i32
      %gather3A_1062 = arith.constant 0 : i32
      %gather3A_1063 = tpu.memref_slice %arg8[%gather3A_1060, %gather3A_1061, %gather3A_1062] : memref<8x32x128xf32, #tpu.memory_space<vmem>> -> memref<1x32x128xf32, #tpu.memory_space<vmem>>
      %gather3A_1064 = tpu.memref_squeeze %gather3A_1063 : memref<1x32x128xf32, #tpu.memory_space<vmem>> -> memref<32x128xf32, #tpu.memory_space<vmem>>
      %gather3A_1065 = tpu.vector_load_idx %gather3A_1064[%add3A_1059, %broadcast_in_dim3A_1050] : memref<32x128xf32, #tpu.memory_space<vmem>>[vector<16xi32>, vector<16xi32>], vector<16xf32>,
      %mul3A_1066 = arith.constant 16 : i32
      %mul3A_1067 = arith.muli %scan3A_22, %mul3A_1066 : i32
      %add3A_1068 = arith.constant 15 : i32
      %add3A_1069 = arith.addi %mul3A_1067, %add3A_1068 : i32
      %broadcast_in_dim3A_1070 = vector.broadcast %add3A_1069 : i32 to vector<16xi32>
      tpu.vector_store_idx %arg9[%iota3A, %broadcast_in_dim3A_1070], %gather3A_1056 : memref<32x512xf32, #tpu.memory_space<vmem>>[vector<16xi32>, vector<16xi32>], vector<16xf32>,
      %add3A_1071 = arith.constant 16 : i32
      %add3A_1072 = vector.broadcast %add3A_1071 : i32 to vector<16xi32>
      %add3A_1073 = arith.addi %iota3A, %add3A_1072 : vector<16xi32>
      tpu.vector_store_idx %arg9[%add3A_1073, %broadcast_in_dim3A_1070], %gather3A_1065 : memref<32x512xf32, #tpu.memory_space<vmem>>[vector<16xi32>, vector<16xi32>], vector<16xf32>,
    }
    %scan3A_15 = arith.constant 32 : i32
    %scan3A_16 = arith.constant 0 : i32
    %scan3A_17 = arith.constant 0 : i32
    %scan3A_18 = arith.constant 32 : i32
    %scan3A_19 = arith.addi %scan3A_17, %scan3A_18 : i32
    %scan3A_20 = arith.constant 1 : i32
    scf.for %scan3A_22 = %scan3A_17 to %scan3A_19 step %scan3A_20  : i32 {
      %mul3A_23 = arith.constant 16 : i32
      %mul3A_24 = arith.muli %scan3A_22, %mul3A_23 : i32
      %add3A_25 = vector.broadcast %mul3A_24 : i32 to vector<16xi32>
      %add3A_26 = arith.addi %add3A_25, %iota3A : vector<16xi32>
      %broadcast_in_dim3A_27 = arith.constant 0 : i32
      %broadcast_in_dim3A_28 = vector.broadcast %broadcast_in_dim3A_27 : i32 to vector<16xi32>
      %gather3A = tpu.vector_load_idx %arg11[%broadcast_in_dim3A_28, %add3A_26] : memref<20x512xi32, #tpu.memory_space<vmem>>[vector<16xi32>, vector<16xi32>], vector<16xi32>,
      %broadcast_in_dim3A_29 = arith.constant 1 : i32
      %broadcast_in_dim3A_30 = vector.broadcast %broadcast_in_dim3A_29 : i32 to vector<16xi32>
      %gather3A_31 = tpu.vector_load_idx %arg11[%broadcast_in_dim3A_30, %add3A_26] : memref<20x512xi32, #tpu.memory_space<vmem>>[vector<16xi32>, vector<16xi32>], vector<16xi32>,
      %broadcast_in_dim3A_32 = arith.constant 2 : i32
      %broadcast_in_dim3A_33 = vector.broadcast %broadcast_in_dim3A_32 : i32 to vector<16xi32>
      %gather3A_34 = tpu.vector_load_idx %arg11[%broadcast_in_dim3A_33, %add3A_26] : memref<20x512xi32, #tpu.memory_space<vmem>>[vector<16xi32>, vector<16xi32>], vector<16xi32>,
      %broadcast_in_dim3A_35 = arith.constant 3 : i32
      %broadcast_in_dim3A_36 = vector.broadcast %broadcast_in_dim3A_35 : i32 to vector<16xi32>
      %gather3A_37 = tpu.vector_load_idx %arg11[%broadcast_in_dim3A_36, %add3A_26] : memref<20x512xi32, #tpu.memory_space<vmem>>[vector<16xi32>, vector<16xi32>], vector<16xi32>,
      %broadcast_in_dim3A_38 = arith.constant 4 : i32
      %broadcast_in_dim3A_39 = vector.broadcast %broadcast_in_dim3A_38 : i32 to vector<16xi32>
      %gather3A_40 = tpu.vector_load_idx %arg11[%broadcast_in_dim3A_39, %add3A_26] : memref<20x512xi32, #tpu.memory_space<vmem>>[vector<16xi32>, vector<16xi32>], vector<16xi32>,
      %broadcast_in_dim3A_41 = arith.constant 5 : i32
      %broadcast_in_dim3A_42 = vector.broadcast %broadcast_in_dim3A_41 : i32 to vector<16xi32>
      %gather3A_43 = tpu.vector_load_idx %arg11[%broadcast_in_dim3A_42, %add3A_26] : memref<20x512xi32, #tpu.memory_space<vmem>>[vector<16xi32>, vector<16xi32>], vector<16xi32>,
      %broadcast_in_dim3A_44 = arith.constant 6 : i32
      %broadcast_in_dim3A_45 = vector.broadcast %broadcast_in_dim3A_44 : i32 to vector<16xi32>
      %gather3A_46 = tpu.vector_load_idx %arg11[%broadcast_in_dim3A_45, %add3A_26] : memref<20x512xi32, #tpu.memory_space<vmem>>[vector<16xi32>, vector<16xi32>], vector<16xi32>,
      %broadcast_in_dim3A_47 = arith.constant 7 : i32
      %broadcast_in_dim3A_48 = vector.broadcast %broadcast_in_dim3A_47 : i32 to vector<16xi32>
      %gather3A_49 = tpu.vector_load_idx %arg11[%broadcast_in_dim3A_48, %add3A_26] : memref<20x512xi32, #tpu.memory_space<vmem>>[vector<16xi32>, vector<16xi32>], vector<16xi32>,
      %broadcast_in_dim3A_50 = arith.constant 8 : i32
      %broadcast_in_dim3A_51 = vector.broadcast %broadcast_in_dim3A_50 : i32 to vector<16xi32>
      %gather3A_52 = tpu.vector_load_idx %arg11[%broadcast_in_dim3A_51, %add3A_26] : memref<20x512xi32, #tpu.memory_space<vmem>>[vector<16xi32>, vector<16xi32>], vector<16xi32>,
      %broadcast_in_dim3A_53 = arith.constant 9 : i32
      %broadcast_in_dim3A_54 = vector.broadcast %broadcast_in_dim3A_53 : i32 to vector<16xi32>
      %gather3A_55 = tpu.vector_load_idx %arg11[%broadcast_in_dim3A_54, %add3A_26] : memref<20x512xi32, #tpu.memory_space<vmem>>[vector<16xi32>, vector<16xi32>], vector<16xi32>,
      %broadcast_in_dim3A_56 = arith.constant 10 : i32
      %broadcast_in_dim3A_57 = vector.broadcast %broadcast_in_dim3A_56 : i32 to vector<16xi32>
      %gather3A_58 = tpu.vector_load_idx %arg11[%broadcast_in_dim3A_57, %add3A_26] : memref<20x512xi32, #tpu.memory_space<vmem>>[vector<16xi32>, vector<16xi32>], vector<16xi32>,
      %broadcast_in_dim3A_59 = arith.constant 11 : i32
      %broadcast_in_dim3A_60 = vector.broadcast %broadcast_in_dim3A_59 : i32 to vector<16xi32>
      %gather3A_61 = tpu.vector_load_idx %arg11[%broadcast_in_dim3A_60, %add3A_26] : memref<20x512xi32, #tpu.memory_space<vmem>>[vector<16xi32>, vector<16xi32>], vector<16xi32>,
      %broadcast_in_dim3A_62 = arith.constant 12 : i32
      %broadcast_in_dim3A_63 = vector.broadcast %broadcast_in_dim3A_62 : i32 to vector<16xi32>
      %gather3A_64 = tpu.vector_load_idx %arg11[%broadcast_in_dim3A_63, %add3A_26] : memref<20x512xi32, #tpu.memory_space<vmem>>[vector<16xi32>, vector<16xi32>], vector<16xi32>,
      %broadcast_in_dim3A_65 = arith.constant 13 : i32
      %broadcast_in_dim3A_66 = vector.broadcast %broadcast_in_dim3A_65 : i32 to vector<16xi32>
      %gather3A_67 = tpu.vector_load_idx %arg11[%broadcast_in_dim3A_66, %add3A_26] : memref<20x512xi32, #tpu.memory_space<vmem>>[vector<16xi32>, vector<16xi32>], vector<16xi32>,
      %broadcast_in_dim3A_68 = arith.constant 14 : i32
      %broadcast_in_dim3A_69 = vector.broadcast %broadcast_in_dim3A_68 : i32 to vector<16xi32>
      %gather3A_70 = tpu.vector_load_idx %arg11[%broadcast_in_dim3A_69, %add3A_26] : memref<20x512xi32, #tpu.memory_space<vmem>>[vector<16xi32>, vector<16xi32>], vector<16xi32>,
      %broadcast_in_dim3A_71 = arith.constant 15 : i32
      %broadcast_in_dim3A_72 = vector.broadcast %broadcast_in_dim3A_71 : i32 to vector<16xi32>
      %gather3A_73 = tpu.vector_load_idx %arg11[%broadcast_in_dim3A_72, %add3A_26] : memref<20x512xi32, #tpu.memory_space<vmem>>[vector<16xi32>, vector<16xi32>], vector<16xi32>,
      %broadcast_in_dim3A_74 = arith.constant 16 : i32
      %broadcast_in_dim3A_75 = vector.broadcast %broadcast_in_dim3A_74 : i32 to vector<16xi32>
      %gather3A_76 = tpu.vector_load_idx %arg11[%broadcast_in_dim3A_75, %add3A_26] : memref<20x512xi32, #tpu.memory_space<vmem>>[vector<16xi32>, vector<16xi32>], vector<16xi32>,
      %broadcast_in_dim3A_77 = arith.constant 17 : i32
      %broadcast_in_dim3A_78 = vector.broadcast %broadcast_in_dim3A_77 : i32 to vector<16xi32>
      %gather3A_79 = tpu.vector_load_idx %arg11[%broadcast_in_dim3A_78, %add3A_26] : memref<20x512xi32, #tpu.memory_space<vmem>>[vector<16xi32>, vector<16xi32>], vector<16xi32>,
      %broadcast_in_dim3A_80 = arith.constant 18 : i32
      %broadcast_in_dim3A_81 = vector.broadcast %broadcast_in_dim3A_80 : i32 to vector<16xi32>
      %gather3A_82 = tpu.vector_load_idx %arg11[%broadcast_in_dim3A_81, %add3A_26] : memref<20x512xi32, #tpu.memory_space<vmem>>[vector<16xi32>, vector<16xi32>], vector<16xi32>,
      %broadcast_in_dim3A_83 = arith.constant 19 : i32
      %broadcast_in_dim3A_84 = vector.broadcast %broadcast_in_dim3A_83 : i32 to vector<16xi32>
      %gather3A_85 = tpu.vector_load_idx %arg11[%broadcast_in_dim3A_84, %add3A_26] : memref<20x512xi32, #tpu.memory_space<vmem>>[vector<16xi32>, vector<16xi32>], vector<16xi32>,
      %ne3A = arith.constant 0 : i32
      %ne3A_86 = vector.broadcast %ne3A : i32 to vector<16xi32>
      %ne3A_87 = arith.cmpi ne, %gather3A, %ne3A_86 : vector<16xi32>
      %convert_element_type3A = arith.extui %ne3A_87 : vector<16xi1> to vector<16xi32>
      %convert_element_type3A_88 = arith.sitofp %convert_element_type3A : vector<16xi32> to vector<16xf32>
      %ne3A_89 = arith.constant 0 : i32
      %ne3A_90 = vector.broadcast %ne3A_89 : i32 to vector<16xi32>
      %ne3A_91 = arith.cmpi ne, %gather3A_31, %ne3A_90 : vector<16xi32>
      %convert_element_type3A_92 = arith.extui %ne3A_91 : vector<16xi1> to vector<16xi32>
      %convert_element_type3A_93 = arith.sitofp %convert_element_type3A_92 : vector<16xi32> to vector<16xf32>
      %ne3A_94 = arith.constant 0 : i32
      %ne3A_95 = vector.broadcast %ne3A_94 : i32 to vector<16xi32>
      %ne3A_96 = arith.cmpi ne, %gather3A_34, %ne3A_95 : vector<16xi32>
      %convert_element_type3A_97 = arith.extui %ne3A_96 : vector<16xi1> to vector<16xi32>
      %convert_element_type3A_98 = arith.sitofp %convert_element_type3A_97 : vector<16xi32> to vector<16xf32>
      %ne3A_99 = arith.constant 0 : i32
      %ne3A_100 = vector.broadcast %ne3A_99 : i32 to vector<16xi32>
      %ne3A_101 = arith.cmpi ne, %gather3A_37, %ne3A_100 : vector<16xi32>
      %convert_element_type3A_102 = arith.extui %ne3A_101 : vector<16xi1> to vector<16xi32>
      %convert_element_type3A_103 = arith.sitofp %convert_element_type3A_102 : vector<16xi32> to vector<16xf32>
      %ne3A_104 = arith.constant 0 : i32
      %ne3A_105 = vector.broadcast %ne3A_104 : i32 to vector<16xi32>
      %ne3A_106 = arith.cmpi ne, %gather3A_40, %ne3A_105 : vector<16xi32>
      %convert_element_type3A_107 = arith.extui %ne3A_106 : vector<16xi1> to vector<16xi32>
      %convert_element_type3A_108 = arith.sitofp %convert_element_type3A_107 : vector<16xi32> to vector<16xf32>
      %ne3A_109 = arith.constant 0 : i32
      %ne3A_110 = vector.broadcast %ne3A_109 : i32 to vector<16xi32>
      %ne3A_111 = arith.cmpi ne, %gather3A_43, %ne3A_110 : vector<16xi32>
      %convert_element_type3A_112 = arith.extui %ne3A_111 : vector<16xi1> to vector<16xi32>
      %convert_element_type3A_113 = arith.sitofp %convert_element_type3A_112 : vector<16xi32> to vector<16xf32>
      %ne3A_114 = arith.constant 0 : i32
      %ne3A_115 = vector.broadcast %ne3A_114 : i32 to vector<16xi32>
      %ne3A_116 = arith.cmpi ne, %gather3A_46, %ne3A_115 : vector<16xi32>
      %convert_element_type3A_117 = arith.extui %ne3A_116 : vector<16xi1> to vector<16xi32>
      %convert_element_type3A_118 = arith.sitofp %convert_element_type3A_117 : vector<16xi32> to vector<16xf32>
      %ne3A_119 = arith.constant 0 : i32
      %ne3A_120 = vector.broadcast %ne3A_119 : i32 to vector<16xi32>
      %ne3A_121 = arith.cmpi ne, %gather3A_49, %ne3A_120 : vector<16xi32>
      %convert_element_type3A_122 = arith.extui %ne3A_121 : vector<16xi1> to vector<16xi32>
      %convert_element_type3A_123 = arith.sitofp %convert_element_type3A_122 : vector<16xi32> to vector<16xf32>
      %ne3A_124 = arith.constant 0 : i32
      %ne3A_125 = vector.broadcast %ne3A_124 : i32 to vector<16xi32>
      %ne3A_126 = arith.cmpi ne, %gather3A_52, %ne3A_125 : vector<16xi32>
      %convert_element_type3A_127 = arith.extui %ne3A_126 : vector<16xi1> to vector<16xi32>
      %convert_element_type3A_128 = arith.sitofp %convert_element_type3A_127 : vector<16xi32> to vector<16xf32>
      %ne3A_129 = arith.constant 0 : i32
      %ne3A_130 = vector.broadcast %ne3A_129 : i32 to vector<16xi32>
      %ne3A_131 = arith.cmpi ne, %gather3A_55, %ne3A_130 : vector<16xi32>
      %convert_element_type3A_132 = arith.extui %ne3A_131 : vector<16xi1> to vector<16xi32>
      %convert_element_type3A_133 = arith.sitofp %convert_element_type3A_132 : vector<16xi32> to vector<16xf32>
      %ne3A_134 = arith.constant 0 : i32
      %ne3A_135 = vector.broadcast %ne3A_134 : i32 to vector<16xi32>
      %ne3A_136 = arith.cmpi ne, %gather3A_58, %ne3A_135 : vector<16xi32>
      %convert_element_type3A_137 = arith.extui %ne3A_136 : vector<16xi1> to vector<16xi32>
      %convert_element_type3A_138 = arith.sitofp %convert_element_type3A_137 : vector<16xi32> to vector<16xf32>
      %ne3A_139 = arith.constant 0 : i32
      %ne3A_140 = vector.broadcast %ne3A_139 : i32 to vector<16xi32>
      %ne3A_141 = arith.cmpi ne, %gather3A_61, %ne3A_140 : vector<16xi32>
      %convert_element_type3A_142 = arith.extui %ne3A_141 : vector<16xi1> to vector<16xi32>
      %convert_element_type3A_143 = arith.sitofp %convert_element_type3A_142 : vector<16xi32> to vector<16xf32>
      %ne3A_144 = arith.constant 0 : i32
      %ne3A_145 = vector.broadcast %ne3A_144 : i32 to vector<16xi32>
      %ne3A_146 = arith.cmpi ne, %gather3A_64, %ne3A_145 : vector<16xi32>
      %convert_element_type3A_147 = arith.extui %ne3A_146 : vector<16xi1> to vector<16xi32>
      %convert_element_type3A_148 = arith.sitofp %convert_element_type3A_147 : vector<16xi32> to vector<16xf32>
      %ne3A_149 = arith.constant 0 : i32
      %ne3A_150 = vector.broadcast %ne3A_149 : i32 to vector<16xi32>
      %ne3A_151 = arith.cmpi ne, %gather3A_67, %ne3A_150 : vector<16xi32>
      %convert_element_type3A_152 = arith.extui %ne3A_151 : vector<16xi1> to vector<16xi32>
      %convert_element_type3A_153 = arith.sitofp %convert_element_type3A_152 : vector<16xi32> to vector<16xf32>
      %ne3A_154 = arith.constant 0 : i32
      %ne3A_155 = vector.broadcast %ne3A_154 : i32 to vector<16xi32>
      %ne3A_156 = arith.cmpi ne, %gather3A_70, %ne3A_155 : vector<16xi32>
      %convert_element_type3A_157 = arith.extui %ne3A_156 : vector<16xi1> to vector<16xi32>
      %convert_element_type3A_158 = arith.sitofp %convert_element_type3A_157 : vector<16xi32> to vector<16xf32>
      %ne3A_159 = arith.constant 0 : i32
      %ne3A_160 = vector.broadcast %ne3A_159 : i32 to vector<16xi32>
      %ne3A_161 = arith.cmpi ne, %gather3A_73, %ne3A_160 : vector<16xi32>
      %convert_element_type3A_162 = arith.extui %ne3A_161 : vector<16xi1> to vector<16xi32>
      %convert_element_type3A_163 = arith.sitofp %convert_element_type3A_162 : vector<16xi32> to vector<16xf32>
      %ne3A_164 = arith.constant 0 : i32
      %ne3A_165 = vector.broadcast %ne3A_164 : i32 to vector<16xi32>
      %ne3A_166 = arith.cmpi ne, %gather3A_76, %ne3A_165 : vector<16xi32>
      %convert_element_type3A_167 = arith.extui %ne3A_166 : vector<16xi1> to vector<16xi32>
      %convert_element_type3A_168 = arith.sitofp %convert_element_type3A_167 : vector<16xi32> to vector<16xf32>
      %ne3A_169 = arith.constant 0 : i32
      %ne3A_170 = vector.broadcast %ne3A_169 : i32 to vector<16xi32>
      %ne3A_171 = arith.cmpi ne, %gather3A_79, %ne3A_170 : vector<16xi32>
      %convert_element_type3A_172 = arith.extui %ne3A_171 : vector<16xi1> to vector<16xi32>
      %convert_element_type3A_173 = arith.sitofp %convert_element_type3A_172 : vector<16xi32> to vector<16xf32>
      %ne3A_174 = arith.constant 0 : i32
      %ne3A_175 = vector.broadcast %ne3A_174 : i32 to vector<16xi32>
      %ne3A_176 = arith.cmpi ne, %gather3A_82, %ne3A_175 : vector<16xi32>
      %convert_element_type3A_177 = arith.extui %ne3A_176 : vector<16xi1> to vector<16xi32>
      %convert_element_type3A_178 = arith.sitofp %convert_element_type3A_177 : vector<16xi32> to vector<16xf32>
      %ne3A_179 = arith.constant 0 : i32
      %ne3A_180 = vector.broadcast %ne3A_179 : i32 to vector<16xi32>
      %ne3A_181 = arith.cmpi ne, %gather3A_85, %ne3A_180 : vector<16xi32>
      %convert_element_type3A_182 = arith.extui %ne3A_181 : vector<16xi1> to vector<16xi32>
      %convert_element_type3A_183 = arith.sitofp %convert_element_type3A_182 : vector<16xi32> to vector<16xf32>
      %add3A_184 = arith.addf %convert_element_type3A_88, %convert_element_type3A_93 : vector<16xf32>
      %add3A_185 = arith.addf %convert_element_type3A_98, %convert_element_type3A_103 : vector<16xf32>
      %add3A_186 = arith.addf %convert_element_type3A_108, %convert_element_type3A_113 : vector<16xf32>
      %add3A_187 = arith.addf %convert_element_type3A_118, %convert_element_type3A_123 : vector<16xf32>
      %add3A_188 = arith.addf %convert_element_type3A_128, %convert_element_type3A_133 : vector<16xf32>
      %add3A_189 = arith.addf %convert_element_type3A_138, %convert_element_type3A_143 : vector<16xf32>
      %add3A_190 = arith.addf %convert_element_type3A_148, %convert_element_type3A_153 : vector<16xf32>
      %add3A_191 = arith.addf %convert_element_type3A_158, %convert_element_type3A_163 : vector<16xf32>
      %add3A_192 = arith.addf %convert_element_type3A_168, %convert_element_type3A_173 : vector<16xf32>
      %add3A_193 = arith.addf %convert_element_type3A_178, %convert_element_type3A_183 : vector<16xf32>
      %add3A_194 = arith.addf %add3A_184, %add3A_185 : vector<16xf32>
      %add3A_195 = arith.addf %add3A_186, %add3A_187 : vector<16xf32>
      %add3A_196 = arith.addf %add3A_188, %add3A_189 : vector<16xf32>
      %add3A_197 = arith.addf %add3A_190, %add3A_191 : vector<16xf32>
      %add3A_198 = arith.addf %add3A_192, %add3A_193 : vector<16xf32>
      %add3A_199 = arith.addf %add3A_194, %add3A_195 : vector<16xf32>
      %add3A_200 = arith.addf %add3A_196, %add3A_197 : vector<16xf32>
      %add3A_201 = arith.addf %add3A_199, %add3A_200 : vector<16xf32>
      %add3A_202 = arith.addf %add3A_201, %add3A_198 : vector<16xf32>
      %max3A = arith.constant 9.99999971E-10 : f32
      %max3A_203 = vector.broadcast %max3A : f32 to vector<16xf32>
      %max3A_204 = arith.maximumf %add3A_202, %max3A_203 : vector<16xf32>
      %div3A = arith.constant 1.000000e+00 : f32
      %div3A_205 = vector.broadcast %div3A : f32 to vector<16xf32>
      %div3A_206 = arith.divf %div3A_205, %max3A_204 : vector<16xf32>
      %broadcast_in_dim3A_207 = arith.constant 0 : i32
      %broadcast_in_dim3A_208 = vector.broadcast %broadcast_in_dim3A_207 : i32 to vector<16xi32>
      %gather3A_209 = tpu.vector_load_idx %arg10[%broadcast_in_dim3A_208, %gather3A] : memref<32x1000xf32, #tpu.memory_space<vmem>>[vector<16xi32>, vector<16xi32>], vector<16xf32>,
      %gather3A_210 = tpu.vector_load_idx %arg10[%broadcast_in_dim3A_208, %gather3A_31] : memref<32x1000xf32, #tpu.memory_space<vmem>>[vector<16xi32>, vector<16xi32>], vector<16xf32>,
      %gather3A_211 = tpu.vector_load_idx %arg10[%broadcast_in_dim3A_208, %gather3A_34] : memref<32x1000xf32, #tpu.memory_space<vmem>>[vector<16xi32>, vector<16xi32>], vector<16xf32>,
      %gather3A_212 = tpu.vector_load_idx %arg10[%broadcast_in_dim3A_208, %gather3A_37] : memref<32x1000xf32, #tpu.memory_space<vmem>>[vector<16xi32>, vector<16xi32>], vector<16xf32>,
      %gather3A_213 = tpu.vector_load_idx %arg10[%broadcast_in_dim3A_208, %gather3A_40] : memref<32x1000xf32, #tpu.memory_space<vmem>>[vector<16xi32>, vector<16xi32>], vector<16xf32>,
      %gather3A_214 = tpu.vector_load_idx %arg10[%broadcast_in_dim3A_208, %gather3A_43] : memref<32x1000xf32, #tpu.memory_space<vmem>>[vector<16xi32>, vector<16xi32>], vector<16xf32>,
      %gather3A_215 = tpu.vector_load_idx %arg10[%broadcast_in_dim3A_208, %gather3A_46] : memref<32x1000xf32, #tpu.memory_space<vmem>>[vector<16xi32>, vector<16xi32>], vector<16xf32>,
      %gather3A_216 = tpu.vector_load_idx %arg10[%broadcast_in_dim3A_208, %gather3A_49] : memref<32x1000xf32, #tpu.memory_space<vmem>>[vector<16xi32>, vector<16xi32>], vector<16xf32>,
      %gather3A_217 = tpu.vector_load_idx %arg10[%broadcast_in_dim3A_208, %gather3A_52] : memref<32x1000xf32, #tpu.memory_space<vmem>>[vector<16xi32>, vector<16xi32>], vector<16xf32>,
      %gather3A_218 = tpu.vector_load_idx %arg10[%broadcast_in_dim3A_208, %gather3A_55] : memref<32x1000xf32, #tpu.memory_space<vmem>>[vector<16xi32>, vector<16xi32>], vector<16xf32>,
      %gather3A_219 = tpu.vector_load_idx %arg10[%broadcast_in_dim3A_208, %gather3A_58] : memref<32x1000xf32, #tpu.memory_space<vmem>>[vector<16xi32>, vector<16xi32>], vector<16xf32>,
      %gather3A_220 = tpu.vector_load_idx %arg10[%broadcast_in_dim3A_208, %gather3A_61] : memref<32x1000xf32, #tpu.memory_space<vmem>>[vector<16xi32>, vector<16xi32>], vector<16xf32>,
      %gather3A_221 = tpu.vector_load_idx %arg10[%broadcast_in_dim3A_208, %gather3A_64] : memref<32x1000xf32, #tpu.memory_space<vmem>>[vector<16xi32>, vector<16xi32>], vector<16xf32>,
      %gather3A_222 = tpu.vector_load_idx %arg10[%broadcast_in_dim3A_208, %gather3A_67] : memref<32x1000xf32, #tpu.memory_space<vmem>>[vector<16xi32>, vector<16xi32>], vector<16xf32>,
      %gather3A_223 = tpu.vector_load_idx %arg10[%broadcast_in_dim3A_208, %gather3A_70] : memref<32x1000xf32, #tpu.memory_space<vmem>>[vector<16xi32>, vector<16xi32>], vector<16xf32>,
      %gather3A_224 = tpu.vector_load_idx %arg10[%broadcast_in_dim3A_208, %gather3A_73] : memref<32x1000xf32, #tpu.memory_space<vmem>>[vector<16xi32>, vector<16xi32>], vector<16xf32>,
      %gather3A_225 = tpu.vector_load_idx %arg10[%broadcast_in_dim3A_208, %gather3A_76] : memref<32x1000xf32, #tpu.memory_space<vmem>>[vector<16xi32>, vector<16xi32>], vector<16xf32>,
      %gather3A_226 = tpu.vector_load_idx %arg10[%broadcast_in_dim3A_208, %gather3A_79] : memref<32x1000xf32, #tpu.memory_space<vmem>>[vector<16xi32>, vector<16xi32>], vector<16xf32>,
      %gather3A_227 = tpu.vector_load_idx %arg10[%broadcast_in_dim3A_208, %gather3A_82] : memref<32x1000xf32, #tpu.memory_space<vmem>>[vector<16xi32>, vector<16xi32>], vector<16xf32>,
      %gather3A_228 = tpu.vector_load_idx %arg10[%broadcast_in_dim3A_208, %gather3A_85] : memref<32x1000xf32, #tpu.memory_space<vmem>>[vector<16xi32>, vector<16xi32>], vector<16xf32>,
      %add3A_229 = arith.addf %gather3A_209, %gather3A_210 : vector<16xf32>
      %add3A_230 = arith.addf %gather3A_211, %gather3A_212 : vector<16xf32>
      %add3A_231 = arith.addf %gather3A_213, %gather3A_214 : vector<16xf32>
      %add3A_232 = arith.addf %gather3A_215, %gather3A_216 : vector<16xf32>
      %add3A_233 = arith.addf %gather3A_217, %gather3A_218 : vector<16xf32>
      %add3A_234 = arith.addf %gather3A_219, %gather3A_220 : vector<16xf32>
      %add3A_235 = arith.addf %gather3A_221, %gather3A_222 : vector<16xf32>
      %add3A_236 = arith.addf %gather3A_223, %gather3A_224 : vector<16xf32>
      %add3A_237 = arith.addf %gather3A_225, %gather3A_226 : vector<16xf32>
      %add3A_238 = arith.addf %gather3A_227, %gather3A_228 : vector<16xf32>
      %add3A_239 = arith.addf %add3A_229, %add3A_230 : vector<16xf32>
      %add3A_240 = arith.addf %add3A_231, %add3A_232 : vector<16xf32>
      %add3A_241 = arith.addf %add3A_233, %add3A_234 : vector<16xf32>
      %add3A_242 = arith.addf %add3A_235, %add3A_236 : vector<16xf32>
      %add3A_243 = arith.addf %add3A_237, %add3A_238 : vector<16xf32>
      %add3A_244 = arith.addf %add3A_239, %add3A_240 : vector<16xf32>
      %add3A_245 = arith.addf %add3A_241, %add3A_242 : vector<16xf32>
      %add3A_246 = arith.addf %add3A_244, %add3A_245 : vector<16xf32>
      %add3A_247 = arith.addf %add3A_246, %add3A_243 : vector<16xf32>
      %mul3A_248 = arith.mulf %add3A_247, %div3A_206 : vector<16xf32>
      tpu.vector_store_idx %arg12[%broadcast_in_dim3A_208, %add3A_26], %mul3A_248 : memref<32x512xf32, #tpu.memory_space<vmem>>[vector<16xi32>, vector<16xi32>], vector<16xf32>,
      %broadcast_in_dim3A_249 = arith.constant 1 : i32
      %broadcast_in_dim3A_250 = vector.broadcast %broadcast_in_dim3A_249 : i32 to vector<16xi32>
      %gather3A_251 = tpu.vector_load_idx %arg10[%broadcast_in_dim3A_250, %gather3A] : memref<32x1000xf32, #tpu.memory_space<vmem>>[vector<16xi32>, vector<16xi32>], vector<16xf32>,
      %gather3A_252 = tpu.vector_load_idx %arg10[%broadcast_in_dim3A_250, %gather3A_31] : memref<32x1000xf32, #tpu.memory_space<vmem>>[vector<16xi32>, vector<16xi32>], vector<16xf32>,
      %gather3A_253 = tpu.vector_load_idx %arg10[%broadcast_in_dim3A_250, %gather3A_34] : memref<32x1000xf32, #tpu.memory_space<vmem>>[vector<16xi32>, vector<16xi32>], vector<16xf32>,
      %gather3A_254 = tpu.vector_load_idx %arg10[%broadcast_in_dim3A_250, %gather3A_37] : memref<32x1000xf32, #tpu.memory_space<vmem>>[vector<16xi32>, vector<16xi32>], vector<16xf32>,
      %gather3A_255 = tpu.vector_load_idx %arg10[%broadcast_in_dim3A_250, %gather3A_40] : memref<32x1000xf32, #tpu.memory_space<vmem>>[vector<16xi32>, vector<16xi32>], vector<16xf32>,
      %gather3A_256 = tpu.vector_load_idx %arg10[%broadcast_in_dim3A_250, %gather3A_43] : memref<32x1000xf32, #tpu.memory_space<vmem>>[vector<16xi32>, vector<16xi32>], vector<16xf32>,
      %gather3A_257 = tpu.vector_load_idx %arg10[%broadcast_in_dim3A_250, %gather3A_46] : memref<32x1000xf32, #tpu.memory_space<vmem>>[vector<16xi32>, vector<16xi32>], vector<16xf32>,
      %gather3A_258 = tpu.vector_load_idx %arg10[%broadcast_in_dim3A_250, %gather3A_49] : memref<32x1000xf32, #tpu.memory_space<vmem>>[vector<16xi32>, vector<16xi32>], vector<16xf32>,
      %gather3A_259 = tpu.vector_load_idx %arg10[%broadcast_in_dim3A_250, %gather3A_52] : memref<32x1000xf32, #tpu.memory_space<vmem>>[vector<16xi32>, vector<16xi32>], vector<16xf32>,
      %gather3A_260 = tpu.vector_load_idx %arg10[%broadcast_in_dim3A_250, %gather3A_55] : memref<32x1000xf32, #tpu.memory_space<vmem>>[vector<16xi32>, vector<16xi32>], vector<16xf32>,
      %gather3A_261 = tpu.vector_load_idx %arg10[%broadcast_in_dim3A_250, %gather3A_58] : memref<32x1000xf32, #tpu.memory_space<vmem>>[vector<16xi32>, vector<16xi32>], vector<16xf32>,
      %gather3A_262 = tpu.vector_load_idx %arg10[%broadcast_in_dim3A_250, %gather3A_61] : memref<32x1000xf32, #tpu.memory_space<vmem>>[vector<16xi32>, vector<16xi32>], vector<16xf32>,
      %gather3A_263 = tpu.vector_load_idx %arg10[%broadcast_in_dim3A_250, %gather3A_64] : memref<32x1000xf32, #tpu.memory_space<vmem>>[vector<16xi32>, vector<16xi32>], vector<16xf32>,
      %gather3A_264 = tpu.vector_load_idx %arg10[%broadcast_in_dim3A_250, %gather3A_67] : memref<32x1000xf32, #tpu.memory_space<vmem>>[vector<16xi32>, vector<16xi32>], vector<16xf32>,
      %gather3A_265 = tpu.vector_load_idx %arg10[%broadcast_in_dim3A_250, %gather3A_70] : memref<32x1000xf32, #tpu.memory_space<vmem>>[vector<16xi32>, vector<16xi32>], vector<16xf32>,
      %gather3A_266 = tpu.vector_load_idx %arg10[%broadcast_in_dim3A_250, %gather3A_73] : memref<32x1000xf32, #tpu.memory_space<vmem>>[vector<16xi32>, vector<16xi32>], vector<16xf32>,
      %gather3A_267 = tpu.vector_load_idx %arg10[%broadcast_in_dim3A_250, %gather3A_76] : memref<32x1000xf32, #tpu.memory_space<vmem>>[vector<16xi32>, vector<16xi32>], vector<16xf32>,
      %gather3A_268 = tpu.vector_load_idx %arg10[%broadcast_in_dim3A_250, %gather3A_79] : memref<32x1000xf32, #tpu.memory_space<vmem>>[vector<16xi32>, vector<16xi32>], vector<16xf32>,
      %gather3A_269 = tpu.vector_load_idx %arg10[%broadcast_in_dim3A_250, %gather3A_82] : memref<32x1000xf32, #tpu.memory_space<vmem>>[vector<16xi32>, vector<16xi32>], vector<16xf32>,
      %gather3A_270 = tpu.vector_load_idx %arg10[%broadcast_in_dim3A_250, %gather3A_85] : memref<32x1000xf32, #tpu.memory_space<vmem>>[vector<16xi32>, vector<16xi32>], vector<16xf32>,
      %add3A_271 = arith.addf %gather3A_251, %gather3A_252 : vector<16xf32>
      %add3A_272 = arith.addf %gather3A_253, %gather3A_254 : vector<16xf32>
      %add3A_273 = arith.addf %gather3A_255, %gather3A_256 : vector<16xf32>
      %add3A_274 = arith.addf %gather3A_257, %gather3A_258 : vector<16xf32>
      %add3A_275 = arith.addf %gather3A_259, %gather3A_260 : vector<16xf32>
      %add3A_276 = arith.addf %gather3A_261, %gather3A_262 : vector<16xf32>
      %add3A_277 = arith.addf %gather3A_263, %gather3A_264 : vector<16xf32>
      %add3A_278 = arith.addf %gather3A_265, %gather3A_266 : vector<16xf32>
      %add3A_279 = arith.addf %gather3A_267, %gather3A_268 : vector<16xf32>
      %add3A_280 = arith.addf %gather3A_269, %gather3A_270 : vector<16xf32>
      %add3A_281 = arith.addf %add3A_271, %add3A_272 : vector<16xf32>
      %add3A_282 = arith.addf %add3A_273, %add3A_274 : vector<16xf32>
      %add3A_283 = arith.addf %add3A_275, %add3A_276 : vector<16xf32>
      %add3A_284 = arith.addf %add3A_277, %add3A_278 : vector<16xf32>
      %add3A_285 = arith.addf %add3A_279, %add3A_280 : vector<16xf32>
      %add3A_286 = arith.addf %add3A_281, %add3A_282 : vector<16xf32>
      %add3A_287 = arith.addf %add3A_283, %add3A_284 : vector<16xf32>
      %add3A_288 = arith.addf %add3A_286, %add3A_287 : vector<16xf32>
      %add3A_289 = arith.addf %add3A_288, %add3A_285 : vector<16xf32>
      %mul3A_290 = arith.mulf %add3A_289, %div3A_206 : vector<16xf32>
      tpu.vector_store_idx %arg12[%broadcast_in_dim3A_250, %add3A_26], %mul3A_290 : memref<32x512xf32, #tpu.memory_space<vmem>>[vector<16xi32>, vector<16xi32>], vector<16xf32>,
      %broadcast_in_dim3A_291 = arith.constant 2 : i32
      %broadcast_in_dim3A_292 = vector.broadcast %broadcast_in_dim3A_291 : i32 to vector<16xi32>
      %gather3A_293 = tpu.vector_load_idx %arg10[%broadcast_in_dim3A_292, %gather3A] : memref<32x1000xf32, #tpu.memory_space<vmem>>[vector<16xi32>, vector<16xi32>], vector<16xf32>,
      %gather3A_294 = tpu.vector_load_idx %arg10[%broadcast_in_dim3A_292, %gather3A_31] : memref<32x1000xf32, #tpu.memory_space<vmem>>[vector<16xi32>, vector<16xi32>], vector<16xf32>,
      %gather3A_295 = tpu.vector_load_idx %arg10[%broadcast_in_dim3A_292, %gather3A_34] : memref<32x1000xf32, #tpu.memory_space<vmem>>[vector<16xi32>, vector<16xi32>], vector<16xf32>,
      %gather3A_296 = tpu.vector_load_idx %arg10[%broadcast_in_dim3A_292, %gather3A_37] : memref<32x1000xf32, #tpu.memory_space<vmem>>[vector<16xi32>, vector<16xi32>], vector<16xf32>,
      %gather3A_297 = tpu.vector_load_idx %arg10[%broadcast_in_dim3A_292, %gather3A_40] : memref<32x1000xf32, #tpu.memory_space<vmem>>[vector<16xi32>, vector<16xi32>], vector<16xf32>,
      %gather3A_298 = tpu.vector_load_idx %arg10[%broadcast_in_dim3A_292, %gather3A_43] : memref<32x1000xf32, #tpu.memory_space<vmem>>[vector<16xi32>, vector<16xi32>], vector<16xf32>,
      %gather3A_299 = tpu.vector_load_idx %arg10[%broadcast_in_dim3A_292, %gather3A_46] : memref<32x1000xf32, #tpu.memory_space<vmem>>[vector<16xi32>, vector<16xi32>], vector<16xf32>,
      %gather3A_300 = tpu.vector_load_idx %arg10[%broadcast_in_dim3A_292, %gather3A_49] : memref<32x1000xf32, #tpu.memory_space<vmem>>[vector<16xi32>, vector<16xi32>], vector<16xf32>,
      %gather3A_301 = tpu.vector_load_idx %arg10[%broadcast_in_dim3A_292, %gather3A_52] : memref<32x1000xf32, #tpu.memory_space<vmem>>[vector<16xi32>, vector<16xi32>], vector<16xf32>,
      %gather3A_302 = tpu.vector_load_idx %arg10[%broadcast_in_dim3A_292, %gather3A_55] : memref<32x1000xf32, #tpu.memory_space<vmem>>[vector<16xi32>, vector<16xi32>], vector<16xf32>,
      %gather3A_303 = tpu.vector_load_idx %arg10[%broadcast_in_dim3A_292, %gather3A_58] : memref<32x1000xf32, #tpu.memory_space<vmem>>[vector<16xi32>, vector<16xi32>], vector<16xf32>,
      %gather3A_304 = tpu.vector_load_idx %arg10[%broadcast_in_dim3A_292, %gather3A_61] : memref<32x1000xf32, #tpu.memory_space<vmem>>[vector<16xi32>, vector<16xi32>], vector<16xf32>,
      %gather3A_305 = tpu.vector_load_idx %arg10[%broadcast_in_dim3A_292, %gather3A_64] : memref<32x1000xf32, #tpu.memory_space<vmem>>[vector<16xi32>, vector<16xi32>], vector<16xf32>,
      %gather3A_306 = tpu.vector_load_idx %arg10[%broadcast_in_dim3A_292, %gather3A_67] : memref<32x1000xf32, #tpu.memory_space<vmem>>[vector<16xi32>, vector<16xi32>], vector<16xf32>,
      %gather3A_307 = tpu.vector_load_idx %arg10[%broadcast_in_dim3A_292, %gather3A_70] : memref<32x1000xf32, #tpu.memory_space<vmem>>[vector<16xi32>, vector<16xi32>], vector<16xf32>,
      %gather3A_308 = tpu.vector_load_idx %arg10[%broadcast_in_dim3A_292, %gather3A_73] : memref<32x1000xf32, #tpu.memory_space<vmem>>[vector<16xi32>, vector<16xi32>], vector<16xf32>,
      %gather3A_309 = tpu.vector_load_idx %arg10[%broadcast_in_dim3A_292, %gather3A_76] : memref<32x1000xf32, #tpu.memory_space<vmem>>[vector<16xi32>, vector<16xi32>], vector<16xf32>,
      %gather3A_310 = tpu.vector_load_idx %arg10[%broadcast_in_dim3A_292, %gather3A_79] : memref<32x1000xf32, #tpu.memory_space<vmem>>[vector<16xi32>, vector<16xi32>], vector<16xf32>,
      %gather3A_311 = tpu.vector_load_idx %arg10[%broadcast_in_dim3A_292, %gather3A_82] : memref<32x1000xf32, #tpu.memory_space<vmem>>[vector<16xi32>, vector<16xi32>], vector<16xf32>,
      %gather3A_312 = tpu.vector_load_idx %arg10[%broadcast_in_dim3A_292, %gather3A_85] : memref<32x1000xf32, #tpu.memory_space<vmem>>[vector<16xi32>, vector<16xi32>], vector<16xf32>,
      %add3A_313 = arith.addf %gather3A_293, %gather3A_294 : vector<16xf32>
      %add3A_314 = arith.addf %gather3A_295, %gather3A_296 : vector<16xf32>
      %add3A_315 = arith.addf %gather3A_297, %gather3A_298 : vector<16xf32>
      %add3A_316 = arith.addf %gather3A_299, %gather3A_300 : vector<16xf32>
      %add3A_317 = arith.addf %gather3A_301, %gather3A_302 : vector<16xf32>
      %add3A_318 = arith.addf %gather3A_303, %gather3A_304 : vector<16xf32>
      %add3A_319 = arith.addf %gather3A_305, %gather3A_306 : vector<16xf32>
      %add3A_320 = arith.addf %gather3A_307, %gather3A_308 : vector<16xf32>
      %add3A_321 = arith.addf %gather3A_309, %gather3A_310 : vector<16xf32>
      %add3A_322 = arith.addf %gather3A_311, %gather3A_312 : vector<16xf32>
      %add3A_323 = arith.addf %add3A_313, %add3A_314 : vector<16xf32>
      %add3A_324 = arith.addf %add3A_315, %add3A_316 : vector<16xf32>
      %add3A_325 = arith.addf %add3A_317, %add3A_318 : vector<16xf32>
      %add3A_326 = arith.addf %add3A_319, %add3A_320 : vector<16xf32>
      %add3A_327 = arith.addf %add3A_321, %add3A_322 : vector<16xf32>
      %add3A_328 = arith.addf %add3A_323, %add3A_324 : vector<16xf32>
      %add3A_329 = arith.addf %add3A_325, %add3A_326 : vector<16xf32>
      %add3A_330 = arith.addf %add3A_328, %add3A_329 : vector<16xf32>
      %add3A_331 = arith.addf %add3A_330, %add3A_327 : vector<16xf32>
      %mul3A_332 = arith.mulf %add3A_331, %div3A_206 : vector<16xf32>
      tpu.vector_store_idx %arg12[%broadcast_in_dim3A_292, %add3A_26], %mul3A_332 : memref<32x512xf32, #tpu.memory_space<vmem>>[vector<16xi32>, vector<16xi32>], vector<16xf32>,
      %broadcast_in_dim3A_333 = arith.constant 3 : i32
      %broadcast_in_dim3A_334 = vector.broadcast %broadcast_in_dim3A_333 : i32 to vector<16xi32>
      %gather3A_335 = tpu.vector_load_idx %arg10[%broadcast_in_dim3A_334, %gather3A] : memref<32x1000xf32, #tpu.memory_space<vmem>>[vector<16xi32>, vector<16xi32>], vector<16xf32>,
      %gather3A_336 = tpu.vector_load_idx %arg10[%broadcast_in_dim3A_334, %gather3A_31] : memref<32x1000xf32, #tpu.memory_space<vmem>>[vector<16xi32>, vector<16xi32>], vector<16xf32>,
      %gather3A_337 = tpu.vector_load_idx %arg10[%broadcast_in_dim3A_334, %gather3A_34] : memref<32x1000xf32, #tpu.memory_space<vmem>>[vector<16xi32>, vector<16xi32>], vector<16xf32>,
      %gather3A_338 = tpu.vector_load_idx %arg10[%broadcast_in_dim3A_334, %gather3A_37] : memref<32x1000xf32, #tpu.memory_space<vmem>>[vector<16xi32>, vector<16xi32>], vector<16xf32>,
      %gather3A_339 = tpu.vector_load_idx %arg10[%broadcast_in_dim3A_334, %gather3A_40] : memref<32x1000xf32, #tpu.memory_space<vmem>>[vector<16xi32>, vector<16xi32>], vector<16xf32>,
      %gather3A_340 = tpu.vector_load_idx %arg10[%broadcast_in_dim3A_334, %gather3A_43] : memref<32x1000xf32, #tpu.memory_space<vmem>>[vector<16xi32>, vector<16xi32>], vector<16xf32>,
      %gather3A_341 = tpu.vector_load_idx %arg10[%broadcast_in_dim3A_334, %gather3A_46] : memref<32x1000xf32, #tpu.memory_space<vmem>>[vector<16xi32>, vector<16xi32>], vector<16xf32>,
      %gather3A_342 = tpu.vector_load_idx %arg10[%broadcast_in_dim3A_334, %gather3A_49] : memref<32x1000xf32, #tpu.memory_space<vmem>>[vector<16xi32>, vector<16xi32>], vector<16xf32>,
      %gather3A_343 = tpu.vector_load_idx %arg10[%broadcast_in_dim3A_334, %gather3A_52] : memref<32x1000xf32, #tpu.memory_space<vmem>>[vector<16xi32>, vector<16xi32>], vector<16xf32>,
      %gather3A_344 = tpu.vector_load_idx %arg10[%broadcast_in_dim3A_334, %gather3A_55] : memref<32x1000xf32, #tpu.memory_space<vmem>>[vector<16xi32>, vector<16xi32>], vector<16xf32>,
      %gather3A_345 = tpu.vector_load_idx %arg10[%broadcast_in_dim3A_334, %gather3A_58] : memref<32x1000xf32, #tpu.memory_space<vmem>>[vector<16xi32>, vector<16xi32>], vector<16xf32>,
      %gather3A_346 = tpu.vector_load_idx %arg10[%broadcast_in_dim3A_334, %gather3A_61] : memref<32x1000xf32, #tpu.memory_space<vmem>>[vector<16xi32>, vector<16xi32>], vector<16xf32>,
      %gather3A_347 = tpu.vector_load_idx %arg10[%broadcast_in_dim3A_334, %gather3A_64] : memref<32x1000xf32, #tpu.memory_space<vmem>>[vector<16xi32>, vector<16xi32>], vector<16xf32>,
      %gather3A_348 = tpu.vector_load_idx %arg10[%broadcast_in_dim3A_334, %gather3A_67] : memref<32x1000xf32, #tpu.memory_space<vmem>>[vector<16xi32>, vector<16xi32>], vector<16xf32>,
      %gather3A_349 = tpu.vector_load_idx %arg10[%broadcast_in_dim3A_334, %gather3A_70] : memref<32x1000xf32, #tpu.memory_space<vmem>>[vector<16xi32>, vector<16xi32>], vector<16xf32>,
      %gather3A_350 = tpu.vector_load_idx %arg10[%broadcast_in_dim3A_334, %gather3A_73] : memref<32x1000xf32, #tpu.memory_space<vmem>>[vector<16xi32>, vector<16xi32>], vector<16xf32>,
      %gather3A_351 = tpu.vector_load_idx %arg10[%broadcast_in_dim3A_334, %gather3A_76] : memref<32x1000xf32, #tpu.memory_space<vmem>>[vector<16xi32>, vector<16xi32>], vector<16xf32>,
      %gather3A_352 = tpu.vector_load_idx %arg10[%broadcast_in_dim3A_334, %gather3A_79] : memref<32x1000xf32, #tpu.memory_space<vmem>>[vector<16xi32>, vector<16xi32>], vector<16xf32>,
      %gather3A_353 = tpu.vector_load_idx %arg10[%broadcast_in_dim3A_334, %gather3A_82] : memref<32x1000xf32, #tpu.memory_space<vmem>>[vector<16xi32>, vector<16xi32>], vector<16xf32>,
      %gather3A_354 = tpu.vector_load_idx %arg10[%broadcast_in_dim3A_334, %gather3A_85] : memref<32x1000xf32, #tpu.memory_space<vmem>>[vector<16xi32>, vector<16xi32>], vector<16xf32>,
      %add3A_355 = arith.addf %gather3A_335, %gather3A_336 : vector<16xf32>
      %add3A_356 = arith.addf %gather3A_337, %gather3A_338 : vector<16xf32>
      %add3A_357 = arith.addf %gather3A_339, %gather3A_340 : vector<16xf32>
      %add3A_358 = arith.addf %gather3A_341, %gather3A_342 : vector<16xf32>
      %add3A_359 = arith.addf %gather3A_343, %gather3A_344 : vector<16xf32>
      %add3A_360 = arith.addf %gather3A_345, %gather3A_346 : vector<16xf32>
      %add3A_361 = arith.addf %gather3A_347, %gather3A_348 : vector<16xf32>
      %add3A_362 = arith.addf %gather3A_349, %gather3A_350 : vector<16xf32>
      %add3A_363 = arith.addf %gather3A_351, %gather3A_352 : vector<16xf32>
      %add3A_364 = arith.addf %gather3A_353, %gather3A_354 : vector<16xf32>
      %add3A_365 = arith.addf %add3A_355, %add3A_356 : vector<16xf32>
      %add3A_366 = arith.addf %add3A_357, %add3A_358 : vector<16xf32>
      %add3A_367 = arith.addf %add3A_359, %add3A_360 : vector<16xf32>
      %add3A_368 = arith.addf %add3A_361, %add3A_362 : vector<16xf32>
      %add3A_369 = arith.addf %add3A_363, %add3A_364 : vector<16xf32>
      %add3A_370 = arith.addf %add3A_365, %add3A_366 : vector<16xf32>
      %add3A_371 = arith.addf %add3A_367, %add3A_368 : vector<16xf32>
      %add3A_372 = arith.addf %add3A_370, %add3A_371 : vector<16xf32>
      %add3A_373 = arith.addf %add3A_372, %add3A_369 : vector<16xf32>
      %mul3A_374 = arith.mulf %add3A_373, %div3A_206 : vector<16xf32>
      tpu.vector_store_idx %arg12[%broadcast_in_dim3A_334, %add3A_26], %mul3A_374 : memref<32x512xf32, #tpu.memory_space<vmem>>[vector<16xi32>, vector<16xi32>], vector<16xf32>,
      %broadcast_in_dim3A_375 = arith.constant 4 : i32
      %broadcast_in_dim3A_376 = vector.broadcast %broadcast_in_dim3A_375 : i32 to vector<16xi32>
      %gather3A_377 = tpu.vector_load_idx %arg10[%broadcast_in_dim3A_376, %gather3A] : memref<32x1000xf32, #tpu.memory_space<vmem>>[vector<16xi32>, vector<16xi32>], vector<16xf32>,
      %gather3A_378 = tpu.vector_load_idx %arg10[%broadcast_in_dim3A_376, %gather3A_31] : memref<32x1000xf32, #tpu.memory_space<vmem>>[vector<16xi32>, vector<16xi32>], vector<16xf32>,
      %gather3A_379 = tpu.vector_load_idx %arg10[%broadcast_in_dim3A_376, %gather3A_34] : memref<32x1000xf32, #tpu.memory_space<vmem>>[vector<16xi32>, vector<16xi32>], vector<16xf32>,
      %gather3A_380 = tpu.vector_load_idx %arg10[%broadcast_in_dim3A_376, %gather3A_37] : memref<32x1000xf32, #tpu.memory_space<vmem>>[vector<16xi32>, vector<16xi32>], vector<16xf32>,
      %gather3A_381 = tpu.vector_load_idx %arg10[%broadcast_in_dim3A_376, %gather3A_40] : memref<32x1000xf32, #tpu.memory_space<vmem>>[vector<16xi32>, vector<16xi32>], vector<16xf32>,
      %gather3A_382 = tpu.vector_load_idx %arg10[%broadcast_in_dim3A_376, %gather3A_43] : memref<32x1000xf32, #tpu.memory_space<vmem>>[vector<16xi32>, vector<16xi32>], vector<16xf32>,
      %gather3A_383 = tpu.vector_load_idx %arg10[%broadcast_in_dim3A_376, %gather3A_46] : memref<32x1000xf32, #tpu.memory_space<vmem>>[vector<16xi32>, vector<16xi32>], vector<16xf32>,
      %gather3A_384 = tpu.vector_load_idx %arg10[%broadcast_in_dim3A_376, %gather3A_49] : memref<32x1000xf32, #tpu.memory_space<vmem>>[vector<16xi32>, vector<16xi32>], vector<16xf32>,
      %gather3A_385 = tpu.vector_load_idx %arg10[%broadcast_in_dim3A_376, %gather3A_52] : memref<32x1000xf32, #tpu.memory_space<vmem>>[vector<16xi32>, vector<16xi32>], vector<16xf32>,
      %gather3A_386 = tpu.vector_load_idx %arg10[%broadcast_in_dim3A_376, %gather3A_55] : memref<32x1000xf32, #tpu.memory_space<vmem>>[vector<16xi32>, vector<16xi32>], vector<16xf32>,
      %gather3A_387 = tpu.vector_load_idx %arg10[%broadcast_in_dim3A_376, %gather3A_58] : memref<32x1000xf32, #tpu.memory_space<vmem>>[vector<16xi32>, vector<16xi32>], vector<16xf32>,
      %gather3A_388 = tpu.vector_load_idx %arg10[%broadcast_in_dim3A_376, %gather3A_61] : memref<32x1000xf32, #tpu.memory_space<vmem>>[vector<16xi32>, vector<16xi32>], vector<16xf32>,
      %gather3A_389 = tpu.vector_load_idx %arg10[%broadcast_in_dim3A_376, %gather3A_64] : memref<32x1000xf32, #tpu.memory_space<vmem>>[vector<16xi32>, vector<16xi32>], vector<16xf32>,
      %gather3A_390 = tpu.vector_load_idx %arg10[%broadcast_in_dim3A_376, %gather3A_67] : memref<32x1000xf32, #tpu.memory_space<vmem>>[vector<16xi32>, vector<16xi32>], vector<16xf32>,
      %gather3A_391 = tpu.vector_load_idx %arg10[%broadcast_in_dim3A_376, %gather3A_70] : memref<32x1000xf32, #tpu.memory_space<vmem>>[vector<16xi32>, vector<16xi32>], vector<16xf32>,
      %gather3A_392 = tpu.vector_load_idx %arg10[%broadcast_in_dim3A_376, %gather3A_73] : memref<32x1000xf32, #tpu.memory_space<vmem>>[vector<16xi32>, vector<16xi32>], vector<16xf32>,
      %gather3A_393 = tpu.vector_load_idx %arg10[%broadcast_in_dim3A_376, %gather3A_76] : memref<32x1000xf32, #tpu.memory_space<vmem>>[vector<16xi32>, vector<16xi32>], vector<16xf32>,
      %gather3A_394 = tpu.vector_load_idx %arg10[%broadcast_in_dim3A_376, %gather3A_79] : memref<32x1000xf32, #tpu.memory_space<vmem>>[vector<16xi32>, vector<16xi32>], vector<16xf32>,
      %gather3A_395 = tpu.vector_load_idx %arg10[%broadcast_in_dim3A_376, %gather3A_82] : memref<32x1000xf32, #tpu.memory_space<vmem>>[vector<16xi32>, vector<16xi32>], vector<16xf32>,
      %gather3A_396 = tpu.vector_load_idx %arg10[%broadcast_in_dim3A_376, %gather3A_85] : memref<32x1000xf32, #tpu.memory_space<vmem>>[vector<16xi32>, vector<16xi32>], vector<16xf32>,
      %add3A_397 = arith.addf %gather3A_377, %gather3A_378 : vector<16xf32>
      %add3A_398 = arith.addf %gather3A_379, %gather3A_380 : vector<16xf32>
      %add3A_399 = arith.addf %gather3A_381, %gather3A_382 : vector<16xf32>
      %add3A_400 = arith.addf %gather3A_383, %gather3A_384 : vector<16xf32>
      %add3A_401 = arith.addf %gather3A_385, %gather3A_386 : vector<16xf32>
      %add3A_402 = arith.addf %gather3A_387, %gather3A_388 : vector<16xf32>
      %add3A_403 = arith.addf %gather3A_389, %gather3A_390 : vector<16xf32>
      %add3A_404 = arith.addf %gather3A_391, %gather3A_392 : vector<16xf32>
      %add3A_405 = arith.addf %gather3A_393, %gather3A_394 : vector<16xf32>
      %add3A_406 = arith.addf %gather3A_395, %gather3A_396 : vector<16xf32>
      %add3A_407 = arith.addf %add3A_397, %add3A_398 : vector<16xf32>
      %add3A_408 = arith.addf %add3A_399, %add3A_400 : vector<16xf32>
      %add3A_409 = arith.addf %add3A_401, %add3A_402 : vector<16xf32>
      %add3A_410 = arith.addf %add3A_403, %add3A_404 : vector<16xf32>
      %add3A_411 = arith.addf %add3A_405, %add3A_406 : vector<16xf32>
      %add3A_412 = arith.addf %add3A_407, %add3A_408 : vector<16xf32>
      %add3A_413 = arith.addf %add3A_409, %add3A_410 : vector<16xf32>
      %add3A_414 = arith.addf %add3A_412, %add3A_413 : vector<16xf32>
      %add3A_415 = arith.addf %add3A_414, %add3A_411 : vector<16xf32>
      %mul3A_416 = arith.mulf %add3A_415, %div3A_206 : vector<16xf32>
      tpu.vector_store_idx %arg12[%broadcast_in_dim3A_376, %add3A_26], %mul3A_416 : memref<32x512xf32, #tpu.memory_space<vmem>>[vector<16xi32>, vector<16xi32>], vector<16xf32>,
      %broadcast_in_dim3A_417 = arith.constant 5 : i32
      %broadcast_in_dim3A_418 = vector.broadcast %broadcast_in_dim3A_417 : i32 to vector<16xi32>
      %gather3A_419 = tpu.vector_load_idx %arg10[%broadcast_in_dim3A_418, %gather3A] : memref<32x1000xf32, #tpu.memory_space<vmem>>[vector<16xi32>, vector<16xi32>], vector<16xf32>,
      %gather3A_420 = tpu.vector_load_idx %arg10[%broadcast_in_dim3A_418, %gather3A_31] : memref<32x1000xf32, #tpu.memory_space<vmem>>[vector<16xi32>, vector<16xi32>], vector<16xf32>,
      %gather3A_421 = tpu.vector_load_idx %arg10[%broadcast_in_dim3A_418, %gather3A_34] : memref<32x1000xf32, #tpu.memory_space<vmem>>[vector<16xi32>, vector<16xi32>], vector<16xf32>,
      %gather3A_422 = tpu.vector_load_idx %arg10[%broadcast_in_dim3A_418, %gather3A_37] : memref<32x1000xf32, #tpu.memory_space<vmem>>[vector<16xi32>, vector<16xi32>], vector<16xf32>,
      %gather3A_423 = tpu.vector_load_idx %arg10[%broadcast_in_dim3A_418, %gather3A_40] : memref<32x1000xf32, #tpu.memory_space<vmem>>[vector<16xi32>, vector<16xi32>], vector<16xf32>,
      %gather3A_424 = tpu.vector_load_idx %arg10[%broadcast_in_dim3A_418, %gather3A_43] : memref<32x1000xf32, #tpu.memory_space<vmem>>[vector<16xi32>, vector<16xi32>], vector<16xf32>,
      %gather3A_425 = tpu.vector_load_idx %arg10[%broadcast_in_dim3A_418, %gather3A_46] : memref<32x1000xf32, #tpu.memory_space<vmem>>[vector<16xi32>, vector<16xi32>], vector<16xf32>,
      %gather3A_426 = tpu.vector_load_idx %arg10[%broadcast_in_dim3A_418, %gather3A_49] : memref<32x1000xf32, #tpu.memory_space<vmem>>[vector<16xi32>, vector<16xi32>], vector<16xf32>,
      %gather3A_427 = tpu.vector_load_idx %arg10[%broadcast_in_dim3A_418, %gather3A_52] : memref<32x1000xf32, #tpu.memory_space<vmem>>[vector<16xi32>, vector<16xi32>], vector<16xf32>,
      %gather3A_428 = tpu.vector_load_idx %arg10[%broadcast_in_dim3A_418, %gather3A_55] : memref<32x1000xf32, #tpu.memory_space<vmem>>[vector<16xi32>, vector<16xi32>], vector<16xf32>,
      %gather3A_429 = tpu.vector_load_idx %arg10[%broadcast_in_dim3A_418, %gather3A_58] : memref<32x1000xf32, #tpu.memory_space<vmem>>[vector<16xi32>, vector<16xi32>], vector<16xf32>,
      %gather3A_430 = tpu.vector_load_idx %arg10[%broadcast_in_dim3A_418, %gather3A_61] : memref<32x1000xf32, #tpu.memory_space<vmem>>[vector<16xi32>, vector<16xi32>], vector<16xf32>,
      %gather3A_431 = tpu.vector_load_idx %arg10[%broadcast_in_dim3A_418, %gather3A_64] : memref<32x1000xf32, #tpu.memory_space<vmem>>[vector<16xi32>, vector<16xi32>], vector<16xf32>,
      %gather3A_432 = tpu.vector_load_idx %arg10[%broadcast_in_dim3A_418, %gather3A_67] : memref<32x1000xf32, #tpu.memory_space<vmem>>[vector<16xi32>, vector<16xi32>], vector<16xf32>,
      %gather3A_433 = tpu.vector_load_idx %arg10[%broadcast_in_dim3A_418, %gather3A_70] : memref<32x1000xf32, #tpu.memory_space<vmem>>[vector<16xi32>, vector<16xi32>], vector<16xf32>,
      %gather3A_434 = tpu.vector_load_idx %arg10[%broadcast_in_dim3A_418, %gather3A_73] : memref<32x1000xf32, #tpu.memory_space<vmem>>[vector<16xi32>, vector<16xi32>], vector<16xf32>,
      %gather3A_435 = tpu.vector_load_idx %arg10[%broadcast_in_dim3A_418, %gather3A_76] : memref<32x1000xf32, #tpu.memory_space<vmem>>[vector<16xi32>, vector<16xi32>], vector<16xf32>,
      %gather3A_436 = tpu.vector_load_idx %arg10[%broadcast_in_dim3A_418, %gather3A_79] : memref<32x1000xf32, #tpu.memory_space<vmem>>[vector<16xi32>, vector<16xi32>], vector<16xf32>,
      %gather3A_437 = tpu.vector_load_idx %arg10[%broadcast_in_dim3A_418, %gather3A_82] : memref<32x1000xf32, #tpu.memory_space<vmem>>[vector<16xi32>, vector<16xi32>], vector<16xf32>,
      %gather3A_438 = tpu.vector_load_idx %arg10[%broadcast_in_dim3A_418, %gather3A_85] : memref<32x1000xf32, #tpu.memory_space<vmem>>[vector<16xi32>, vector<16xi32>], vector<16xf32>,
      %add3A_439 = arith.addf %gather3A_419, %gather3A_420 : vector<16xf32>
      %add3A_440 = arith.addf %gather3A_421, %gather3A_422 : vector<16xf32>
      %add3A_441 = arith.addf %gather3A_423, %gather3A_424 : vector<16xf32>
      %add3A_442 = arith.addf %gather3A_425, %gather3A_426 : vector<16xf32>
      %add3A_443 = arith.addf %gather3A_427, %gather3A_428 : vector<16xf32>
      %add3A_444 = arith.addf %gather3A_429, %gather3A_430 : vector<16xf32>
      %add3A_445 = arith.addf %gather3A_431, %gather3A_432 : vector<16xf32>
      %add3A_446 = arith.addf %gather3A_433, %gather3A_434 : vector<16xf32>
      %add3A_447 = arith.addf %gather3A_435, %gather3A_436 : vector<16xf32>
      %add3A_448 = arith.addf %gather3A_437, %gather3A_438 : vector<16xf32>
      %add3A_449 = arith.addf %add3A_439, %add3A_440 : vector<16xf32>
      %add3A_450 = arith.addf %add3A_441, %add3A_442 : vector<16xf32>
      %add3A_451 = arith.addf %add3A_443, %add3A_444 : vector<16xf32>
      %add3A_452 = arith.addf %add3A_445, %add3A_446 : vector<16xf32>
      %add3A_453 = arith.addf %add3A_447, %add3A_448 : vector<16xf32>
      %add3A_454 = arith.addf %add3A_449, %add3A_450 : vector<16xf32>
      %add3A_455 = arith.addf %add3A_451, %add3A_452 : vector<16xf32>
      %add3A_456 = arith.addf %add3A_454, %add3A_455 : vector<16xf32>
      %add3A_457 = arith.addf %add3A_456, %add3A_453 : vector<16xf32>
      %mul3A_458 = arith.mulf %add3A_457, %div3A_206 : vector<16xf32>
      tpu.vector_store_idx %arg12[%broadcast_in_dim3A_418, %add3A_26], %mul3A_458 : memref<32x512xf32, #tpu.memory_space<vmem>>[vector<16xi32>, vector<16xi32>], vector<16xf32>,
      %broadcast_in_dim3A_459 = arith.constant 6 : i32
      %broadcast_in_dim3A_460 = vector.broadcast %broadcast_in_dim3A_459 : i32 to vector<16xi32>
      %gather3A_461 = tpu.vector_load_idx %arg10[%broadcast_in_dim3A_460, %gather3A] : memref<32x1000xf32, #tpu.memory_space<vmem>>[vector<16xi32>, vector<16xi32>], vector<16xf32>,
      %gather3A_462 = tpu.vector_load_idx %arg10[%broadcast_in_dim3A_460, %gather3A_31] : memref<32x1000xf32, #tpu.memory_space<vmem>>[vector<16xi32>, vector<16xi32>], vector<16xf32>,
      %gather3A_463 = tpu.vector_load_idx %arg10[%broadcast_in_dim3A_460, %gather3A_34] : memref<32x1000xf32, #tpu.memory_space<vmem>>[vector<16xi32>, vector<16xi32>], vector<16xf32>,
      %gather3A_464 = tpu.vector_load_idx %arg10[%broadcast_in_dim3A_460, %gather3A_37] : memref<32x1000xf32, #tpu.memory_space<vmem>>[vector<16xi32>, vector<16xi32>], vector<16xf32>,
      %gather3A_465 = tpu.vector_load_idx %arg10[%broadcast_in_dim3A_460, %gather3A_40] : memref<32x1000xf32, #tpu.memory_space<vmem>>[vector<16xi32>, vector<16xi32>], vector<16xf32>,
      %gather3A_466 = tpu.vector_load_idx %arg10[%broadcast_in_dim3A_460, %gather3A_43] : memref<32x1000xf32, #tpu.memory_space<vmem>>[vector<16xi32>, vector<16xi32>], vector<16xf32>,
      %gather3A_467 = tpu.vector_load_idx %arg10[%broadcast_in_dim3A_460, %gather3A_46] : memref<32x1000xf32, #tpu.memory_space<vmem>>[vector<16xi32>, vector<16xi32>], vector<16xf32>,
      %gather3A_468 = tpu.vector_load_idx %arg10[%broadcast_in_dim3A_460, %gather3A_49] : memref<32x1000xf32, #tpu.memory_space<vmem>>[vector<16xi32>, vector<16xi32>], vector<16xf32>,
      %gather3A_469 = tpu.vector_load_idx %arg10[%broadcast_in_dim3A_460, %gather3A_52] : memref<32x1000xf32, #tpu.memory_space<vmem>>[vector<16xi32>, vector<16xi32>], vector<16xf32>,
      %gather3A_470 = tpu.vector_load_idx %arg10[%broadcast_in_dim3A_460, %gather3A_55] : memref<32x1000xf32, #tpu.memory_space<vmem>>[vector<16xi32>, vector<16xi32>], vector<16xf32>,
      %gather3A_471 = tpu.vector_load_idx %arg10[%broadcast_in_dim3A_460, %gather3A_58] : memref<32x1000xf32, #tpu.memory_space<vmem>>[vector<16xi32>, vector<16xi32>], vector<16xf32>,
      %gather3A_472 = tpu.vector_load_idx %arg10[%broadcast_in_dim3A_460, %gather3A_61] : memref<32x1000xf32, #tpu.memory_space<vmem>>[vector<16xi32>, vector<16xi32>], vector<16xf32>,
      %gather3A_473 = tpu.vector_load_idx %arg10[%broadcast_in_dim3A_460, %gather3A_64] : memref<32x1000xf32, #tpu.memory_space<vmem>>[vector<16xi32>, vector<16xi32>], vector<16xf32>,
      %gather3A_474 = tpu.vector_load_idx %arg10[%broadcast_in_dim3A_460, %gather3A_67] : memref<32x1000xf32, #tpu.memory_space<vmem>>[vector<16xi32>, vector<16xi32>], vector<16xf32>,
      %gather3A_475 = tpu.vector_load_idx %arg10[%broadcast_in_dim3A_460, %gather3A_70] : memref<32x1000xf32, #tpu.memory_space<vmem>>[vector<16xi32>, vector<16xi32>], vector<16xf32>,
      %gather3A_476 = tpu.vector_load_idx %arg10[%broadcast_in_dim3A_460, %gather3A_73] : memref<32x1000xf32, #tpu.memory_space<vmem>>[vector<16xi32>, vector<16xi32>], vector<16xf32>,
      %gather3A_477 = tpu.vector_load_idx %arg10[%broadcast_in_dim3A_460, %gather3A_76] : memref<32x1000xf32, #tpu.memory_space<vmem>>[vector<16xi32>, vector<16xi32>], vector<16xf32>,
      %gather3A_478 = tpu.vector_load_idx %arg10[%broadcast_in_dim3A_460, %gather3A_79] : memref<32x1000xf32, #tpu.memory_space<vmem>>[vector<16xi32>, vector<16xi32>], vector<16xf32>,
      %gather3A_479 = tpu.vector_load_idx %arg10[%broadcast_in_dim3A_460, %gather3A_82] : memref<32x1000xf32, #tpu.memory_space<vmem>>[vector<16xi32>, vector<16xi32>], vector<16xf32>,
      %gather3A_480 = tpu.vector_load_idx %arg10[%broadcast_in_dim3A_460, %gather3A_85] : memref<32x1000xf32, #tpu.memory_space<vmem>>[vector<16xi32>, vector<16xi32>], vector<16xf32>,
      %add3A_481 = arith.addf %gather3A_461, %gather3A_462 : vector<16xf32>
      %add3A_482 = arith.addf %gather3A_463, %gather3A_464 : vector<16xf32>
      %add3A_483 = arith.addf %gather3A_465, %gather3A_466 : vector<16xf32>
      %add3A_484 = arith.addf %gather3A_467, %gather3A_468 : vector<16xf32>
      %add3A_485 = arith.addf %gather3A_469, %gather3A_470 : vector<16xf32>
      %add3A_486 = arith.addf %gather3A_471, %gather3A_472 : vector<16xf32>
      %add3A_487 = arith.addf %gather3A_473, %gather3A_474 : vector<16xf32>
      %add3A_488 = arith.addf %gather3A_475, %gather3A_476 : vector<16xf32>
      %add3A_489 = arith.addf %gather3A_477, %gather3A_478 : vector<16xf32>
      %add3A_490 = arith.addf %gather3A_479, %gather3A_480 : vector<16xf32>
      %add3A_491 = arith.addf %add3A_481, %add3A_482 : vector<16xf32>
      %add3A_492 = arith.addf %add3A_483, %add3A_484 : vector<16xf32>
      %add3A_493 = arith.addf %add3A_485, %add3A_486 : vector<16xf32>
      %add3A_494 = arith.addf %add3A_487, %add3A_488 : vector<16xf32>
      %add3A_495 = arith.addf %add3A_489, %add3A_490 : vector<16xf32>
      %add3A_496 = arith.addf %add3A_491, %add3A_492 : vector<16xf32>
      %add3A_497 = arith.addf %add3A_493, %add3A_494 : vector<16xf32>
      %add3A_498 = arith.addf %add3A_496, %add3A_497 : vector<16xf32>
      %add3A_499 = arith.addf %add3A_498, %add3A_495 : vector<16xf32>
      %mul3A_500 = arith.mulf %add3A_499, %div3A_206 : vector<16xf32>
      tpu.vector_store_idx %arg12[%broadcast_in_dim3A_460, %add3A_26], %mul3A_500 : memref<32x512xf32, #tpu.memory_space<vmem>>[vector<16xi32>, vector<16xi32>], vector<16xf32>,
      %broadcast_in_dim3A_501 = arith.constant 7 : i32
      %broadcast_in_dim3A_502 = vector.broadcast %broadcast_in_dim3A_501 : i32 to vector<16xi32>
      %gather3A_503 = tpu.vector_load_idx %arg10[%broadcast_in_dim3A_502, %gather3A] : memref<32x1000xf32, #tpu.memory_space<vmem>>[vector<16xi32>, vector<16xi32>], vector<16xf32>,
      %gather3A_504 = tpu.vector_load_idx %arg10[%broadcast_in_dim3A_502, %gather3A_31] : memref<32x1000xf32, #tpu.memory_space<vmem>>[vector<16xi32>, vector<16xi32>], vector<16xf32>,
      %gather3A_505 = tpu.vector_load_idx %arg10[%broadcast_in_dim3A_502, %gather3A_34] : memref<32x1000xf32, #tpu.memory_space<vmem>>[vector<16xi32>, vector<16xi32>], vector<16xf32>,
      %gather3A_506 = tpu.vector_load_idx %arg10[%broadcast_in_dim3A_502, %gather3A_37] : memref<32x1000xf32, #tpu.memory_space<vmem>>[vector<16xi32>, vector<16xi32>], vector<16xf32>,
      %gather3A_507 = tpu.vector_load_idx %arg10[%broadcast_in_dim3A_502, %gather3A_40] : memref<32x1000xf32, #tpu.memory_space<vmem>>[vector<16xi32>, vector<16xi32>], vector<16xf32>,
      %gather3A_508 = tpu.vector_load_idx %arg10[%broadcast_in_dim3A_502, %gather3A_43] : memref<32x1000xf32, #tpu.memory_space<vmem>>[vector<16xi32>, vector<16xi32>], vector<16xf32>,
      %gather3A_509 = tpu.vector_load_idx %arg10[%broadcast_in_dim3A_502, %gather3A_46] : memref<32x1000xf32, #tpu.memory_space<vmem>>[vector<16xi32>, vector<16xi32>], vector<16xf32>,
      %gather3A_510 = tpu.vector_load_idx %arg10[%broadcast_in_dim3A_502, %gather3A_49] : memref<32x1000xf32, #tpu.memory_space<vmem>>[vector<16xi32>, vector<16xi32>], vector<16xf32>,
      %gather3A_511 = tpu.vector_load_idx %arg10[%broadcast_in_dim3A_502, %gather3A_52] : memref<32x1000xf32, #tpu.memory_space<vmem>>[vector<16xi32>, vector<16xi32>], vector<16xf32>,
      %gather3A_512 = tpu.vector_load_idx %arg10[%broadcast_in_dim3A_502, %gather3A_55] : memref<32x1000xf32, #tpu.memory_space<vmem>>[vector<16xi32>, vector<16xi32>], vector<16xf32>,
      %gather3A_513 = tpu.vector_load_idx %arg10[%broadcast_in_dim3A_502, %gather3A_58] : memref<32x1000xf32, #tpu.memory_space<vmem>>[vector<16xi32>, vector<16xi32>], vector<16xf32>,
      %gather3A_514 = tpu.vector_load_idx %arg10[%broadcast_in_dim3A_502, %gather3A_61] : memref<32x1000xf32, #tpu.memory_space<vmem>>[vector<16xi32>, vector<16xi32>], vector<16xf32>,
      %gather3A_515 = tpu.vector_load_idx %arg10[%broadcast_in_dim3A_502, %gather3A_64] : memref<32x1000xf32, #tpu.memory_space<vmem>>[vector<16xi32>, vector<16xi32>], vector<16xf32>,
      %gather3A_516 = tpu.vector_load_idx %arg10[%broadcast_in_dim3A_502, %gather3A_67] : memref<32x1000xf32, #tpu.memory_space<vmem>>[vector<16xi32>, vector<16xi32>], vector<16xf32>,
      %gather3A_517 = tpu.vector_load_idx %arg10[%broadcast_in_dim3A_502, %gather3A_70] : memref<32x1000xf32, #tpu.memory_space<vmem>>[vector<16xi32>, vector<16xi32>], vector<16xf32>,
      %gather3A_518 = tpu.vector_load_idx %arg10[%broadcast_in_dim3A_502, %gather3A_73] : memref<32x1000xf32, #tpu.memory_space<vmem>>[vector<16xi32>, vector<16xi32>], vector<16xf32>,
      %gather3A_519 = tpu.vector_load_idx %arg10[%broadcast_in_dim3A_502, %gather3A_76] : memref<32x1000xf32, #tpu.memory_space<vmem>>[vector<16xi32>, vector<16xi32>], vector<16xf32>,
      %gather3A_520 = tpu.vector_load_idx %arg10[%broadcast_in_dim3A_502, %gather3A_79] : memref<32x1000xf32, #tpu.memory_space<vmem>>[vector<16xi32>, vector<16xi32>], vector<16xf32>,
      %gather3A_521 = tpu.vector_load_idx %arg10[%broadcast_in_dim3A_502, %gather3A_82] : memref<32x1000xf32, #tpu.memory_space<vmem>>[vector<16xi32>, vector<16xi32>], vector<16xf32>,
      %gather3A_522 = tpu.vector_load_idx %arg10[%broadcast_in_dim3A_502, %gather3A_85] : memref<32x1000xf32, #tpu.memory_space<vmem>>[vector<16xi32>, vector<16xi32>], vector<16xf32>,
      %add3A_523 = arith.addf %gather3A_503, %gather3A_504 : vector<16xf32>
      %add3A_524 = arith.addf %gather3A_505, %gather3A_506 : vector<16xf32>
      %add3A_525 = arith.addf %gather3A_507, %gather3A_508 : vector<16xf32>
      %add3A_526 = arith.addf %gather3A_509, %gather3A_510 : vector<16xf32>
      %add3A_527 = arith.addf %gather3A_511, %gather3A_512 : vector<16xf32>
      %add3A_528 = arith.addf %gather3A_513, %gather3A_514 : vector<16xf32>
      %add3A_529 = arith.addf %gather3A_515, %gather3A_516 : vector<16xf32>
      %add3A_530 = arith.addf %gather3A_517, %gather3A_518 : vector<16xf32>
      %add3A_531 = arith.addf %gather3A_519, %gather3A_520 : vector<16xf32>
      %add3A_532 = arith.addf %gather3A_521, %gather3A_522 : vector<16xf32>
      %add3A_533 = arith.addf %add3A_523, %add3A_524 : vector<16xf32>
      %add3A_534 = arith.addf %add3A_525, %add3A_526 : vector<16xf32>
      %add3A_535 = arith.addf %add3A_527, %add3A_528 : vector<16xf32>
      %add3A_536 = arith.addf %add3A_529, %add3A_530 : vector<16xf32>
      %add3A_537 = arith.addf %add3A_531, %add3A_532 : vector<16xf32>
      %add3A_538 = arith.addf %add3A_533, %add3A_534 : vector<16xf32>
      %add3A_539 = arith.addf %add3A_535, %add3A_536 : vector<16xf32>
      %add3A_540 = arith.addf %add3A_538, %add3A_539 : vector<16xf32>
      %add3A_541 = arith.addf %add3A_540, %add3A_537 : vector<16xf32>
      %mul3A_542 = arith.mulf %add3A_541, %div3A_206 : vector<16xf32>
      tpu.vector_store_idx %arg12[%broadcast_in_dim3A_502, %add3A_26], %mul3A_542 : memref<32x512xf32, #tpu.memory_space<vmem>>[vector<16xi32>, vector<16xi32>], vector<16xf32>,
      %broadcast_in_dim3A_543 = arith.constant 8 : i32
      %broadcast_in_dim3A_544 = vector.broadcast %broadcast_in_dim3A_543 : i32 to vector<16xi32>
      %gather3A_545 = tpu.vector_load_idx %arg10[%broadcast_in_dim3A_544, %gather3A] : memref<32x1000xf32, #tpu.memory_space<vmem>>[vector<16xi32>, vector<16xi32>], vector<16xf32>,
      %gather3A_546 = tpu.vector_load_idx %arg10[%broadcast_in_dim3A_544, %gather3A_31] : memref<32x1000xf32, #tpu.memory_space<vmem>>[vector<16xi32>, vector<16xi32>], vector<16xf32>,
      %gather3A_547 = tpu.vector_load_idx %arg10[%broadcast_in_dim3A_544, %gather3A_34] : memref<32x1000xf32, #tpu.memory_space<vmem>>[vector<16xi32>, vector<16xi32>], vector<16xf32>,
      %gather3A_548 = tpu.vector_load_idx %arg10[%broadcast_in_dim3A_544, %gather3A_37] : memref<32x1000xf32, #tpu.memory_space<vmem>>[vector<16xi32>, vector<16xi32>], vector<16xf32>,
      %gather3A_549 = tpu.vector_load_idx %arg10[%broadcast_in_dim3A_544, %gather3A_40] : memref<32x1000xf32, #tpu.memory_space<vmem>>[vector<16xi32>, vector<16xi32>], vector<16xf32>,
      %gather3A_550 = tpu.vector_load_idx %arg10[%broadcast_in_dim3A_544, %gather3A_43] : memref<32x1000xf32, #tpu.memory_space<vmem>>[vector<16xi32>, vector<16xi32>], vector<16xf32>,
      %gather3A_551 = tpu.vector_load_idx %arg10[%broadcast_in_dim3A_544, %gather3A_46] : memref<32x1000xf32, #tpu.memory_space<vmem>>[vector<16xi32>, vector<16xi32>], vector<16xf32>,
      %gather3A_552 = tpu.vector_load_idx %arg10[%broadcast_in_dim3A_544, %gather3A_49] : memref<32x1000xf32, #tpu.memory_space<vmem>>[vector<16xi32>, vector<16xi32>], vector<16xf32>,
      %gather3A_553 = tpu.vector_load_idx %arg10[%broadcast_in_dim3A_544, %gather3A_52] : memref<32x1000xf32, #tpu.memory_space<vmem>>[vector<16xi32>, vector<16xi32>], vector<16xf32>,
      %gather3A_554 = tpu.vector_load_idx %arg10[%broadcast_in_dim3A_544, %gather3A_55] : memref<32x1000xf32, #tpu.memory_space<vmem>>[vector<16xi32>, vector<16xi32>], vector<16xf32>,
      %gather3A_555 = tpu.vector_load_idx %arg10[%broadcast_in_dim3A_544, %gather3A_58] : memref<32x1000xf32, #tpu.memory_space<vmem>>[vector<16xi32>, vector<16xi32>], vector<16xf32>,
      %gather3A_556 = tpu.vector_load_idx %arg10[%broadcast_in_dim3A_544, %gather3A_61] : memref<32x1000xf32, #tpu.memory_space<vmem>>[vector<16xi32>, vector<16xi32>], vector<16xf32>,
      %gather3A_557 = tpu.vector_load_idx %arg10[%broadcast_in_dim3A_544, %gather3A_64] : memref<32x1000xf32, #tpu.memory_space<vmem>>[vector<16xi32>, vector<16xi32>], vector<16xf32>,
      %gather3A_558 = tpu.vector_load_idx %arg10[%broadcast_in_dim3A_544, %gather3A_67] : memref<32x1000xf32, #tpu.memory_space<vmem>>[vector<16xi32>, vector<16xi32>], vector<16xf32>,
      %gather3A_559 = tpu.vector_load_idx %arg10[%broadcast_in_dim3A_544, %gather3A_70] : memref<32x1000xf32, #tpu.memory_space<vmem>>[vector<16xi32>, vector<16xi32>], vector<16xf32>,
      %gather3A_560 = tpu.vector_load_idx %arg10[%broadcast_in_dim3A_544, %gather3A_73] : memref<32x1000xf32, #tpu.memory_space<vmem>>[vector<16xi32>, vector<16xi32>], vector<16xf32>,
      %gather3A_561 = tpu.vector_load_idx %arg10[%broadcast_in_dim3A_544, %gather3A_76] : memref<32x1000xf32, #tpu.memory_space<vmem>>[vector<16xi32>, vector<16xi32>], vector<16xf32>,
      %gather3A_562 = tpu.vector_load_idx %arg10[%broadcast_in_dim3A_544, %gather3A_79] : memref<32x1000xf32, #tpu.memory_space<vmem>>[vector<16xi32>, vector<16xi32>], vector<16xf32>,
      %gather3A_563 = tpu.vector_load_idx %arg10[%broadcast_in_dim3A_544, %gather3A_82] : memref<32x1000xf32, #tpu.memory_space<vmem>>[vector<16xi32>, vector<16xi32>], vector<16xf32>,
      %gather3A_564 = tpu.vector_load_idx %arg10[%broadcast_in_dim3A_544, %gather3A_85] : memref<32x1000xf32, #tpu.memory_space<vmem>>[vector<16xi32>, vector<16xi32>], vector<16xf32>,
      %add3A_565 = arith.addf %gather3A_545, %gather3A_546 : vector<16xf32>
      %add3A_566 = arith.addf %gather3A_547, %gather3A_548 : vector<16xf32>
      %add3A_567 = arith.addf %gather3A_549, %gather3A_550 : vector<16xf32>
      %add3A_568 = arith.addf %gather3A_551, %gather3A_552 : vector<16xf32>
      %add3A_569 = arith.addf %gather3A_553, %gather3A_554 : vector<16xf32>
      %add3A_570 = arith.addf %gather3A_555, %gather3A_556 : vector<16xf32>
      %add3A_571 = arith.addf %gather3A_557, %gather3A_558 : vector<16xf32>
      %add3A_572 = arith.addf %gather3A_559, %gather3A_560 : vector<16xf32>
      %add3A_573 = arith.addf %gather3A_561, %gather3A_562 : vector<16xf32>
      %add3A_574 = arith.addf %gather3A_563, %gather3A_564 : vector<16xf32>
      %add3A_575 = arith.addf %add3A_565, %add3A_566 : vector<16xf32>
      %add3A_576 = arith.addf %add3A_567, %add3A_568 : vector<16xf32>
      %add3A_577 = arith.addf %add3A_569, %add3A_570 : vector<16xf32>
      %add3A_578 = arith.addf %add3A_571, %add3A_572 : vector<16xf32>
      %add3A_579 = arith.addf %add3A_573, %add3A_574 : vector<16xf32>
      %add3A_580 = arith.addf %add3A_575, %add3A_576 : vector<16xf32>
      %add3A_581 = arith.addf %add3A_577, %add3A_578 : vector<16xf32>
      %add3A_582 = arith.addf %add3A_580, %add3A_581 : vector<16xf32>
      %add3A_583 = arith.addf %add3A_582, %add3A_579 : vector<16xf32>
      %mul3A_584 = arith.mulf %add3A_583, %div3A_206 : vector<16xf32>
      tpu.vector_store_idx %arg12[%broadcast_in_dim3A_544, %add3A_26], %mul3A_584 : memref<32x512xf32, #tpu.memory_space<vmem>>[vector<16xi32>, vector<16xi32>], vector<16xf32>,
      %broadcast_in_dim3A_585 = arith.constant 9 : i32
      %broadcast_in_dim3A_586 = vector.broadcast %broadcast_in_dim3A_585 : i32 to vector<16xi32>
      %gather3A_587 = tpu.vector_load_idx %arg10[%broadcast_in_dim3A_586, %gather3A] : memref<32x1000xf32, #tpu.memory_space<vmem>>[vector<16xi32>, vector<16xi32>], vector<16xf32>,
      %gather3A_588 = tpu.vector_load_idx %arg10[%broadcast_in_dim3A_586, %gather3A_31] : memref<32x1000xf32, #tpu.memory_space<vmem>>[vector<16xi32>, vector<16xi32>], vector<16xf32>,
      %gather3A_589 = tpu.vector_load_idx %arg10[%broadcast_in_dim3A_586, %gather3A_34] : memref<32x1000xf32, #tpu.memory_space<vmem>>[vector<16xi32>, vector<16xi32>], vector<16xf32>,
      %gather3A_590 = tpu.vector_load_idx %arg10[%broadcast_in_dim3A_586, %gather3A_37] : memref<32x1000xf32, #tpu.memory_space<vmem>>[vector<16xi32>, vector<16xi32>], vector<16xf32>,
      %gather3A_591 = tpu.vector_load_idx %arg10[%broadcast_in_dim3A_586, %gather3A_40] : memref<32x1000xf32, #tpu.memory_space<vmem>>[vector<16xi32>, vector<16xi32>], vector<16xf32>,
      %gather3A_592 = tpu.vector_load_idx %arg10[%broadcast_in_dim3A_586, %gather3A_43] : memref<32x1000xf32, #tpu.memory_space<vmem>>[vector<16xi32>, vector<16xi32>], vector<16xf32>,
      %gather3A_593 = tpu.vector_load_idx %arg10[%broadcast_in_dim3A_586, %gather3A_46] : memref<32x1000xf32, #tpu.memory_space<vmem>>[vector<16xi32>, vector<16xi32>], vector<16xf32>,
      %gather3A_594 = tpu.vector_load_idx %arg10[%broadcast_in_dim3A_586, %gather3A_49] : memref<32x1000xf32, #tpu.memory_space<vmem>>[vector<16xi32>, vector<16xi32>], vector<16xf32>,
      %gather3A_595 = tpu.vector_load_idx %arg10[%broadcast_in_dim3A_586, %gather3A_52] : memref<32x1000xf32, #tpu.memory_space<vmem>>[vector<16xi32>, vector<16xi32>], vector<16xf32>,
      %gather3A_596 = tpu.vector_load_idx %arg10[%broadcast_in_dim3A_586, %gather3A_55] : memref<32x1000xf32, #tpu.memory_space<vmem>>[vector<16xi32>, vector<16xi32>], vector<16xf32>,
      %gather3A_597 = tpu.vector_load_idx %arg10[%broadcast_in_dim3A_586, %gather3A_58] : memref<32x1000xf32, #tpu.memory_space<vmem>>[vector<16xi32>, vector<16xi32>], vector<16xf32>,
      %gather3A_598 = tpu.vector_load_idx %arg10[%broadcast_in_dim3A_586, %gather3A_61] : memref<32x1000xf32, #tpu.memory_space<vmem>>[vector<16xi32>, vector<16xi32>], vector<16xf32>,
      %gather3A_599 = tpu.vector_load_idx %arg10[%broadcast_in_dim3A_586, %gather3A_64] : memref<32x1000xf32, #tpu.memory_space<vmem>>[vector<16xi32>, vector<16xi32>], vector<16xf32>,
      %gather3A_600 = tpu.vector_load_idx %arg10[%broadcast_in_dim3A_586, %gather3A_67] : memref<32x1000xf32, #tpu.memory_space<vmem>>[vector<16xi32>, vector<16xi32>], vector<16xf32>,
      %gather3A_601 = tpu.vector_load_idx %arg10[%broadcast_in_dim3A_586, %gather3A_70] : memref<32x1000xf32, #tpu.memory_space<vmem>>[vector<16xi32>, vector<16xi32>], vector<16xf32>,
      %gather3A_602 = tpu.vector_load_idx %arg10[%broadcast_in_dim3A_586, %gather3A_73] : memref<32x1000xf32, #tpu.memory_space<vmem>>[vector<16xi32>, vector<16xi32>], vector<16xf32>,
      %gather3A_603 = tpu.vector_load_idx %arg10[%broadcast_in_dim3A_586, %gather3A_76] : memref<32x1000xf32, #tpu.memory_space<vmem>>[vector<16xi32>, vector<16xi32>], vector<16xf32>,
      %gather3A_604 = tpu.vector_load_idx %arg10[%broadcast_in_dim3A_586, %gather3A_79] : memref<32x1000xf32, #tpu.memory_space<vmem>>[vector<16xi32>, vector<16xi32>], vector<16xf32>,
      %gather3A_605 = tpu.vector_load_idx %arg10[%broadcast_in_dim3A_586, %gather3A_82] : memref<32x1000xf32, #tpu.memory_space<vmem>>[vector<16xi32>, vector<16xi32>], vector<16xf32>,
      %gather3A_606 = tpu.vector_load_idx %arg10[%broadcast_in_dim3A_586, %gather3A_85] : memref<32x1000xf32, #tpu.memory_space<vmem>>[vector<16xi32>, vector<16xi32>], vector<16xf32>,
      %add3A_607 = arith.addf %gather3A_587, %gather3A_588 : vector<16xf32>
      %add3A_608 = arith.addf %gather3A_589, %gather3A_590 : vector<16xf32>
      %add3A_609 = arith.addf %gather3A_591, %gather3A_592 : vector<16xf32>
      %add3A_610 = arith.addf %gather3A_593, %gather3A_594 : vector<16xf32>
      %add3A_611 = arith.addf %gather3A_595, %gather3A_596 : vector<16xf32>
      %add3A_612 = arith.addf %gather3A_597, %gather3A_598 : vector<16xf32>
      %add3A_613 = arith.addf %gather3A_599, %gather3A_600 : vector<16xf32>
      %add3A_614 = arith.addf %gather3A_601, %gather3A_602 : vector<16xf32>
      %add3A_615 = arith.addf %gather3A_603, %gather3A_604 : vector<16xf32>
      %add3A_616 = arith.addf %gather3A_605, %gather3A_606 : vector<16xf32>
      %add3A_617 = arith.addf %add3A_607, %add3A_608 : vector<16xf32>
      %add3A_618 = arith.addf %add3A_609, %add3A_610 : vector<16xf32>
      %add3A_619 = arith.addf %add3A_611, %add3A_612 : vector<16xf32>
      %add3A_620 = arith.addf %add3A_613, %add3A_614 : vector<16xf32>
      %add3A_621 = arith.addf %add3A_615, %add3A_616 : vector<16xf32>
      %add3A_622 = arith.addf %add3A_617, %add3A_618 : vector<16xf32>
      %add3A_623 = arith.addf %add3A_619, %add3A_620 : vector<16xf32>
      %add3A_624 = arith.addf %add3A_622, %add3A_623 : vector<16xf32>
      %add3A_625 = arith.addf %add3A_624, %add3A_621 : vector<16xf32>
      %mul3A_626 = arith.mulf %add3A_625, %div3A_206 : vector<16xf32>
      tpu.vector_store_idx %arg12[%broadcast_in_dim3A_586, %add3A_26], %mul3A_626 : memref<32x512xf32, #tpu.memory_space<vmem>>[vector<16xi32>, vector<16xi32>], vector<16xf32>,
      %broadcast_in_dim3A_627 = arith.constant 10 : i32
      %broadcast_in_dim3A_628 = vector.broadcast %broadcast_in_dim3A_627 : i32 to vector<16xi32>
      %gather3A_629 = tpu.vector_load_idx %arg10[%broadcast_in_dim3A_628, %gather3A] : memref<32x1000xf32, #tpu.memory_space<vmem>>[vector<16xi32>, vector<16xi32>], vector<16xf32>,
      %gather3A_630 = tpu.vector_load_idx %arg10[%broadcast_in_dim3A_628, %gather3A_31] : memref<32x1000xf32, #tpu.memory_space<vmem>>[vector<16xi32>, vector<16xi32>], vector<16xf32>,
      %gather3A_631 = tpu.vector_load_idx %arg10[%broadcast_in_dim3A_628, %gather3A_34] : memref<32x1000xf32, #tpu.memory_space<vmem>>[vector<16xi32>, vector<16xi32>], vector<16xf32>,
      %gather3A_632 = tpu.vector_load_idx %arg10[%broadcast_in_dim3A_628, %gather3A_37] : memref<32x1000xf32, #tpu.memory_space<vmem>>[vector<16xi32>, vector<16xi32>], vector<16xf32>,
      %gather3A_633 = tpu.vector_load_idx %arg10[%broadcast_in_dim3A_628, %gather3A_40] : memref<32x1000xf32, #tpu.memory_space<vmem>>[vector<16xi32>, vector<16xi32>], vector<16xf32>,
      %gather3A_634 = tpu.vector_load_idx %arg10[%broadcast_in_dim3A_628, %gather3A_43] : memref<32x1000xf32, #tpu.memory_space<vmem>>[vector<16xi32>, vector<16xi32>], vector<16xf32>,
      %gather3A_635 = tpu.vector_load_idx %arg10[%broadcast_in_dim3A_628, %gather3A_46] : memref<32x1000xf32, #tpu.memory_space<vmem>>[vector<16xi32>, vector<16xi32>], vector<16xf32>,
      %gather3A_636 = tpu.vector_load_idx %arg10[%broadcast_in_dim3A_628, %gather3A_49] : memref<32x1000xf32, #tpu.memory_space<vmem>>[vector<16xi32>, vector<16xi32>], vector<16xf32>,
      %gather3A_637 = tpu.vector_load_idx %arg10[%broadcast_in_dim3A_628, %gather3A_52] : memref<32x1000xf32, #tpu.memory_space<vmem>>[vector<16xi32>, vector<16xi32>], vector<16xf32>,
      %gather3A_638 = tpu.vector_load_idx %arg10[%broadcast_in_dim3A_628, %gather3A_55] : memref<32x1000xf32, #tpu.memory_space<vmem>>[vector<16xi32>, vector<16xi32>], vector<16xf32>,
      %gather3A_639 = tpu.vector_load_idx %arg10[%broadcast_in_dim3A_628, %gather3A_58] : memref<32x1000xf32, #tpu.memory_space<vmem>>[vector<16xi32>, vector<16xi32>], vector<16xf32>,
      %gather3A_640 = tpu.vector_load_idx %arg10[%broadcast_in_dim3A_628, %gather3A_61] : memref<32x1000xf32, #tpu.memory_space<vmem>>[vector<16xi32>, vector<16xi32>], vector<16xf32>,
      %gather3A_641 = tpu.vector_load_idx %arg10[%broadcast_in_dim3A_628, %gather3A_64] : memref<32x1000xf32, #tpu.memory_space<vmem>>[vector<16xi32>, vector<16xi32>], vector<16xf32>,
      %gather3A_642 = tpu.vector_load_idx %arg10[%broadcast_in_dim3A_628, %gather3A_67] : memref<32x1000xf32, #tpu.memory_space<vmem>>[vector<16xi32>, vector<16xi32>], vector<16xf32>,
      %gather3A_643 = tpu.vector_load_idx %arg10[%broadcast_in_dim3A_628, %gather3A_70] : memref<32x1000xf32, #tpu.memory_space<vmem>>[vector<16xi32>, vector<16xi32>], vector<16xf32>,
      %gather3A_644 = tpu.vector_load_idx %arg10[%broadcast_in_dim3A_628, %gather3A_73] : memref<32x1000xf32, #tpu.memory_space<vmem>>[vector<16xi32>, vector<16xi32>], vector<16xf32>,
      %gather3A_645 = tpu.vector_load_idx %arg10[%broadcast_in_dim3A_628, %gather3A_76] : memref<32x1000xf32, #tpu.memory_space<vmem>>[vector<16xi32>, vector<16xi32>], vector<16xf32>,
      %gather3A_646 = tpu.vector_load_idx %arg10[%broadcast_in_dim3A_628, %gather3A_79] : memref<32x1000xf32, #tpu.memory_space<vmem>>[vector<16xi32>, vector<16xi32>], vector<16xf32>,
      %gather3A_647 = tpu.vector_load_idx %arg10[%broadcast_in_dim3A_628, %gather3A_82] : memref<32x1000xf32, #tpu.memory_space<vmem>>[vector<16xi32>, vector<16xi32>], vector<16xf32>,
      %gather3A_648 = tpu.vector_load_idx %arg10[%broadcast_in_dim3A_628, %gather3A_85] : memref<32x1000xf32, #tpu.memory_space<vmem>>[vector<16xi32>, vector<16xi32>], vector<16xf32>,
      %add3A_649 = arith.addf %gather3A_629, %gather3A_630 : vector<16xf32>
      %add3A_650 = arith.addf %gather3A_631, %gather3A_632 : vector<16xf32>
      %add3A_651 = arith.addf %gather3A_633, %gather3A_634 : vector<16xf32>
      %add3A_652 = arith.addf %gather3A_635, %gather3A_636 : vector<16xf32>
      %add3A_653 = arith.addf %gather3A_637, %gather3A_638 : vector<16xf32>
      %add3A_654 = arith.addf %gather3A_639, %gather3A_640 : vector<16xf32>
      %add3A_655 = arith.addf %gather3A_641, %gather3A_642 : vector<16xf32>
      %add3A_656 = arith.addf %gather3A_643, %gather3A_644 : vector<16xf32>
      %add3A_657 = arith.addf %gather3A_645, %gather3A_646 : vector<16xf32>
      %add3A_658 = arith.addf %gather3A_647, %gather3A_648 : vector<16xf32>
      %add3A_659 = arith.addf %add3A_649, %add3A_650 : vector<16xf32>
      %add3A_660 = arith.addf %add3A_651, %add3A_652 : vector<16xf32>
      %add3A_661 = arith.addf %add3A_653, %add3A_654 : vector<16xf32>
      %add3A_662 = arith.addf %add3A_655, %add3A_656 : vector<16xf32>
      %add3A_663 = arith.addf %add3A_657, %add3A_658 : vector<16xf32>
      %add3A_664 = arith.addf %add3A_659, %add3A_660 : vector<16xf32>
      %add3A_665 = arith.addf %add3A_661, %add3A_662 : vector<16xf32>
      %add3A_666 = arith.addf %add3A_664, %add3A_665 : vector<16xf32>
      %add3A_667 = arith.addf %add3A_666, %add3A_663 : vector<16xf32>
      %mul3A_668 = arith.mulf %add3A_667, %div3A_206 : vector<16xf32>
      tpu.vector_store_idx %arg12[%broadcast_in_dim3A_628, %add3A_26], %mul3A_668 : memref<32x512xf32, #tpu.memory_space<vmem>>[vector<16xi32>, vector<16xi32>], vector<16xf32>,
      %broadcast_in_dim3A_669 = arith.constant 11 : i32
      %broadcast_in_dim3A_670 = vector.broadcast %broadcast_in_dim3A_669 : i32 to vector<16xi32>
      %gather3A_671 = tpu.vector_load_idx %arg10[%broadcast_in_dim3A_670, %gather3A] : memref<32x1000xf32, #tpu.memory_space<vmem>>[vector<16xi32>, vector<16xi32>], vector<16xf32>,
      %gather3A_672 = tpu.vector_load_idx %arg10[%broadcast_in_dim3A_670, %gather3A_31] : memref<32x1000xf32, #tpu.memory_space<vmem>>[vector<16xi32>, vector<16xi32>], vector<16xf32>,
      %gather3A_673 = tpu.vector_load_idx %arg10[%broadcast_in_dim3A_670, %gather3A_34] : memref<32x1000xf32, #tpu.memory_space<vmem>>[vector<16xi32>, vector<16xi32>], vector<16xf32>,
      %gather3A_674 = tpu.vector_load_idx %arg10[%broadcast_in_dim3A_670, %gather3A_37] : memref<32x1000xf32, #tpu.memory_space<vmem>>[vector<16xi32>, vector<16xi32>], vector<16xf32>,
      %gather3A_675 = tpu.vector_load_idx %arg10[%broadcast_in_dim3A_670, %gather3A_40] : memref<32x1000xf32, #tpu.memory_space<vmem>>[vector<16xi32>, vector<16xi32>], vector<16xf32>,
      %gather3A_676 = tpu.vector_load_idx %arg10[%broadcast_in_dim3A_670, %gather3A_43] : memref<32x1000xf32, #tpu.memory_space<vmem>>[vector<16xi32>, vector<16xi32>], vector<16xf32>,
      %gather3A_677 = tpu.vector_load_idx %arg10[%broadcast_in_dim3A_670, %gather3A_46] : memref<32x1000xf32, #tpu.memory_space<vmem>>[vector<16xi32>, vector<16xi32>], vector<16xf32>,
      %gather3A_678 = tpu.vector_load_idx %arg10[%broadcast_in_dim3A_670, %gather3A_49] : memref<32x1000xf32, #tpu.memory_space<vmem>>[vector<16xi32>, vector<16xi32>], vector<16xf32>,
      %gather3A_679 = tpu.vector_load_idx %arg10[%broadcast_in_dim3A_670, %gather3A_52] : memref<32x1000xf32, #tpu.memory_space<vmem>>[vector<16xi32>, vector<16xi32>], vector<16xf32>,
      %gather3A_680 = tpu.vector_load_idx %arg10[%broadcast_in_dim3A_670, %gather3A_55] : memref<32x1000xf32, #tpu.memory_space<vmem>>[vector<16xi32>, vector<16xi32>], vector<16xf32>,
      %gather3A_681 = tpu.vector_load_idx %arg10[%broadcast_in_dim3A_670, %gather3A_58] : memref<32x1000xf32, #tpu.memory_space<vmem>>[vector<16xi32>, vector<16xi32>], vector<16xf32>,
      %gather3A_682 = tpu.vector_load_idx %arg10[%broadcast_in_dim3A_670, %gather3A_61] : memref<32x1000xf32, #tpu.memory_space<vmem>>[vector<16xi32>, vector<16xi32>], vector<16xf32>,
      %gather3A_683 = tpu.vector_load_idx %arg10[%broadcast_in_dim3A_670, %gather3A_64] : memref<32x1000xf32, #tpu.memory_space<vmem>>[vector<16xi32>, vector<16xi32>], vector<16xf32>,
      %gather3A_684 = tpu.vector_load_idx %arg10[%broadcast_in_dim3A_670, %gather3A_67] : memref<32x1000xf32, #tpu.memory_space<vmem>>[vector<16xi32>, vector<16xi32>], vector<16xf32>,
      %gather3A_685 = tpu.vector_load_idx %arg10[%broadcast_in_dim3A_670, %gather3A_70] : memref<32x1000xf32, #tpu.memory_space<vmem>>[vector<16xi32>, vector<16xi32>], vector<16xf32>,
      %gather3A_686 = tpu.vector_load_idx %arg10[%broadcast_in_dim3A_670, %gather3A_73] : memref<32x1000xf32, #tpu.memory_space<vmem>>[vector<16xi32>, vector<16xi32>], vector<16xf32>,
      %gather3A_687 = tpu.vector_load_idx %arg10[%broadcast_in_dim3A_670, %gather3A_76] : memref<32x1000xf32, #tpu.memory_space<vmem>>[vector<16xi32>, vector<16xi32>], vector<16xf32>,
      %gather3A_688 = tpu.vector_load_idx %arg10[%broadcast_in_dim3A_670, %gather3A_79] : memref<32x1000xf32, #tpu.memory_space<vmem>>[vector<16xi32>, vector<16xi32>], vector<16xf32>,
      %gather3A_689 = tpu.vector_load_idx %arg10[%broadcast_in_dim3A_670, %gather3A_82] : memref<32x1000xf32, #tpu.memory_space<vmem>>[vector<16xi32>, vector<16xi32>], vector<16xf32>,
      %gather3A_690 = tpu.vector_load_idx %arg10[%broadcast_in_dim3A_670, %gather3A_85] : memref<32x1000xf32, #tpu.memory_space<vmem>>[vector<16xi32>, vector<16xi32>], vector<16xf32>,
      %add3A_691 = arith.addf %gather3A_671, %gather3A_672 : vector<16xf32>
      %add3A_692 = arith.addf %gather3A_673, %gather3A_674 : vector<16xf32>
      %add3A_693 = arith.addf %gather3A_675, %gather3A_676 : vector<16xf32>
      %add3A_694 = arith.addf %gather3A_677, %gather3A_678 : vector<16xf32>
      %add3A_695 = arith.addf %gather3A_679, %gather3A_680 : vector<16xf32>
      %add3A_696 = arith.addf %gather3A_681, %gather3A_682 : vector<16xf32>
      %add3A_697 = arith.addf %gather3A_683, %gather3A_684 : vector<16xf32>
      %add3A_698 = arith.addf %gather3A_685, %gather3A_686 : vector<16xf32>
      %add3A_699 = arith.addf %gather3A_687, %gather3A_688 : vector<16xf32>
      %add3A_700 = arith.addf %gather3A_689, %gather3A_690 : vector<16xf32>
      %add3A_701 = arith.addf %add3A_691, %add3A_692 : vector<16xf32>
      %add3A_702 = arith.addf %add3A_693, %add3A_694 : vector<16xf32>
      %add3A_703 = arith.addf %add3A_695, %add3A_696 : vector<16xf32>
      %add3A_704 = arith.addf %add3A_697, %add3A_698 : vector<16xf32>
      %add3A_705 = arith.addf %add3A_699, %add3A_700 : vector<16xf32>
      %add3A_706 = arith.addf %add3A_701, %add3A_702 : vector<16xf32>
      %add3A_707 = arith.addf %add3A_703, %add3A_704 : vector<16xf32>
      %add3A_708 = arith.addf %add3A_706, %add3A_707 : vector<16xf32>
      %add3A_709 = arith.addf %add3A_708, %add3A_705 : vector<16xf32>
      %mul3A_710 = arith.mulf %add3A_709, %div3A_206 : vector<16xf32>
      tpu.vector_store_idx %arg12[%broadcast_in_dim3A_670, %add3A_26], %mul3A_710 : memref<32x512xf32, #tpu.memory_space<vmem>>[vector<16xi32>, vector<16xi32>], vector<16xf32>,
      %broadcast_in_dim3A_711 = arith.constant 12 : i32
      %broadcast_in_dim3A_712 = vector.broadcast %broadcast_in_dim3A_711 : i32 to vector<16xi32>
      %gather3A_713 = tpu.vector_load_idx %arg10[%broadcast_in_dim3A_712, %gather3A] : memref<32x1000xf32, #tpu.memory_space<vmem>>[vector<16xi32>, vector<16xi32>], vector<16xf32>,
      %gather3A_714 = tpu.vector_load_idx %arg10[%broadcast_in_dim3A_712, %gather3A_31] : memref<32x1000xf32, #tpu.memory_space<vmem>>[vector<16xi32>, vector<16xi32>], vector<16xf32>,
      %gather3A_715 = tpu.vector_load_idx %arg10[%broadcast_in_dim3A_712, %gather3A_34] : memref<32x1000xf32, #tpu.memory_space<vmem>>[vector<16xi32>, vector<16xi32>], vector<16xf32>,
      %gather3A_716 = tpu.vector_load_idx %arg10[%broadcast_in_dim3A_712, %gather3A_37] : memref<32x1000xf32, #tpu.memory_space<vmem>>[vector<16xi32>, vector<16xi32>], vector<16xf32>,
      %gather3A_717 = tpu.vector_load_idx %arg10[%broadcast_in_dim3A_712, %gather3A_40] : memref<32x1000xf32, #tpu.memory_space<vmem>>[vector<16xi32>, vector<16xi32>], vector<16xf32>,
      %gather3A_718 = tpu.vector_load_idx %arg10[%broadcast_in_dim3A_712, %gather3A_43] : memref<32x1000xf32, #tpu.memory_space<vmem>>[vector<16xi32>, vector<16xi32>], vector<16xf32>,
      %gather3A_719 = tpu.vector_load_idx %arg10[%broadcast_in_dim3A_712, %gather3A_46] : memref<32x1000xf32, #tpu.memory_space<vmem>>[vector<16xi32>, vector<16xi32>], vector<16xf32>,
      %gather3A_720 = tpu.vector_load_idx %arg10[%broadcast_in_dim3A_712, %gather3A_49] : memref<32x1000xf32, #tpu.memory_space<vmem>>[vector<16xi32>, vector<16xi32>], vector<16xf32>,
      %gather3A_721 = tpu.vector_load_idx %arg10[%broadcast_in_dim3A_712, %gather3A_52] : memref<32x1000xf32, #tpu.memory_space<vmem>>[vector<16xi32>, vector<16xi32>], vector<16xf32>,
      %gather3A_722 = tpu.vector_load_idx %arg10[%broadcast_in_dim3A_712, %gather3A_55] : memref<32x1000xf32, #tpu.memory_space<vmem>>[vector<16xi32>, vector<16xi32>], vector<16xf32>,
      %gather3A_723 = tpu.vector_load_idx %arg10[%broadcast_in_dim3A_712, %gather3A_58] : memref<32x1000xf32, #tpu.memory_space<vmem>>[vector<16xi32>, vector<16xi32>], vector<16xf32>,
      %gather3A_724 = tpu.vector_load_idx %arg10[%broadcast_in_dim3A_712, %gather3A_61] : memref<32x1000xf32, #tpu.memory_space<vmem>>[vector<16xi32>, vector<16xi32>], vector<16xf32>,
      %gather3A_725 = tpu.vector_load_idx %arg10[%broadcast_in_dim3A_712, %gather3A_64] : memref<32x1000xf32, #tpu.memory_space<vmem>>[vector<16xi32>, vector<16xi32>], vector<16xf32>,
      %gather3A_726 = tpu.vector_load_idx %arg10[%broadcast_in_dim3A_712, %gather3A_67] : memref<32x1000xf32, #tpu.memory_space<vmem>>[vector<16xi32>, vector<16xi32>], vector<16xf32>,
      %gather3A_727 = tpu.vector_load_idx %arg10[%broadcast_in_dim3A_712, %gather3A_70] : memref<32x1000xf32, #tpu.memory_space<vmem>>[vector<16xi32>, vector<16xi32>], vector<16xf32>,
      %gather3A_728 = tpu.vector_load_idx %arg10[%broadcast_in_dim3A_712, %gather3A_73] : memref<32x1000xf32, #tpu.memory_space<vmem>>[vector<16xi32>, vector<16xi32>], vector<16xf32>,
      %gather3A_729 = tpu.vector_load_idx %arg10[%broadcast_in_dim3A_712, %gather3A_76] : memref<32x1000xf32, #tpu.memory_space<vmem>>[vector<16xi32>, vector<16xi32>], vector<16xf32>,
      %gather3A_730 = tpu.vector_load_idx %arg10[%broadcast_in_dim3A_712, %gather3A_79] : memref<32x1000xf32, #tpu.memory_space<vmem>>[vector<16xi32>, vector<16xi32>], vector<16xf32>,
      %gather3A_731 = tpu.vector_load_idx %arg10[%broadcast_in_dim3A_712, %gather3A_82] : memref<32x1000xf32, #tpu.memory_space<vmem>>[vector<16xi32>, vector<16xi32>], vector<16xf32>,
      %gather3A_732 = tpu.vector_load_idx %arg10[%broadcast_in_dim3A_712, %gather3A_85] : memref<32x1000xf32, #tpu.memory_space<vmem>>[vector<16xi32>, vector<16xi32>], vector<16xf32>,
      %add3A_733 = arith.addf %gather3A_713, %gather3A_714 : vector<16xf32>
      %add3A_734 = arith.addf %gather3A_715, %gather3A_716 : vector<16xf32>
      %add3A_735 = arith.addf %gather3A_717, %gather3A_718 : vector<16xf32>
      %add3A_736 = arith.addf %gather3A_719, %gather3A_720 : vector<16xf32>
      %add3A_737 = arith.addf %gather3A_721, %gather3A_722 : vector<16xf32>
      %add3A_738 = arith.addf %gather3A_723, %gather3A_724 : vector<16xf32>
      %add3A_739 = arith.addf %gather3A_725, %gather3A_726 : vector<16xf32>
      %add3A_740 = arith.addf %gather3A_727, %gather3A_728 : vector<16xf32>
      %add3A_741 = arith.addf %gather3A_729, %gather3A_730 : vector<16xf32>
      %add3A_742 = arith.addf %gather3A_731, %gather3A_732 : vector<16xf32>
      %add3A_743 = arith.addf %add3A_733, %add3A_734 : vector<16xf32>
      %add3A_744 = arith.addf %add3A_735, %add3A_736 : vector<16xf32>
      %add3A_745 = arith.addf %add3A_737, %add3A_738 : vector<16xf32>
      %add3A_746 = arith.addf %add3A_739, %add3A_740 : vector<16xf32>
      %add3A_747 = arith.addf %add3A_741, %add3A_742 : vector<16xf32>
      %add3A_748 = arith.addf %add3A_743, %add3A_744 : vector<16xf32>
      %add3A_749 = arith.addf %add3A_745, %add3A_746 : vector<16xf32>
      %add3A_750 = arith.addf %add3A_748, %add3A_749 : vector<16xf32>
      %add3A_751 = arith.addf %add3A_750, %add3A_747 : vector<16xf32>
      %mul3A_752 = arith.mulf %add3A_751, %div3A_206 : vector<16xf32>
      tpu.vector_store_idx %arg12[%broadcast_in_dim3A_712, %add3A_26], %mul3A_752 : memref<32x512xf32, #tpu.memory_space<vmem>>[vector<16xi32>, vector<16xi32>], vector<16xf32>,
      %broadcast_in_dim3A_753 = arith.constant 13 : i32
      %broadcast_in_dim3A_754 = vector.broadcast %broadcast_in_dim3A_753 : i32 to vector<16xi32>
      %gather3A_755 = tpu.vector_load_idx %arg10[%broadcast_in_dim3A_754, %gather3A] : memref<32x1000xf32, #tpu.memory_space<vmem>>[vector<16xi32>, vector<16xi32>], vector<16xf32>,
      %gather3A_756 = tpu.vector_load_idx %arg10[%broadcast_in_dim3A_754, %gather3A_31] : memref<32x1000xf32, #tpu.memory_space<vmem>>[vector<16xi32>, vector<16xi32>], vector<16xf32>,
      %gather3A_757 = tpu.vector_load_idx %arg10[%broadcast_in_dim3A_754, %gather3A_34] : memref<32x1000xf32, #tpu.memory_space<vmem>>[vector<16xi32>, vector<16xi32>], vector<16xf32>,
      %gather3A_758 = tpu.vector_load_idx %arg10[%broadcast_in_dim3A_754, %gather3A_37] : memref<32x1000xf32, #tpu.memory_space<vmem>>[vector<16xi32>, vector<16xi32>], vector<16xf32>,
      %gather3A_759 = tpu.vector_load_idx %arg10[%broadcast_in_dim3A_754, %gather3A_40] : memref<32x1000xf32, #tpu.memory_space<vmem>>[vector<16xi32>, vector<16xi32>], vector<16xf32>,
      %gather3A_760 = tpu.vector_load_idx %arg10[%broadcast_in_dim3A_754, %gather3A_43] : memref<32x1000xf32, #tpu.memory_space<vmem>>[vector<16xi32>, vector<16xi32>], vector<16xf32>,
      %gather3A_761 = tpu.vector_load_idx %arg10[%broadcast_in_dim3A_754, %gather3A_46] : memref<32x1000xf32, #tpu.memory_space<vmem>>[vector<16xi32>, vector<16xi32>], vector<16xf32>,
      %gather3A_762 = tpu.vector_load_idx %arg10[%broadcast_in_dim3A_754, %gather3A_49] : memref<32x1000xf32, #tpu.memory_space<vmem>>[vector<16xi32>, vector<16xi32>], vector<16xf32>,
      %gather3A_763 = tpu.vector_load_idx %arg10[%broadcast_in_dim3A_754, %gather3A_52] : memref<32x1000xf32, #tpu.memory_space<vmem>>[vector<16xi32>, vector<16xi32>], vector<16xf32>,
      %gather3A_764 = tpu.vector_load_idx %arg10[%broadcast_in_dim3A_754, %gather3A_55] : memref<32x1000xf32, #tpu.memory_space<vmem>>[vector<16xi32>, vector<16xi32>], vector<16xf32>,
      %gather3A_765 = tpu.vector_load_idx %arg10[%broadcast_in_dim3A_754, %gather3A_58] : memref<32x1000xf32, #tpu.memory_space<vmem>>[vector<16xi32>, vector<16xi32>], vector<16xf32>,
      %gather3A_766 = tpu.vector_load_idx %arg10[%broadcast_in_dim3A_754, %gather3A_61] : memref<32x1000xf32, #tpu.memory_space<vmem>>[vector<16xi32>, vector<16xi32>], vector<16xf32>,
      %gather3A_767 = tpu.vector_load_idx %arg10[%broadcast_in_dim3A_754, %gather3A_64] : memref<32x1000xf32, #tpu.memory_space<vmem>>[vector<16xi32>, vector<16xi32>], vector<16xf32>,
      %gather3A_768 = tpu.vector_load_idx %arg10[%broadcast_in_dim3A_754, %gather3A_67] : memref<32x1000xf32, #tpu.memory_space<vmem>>[vector<16xi32>, vector<16xi32>], vector<16xf32>,
      %gather3A_769 = tpu.vector_load_idx %arg10[%broadcast_in_dim3A_754, %gather3A_70] : memref<32x1000xf32, #tpu.memory_space<vmem>>[vector<16xi32>, vector<16xi32>], vector<16xf32>,
      %gather3A_770 = tpu.vector_load_idx %arg10[%broadcast_in_dim3A_754, %gather3A_73] : memref<32x1000xf32, #tpu.memory_space<vmem>>[vector<16xi32>, vector<16xi32>], vector<16xf32>,
      %gather3A_771 = tpu.vector_load_idx %arg10[%broadcast_in_dim3A_754, %gather3A_76] : memref<32x1000xf32, #tpu.memory_space<vmem>>[vector<16xi32>, vector<16xi32>], vector<16xf32>,
      %gather3A_772 = tpu.vector_load_idx %arg10[%broadcast_in_dim3A_754, %gather3A_79] : memref<32x1000xf32, #tpu.memory_space<vmem>>[vector<16xi32>, vector<16xi32>], vector<16xf32>,
      %gather3A_773 = tpu.vector_load_idx %arg10[%broadcast_in_dim3A_754, %gather3A_82] : memref<32x1000xf32, #tpu.memory_space<vmem>>[vector<16xi32>, vector<16xi32>], vector<16xf32>,
      %gather3A_774 = tpu.vector_load_idx %arg10[%broadcast_in_dim3A_754, %gather3A_85] : memref<32x1000xf32, #tpu.memory_space<vmem>>[vector<16xi32>, vector<16xi32>], vector<16xf32>,
      %add3A_775 = arith.addf %gather3A_755, %gather3A_756 : vector<16xf32>
      %add3A_776 = arith.addf %gather3A_757, %gather3A_758 : vector<16xf32>
      %add3A_777 = arith.addf %gather3A_759, %gather3A_760 : vector<16xf32>
      %add3A_778 = arith.addf %gather3A_761, %gather3A_762 : vector<16xf32>
      %add3A_779 = arith.addf %gather3A_763, %gather3A_764 : vector<16xf32>
      %add3A_780 = arith.addf %gather3A_765, %gather3A_766 : vector<16xf32>
      %add3A_781 = arith.addf %gather3A_767, %gather3A_768 : vector<16xf32>
      %add3A_782 = arith.addf %gather3A_769, %gather3A_770 : vector<16xf32>
      %add3A_783 = arith.addf %gather3A_771, %gather3A_772 : vector<16xf32>
      %add3A_784 = arith.addf %gather3A_773, %gather3A_774 : vector<16xf32>
      %add3A_785 = arith.addf %add3A_775, %add3A_776 : vector<16xf32>
      %add3A_786 = arith.addf %add3A_777, %add3A_778 : vector<16xf32>
      %add3A_787 = arith.addf %add3A_779, %add3A_780 : vector<16xf32>
      %add3A_788 = arith.addf %add3A_781, %add3A_782 : vector<16xf32>
      %add3A_789 = arith.addf %add3A_783, %add3A_784 : vector<16xf32>
      %add3A_790 = arith.addf %add3A_785, %add3A_786 : vector<16xf32>
      %add3A_791 = arith.addf %add3A_787, %add3A_788 : vector<16xf32>
      %add3A_792 = arith.addf %add3A_790, %add3A_791 : vector<16xf32>
      %add3A_793 = arith.addf %add3A_792, %add3A_789 : vector<16xf32>
      %mul3A_794 = arith.mulf %add3A_793, %div3A_206 : vector<16xf32>
      tpu.vector_store_idx %arg12[%broadcast_in_dim3A_754, %add3A_26], %mul3A_794 : memref<32x512xf32, #tpu.memory_space<vmem>>[vector<16xi32>, vector<16xi32>], vector<16xf32>,
      %broadcast_in_dim3A_795 = arith.constant 14 : i32
      %broadcast_in_dim3A_796 = vector.broadcast %broadcast_in_dim3A_795 : i32 to vector<16xi32>
      %gather3A_797 = tpu.vector_load_idx %arg10[%broadcast_in_dim3A_796, %gather3A] : memref<32x1000xf32, #tpu.memory_space<vmem>>[vector<16xi32>, vector<16xi32>], vector<16xf32>,
      %gather3A_798 = tpu.vector_load_idx %arg10[%broadcast_in_dim3A_796, %gather3A_31] : memref<32x1000xf32, #tpu.memory_space<vmem>>[vector<16xi32>, vector<16xi32>], vector<16xf32>,
      %gather3A_799 = tpu.vector_load_idx %arg10[%broadcast_in_dim3A_796, %gather3A_34] : memref<32x1000xf32, #tpu.memory_space<vmem>>[vector<16xi32>, vector<16xi32>], vector<16xf32>,
      %gather3A_800 = tpu.vector_load_idx %arg10[%broadcast_in_dim3A_796, %gather3A_37] : memref<32x1000xf32, #tpu.memory_space<vmem>>[vector<16xi32>, vector<16xi32>], vector<16xf32>,
      %gather3A_801 = tpu.vector_load_idx %arg10[%broadcast_in_dim3A_796, %gather3A_40] : memref<32x1000xf32, #tpu.memory_space<vmem>>[vector<16xi32>, vector<16xi32>], vector<16xf32>,
      %gather3A_802 = tpu.vector_load_idx %arg10[%broadcast_in_dim3A_796, %gather3A_43] : memref<32x1000xf32, #tpu.memory_space<vmem>>[vector<16xi32>, vector<16xi32>], vector<16xf32>,
      %gather3A_803 = tpu.vector_load_idx %arg10[%broadcast_in_dim3A_796, %gather3A_46] : memref<32x1000xf32, #tpu.memory_space<vmem>>[vector<16xi32>, vector<16xi32>], vector<16xf32>,
      %gather3A_804 = tpu.vector_load_idx %arg10[%broadcast_in_dim3A_796, %gather3A_49] : memref<32x1000xf32, #tpu.memory_space<vmem>>[vector<16xi32>, vector<16xi32>], vector<16xf32>,
      %gather3A_805 = tpu.vector_load_idx %arg10[%broadcast_in_dim3A_796, %gather3A_52] : memref<32x1000xf32, #tpu.memory_space<vmem>>[vector<16xi32>, vector<16xi32>], vector<16xf32>,
      %gather3A_806 = tpu.vector_load_idx %arg10[%broadcast_in_dim3A_796, %gather3A_55] : memref<32x1000xf32, #tpu.memory_space<vmem>>[vector<16xi32>, vector<16xi32>], vector<16xf32>,
      %gather3A_807 = tpu.vector_load_idx %arg10[%broadcast_in_dim3A_796, %gather3A_58] : memref<32x1000xf32, #tpu.memory_space<vmem>>[vector<16xi32>, vector<16xi32>], vector<16xf32>,
      %gather3A_808 = tpu.vector_load_idx %arg10[%broadcast_in_dim3A_796, %gather3A_61] : memref<32x1000xf32, #tpu.memory_space<vmem>>[vector<16xi32>, vector<16xi32>], vector<16xf32>,
      %gather3A_809 = tpu.vector_load_idx %arg10[%broadcast_in_dim3A_796, %gather3A_64] : memref<32x1000xf32, #tpu.memory_space<vmem>>[vector<16xi32>, vector<16xi32>], vector<16xf32>,
      %gather3A_810 = tpu.vector_load_idx %arg10[%broadcast_in_dim3A_796, %gather3A_67] : memref<32x1000xf32, #tpu.memory_space<vmem>>[vector<16xi32>, vector<16xi32>], vector<16xf32>,
      %gather3A_811 = tpu.vector_load_idx %arg10[%broadcast_in_dim3A_796, %gather3A_70] : memref<32x1000xf32, #tpu.memory_space<vmem>>[vector<16xi32>, vector<16xi32>], vector<16xf32>,
      %gather3A_812 = tpu.vector_load_idx %arg10[%broadcast_in_dim3A_796, %gather3A_73] : memref<32x1000xf32, #tpu.memory_space<vmem>>[vector<16xi32>, vector<16xi32>], vector<16xf32>,
      %gather3A_813 = tpu.vector_load_idx %arg10[%broadcast_in_dim3A_796, %gather3A_76] : memref<32x1000xf32, #tpu.memory_space<vmem>>[vector<16xi32>, vector<16xi32>], vector<16xf32>,
      %gather3A_814 = tpu.vector_load_idx %arg10[%broadcast_in_dim3A_796, %gather3A_79] : memref<32x1000xf32, #tpu.memory_space<vmem>>[vector<16xi32>, vector<16xi32>], vector<16xf32>,
      %gather3A_815 = tpu.vector_load_idx %arg10[%broadcast_in_dim3A_796, %gather3A_82] : memref<32x1000xf32, #tpu.memory_space<vmem>>[vector<16xi32>, vector<16xi32>], vector<16xf32>,
      %gather3A_816 = tpu.vector_load_idx %arg10[%broadcast_in_dim3A_796, %gather3A_85] : memref<32x1000xf32, #tpu.memory_space<vmem>>[vector<16xi32>, vector<16xi32>], vector<16xf32>,
      %add3A_817 = arith.addf %gather3A_797, %gather3A_798 : vector<16xf32>
      %add3A_818 = arith.addf %gather3A_799, %gather3A_800 : vector<16xf32>
      %add3A_819 = arith.addf %gather3A_801, %gather3A_802 : vector<16xf32>
      %add3A_820 = arith.addf %gather3A_803, %gather3A_804 : vector<16xf32>
      %add3A_821 = arith.addf %gather3A_805, %gather3A_806 : vector<16xf32>
      %add3A_822 = arith.addf %gather3A_807, %gather3A_808 : vector<16xf32>
      %add3A_823 = arith.addf %gather3A_809, %gather3A_810 : vector<16xf32>
      %add3A_824 = arith.addf %gather3A_811, %gather3A_812 : vector<16xf32>
      %add3A_825 = arith.addf %gather3A_813, %gather3A_814 : vector<16xf32>
      %add3A_826 = arith.addf %gather3A_815, %gather3A_816 : vector<16xf32>
      %add3A_827 = arith.addf %add3A_817, %add3A_818 : vector<16xf32>
      %add3A_828 = arith.addf %add3A_819, %add3A_820 : vector<16xf32>
      %add3A_829 = arith.addf %add3A_821, %add3A_822 : vector<16xf32>
      %add3A_830 = arith.addf %add3A_823, %add3A_824 : vector<16xf32>
      %add3A_831 = arith.addf %add3A_825, %add3A_826 : vector<16xf32>
      %add3A_832 = arith.addf %add3A_827, %add3A_828 : vector<16xf32>
      %add3A_833 = arith.addf %add3A_829, %add3A_830 : vector<16xf32>
      %add3A_834 = arith.addf %add3A_832, %add3A_833 : vector<16xf32>
      %add3A_835 = arith.addf %add3A_834, %add3A_831 : vector<16xf32>
      %mul3A_836 = arith.mulf %add3A_835, %div3A_206 : vector<16xf32>
      tpu.vector_store_idx %arg12[%broadcast_in_dim3A_796, %add3A_26], %mul3A_836 : memref<32x512xf32, #tpu.memory_space<vmem>>[vector<16xi32>, vector<16xi32>], vector<16xf32>,
      %broadcast_in_dim3A_837 = arith.constant 15 : i32
      %broadcast_in_dim3A_838 = vector.broadcast %broadcast_in_dim3A_837 : i32 to vector<16xi32>
      %gather3A_839 = tpu.vector_load_idx %arg10[%broadcast_in_dim3A_838, %gather3A] : memref<32x1000xf32, #tpu.memory_space<vmem>>[vector<16xi32>, vector<16xi32>], vector<16xf32>,
      %gather3A_840 = tpu.vector_load_idx %arg10[%broadcast_in_dim3A_838, %gather3A_31] : memref<32x1000xf32, #tpu.memory_space<vmem>>[vector<16xi32>, vector<16xi32>], vector<16xf32>,
      %gather3A_841 = tpu.vector_load_idx %arg10[%broadcast_in_dim3A_838, %gather3A_34] : memref<32x1000xf32, #tpu.memory_space<vmem>>[vector<16xi32>, vector<16xi32>], vector<16xf32>,
      %gather3A_842 = tpu.vector_load_idx %arg10[%broadcast_in_dim3A_838, %gather3A_37] : memref<32x1000xf32, #tpu.memory_space<vmem>>[vector<16xi32>, vector<16xi32>], vector<16xf32>,
      %gather3A_843 = tpu.vector_load_idx %arg10[%broadcast_in_dim3A_838, %gather3A_40] : memref<32x1000xf32, #tpu.memory_space<vmem>>[vector<16xi32>, vector<16xi32>], vector<16xf32>,
      %gather3A_844 = tpu.vector_load_idx %arg10[%broadcast_in_dim3A_838, %gather3A_43] : memref<32x1000xf32, #tpu.memory_space<vmem>>[vector<16xi32>, vector<16xi32>], vector<16xf32>,
      %gather3A_845 = tpu.vector_load_idx %arg10[%broadcast_in_dim3A_838, %gather3A_46] : memref<32x1000xf32, #tpu.memory_space<vmem>>[vector<16xi32>, vector<16xi32>], vector<16xf32>,
      %gather3A_846 = tpu.vector_load_idx %arg10[%broadcast_in_dim3A_838, %gather3A_49] : memref<32x1000xf32, #tpu.memory_space<vmem>>[vector<16xi32>, vector<16xi32>], vector<16xf32>,
      %gather3A_847 = tpu.vector_load_idx %arg10[%broadcast_in_dim3A_838, %gather3A_52] : memref<32x1000xf32, #tpu.memory_space<vmem>>[vector<16xi32>, vector<16xi32>], vector<16xf32>,
      %gather3A_848 = tpu.vector_load_idx %arg10[%broadcast_in_dim3A_838, %gather3A_55] : memref<32x1000xf32, #tpu.memory_space<vmem>>[vector<16xi32>, vector<16xi32>], vector<16xf32>,
      %gather3A_849 = tpu.vector_load_idx %arg10[%broadcast_in_dim3A_838, %gather3A_58] : memref<32x1000xf32, #tpu.memory_space<vmem>>[vector<16xi32>, vector<16xi32>], vector<16xf32>,
      %gather3A_850 = tpu.vector_load_idx %arg10[%broadcast_in_dim3A_838, %gather3A_61] : memref<32x1000xf32, #tpu.memory_space<vmem>>[vector<16xi32>, vector<16xi32>], vector<16xf32>,
      %gather3A_851 = tpu.vector_load_idx %arg10[%broadcast_in_dim3A_838, %gather3A_64] : memref<32x1000xf32, #tpu.memory_space<vmem>>[vector<16xi32>, vector<16xi32>], vector<16xf32>,
      %gather3A_852 = tpu.vector_load_idx %arg10[%broadcast_in_dim3A_838, %gather3A_67] : memref<32x1000xf32, #tpu.memory_space<vmem>>[vector<16xi32>, vector<16xi32>], vector<16xf32>,
      %gather3A_853 = tpu.vector_load_idx %arg10[%broadcast_in_dim3A_838, %gather3A_70] : memref<32x1000xf32, #tpu.memory_space<vmem>>[vector<16xi32>, vector<16xi32>], vector<16xf32>,
      %gather3A_854 = tpu.vector_load_idx %arg10[%broadcast_in_dim3A_838, %gather3A_73] : memref<32x1000xf32, #tpu.memory_space<vmem>>[vector<16xi32>, vector<16xi32>], vector<16xf32>,
      %gather3A_855 = tpu.vector_load_idx %arg10[%broadcast_in_dim3A_838, %gather3A_76] : memref<32x1000xf32, #tpu.memory_space<vmem>>[vector<16xi32>, vector<16xi32>], vector<16xf32>,
      %gather3A_856 = tpu.vector_load_idx %arg10[%broadcast_in_dim3A_838, %gather3A_79] : memref<32x1000xf32, #tpu.memory_space<vmem>>[vector<16xi32>, vector<16xi32>], vector<16xf32>,
      %gather3A_857 = tpu.vector_load_idx %arg10[%broadcast_in_dim3A_838, %gather3A_82] : memref<32x1000xf32, #tpu.memory_space<vmem>>[vector<16xi32>, vector<16xi32>], vector<16xf32>,
      %gather3A_858 = tpu.vector_load_idx %arg10[%broadcast_in_dim3A_838, %gather3A_85] : memref<32x1000xf32, #tpu.memory_space<vmem>>[vector<16xi32>, vector<16xi32>], vector<16xf32>,
      %add3A_859 = arith.addf %gather3A_839, %gather3A_840 : vector<16xf32>
      %add3A_860 = arith.addf %gather3A_841, %gather3A_842 : vector<16xf32>
      %add3A_861 = arith.addf %gather3A_843, %gather3A_844 : vector<16xf32>
      %add3A_862 = arith.addf %gather3A_845, %gather3A_846 : vector<16xf32>
      %add3A_863 = arith.addf %gather3A_847, %gather3A_848 : vector<16xf32>
      %add3A_864 = arith.addf %gather3A_849, %gather3A_850 : vector<16xf32>
      %add3A_865 = arith.addf %gather3A_851, %gather3A_852 : vector<16xf32>
      %add3A_866 = arith.addf %gather3A_853, %gather3A_854 : vector<16xf32>
      %add3A_867 = arith.addf %gather3A_855, %gather3A_856 : vector<16xf32>
      %add3A_868 = arith.addf %gather3A_857, %gather3A_858 : vector<16xf32>
      %add3A_869 = arith.addf %add3A_859, %add3A_860 : vector<16xf32>
      %add3A_870 = arith.addf %add3A_861, %add3A_862 : vector<16xf32>
      %add3A_871 = arith.addf %add3A_863, %add3A_864 : vector<16xf32>
      %add3A_872 = arith.addf %add3A_865, %add3A_866 : vector<16xf32>
      %add3A_873 = arith.addf %add3A_867, %add3A_868 : vector<16xf32>
      %add3A_874 = arith.addf %add3A_869, %add3A_870 : vector<16xf32>
      %add3A_875 = arith.addf %add3A_871, %add3A_872 : vector<16xf32>
      %add3A_876 = arith.addf %add3A_874, %add3A_875 : vector<16xf32>
      %add3A_877 = arith.addf %add3A_876, %add3A_873 : vector<16xf32>
      %mul3A_878 = arith.mulf %add3A_877, %div3A_206 : vector<16xf32>
      tpu.vector_store_idx %arg12[%broadcast_in_dim3A_838, %add3A_26], %mul3A_878 : memref<32x512xf32, #tpu.memory_space<vmem>>[vector<16xi32>, vector<16xi32>], vector<16xf32>,
      %broadcast_in_dim3A_879 = arith.constant 16 : i32
      %broadcast_in_dim3A_880 = vector.broadcast %broadcast_in_dim3A_879 : i32 to vector<16xi32>
      %gather3A_881 = tpu.vector_load_idx %arg10[%broadcast_in_dim3A_880, %gather3A] : memref<32x1000xf32, #tpu.memory_space<vmem>>[vector<16xi32>, vector<16xi32>], vector<16xf32>,
      %gather3A_882 = tpu.vector_load_idx %arg10[%broadcast_in_dim3A_880, %gather3A_31] : memref<32x1000xf32, #tpu.memory_space<vmem>>[vector<16xi32>, vector<16xi32>], vector<16xf32>,
      %gather3A_883 = tpu.vector_load_idx %arg10[%broadcast_in_dim3A_880, %gather3A_34] : memref<32x1000xf32, #tpu.memory_space<vmem>>[vector<16xi32>, vector<16xi32>], vector<16xf32>,
      %gather3A_884 = tpu.vector_load_idx %arg10[%broadcast_in_dim3A_880, %gather3A_37] : memref<32x1000xf32, #tpu.memory_space<vmem>>[vector<16xi32>, vector<16xi32>], vector<16xf32>,
      %gather3A_885 = tpu.vector_load_idx %arg10[%broadcast_in_dim3A_880, %gather3A_40] : memref<32x1000xf32, #tpu.memory_space<vmem>>[vector<16xi32>, vector<16xi32>], vector<16xf32>,
      %gather3A_886 = tpu.vector_load_idx %arg10[%broadcast_in_dim3A_880, %gather3A_43] : memref<32x1000xf32, #tpu.memory_space<vmem>>[vector<16xi32>, vector<16xi32>], vector<16xf32>,
      %gather3A_887 = tpu.vector_load_idx %arg10[%broadcast_in_dim3A_880, %gather3A_46] : memref<32x1000xf32, #tpu.memory_space<vmem>>[vector<16xi32>, vector<16xi32>], vector<16xf32>,
      %gather3A_888 = tpu.vector_load_idx %arg10[%broadcast_in_dim3A_880, %gather3A_49] : memref<32x1000xf32, #tpu.memory_space<vmem>>[vector<16xi32>, vector<16xi32>], vector<16xf32>,
      %gather3A_889 = tpu.vector_load_idx %arg10[%broadcast_in_dim3A_880, %gather3A_52] : memref<32x1000xf32, #tpu.memory_space<vmem>>[vector<16xi32>, vector<16xi32>], vector<16xf32>,
      %gather3A_890 = tpu.vector_load_idx %arg10[%broadcast_in_dim3A_880, %gather3A_55] : memref<32x1000xf32, #tpu.memory_space<vmem>>[vector<16xi32>, vector<16xi32>], vector<16xf32>,
      %gather3A_891 = tpu.vector_load_idx %arg10[%broadcast_in_dim3A_880, %gather3A_58] : memref<32x1000xf32, #tpu.memory_space<vmem>>[vector<16xi32>, vector<16xi32>], vector<16xf32>,
      %gather3A_892 = tpu.vector_load_idx %arg10[%broadcast_in_dim3A_880, %gather3A_61] : memref<32x1000xf32, #tpu.memory_space<vmem>>[vector<16xi32>, vector<16xi32>], vector<16xf32>,
      %gather3A_893 = tpu.vector_load_idx %arg10[%broadcast_in_dim3A_880, %gather3A_64] : memref<32x1000xf32, #tpu.memory_space<vmem>>[vector<16xi32>, vector<16xi32>], vector<16xf32>,
      %gather3A_894 = tpu.vector_load_idx %arg10[%broadcast_in_dim3A_880, %gather3A_67] : memref<32x1000xf32, #tpu.memory_space<vmem>>[vector<16xi32>, vector<16xi32>], vector<16xf32>,
      %gather3A_895 = tpu.vector_load_idx %arg10[%broadcast_in_dim3A_880, %gather3A_70] : memref<32x1000xf32, #tpu.memory_space<vmem>>[vector<16xi32>, vector<16xi32>], vector<16xf32>,
      %gather3A_896 = tpu.vector_load_idx %arg10[%broadcast_in_dim3A_880, %gather3A_73] : memref<32x1000xf32, #tpu.memory_space<vmem>>[vector<16xi32>, vector<16xi32>], vector<16xf32>,
      %gather3A_897 = tpu.vector_load_idx %arg10[%broadcast_in_dim3A_880, %gather3A_76] : memref<32x1000xf32, #tpu.memory_space<vmem>>[vector<16xi32>, vector<16xi32>], vector<16xf32>,
      %gather3A_898 = tpu.vector_load_idx %arg10[%broadcast_in_dim3A_880, %gather3A_79] : memref<32x1000xf32, #tpu.memory_space<vmem>>[vector<16xi32>, vector<16xi32>], vector<16xf32>,
      %gather3A_899 = tpu.vector_load_idx %arg10[%broadcast_in_dim3A_880, %gather3A_82] : memref<32x1000xf32, #tpu.memory_space<vmem>>[vector<16xi32>, vector<16xi32>], vector<16xf32>,
      %gather3A_900 = tpu.vector_load_idx %arg10[%broadcast_in_dim3A_880, %gather3A_85] : memref<32x1000xf32, #tpu.memory_space<vmem>>[vector<16xi32>, vector<16xi32>], vector<16xf32>,
      %add3A_901 = arith.addf %gather3A_881, %gather3A_882 : vector<16xf32>
      %add3A_902 = arith.addf %gather3A_883, %gather3A_884 : vector<16xf32>
      %add3A_903 = arith.addf %gather3A_885, %gather3A_886 : vector<16xf32>
      %add3A_904 = arith.addf %gather3A_887, %gather3A_888 : vector<16xf32>
      %add3A_905 = arith.addf %gather3A_889, %gather3A_890 : vector<16xf32>
      %add3A_906 = arith.addf %gather3A_891, %gather3A_892 : vector<16xf32>
      %add3A_907 = arith.addf %gather3A_893, %gather3A_894 : vector<16xf32>
      %add3A_908 = arith.addf %gather3A_895, %gather3A_896 : vector<16xf32>
      %add3A_909 = arith.addf %gather3A_897, %gather3A_898 : vector<16xf32>
      %add3A_910 = arith.addf %gather3A_899, %gather3A_900 : vector<16xf32>
      %add3A_911 = arith.addf %add3A_901, %add3A_902 : vector<16xf32>
      %add3A_912 = arith.addf %add3A_903, %add3A_904 : vector<16xf32>
      %add3A_913 = arith.addf %add3A_905, %add3A_906 : vector<16xf32>
      %add3A_914 = arith.addf %add3A_907, %add3A_908 : vector<16xf32>
      %add3A_915 = arith.addf %add3A_909, %add3A_910 : vector<16xf32>
      %add3A_916 = arith.addf %add3A_911, %add3A_912 : vector<16xf32>
      %add3A_917 = arith.addf %add3A_913, %add3A_914 : vector<16xf32>
      %add3A_918 = arith.addf %add3A_916, %add3A_917 : vector<16xf32>
      %add3A_919 = arith.addf %add3A_918, %add3A_915 : vector<16xf32>
      %mul3A_920 = arith.mulf %add3A_919, %div3A_206 : vector<16xf32>
      tpu.vector_store_idx %arg12[%broadcast_in_dim3A_880, %add3A_26], %mul3A_920 : memref<32x512xf32, #tpu.memory_space<vmem>>[vector<16xi32>, vector<16xi32>], vector<16xf32>,
      %broadcast_in_dim3A_921 = arith.constant 17 : i32
      %broadcast_in_dim3A_922 = vector.broadcast %broadcast_in_dim3A_921 : i32 to vector<16xi32>
      %gather3A_923 = tpu.vector_load_idx %arg10[%broadcast_in_dim3A_922, %gather3A] : memref<32x1000xf32, #tpu.memory_space<vmem>>[vector<16xi32>, vector<16xi32>], vector<16xf32>,
      %gather3A_924 = tpu.vector_load_idx %arg10[%broadcast_in_dim3A_922, %gather3A_31] : memref<32x1000xf32, #tpu.memory_space<vmem>>[vector<16xi32>, vector<16xi32>], vector<16xf32>,
      %gather3A_925 = tpu.vector_load_idx %arg10[%broadcast_in_dim3A_922, %gather3A_34] : memref<32x1000xf32, #tpu.memory_space<vmem>>[vector<16xi32>, vector<16xi32>], vector<16xf32>,
      %gather3A_926 = tpu.vector_load_idx %arg10[%broadcast_in_dim3A_922, %gather3A_37] : memref<32x1000xf32, #tpu.memory_space<vmem>>[vector<16xi32>, vector<16xi32>], vector<16xf32>,
      %gather3A_927 = tpu.vector_load_idx %arg10[%broadcast_in_dim3A_922, %gather3A_40] : memref<32x1000xf32, #tpu.memory_space<vmem>>[vector<16xi32>, vector<16xi32>], vector<16xf32>,
      %gather3A_928 = tpu.vector_load_idx %arg10[%broadcast_in_dim3A_922, %gather3A_43] : memref<32x1000xf32, #tpu.memory_space<vmem>>[vector<16xi32>, vector<16xi32>], vector<16xf32>,
      %gather3A_929 = tpu.vector_load_idx %arg10[%broadcast_in_dim3A_922, %gather3A_46] : memref<32x1000xf32, #tpu.memory_space<vmem>>[vector<16xi32>, vector<16xi32>], vector<16xf32>,
      %gather3A_930 = tpu.vector_load_idx %arg10[%broadcast_in_dim3A_922, %gather3A_49] : memref<32x1000xf32, #tpu.memory_space<vmem>>[vector<16xi32>, vector<16xi32>], vector<16xf32>,
      %gather3A_931 = tpu.vector_load_idx %arg10[%broadcast_in_dim3A_922, %gather3A_52] : memref<32x1000xf32, #tpu.memory_space<vmem>>[vector<16xi32>, vector<16xi32>], vector<16xf32>,
      %gather3A_932 = tpu.vector_load_idx %arg10[%broadcast_in_dim3A_922, %gather3A_55] : memref<32x1000xf32, #tpu.memory_space<vmem>>[vector<16xi32>, vector<16xi32>], vector<16xf32>,
      %gather3A_933 = tpu.vector_load_idx %arg10[%broadcast_in_dim3A_922, %gather3A_58] : memref<32x1000xf32, #tpu.memory_space<vmem>>[vector<16xi32>, vector<16xi32>], vector<16xf32>,
      %gather3A_934 = tpu.vector_load_idx %arg10[%broadcast_in_dim3A_922, %gather3A_61] : memref<32x1000xf32, #tpu.memory_space<vmem>>[vector<16xi32>, vector<16xi32>], vector<16xf32>,
      %gather3A_935 = tpu.vector_load_idx %arg10[%broadcast_in_dim3A_922, %gather3A_64] : memref<32x1000xf32, #tpu.memory_space<vmem>>[vector<16xi32>, vector<16xi32>], vector<16xf32>,
      %gather3A_936 = tpu.vector_load_idx %arg10[%broadcast_in_dim3A_922, %gather3A_67] : memref<32x1000xf32, #tpu.memory_space<vmem>>[vector<16xi32>, vector<16xi32>], vector<16xf32>,
      %gather3A_937 = tpu.vector_load_idx %arg10[%broadcast_in_dim3A_922, %gather3A_70] : memref<32x1000xf32, #tpu.memory_space<vmem>>[vector<16xi32>, vector<16xi32>], vector<16xf32>,
      %gather3A_938 = tpu.vector_load_idx %arg10[%broadcast_in_dim3A_922, %gather3A_73] : memref<32x1000xf32, #tpu.memory_space<vmem>>[vector<16xi32>, vector<16xi32>], vector<16xf32>,
      %gather3A_939 = tpu.vector_load_idx %arg10[%broadcast_in_dim3A_922, %gather3A_76] : memref<32x1000xf32, #tpu.memory_space<vmem>>[vector<16xi32>, vector<16xi32>], vector<16xf32>,
      %gather3A_940 = tpu.vector_load_idx %arg10[%broadcast_in_dim3A_922, %gather3A_79] : memref<32x1000xf32, #tpu.memory_space<vmem>>[vector<16xi32>, vector<16xi32>], vector<16xf32>,
      %gather3A_941 = tpu.vector_load_idx %arg10[%broadcast_in_dim3A_922, %gather3A_82] : memref<32x1000xf32, #tpu.memory_space<vmem>>[vector<16xi32>, vector<16xi32>], vector<16xf32>,
      %gather3A_942 = tpu.vector_load_idx %arg10[%broadcast_in_dim3A_922, %gather3A_85] : memref<32x1000xf32, #tpu.memory_space<vmem>>[vector<16xi32>, vector<16xi32>], vector<16xf32>,
      %add3A_943 = arith.addf %gather3A_923, %gather3A_924 : vector<16xf32>
      %add3A_944 = arith.addf %gather3A_925, %gather3A_926 : vector<16xf32>
      %add3A_945 = arith.addf %gather3A_927, %gather3A_928 : vector<16xf32>
      %add3A_946 = arith.addf %gather3A_929, %gather3A_930 : vector<16xf32>
      %add3A_947 = arith.addf %gather3A_931, %gather3A_932 : vector<16xf32>
      %add3A_948 = arith.addf %gather3A_933, %gather3A_934 : vector<16xf32>
      %add3A_949 = arith.addf %gather3A_935, %gather3A_936 : vector<16xf32>
      %add3A_950 = arith.addf %gather3A_937, %gather3A_938 : vector<16xf32>
      %add3A_951 = arith.addf %gather3A_939, %gather3A_940 : vector<16xf32>
      %add3A_952 = arith.addf %gather3A_941, %gather3A_942 : vector<16xf32>
      %add3A_953 = arith.addf %add3A_943, %add3A_944 : vector<16xf32>
      %add3A_954 = arith.addf %add3A_945, %add3A_946 : vector<16xf32>
      %add3A_955 = arith.addf %add3A_947, %add3A_948 : vector<16xf32>
      %add3A_956 = arith.addf %add3A_949, %add3A_950 : vector<16xf32>
      %add3A_957 = arith.addf %add3A_951, %add3A_952 : vector<16xf32>
      %add3A_958 = arith.addf %add3A_953, %add3A_954 : vector<16xf32>
      %add3A_959 = arith.addf %add3A_955, %add3A_956 : vector<16xf32>
      %add3A_960 = arith.addf %add3A_958, %add3A_959 : vector<16xf32>
      %add3A_961 = arith.addf %add3A_960, %add3A_957 : vector<16xf32>
      %mul3A_962 = arith.mulf %add3A_961, %div3A_206 : vector<16xf32>
      tpu.vector_store_idx %arg12[%broadcast_in_dim3A_922, %add3A_26], %mul3A_962 : memref<32x512xf32, #tpu.memory_space<vmem>>[vector<16xi32>, vector<16xi32>], vector<16xf32>,
      %broadcast_in_dim3A_963 = arith.constant 18 : i32
      %broadcast_in_dim3A_964 = vector.broadcast %broadcast_in_dim3A_963 : i32 to vector<16xi32>
      %gather3A_965 = tpu.vector_load_idx %arg10[%broadcast_in_dim3A_964, %gather3A] : memref<32x1000xf32, #tpu.memory_space<vmem>>[vector<16xi32>, vector<16xi32>], vector<16xf32>,
      %gather3A_966 = tpu.vector_load_idx %arg10[%broadcast_in_dim3A_964, %gather3A_31] : memref<32x1000xf32, #tpu.memory_space<vmem>>[vector<16xi32>, vector<16xi32>], vector<16xf32>,
      %gather3A_967 = tpu.vector_load_idx %arg10[%broadcast_in_dim3A_964, %gather3A_34] : memref<32x1000xf32, #tpu.memory_space<vmem>>[vector<16xi32>, vector<16xi32>], vector<16xf32>,
      %gather3A_968 = tpu.vector_load_idx %arg10[%broadcast_in_dim3A_964, %gather3A_37] : memref<32x1000xf32, #tpu.memory_space<vmem>>[vector<16xi32>, vector<16xi32>], vector<16xf32>,
      %gather3A_969 = tpu.vector_load_idx %arg10[%broadcast_in_dim3A_964, %gather3A_40] : memref<32x1000xf32, #tpu.memory_space<vmem>>[vector<16xi32>, vector<16xi32>], vector<16xf32>,
      %gather3A_970 = tpu.vector_load_idx %arg10[%broadcast_in_dim3A_964, %gather3A_43] : memref<32x1000xf32, #tpu.memory_space<vmem>>[vector<16xi32>, vector<16xi32>], vector<16xf32>,
      %gather3A_971 = tpu.vector_load_idx %arg10[%broadcast_in_dim3A_964, %gather3A_46] : memref<32x1000xf32, #tpu.memory_space<vmem>>[vector<16xi32>, vector<16xi32>], vector<16xf32>,
      %gather3A_972 = tpu.vector_load_idx %arg10[%broadcast_in_dim3A_964, %gather3A_49] : memref<32x1000xf32, #tpu.memory_space<vmem>>[vector<16xi32>, vector<16xi32>], vector<16xf32>,
      %gather3A_973 = tpu.vector_load_idx %arg10[%broadcast_in_dim3A_964, %gather3A_52] : memref<32x1000xf32, #tpu.memory_space<vmem>>[vector<16xi32>, vector<16xi32>], vector<16xf32>,
      %gather3A_974 = tpu.vector_load_idx %arg10[%broadcast_in_dim3A_964, %gather3A_55] : memref<32x1000xf32, #tpu.memory_space<vmem>>[vector<16xi32>, vector<16xi32>], vector<16xf32>,
      %gather3A_975 = tpu.vector_load_idx %arg10[%broadcast_in_dim3A_964, %gather3A_58] : memref<32x1000xf32, #tpu.memory_space<vmem>>[vector<16xi32>, vector<16xi32>], vector<16xf32>,
      %gather3A_976 = tpu.vector_load_idx %arg10[%broadcast_in_dim3A_964, %gather3A_61] : memref<32x1000xf32, #tpu.memory_space<vmem>>[vector<16xi32>, vector<16xi32>], vector<16xf32>,
      %gather3A_977 = tpu.vector_load_idx %arg10[%broadcast_in_dim3A_964, %gather3A_64] : memref<32x1000xf32, #tpu.memory_space<vmem>>[vector<16xi32>, vector<16xi32>], vector<16xf32>,
      %gather3A_978 = tpu.vector_load_idx %arg10[%broadcast_in_dim3A_964, %gather3A_67] : memref<32x1000xf32, #tpu.memory_space<vmem>>[vector<16xi32>, vector<16xi32>], vector<16xf32>,
      %gather3A_979 = tpu.vector_load_idx %arg10[%broadcast_in_dim3A_964, %gather3A_70] : memref<32x1000xf32, #tpu.memory_space<vmem>>[vector<16xi32>, vector<16xi32>], vector<16xf32>,
      %gather3A_980 = tpu.vector_load_idx %arg10[%broadcast_in_dim3A_964, %gather3A_73] : memref<32x1000xf32, #tpu.memory_space<vmem>>[vector<16xi32>, vector<16xi32>], vector<16xf32>,
      %gather3A_981 = tpu.vector_load_idx %arg10[%broadcast_in_dim3A_964, %gather3A_76] : memref<32x1000xf32, #tpu.memory_space<vmem>>[vector<16xi32>, vector<16xi32>], vector<16xf32>,
      %gather3A_982 = tpu.vector_load_idx %arg10[%broadcast_in_dim3A_964, %gather3A_79] : memref<32x1000xf32, #tpu.memory_space<vmem>>[vector<16xi32>, vector<16xi32>], vector<16xf32>,
      %gather3A_983 = tpu.vector_load_idx %arg10[%broadcast_in_dim3A_964, %gather3A_82] : memref<32x1000xf32, #tpu.memory_space<vmem>>[vector<16xi32>, vector<16xi32>], vector<16xf32>,
      %gather3A_984 = tpu.vector_load_idx %arg10[%broadcast_in_dim3A_964, %gather3A_85] : memref<32x1000xf32, #tpu.memory_space<vmem>>[vector<16xi32>, vector<16xi32>], vector<16xf32>,
      %add3A_985 = arith.addf %gather3A_965, %gather3A_966 : vector<16xf32>
      %add3A_986 = arith.addf %gather3A_967, %gather3A_968 : vector<16xf32>
      %add3A_987 = arith.addf %gather3A_969, %gather3A_970 : vector<16xf32>
      %add3A_988 = arith.addf %gather3A_971, %gather3A_972 : vector<16xf32>
      %add3A_989 = arith.addf %gather3A_973, %gather3A_974 : vector<16xf32>
      %add3A_990 = arith.addf %gather3A_975, %gather3A_976 : vector<16xf32>
      %add3A_991 = arith.addf %gather3A_977, %gather3A_978 : vector<16xf32>
      %add3A_992 = arith.addf %gather3A_979, %gather3A_980 : vector<16xf32>
      %add3A_993 = arith.addf %gather3A_981, %gather3A_982 : vector<16xf32>
      %add3A_994 = arith.addf %gather3A_983, %gather3A_984 : vector<16xf32>
      %add3A_995 = arith.addf %add3A_985, %add3A_986 : vector<16xf32>
      %add3A_996 = arith.addf %add3A_987, %add3A_988 : vector<16xf32>
      %add3A_997 = arith.addf %add3A_989, %add3A_990 : vector<16xf32>
      %add3A_998 = arith.addf %add3A_991, %add3A_992 : vector<16xf32>
      %add3A_999 = arith.addf %add3A_993, %add3A_994 : vector<16xf32>
      %add3A_1000 = arith.addf %add3A_995, %add3A_996 : vector<16xf32>
      %add3A_1001 = arith.addf %add3A_997, %add3A_998 : vector<16xf32>
      %add3A_1002 = arith.addf %add3A_1000, %add3A_1001 : vector<16xf32>
      %add3A_1003 = arith.addf %add3A_1002, %add3A_999 : vector<16xf32>
      %mul3A_1004 = arith.mulf %add3A_1003, %div3A_206 : vector<16xf32>
      tpu.vector_store_idx %arg12[%broadcast_in_dim3A_964, %add3A_26], %mul3A_1004 : memref<32x512xf32, #tpu.memory_space<vmem>>[vector<16xi32>, vector<16xi32>], vector<16xf32>,
      %broadcast_in_dim3A_1005 = arith.constant 19 : i32
      %broadcast_in_dim3A_1006 = vector.broadcast %broadcast_in_dim3A_1005 : i32 to vector<16xi32>
      %gather3A_1007 = tpu.vector_load_idx %arg10[%broadcast_in_dim3A_1006, %gather3A] : memref<32x1000xf32, #tpu.memory_space<vmem>>[vector<16xi32>, vector<16xi32>], vector<16xf32>,
      %gather3A_1008 = tpu.vector_load_idx %arg10[%broadcast_in_dim3A_1006, %gather3A_31] : memref<32x1000xf32, #tpu.memory_space<vmem>>[vector<16xi32>, vector<16xi32>], vector<16xf32>,
      %gather3A_1009 = tpu.vector_load_idx %arg10[%broadcast_in_dim3A_1006, %gather3A_34] : memref<32x1000xf32, #tpu.memory_space<vmem>>[vector<16xi32>, vector<16xi32>], vector<16xf32>,
      %gather3A_1010 = tpu.vector_load_idx %arg10[%broadcast_in_dim3A_1006, %gather3A_37] : memref<32x1000xf32, #tpu.memory_space<vmem>>[vector<16xi32>, vector<16xi32>], vector<16xf32>,
      %gather3A_1011 = tpu.vector_load_idx %arg10[%broadcast_in_dim3A_1006, %gather3A_40] : memref<32x1000xf32, #tpu.memory_space<vmem>>[vector<16xi32>, vector<16xi32>], vector<16xf32>,
      %gather3A_1012 = tpu.vector_load_idx %arg10[%broadcast_in_dim3A_1006, %gather3A_43] : memref<32x1000xf32, #tpu.memory_space<vmem>>[vector<16xi32>, vector<16xi32>], vector<16xf32>,
      %gather3A_1013 = tpu.vector_load_idx %arg10[%broadcast_in_dim3A_1006, %gather3A_46] : memref<32x1000xf32, #tpu.memory_space<vmem>>[vector<16xi32>, vector<16xi32>], vector<16xf32>,
      %gather3A_1014 = tpu.vector_load_idx %arg10[%broadcast_in_dim3A_1006, %gather3A_49] : memref<32x1000xf32, #tpu.memory_space<vmem>>[vector<16xi32>, vector<16xi32>], vector<16xf32>,
      %gather3A_1015 = tpu.vector_load_idx %arg10[%broadcast_in_dim3A_1006, %gather3A_52] : memref<32x1000xf32, #tpu.memory_space<vmem>>[vector<16xi32>, vector<16xi32>], vector<16xf32>,
      %gather3A_1016 = tpu.vector_load_idx %arg10[%broadcast_in_dim3A_1006, %gather3A_55] : memref<32x1000xf32, #tpu.memory_space<vmem>>[vector<16xi32>, vector<16xi32>], vector<16xf32>,
      %gather3A_1017 = tpu.vector_load_idx %arg10[%broadcast_in_dim3A_1006, %gather3A_58] : memref<32x1000xf32, #tpu.memory_space<vmem>>[vector<16xi32>, vector<16xi32>], vector<16xf32>,
      %gather3A_1018 = tpu.vector_load_idx %arg10[%broadcast_in_dim3A_1006, %gather3A_61] : memref<32x1000xf32, #tpu.memory_space<vmem>>[vector<16xi32>, vector<16xi32>], vector<16xf32>,
      %gather3A_1019 = tpu.vector_load_idx %arg10[%broadcast_in_dim3A_1006, %gather3A_64] : memref<32x1000xf32, #tpu.memory_space<vmem>>[vector<16xi32>, vector<16xi32>], vector<16xf32>,
      %gather3A_1020 = tpu.vector_load_idx %arg10[%broadcast_in_dim3A_1006, %gather3A_67] : memref<32x1000xf32, #tpu.memory_space<vmem>>[vector<16xi32>, vector<16xi32>], vector<16xf32>,
      %gather3A_1021 = tpu.vector_load_idx %arg10[%broadcast_in_dim3A_1006, %gather3A_70] : memref<32x1000xf32, #tpu.memory_space<vmem>>[vector<16xi32>, vector<16xi32>], vector<16xf32>,
      %gather3A_1022 = tpu.vector_load_idx %arg10[%broadcast_in_dim3A_1006, %gather3A_73] : memref<32x1000xf32, #tpu.memory_space<vmem>>[vector<16xi32>, vector<16xi32>], vector<16xf32>,
      %gather3A_1023 = tpu.vector_load_idx %arg10[%broadcast_in_dim3A_1006, %gather3A_76] : memref<32x1000xf32, #tpu.memory_space<vmem>>[vector<16xi32>, vector<16xi32>], vector<16xf32>,
      %gather3A_1024 = tpu.vector_load_idx %arg10[%broadcast_in_dim3A_1006, %gather3A_79] : memref<32x1000xf32, #tpu.memory_space<vmem>>[vector<16xi32>, vector<16xi32>], vector<16xf32>,
      %gather3A_1025 = tpu.vector_load_idx %arg10[%broadcast_in_dim3A_1006, %gather3A_82] : memref<32x1000xf32, #tpu.memory_space<vmem>>[vector<16xi32>, vector<16xi32>], vector<16xf32>,
      %gather3A_1026 = tpu.vector_load_idx %arg10[%broadcast_in_dim3A_1006, %gather3A_85] : memref<32x1000xf32, #tpu.memory_space<vmem>>[vector<16xi32>, vector<16xi32>], vector<16xf32>,
      %add3A_1027 = arith.addf %gather3A_1007, %gather3A_1008 : vector<16xf32>
      %add3A_1028 = arith.addf %gather3A_1009, %gather3A_1010 : vector<16xf32>
      %add3A_1029 = arith.addf %gather3A_1011, %gather3A_1012 : vector<16xf32>
      %add3A_1030 = arith.addf %gather3A_1013, %gather3A_1014 : vector<16xf32>
      %add3A_1031 = arith.addf %gather3A_1015, %gather3A_1016 : vector<16xf32>
      %add3A_1032 = arith.addf %gather3A_1017, %gather3A_1018 : vector<16xf32>
      %add3A_1033 = arith.addf %gather3A_1019, %gather3A_1020 : vector<16xf32>
      %add3A_1034 = arith.addf %gather3A_1021, %gather3A_1022 : vector<16xf32>
      %add3A_1035 = arith.addf %gather3A_1023, %gather3A_1024 : vector<16xf32>
      %add3A_1036 = arith.addf %gather3A_1025, %gather3A_1026 : vector<16xf32>
      %add3A_1037 = arith.addf %add3A_1027, %add3A_1028 : vector<16xf32>
      %add3A_1038 = arith.addf %add3A_1029, %add3A_1030 : vector<16xf32>
      %add3A_1039 = arith.addf %add3A_1031, %add3A_1032 : vector<16xf32>
      %add3A_1040 = arith.addf %add3A_1033, %add3A_1034 : vector<16xf32>
      %add3A_1041 = arith.addf %add3A_1035, %add3A_1036 : vector<16xf32>
      %add3A_1042 = arith.addf %add3A_1037, %add3A_1038 : vector<16xf32>
      %add3A_1043 = arith.addf %add3A_1039, %add3A_1040 : vector<16xf32>
      %add3A_1044 = arith.addf %add3A_1042, %add3A_1043 : vector<16xf32>
      %add3A_1045 = arith.addf %add3A_1044, %add3A_1041 : vector<16xf32>
      %mul3A_1046 = arith.mulf %add3A_1045, %div3A_206 : vector<16xf32>
      tpu.vector_store_idx %arg12[%broadcast_in_dim3A_1006, %add3A_26], %mul3A_1046 : memref<32x512xf32, #tpu.memory_space<vmem>>[vector<16xi32>, vector<16xi32>], vector<16xf32>,
      %broadcast_in_dim3A_1047 = arith.constant 20 : i32
      %broadcast_in_dim3A_1048 = vector.broadcast %broadcast_in_dim3A_1047 : i32 to vector<16xi32>
      %gather3A_1049 = tpu.vector_load_idx %arg10[%broadcast_in_dim3A_1048, %gather3A] : memref<32x1000xf32, #tpu.memory_space<vmem>>[vector<16xi32>, vector<16xi32>], vector<16xf32>,
      %gather3A_1050 = tpu.vector_load_idx %arg10[%broadcast_in_dim3A_1048, %gather3A_31] : memref<32x1000xf32, #tpu.memory_space<vmem>>[vector<16xi32>, vector<16xi32>], vector<16xf32>,
      %gather3A_1051 = tpu.vector_load_idx %arg10[%broadcast_in_dim3A_1048, %gather3A_34] : memref<32x1000xf32, #tpu.memory_space<vmem>>[vector<16xi32>, vector<16xi32>], vector<16xf32>,
      %gather3A_1052 = tpu.vector_load_idx %arg10[%broadcast_in_dim3A_1048, %gather3A_37] : memref<32x1000xf32, #tpu.memory_space<vmem>>[vector<16xi32>, vector<16xi32>], vector<16xf32>,
      %gather3A_1053 = tpu.vector_load_idx %arg10[%broadcast_in_dim3A_1048, %gather3A_40] : memref<32x1000xf32, #tpu.memory_space<vmem>>[vector<16xi32>, vector<16xi32>], vector<16xf32>,
      %gather3A_1054 = tpu.vector_load_idx %arg10[%broadcast_in_dim3A_1048, %gather3A_43] : memref<32x1000xf32, #tpu.memory_space<vmem>>[vector<16xi32>, vector<16xi32>], vector<16xf32>,
      %gather3A_1055 = tpu.vector_load_idx %arg10[%broadcast_in_dim3A_1048, %gather3A_46] : memref<32x1000xf32, #tpu.memory_space<vmem>>[vector<16xi32>, vector<16xi32>], vector<16xf32>,
      %gather3A_1056 = tpu.vector_load_idx %arg10[%broadcast_in_dim3A_1048, %gather3A_49] : memref<32x1000xf32, #tpu.memory_space<vmem>>[vector<16xi32>, vector<16xi32>], vector<16xf32>,
      %gather3A_1057 = tpu.vector_load_idx %arg10[%broadcast_in_dim3A_1048, %gather3A_52] : memref<32x1000xf32, #tpu.memory_space<vmem>>[vector<16xi32>, vector<16xi32>], vector<16xf32>,
      %gather3A_1058 = tpu.vector_load_idx %arg10[%broadcast_in_dim3A_1048, %gather3A_55] : memref<32x1000xf32, #tpu.memory_space<vmem>>[vector<16xi32>, vector<16xi32>], vector<16xf32>,
      %gather3A_1059 = tpu.vector_load_idx %arg10[%broadcast_in_dim3A_1048, %gather3A_58] : memref<32x1000xf32, #tpu.memory_space<vmem>>[vector<16xi32>, vector<16xi32>], vector<16xf32>,
      %gather3A_1060 = tpu.vector_load_idx %arg10[%broadcast_in_dim3A_1048, %gather3A_61] : memref<32x1000xf32, #tpu.memory_space<vmem>>[vector<16xi32>, vector<16xi32>], vector<16xf32>,
      %gather3A_1061 = tpu.vector_load_idx %arg10[%broadcast_in_dim3A_1048, %gather3A_64] : memref<32x1000xf32, #tpu.memory_space<vmem>>[vector<16xi32>, vector<16xi32>], vector<16xf32>,
      %gather3A_1062 = tpu.vector_load_idx %arg10[%broadcast_in_dim3A_1048, %gather3A_67] : memref<32x1000xf32, #tpu.memory_space<vmem>>[vector<16xi32>, vector<16xi32>], vector<16xf32>,
      %gather3A_1063 = tpu.vector_load_idx %arg10[%broadcast_in_dim3A_1048, %gather3A_70] : memref<32x1000xf32, #tpu.memory_space<vmem>>[vector<16xi32>, vector<16xi32>], vector<16xf32>,
      %gather3A_1064 = tpu.vector_load_idx %arg10[%broadcast_in_dim3A_1048, %gather3A_73] : memref<32x1000xf32, #tpu.memory_space<vmem>>[vector<16xi32>, vector<16xi32>], vector<16xf32>,
      %gather3A_1065 = tpu.vector_load_idx %arg10[%broadcast_in_dim3A_1048, %gather3A_76] : memref<32x1000xf32, #tpu.memory_space<vmem>>[vector<16xi32>, vector<16xi32>], vector<16xf32>,
      %gather3A_1066 = tpu.vector_load_idx %arg10[%broadcast_in_dim3A_1048, %gather3A_79] : memref<32x1000xf32, #tpu.memory_space<vmem>>[vector<16xi32>, vector<16xi32>], vector<16xf32>,
      %gather3A_1067 = tpu.vector_load_idx %arg10[%broadcast_in_dim3A_1048, %gather3A_82] : memref<32x1000xf32, #tpu.memory_space<vmem>>[vector<16xi32>, vector<16xi32>], vector<16xf32>,
      %gather3A_1068 = tpu.vector_load_idx %arg10[%broadcast_in_dim3A_1048, %gather3A_85] : memref<32x1000xf32, #tpu.memory_space<vmem>>[vector<16xi32>, vector<16xi32>], vector<16xf32>,
      %add3A_1069 = arith.addf %gather3A_1049, %gather3A_1050 : vector<16xf32>
      %add3A_1070 = arith.addf %gather3A_1051, %gather3A_1052 : vector<16xf32>
      %add3A_1071 = arith.addf %gather3A_1053, %gather3A_1054 : vector<16xf32>
      %add3A_1072 = arith.addf %gather3A_1055, %gather3A_1056 : vector<16xf32>
      %add3A_1073 = arith.addf %gather3A_1057, %gather3A_1058 : vector<16xf32>
      %add3A_1074 = arith.addf %gather3A_1059, %gather3A_1060 : vector<16xf32>
      %add3A_1075 = arith.addf %gather3A_1061, %gather3A_1062 : vector<16xf32>
      %add3A_1076 = arith.addf %gather3A_1063, %gather3A_1064 : vector<16xf32>
      %add3A_1077 = arith.addf %gather3A_1065, %gather3A_1066 : vector<16xf32>
      %add3A_1078 = arith.addf %gather3A_1067, %gather3A_1068 : vector<16xf32>
      %add3A_1079 = arith.addf %add3A_1069, %add3A_1070 : vector<16xf32>
      %add3A_1080 = arith.addf %add3A_1071, %add3A_1072 : vector<16xf32>
      %add3A_1081 = arith.addf %add3A_1073, %add3A_1074 : vector<16xf32>
      %add3A_1082 = arith.addf %add3A_1075, %add3A_1076 : vector<16xf32>
      %add3A_1083 = arith.addf %add3A_1077, %add3A_1078 : vector<16xf32>
      %add3A_1084 = arith.addf %add3A_1079, %add3A_1080 : vector<16xf32>
      %add3A_1085 = arith.addf %add3A_1081, %add3A_1082 : vector<16xf32>
      %add3A_1086 = arith.addf %add3A_1084, %add3A_1085 : vector<16xf32>
      %add3A_1087 = arith.addf %add3A_1086, %add3A_1083 : vector<16xf32>
      %mul3A_1088 = arith.mulf %add3A_1087, %div3A_206 : vector<16xf32>
      tpu.vector_store_idx %arg12[%broadcast_in_dim3A_1048, %add3A_26], %mul3A_1088 : memref<32x512xf32, #tpu.memory_space<vmem>>[vector<16xi32>, vector<16xi32>], vector<16xf32>,
      %broadcast_in_dim3A_1089 = arith.constant 21 : i32
      %broadcast_in_dim3A_1090 = vector.broadcast %broadcast_in_dim3A_1089 : i32 to vector<16xi32>
      %gather3A_1091 = tpu.vector_load_idx %arg10[%broadcast_in_dim3A_1090, %gather3A] : memref<32x1000xf32, #tpu.memory_space<vmem>>[vector<16xi32>, vector<16xi32>], vector<16xf32>,
      %gather3A_1092 = tpu.vector_load_idx %arg10[%broadcast_in_dim3A_1090, %gather3A_31] : memref<32x1000xf32, #tpu.memory_space<vmem>>[vector<16xi32>, vector<16xi32>], vector<16xf32>,
      %gather3A_1093 = tpu.vector_load_idx %arg10[%broadcast_in_dim3A_1090, %gather3A_34] : memref<32x1000xf32, #tpu.memory_space<vmem>>[vector<16xi32>, vector<16xi32>], vector<16xf32>,
      %gather3A_1094 = tpu.vector_load_idx %arg10[%broadcast_in_dim3A_1090, %gather3A_37] : memref<32x1000xf32, #tpu.memory_space<vmem>>[vector<16xi32>, vector<16xi32>], vector<16xf32>,
      %gather3A_1095 = tpu.vector_load_idx %arg10[%broadcast_in_dim3A_1090, %gather3A_40] : memref<32x1000xf32, #tpu.memory_space<vmem>>[vector<16xi32>, vector<16xi32>], vector<16xf32>,
      %gather3A_1096 = tpu.vector_load_idx %arg10[%broadcast_in_dim3A_1090, %gather3A_43] : memref<32x1000xf32, #tpu.memory_space<vmem>>[vector<16xi32>, vector<16xi32>], vector<16xf32>,
      %gather3A_1097 = tpu.vector_load_idx %arg10[%broadcast_in_dim3A_1090, %gather3A_46] : memref<32x1000xf32, #tpu.memory_space<vmem>>[vector<16xi32>, vector<16xi32>], vector<16xf32>,
      %gather3A_1098 = tpu.vector_load_idx %arg10[%broadcast_in_dim3A_1090, %gather3A_49] : memref<32x1000xf32, #tpu.memory_space<vmem>>[vector<16xi32>, vector<16xi32>], vector<16xf32>,
      %gather3A_1099 = tpu.vector_load_idx %arg10[%broadcast_in_dim3A_1090, %gather3A_52] : memref<32x1000xf32, #tpu.memory_space<vmem>>[vector<16xi32>, vector<16xi32>], vector<16xf32>,
      %gather3A_1100 = tpu.vector_load_idx %arg10[%broadcast_in_dim3A_1090, %gather3A_55] : memref<32x1000xf32, #tpu.memory_space<vmem>>[vector<16xi32>, vector<16xi32>], vector<16xf32>,
      %gather3A_1101 = tpu.vector_load_idx %arg10[%broadcast_in_dim3A_1090, %gather3A_58] : memref<32x1000xf32, #tpu.memory_space<vmem>>[vector<16xi32>, vector<16xi32>], vector<16xf32>,
      %gather3A_1102 = tpu.vector_load_idx %arg10[%broadcast_in_dim3A_1090, %gather3A_61] : memref<32x1000xf32, #tpu.memory_space<vmem>>[vector<16xi32>, vector<16xi32>], vector<16xf32>,
      %gather3A_1103 = tpu.vector_load_idx %arg10[%broadcast_in_dim3A_1090, %gather3A_64] : memref<32x1000xf32, #tpu.memory_space<vmem>>[vector<16xi32>, vector<16xi32>], vector<16xf32>,
      %gather3A_1104 = tpu.vector_load_idx %arg10[%broadcast_in_dim3A_1090, %gather3A_67] : memref<32x1000xf32, #tpu.memory_space<vmem>>[vector<16xi32>, vector<16xi32>], vector<16xf32>,
      %gather3A_1105 = tpu.vector_load_idx %arg10[%broadcast_in_dim3A_1090, %gather3A_70] : memref<32x1000xf32, #tpu.memory_space<vmem>>[vector<16xi32>, vector<16xi32>], vector<16xf32>,
      %gather3A_1106 = tpu.vector_load_idx %arg10[%broadcast_in_dim3A_1090, %gather3A_73] : memref<32x1000xf32, #tpu.memory_space<vmem>>[vector<16xi32>, vector<16xi32>], vector<16xf32>,
      %gather3A_1107 = tpu.vector_load_idx %arg10[%broadcast_in_dim3A_1090, %gather3A_76] : memref<32x1000xf32, #tpu.memory_space<vmem>>[vector<16xi32>, vector<16xi32>], vector<16xf32>,
      %gather3A_1108 = tpu.vector_load_idx %arg10[%broadcast_in_dim3A_1090, %gather3A_79] : memref<32x1000xf32, #tpu.memory_space<vmem>>[vector<16xi32>, vector<16xi32>], vector<16xf32>,
      %gather3A_1109 = tpu.vector_load_idx %arg10[%broadcast_in_dim3A_1090, %gather3A_82] : memref<32x1000xf32, #tpu.memory_space<vmem>>[vector<16xi32>, vector<16xi32>], vector<16xf32>,
      %gather3A_1110 = tpu.vector_load_idx %arg10[%broadcast_in_dim3A_1090, %gather3A_85] : memref<32x1000xf32, #tpu.memory_space<vmem>>[vector<16xi32>, vector<16xi32>], vector<16xf32>,
      %add3A_1111 = arith.addf %gather3A_1091, %gather3A_1092 : vector<16xf32>
      %add3A_1112 = arith.addf %gather3A_1093, %gather3A_1094 : vector<16xf32>
      %add3A_1113 = arith.addf %gather3A_1095, %gather3A_1096 : vector<16xf32>
      %add3A_1114 = arith.addf %gather3A_1097, %gather3A_1098 : vector<16xf32>
      %add3A_1115 = arith.addf %gather3A_1099, %gather3A_1100 : vector<16xf32>
      %add3A_1116 = arith.addf %gather3A_1101, %gather3A_1102 : vector<16xf32>
      %add3A_1117 = arith.addf %gather3A_1103, %gather3A_1104 : vector<16xf32>
      %add3A_1118 = arith.addf %gather3A_1105, %gather3A_1106 : vector<16xf32>
      %add3A_1119 = arith.addf %gather3A_1107, %gather3A_1108 : vector<16xf32>
      %add3A_1120 = arith.addf %gather3A_1109, %gather3A_1110 : vector<16xf32>
      %add3A_1121 = arith.addf %add3A_1111, %add3A_1112 : vector<16xf32>
      %add3A_1122 = arith.addf %add3A_1113, %add3A_1114 : vector<16xf32>
      %add3A_1123 = arith.addf %add3A_1115, %add3A_1116 : vector<16xf32>
      %add3A_1124 = arith.addf %add3A_1117, %add3A_1118 : vector<16xf32>
      %add3A_1125 = arith.addf %add3A_1119, %add3A_1120 : vector<16xf32>
      %add3A_1126 = arith.addf %add3A_1121, %add3A_1122 : vector<16xf32>
      %add3A_1127 = arith.addf %add3A_1123, %add3A_1124 : vector<16xf32>
      %add3A_1128 = arith.addf %add3A_1126, %add3A_1127 : vector<16xf32>
      %add3A_1129 = arith.addf %add3A_1128, %add3A_1125 : vector<16xf32>
      %mul3A_1130 = arith.mulf %add3A_1129, %div3A_206 : vector<16xf32>
      tpu.vector_store_idx %arg12[%broadcast_in_dim3A_1090, %add3A_26], %mul3A_1130 : memref<32x512xf32, #tpu.memory_space<vmem>>[vector<16xi32>, vector<16xi32>], vector<16xf32>,
      %broadcast_in_dim3A_1131 = arith.constant 22 : i32
      %broadcast_in_dim3A_1132 = vector.broadcast %broadcast_in_dim3A_1131 : i32 to vector<16xi32>
      %gather3A_1133 = tpu.vector_load_idx %arg10[%broadcast_in_dim3A_1132, %gather3A] : memref<32x1000xf32, #tpu.memory_space<vmem>>[vector<16xi32>, vector<16xi32>], vector<16xf32>,
      %gather3A_1134 = tpu.vector_load_idx %arg10[%broadcast_in_dim3A_1132, %gather3A_31] : memref<32x1000xf32, #tpu.memory_space<vmem>>[vector<16xi32>, vector<16xi32>], vector<16xf32>,
      %gather3A_1135 = tpu.vector_load_idx %arg10[%broadcast_in_dim3A_1132, %gather3A_34] : memref<32x1000xf32, #tpu.memory_space<vmem>>[vector<16xi32>, vector<16xi32>], vector<16xf32>,
      %gather3A_1136 = tpu.vector_load_idx %arg10[%broadcast_in_dim3A_1132, %gather3A_37] : memref<32x1000xf32, #tpu.memory_space<vmem>>[vector<16xi32>, vector<16xi32>], vector<16xf32>,
      %gather3A_1137 = tpu.vector_load_idx %arg10[%broadcast_in_dim3A_1132, %gather3A_40] : memref<32x1000xf32, #tpu.memory_space<vmem>>[vector<16xi32>, vector<16xi32>], vector<16xf32>,
      %gather3A_1138 = tpu.vector_load_idx %arg10[%broadcast_in_dim3A_1132, %gather3A_43] : memref<32x1000xf32, #tpu.memory_space<vmem>>[vector<16xi32>, vector<16xi32>], vector<16xf32>,
      %gather3A_1139 = tpu.vector_load_idx %arg10[%broadcast_in_dim3A_1132, %gather3A_46] : memref<32x1000xf32, #tpu.memory_space<vmem>>[vector<16xi32>, vector<16xi32>], vector<16xf32>,
      %gather3A_1140 = tpu.vector_load_idx %arg10[%broadcast_in_dim3A_1132, %gather3A_49] : memref<32x1000xf32, #tpu.memory_space<vmem>>[vector<16xi32>, vector<16xi32>], vector<16xf32>,
      %gather3A_1141 = tpu.vector_load_idx %arg10[%broadcast_in_dim3A_1132, %gather3A_52] : memref<32x1000xf32, #tpu.memory_space<vmem>>[vector<16xi32>, vector<16xi32>], vector<16xf32>,
      %gather3A_1142 = tpu.vector_load_idx %arg10[%broadcast_in_dim3A_1132, %gather3A_55] : memref<32x1000xf32, #tpu.memory_space<vmem>>[vector<16xi32>, vector<16xi32>], vector<16xf32>,
      %gather3A_1143 = tpu.vector_load_idx %arg10[%broadcast_in_dim3A_1132, %gather3A_58] : memref<32x1000xf32, #tpu.memory_space<vmem>>[vector<16xi32>, vector<16xi32>], vector<16xf32>,
      %gather3A_1144 = tpu.vector_load_idx %arg10[%broadcast_in_dim3A_1132, %gather3A_61] : memref<32x1000xf32, #tpu.memory_space<vmem>>[vector<16xi32>, vector<16xi32>], vector<16xf32>,
      %gather3A_1145 = tpu.vector_load_idx %arg10[%broadcast_in_dim3A_1132, %gather3A_64] : memref<32x1000xf32, #tpu.memory_space<vmem>>[vector<16xi32>, vector<16xi32>], vector<16xf32>,
      %gather3A_1146 = tpu.vector_load_idx %arg10[%broadcast_in_dim3A_1132, %gather3A_67] : memref<32x1000xf32, #tpu.memory_space<vmem>>[vector<16xi32>, vector<16xi32>], vector<16xf32>,
      %gather3A_1147 = tpu.vector_load_idx %arg10[%broadcast_in_dim3A_1132, %gather3A_70] : memref<32x1000xf32, #tpu.memory_space<vmem>>[vector<16xi32>, vector<16xi32>], vector<16xf32>,
      %gather3A_1148 = tpu.vector_load_idx %arg10[%broadcast_in_dim3A_1132, %gather3A_73] : memref<32x1000xf32, #tpu.memory_space<vmem>>[vector<16xi32>, vector<16xi32>], vector<16xf32>,
      %gather3A_1149 = tpu.vector_load_idx %arg10[%broadcast_in_dim3A_1132, %gather3A_76] : memref<32x1000xf32, #tpu.memory_space<vmem>>[vector<16xi32>, vector<16xi32>], vector<16xf32>,
      %gather3A_1150 = tpu.vector_load_idx %arg10[%broadcast_in_dim3A_1132, %gather3A_79] : memref<32x1000xf32, #tpu.memory_space<vmem>>[vector<16xi32>, vector<16xi32>], vector<16xf32>,
      %gather3A_1151 = tpu.vector_load_idx %arg10[%broadcast_in_dim3A_1132, %gather3A_82] : memref<32x1000xf32, #tpu.memory_space<vmem>>[vector<16xi32>, vector<16xi32>], vector<16xf32>,
      %gather3A_1152 = tpu.vector_load_idx %arg10[%broadcast_in_dim3A_1132, %gather3A_85] : memref<32x1000xf32, #tpu.memory_space<vmem>>[vector<16xi32>, vector<16xi32>], vector<16xf32>,
      %add3A_1153 = arith.addf %gather3A_1133, %gather3A_1134 : vector<16xf32>
      %add3A_1154 = arith.addf %gather3A_1135, %gather3A_1136 : vector<16xf32>
      %add3A_1155 = arith.addf %gather3A_1137, %gather3A_1138 : vector<16xf32>
      %add3A_1156 = arith.addf %gather3A_1139, %gather3A_1140 : vector<16xf32>
      %add3A_1157 = arith.addf %gather3A_1141, %gather3A_1142 : vector<16xf32>
      %add3A_1158 = arith.addf %gather3A_1143, %gather3A_1144 : vector<16xf32>
      %add3A_1159 = arith.addf %gather3A_1145, %gather3A_1146 : vector<16xf32>
      %add3A_1160 = arith.addf %gather3A_1147, %gather3A_1148 : vector<16xf32>
      %add3A_1161 = arith.addf %gather3A_1149, %gather3A_1150 : vector<16xf32>
      %add3A_1162 = arith.addf %gather3A_1151, %gather3A_1152 : vector<16xf32>
      %add3A_1163 = arith.addf %add3A_1153, %add3A_1154 : vector<16xf32>
      %add3A_1164 = arith.addf %add3A_1155, %add3A_1156 : vector<16xf32>
      %add3A_1165 = arith.addf %add3A_1157, %add3A_1158 : vector<16xf32>
      %add3A_1166 = arith.addf %add3A_1159, %add3A_1160 : vector<16xf32>
      %add3A_1167 = arith.addf %add3A_1161, %add3A_1162 : vector<16xf32>
      %add3A_1168 = arith.addf %add3A_1163, %add3A_1164 : vector<16xf32>
      %add3A_1169 = arith.addf %add3A_1165, %add3A_1166 : vector<16xf32>
      %add3A_1170 = arith.addf %add3A_1168, %add3A_1169 : vector<16xf32>
      %add3A_1171 = arith.addf %add3A_1170, %add3A_1167 : vector<16xf32>
      %mul3A_1172 = arith.mulf %add3A_1171, %div3A_206 : vector<16xf32>
      tpu.vector_store_idx %arg12[%broadcast_in_dim3A_1132, %add3A_26], %mul3A_1172 : memref<32x512xf32, #tpu.memory_space<vmem>>[vector<16xi32>, vector<16xi32>], vector<16xf32>,
      %broadcast_in_dim3A_1173 = arith.constant 23 : i32
      %broadcast_in_dim3A_1174 = vector.broadcast %broadcast_in_dim3A_1173 : i32 to vector<16xi32>
      %gather3A_1175 = tpu.vector_load_idx %arg10[%broadcast_in_dim3A_1174, %gather3A] : memref<32x1000xf32, #tpu.memory_space<vmem>>[vector<16xi32>, vector<16xi32>], vector<16xf32>,
      %gather3A_1176 = tpu.vector_load_idx %arg10[%broadcast_in_dim3A_1174, %gather3A_31] : memref<32x1000xf32, #tpu.memory_space<vmem>>[vector<16xi32>, vector<16xi32>], vector<16xf32>,
      %gather3A_1177 = tpu.vector_load_idx %arg10[%broadcast_in_dim3A_1174, %gather3A_34] : memref<32x1000xf32, #tpu.memory_space<vmem>>[vector<16xi32>, vector<16xi32>], vector<16xf32>,
      %gather3A_1178 = tpu.vector_load_idx %arg10[%broadcast_in_dim3A_1174, %gather3A_37] : memref<32x1000xf32, #tpu.memory_space<vmem>>[vector<16xi32>, vector<16xi32>], vector<16xf32>,
      %gather3A_1179 = tpu.vector_load_idx %arg10[%broadcast_in_dim3A_1174, %gather3A_40] : memref<32x1000xf32, #tpu.memory_space<vmem>>[vector<16xi32>, vector<16xi32>], vector<16xf32>,
      %gather3A_1180 = tpu.vector_load_idx %arg10[%broadcast_in_dim3A_1174, %gather3A_43] : memref<32x1000xf32, #tpu.memory_space<vmem>>[vector<16xi32>, vector<16xi32>], vector<16xf32>,
      %gather3A_1181 = tpu.vector_load_idx %arg10[%broadcast_in_dim3A_1174, %gather3A_46] : memref<32x1000xf32, #tpu.memory_space<vmem>>[vector<16xi32>, vector<16xi32>], vector<16xf32>,
      %gather3A_1182 = tpu.vector_load_idx %arg10[%broadcast_in_dim3A_1174, %gather3A_49] : memref<32x1000xf32, #tpu.memory_space<vmem>>[vector<16xi32>, vector<16xi32>], vector<16xf32>,
      %gather3A_1183 = tpu.vector_load_idx %arg10[%broadcast_in_dim3A_1174, %gather3A_52] : memref<32x1000xf32, #tpu.memory_space<vmem>>[vector<16xi32>, vector<16xi32>], vector<16xf32>,
      %gather3A_1184 = tpu.vector_load_idx %arg10[%broadcast_in_dim3A_1174, %gather3A_55] : memref<32x1000xf32, #tpu.memory_space<vmem>>[vector<16xi32>, vector<16xi32>], vector<16xf32>,
      %gather3A_1185 = tpu.vector_load_idx %arg10[%broadcast_in_dim3A_1174, %gather3A_58] : memref<32x1000xf32, #tpu.memory_space<vmem>>[vector<16xi32>, vector<16xi32>], vector<16xf32>,
      %gather3A_1186 = tpu.vector_load_idx %arg10[%broadcast_in_dim3A_1174, %gather3A_61] : memref<32x1000xf32, #tpu.memory_space<vmem>>[vector<16xi32>, vector<16xi32>], vector<16xf32>,
      %gather3A_1187 = tpu.vector_load_idx %arg10[%broadcast_in_dim3A_1174, %gather3A_64] : memref<32x1000xf32, #tpu.memory_space<vmem>>[vector<16xi32>, vector<16xi32>], vector<16xf32>,
      %gather3A_1188 = tpu.vector_load_idx %arg10[%broadcast_in_dim3A_1174, %gather3A_67] : memref<32x1000xf32, #tpu.memory_space<vmem>>[vector<16xi32>, vector<16xi32>], vector<16xf32>,
      %gather3A_1189 = tpu.vector_load_idx %arg10[%broadcast_in_dim3A_1174, %gather3A_70] : memref<32x1000xf32, #tpu.memory_space<vmem>>[vector<16xi32>, vector<16xi32>], vector<16xf32>,
      %gather3A_1190 = tpu.vector_load_idx %arg10[%broadcast_in_dim3A_1174, %gather3A_73] : memref<32x1000xf32, #tpu.memory_space<vmem>>[vector<16xi32>, vector<16xi32>], vector<16xf32>,
      %gather3A_1191 = tpu.vector_load_idx %arg10[%broadcast_in_dim3A_1174, %gather3A_76] : memref<32x1000xf32, #tpu.memory_space<vmem>>[vector<16xi32>, vector<16xi32>], vector<16xf32>,
      %gather3A_1192 = tpu.vector_load_idx %arg10[%broadcast_in_dim3A_1174, %gather3A_79] : memref<32x1000xf32, #tpu.memory_space<vmem>>[vector<16xi32>, vector<16xi32>], vector<16xf32>,
      %gather3A_1193 = tpu.vector_load_idx %arg10[%broadcast_in_dim3A_1174, %gather3A_82] : memref<32x1000xf32, #tpu.memory_space<vmem>>[vector<16xi32>, vector<16xi32>], vector<16xf32>,
      %gather3A_1194 = tpu.vector_load_idx %arg10[%broadcast_in_dim3A_1174, %gather3A_85] : memref<32x1000xf32, #tpu.memory_space<vmem>>[vector<16xi32>, vector<16xi32>], vector<16xf32>,
      %add3A_1195 = arith.addf %gather3A_1175, %gather3A_1176 : vector<16xf32>
      %add3A_1196 = arith.addf %gather3A_1177, %gather3A_1178 : vector<16xf32>
      %add3A_1197 = arith.addf %gather3A_1179, %gather3A_1180 : vector<16xf32>
      %add3A_1198 = arith.addf %gather3A_1181, %gather3A_1182 : vector<16xf32>
      %add3A_1199 = arith.addf %gather3A_1183, %gather3A_1184 : vector<16xf32>
      %add3A_1200 = arith.addf %gather3A_1185, %gather3A_1186 : vector<16xf32>
      %add3A_1201 = arith.addf %gather3A_1187, %gather3A_1188 : vector<16xf32>
      %add3A_1202 = arith.addf %gather3A_1189, %gather3A_1190 : vector<16xf32>
      %add3A_1203 = arith.addf %gather3A_1191, %gather3A_1192 : vector<16xf32>
      %add3A_1204 = arith.addf %gather3A_1193, %gather3A_1194 : vector<16xf32>
      %add3A_1205 = arith.addf %add3A_1195, %add3A_1196 : vector<16xf32>
      %add3A_1206 = arith.addf %add3A_1197, %add3A_1198 : vector<16xf32>
      %add3A_1207 = arith.addf %add3A_1199, %add3A_1200 : vector<16xf32>
      %add3A_1208 = arith.addf %add3A_1201, %add3A_1202 : vector<16xf32>
      %add3A_1209 = arith.addf %add3A_1203, %add3A_1204 : vector<16xf32>
      %add3A_1210 = arith.addf %add3A_1205, %add3A_1206 : vector<16xf32>
      %add3A_1211 = arith.addf %add3A_1207, %add3A_1208 : vector<16xf32>
      %add3A_1212 = arith.addf %add3A_1210, %add3A_1211 : vector<16xf32>
      %add3A_1213 = arith.addf %add3A_1212, %add3A_1209 : vector<16xf32>
      %mul3A_1214 = arith.mulf %add3A_1213, %div3A_206 : vector<16xf32>
      tpu.vector_store_idx %arg12[%broadcast_in_dim3A_1174, %add3A_26], %mul3A_1214 : memref<32x512xf32, #tpu.memory_space<vmem>>[vector<16xi32>, vector<16xi32>], vector<16xf32>,
      %broadcast_in_dim3A_1215 = arith.constant 24 : i32
      %broadcast_in_dim3A_1216 = vector.broadcast %broadcast_in_dim3A_1215 : i32 to vector<16xi32>
      %gather3A_1217 = tpu.vector_load_idx %arg10[%broadcast_in_dim3A_1216, %gather3A] : memref<32x1000xf32, #tpu.memory_space<vmem>>[vector<16xi32>, vector<16xi32>], vector<16xf32>,
      %gather3A_1218 = tpu.vector_load_idx %arg10[%broadcast_in_dim3A_1216, %gather3A_31] : memref<32x1000xf32, #tpu.memory_space<vmem>>[vector<16xi32>, vector<16xi32>], vector<16xf32>,
      %gather3A_1219 = tpu.vector_load_idx %arg10[%broadcast_in_dim3A_1216, %gather3A_34] : memref<32x1000xf32, #tpu.memory_space<vmem>>[vector<16xi32>, vector<16xi32>], vector<16xf32>,
      %gather3A_1220 = tpu.vector_load_idx %arg10[%broadcast_in_dim3A_1216, %gather3A_37] : memref<32x1000xf32, #tpu.memory_space<vmem>>[vector<16xi32>, vector<16xi32>], vector<16xf32>,
      %gather3A_1221 = tpu.vector_load_idx %arg10[%broadcast_in_dim3A_1216, %gather3A_40] : memref<32x1000xf32, #tpu.memory_space<vmem>>[vector<16xi32>, vector<16xi32>], vector<16xf32>,
      %gather3A_1222 = tpu.vector_load_idx %arg10[%broadcast_in_dim3A_1216, %gather3A_43] : memref<32x1000xf32, #tpu.memory_space<vmem>>[vector<16xi32>, vector<16xi32>], vector<16xf32>,
      %gather3A_1223 = tpu.vector_load_idx %arg10[%broadcast_in_dim3A_1216, %gather3A_46] : memref<32x1000xf32, #tpu.memory_space<vmem>>[vector<16xi32>, vector<16xi32>], vector<16xf32>,
      %gather3A_1224 = tpu.vector_load_idx %arg10[%broadcast_in_dim3A_1216, %gather3A_49] : memref<32x1000xf32, #tpu.memory_space<vmem>>[vector<16xi32>, vector<16xi32>], vector<16xf32>,
      %gather3A_1225 = tpu.vector_load_idx %arg10[%broadcast_in_dim3A_1216, %gather3A_52] : memref<32x1000xf32, #tpu.memory_space<vmem>>[vector<16xi32>, vector<16xi32>], vector<16xf32>,
      %gather3A_1226 = tpu.vector_load_idx %arg10[%broadcast_in_dim3A_1216, %gather3A_55] : memref<32x1000xf32, #tpu.memory_space<vmem>>[vector<16xi32>, vector<16xi32>], vector<16xf32>,
      %gather3A_1227 = tpu.vector_load_idx %arg10[%broadcast_in_dim3A_1216, %gather3A_58] : memref<32x1000xf32, #tpu.memory_space<vmem>>[vector<16xi32>, vector<16xi32>], vector<16xf32>,
      %gather3A_1228 = tpu.vector_load_idx %arg10[%broadcast_in_dim3A_1216, %gather3A_61] : memref<32x1000xf32, #tpu.memory_space<vmem>>[vector<16xi32>, vector<16xi32>], vector<16xf32>,
      %gather3A_1229 = tpu.vector_load_idx %arg10[%broadcast_in_dim3A_1216, %gather3A_64] : memref<32x1000xf32, #tpu.memory_space<vmem>>[vector<16xi32>, vector<16xi32>], vector<16xf32>,
      %gather3A_1230 = tpu.vector_load_idx %arg10[%broadcast_in_dim3A_1216, %gather3A_67] : memref<32x1000xf32, #tpu.memory_space<vmem>>[vector<16xi32>, vector<16xi32>], vector<16xf32>,
      %gather3A_1231 = tpu.vector_load_idx %arg10[%broadcast_in_dim3A_1216, %gather3A_70] : memref<32x1000xf32, #tpu.memory_space<vmem>>[vector<16xi32>, vector<16xi32>], vector<16xf32>,
      %gather3A_1232 = tpu.vector_load_idx %arg10[%broadcast_in_dim3A_1216, %gather3A_73] : memref<32x1000xf32, #tpu.memory_space<vmem>>[vector<16xi32>, vector<16xi32>], vector<16xf32>,
      %gather3A_1233 = tpu.vector_load_idx %arg10[%broadcast_in_dim3A_1216, %gather3A_76] : memref<32x1000xf32, #tpu.memory_space<vmem>>[vector<16xi32>, vector<16xi32>], vector<16xf32>,
      %gather3A_1234 = tpu.vector_load_idx %arg10[%broadcast_in_dim3A_1216, %gather3A_79] : memref<32x1000xf32, #tpu.memory_space<vmem>>[vector<16xi32>, vector<16xi32>], vector<16xf32>,
      %gather3A_1235 = tpu.vector_load_idx %arg10[%broadcast_in_dim3A_1216, %gather3A_82] : memref<32x1000xf32, #tpu.memory_space<vmem>>[vector<16xi32>, vector<16xi32>], vector<16xf32>,
      %gather3A_1236 = tpu.vector_load_idx %arg10[%broadcast_in_dim3A_1216, %gather3A_85] : memref<32x1000xf32, #tpu.memory_space<vmem>>[vector<16xi32>, vector<16xi32>], vector<16xf32>,
      %add3A_1237 = arith.addf %gather3A_1217, %gather3A_1218 : vector<16xf32>
      %add3A_1238 = arith.addf %gather3A_1219, %gather3A_1220 : vector<16xf32>
      %add3A_1239 = arith.addf %gather3A_1221, %gather3A_1222 : vector<16xf32>
      %add3A_1240 = arith.addf %gather3A_1223, %gather3A_1224 : vector<16xf32>
      %add3A_1241 = arith.addf %gather3A_1225, %gather3A_1226 : vector<16xf32>
      %add3A_1242 = arith.addf %gather3A_1227, %gather3A_1228 : vector<16xf32>
      %add3A_1243 = arith.addf %gather3A_1229, %gather3A_1230 : vector<16xf32>
      %add3A_1244 = arith.addf %gather3A_1231, %gather3A_1232 : vector<16xf32>
      %add3A_1245 = arith.addf %gather3A_1233, %gather3A_1234 : vector<16xf32>
      %add3A_1246 = arith.addf %gather3A_1235, %gather3A_1236 : vector<16xf32>
      %add3A_1247 = arith.addf %add3A_1237, %add3A_1238 : vector<16xf32>
      %add3A_1248 = arith.addf %add3A_1239, %add3A_1240 : vector<16xf32>
      %add3A_1249 = arith.addf %add3A_1241, %add3A_1242 : vector<16xf32>
      %add3A_1250 = arith.addf %add3A_1243, %add3A_1244 : vector<16xf32>
      %add3A_1251 = arith.addf %add3A_1245, %add3A_1246 : vector<16xf32>
      %add3A_1252 = arith.addf %add3A_1247, %add3A_1248 : vector<16xf32>
      %add3A_1253 = arith.addf %add3A_1249, %add3A_1250 : vector<16xf32>
      %add3A_1254 = arith.addf %add3A_1252, %add3A_1253 : vector<16xf32>
      %add3A_1255 = arith.addf %add3A_1254, %add3A_1251 : vector<16xf32>
      %mul3A_1256 = arith.mulf %add3A_1255, %div3A_206 : vector<16xf32>
      tpu.vector_store_idx %arg12[%broadcast_in_dim3A_1216, %add3A_26], %mul3A_1256 : memref<32x512xf32, #tpu.memory_space<vmem>>[vector<16xi32>, vector<16xi32>], vector<16xf32>,
      %broadcast_in_dim3A_1257 = arith.constant 25 : i32
      %broadcast_in_dim3A_1258 = vector.broadcast %broadcast_in_dim3A_1257 : i32 to vector<16xi32>
      %gather3A_1259 = tpu.vector_load_idx %arg10[%broadcast_in_dim3A_1258, %gather3A] : memref<32x1000xf32, #tpu.memory_space<vmem>>[vector<16xi32>, vector<16xi32>], vector<16xf32>,
      %gather3A_1260 = tpu.vector_load_idx %arg10[%broadcast_in_dim3A_1258, %gather3A_31] : memref<32x1000xf32, #tpu.memory_space<vmem>>[vector<16xi32>, vector<16xi32>], vector<16xf32>,
      %gather3A_1261 = tpu.vector_load_idx %arg10[%broadcast_in_dim3A_1258, %gather3A_34] : memref<32x1000xf32, #tpu.memory_space<vmem>>[vector<16xi32>, vector<16xi32>], vector<16xf32>,
      %gather3A_1262 = tpu.vector_load_idx %arg10[%broadcast_in_dim3A_1258, %gather3A_37] : memref<32x1000xf32, #tpu.memory_space<vmem>>[vector<16xi32>, vector<16xi32>], vector<16xf32>,
      %gather3A_1263 = tpu.vector_load_idx %arg10[%broadcast_in_dim3A_1258, %gather3A_40] : memref<32x1000xf32, #tpu.memory_space<vmem>>[vector<16xi32>, vector<16xi32>], vector<16xf32>,
      %gather3A_1264 = tpu.vector_load_idx %arg10[%broadcast_in_dim3A_1258, %gather3A_43] : memref<32x1000xf32, #tpu.memory_space<vmem>>[vector<16xi32>, vector<16xi32>], vector<16xf32>,
      %gather3A_1265 = tpu.vector_load_idx %arg10[%broadcast_in_dim3A_1258, %gather3A_46] : memref<32x1000xf32, #tpu.memory_space<vmem>>[vector<16xi32>, vector<16xi32>], vector<16xf32>,
      %gather3A_1266 = tpu.vector_load_idx %arg10[%broadcast_in_dim3A_1258, %gather3A_49] : memref<32x1000xf32, #tpu.memory_space<vmem>>[vector<16xi32>, vector<16xi32>], vector<16xf32>,
      %gather3A_1267 = tpu.vector_load_idx %arg10[%broadcast_in_dim3A_1258, %gather3A_52] : memref<32x1000xf32, #tpu.memory_space<vmem>>[vector<16xi32>, vector<16xi32>], vector<16xf32>,
      %gather3A_1268 = tpu.vector_load_idx %arg10[%broadcast_in_dim3A_1258, %gather3A_55] : memref<32x1000xf32, #tpu.memory_space<vmem>>[vector<16xi32>, vector<16xi32>], vector<16xf32>,
      %gather3A_1269 = tpu.vector_load_idx %arg10[%broadcast_in_dim3A_1258, %gather3A_58] : memref<32x1000xf32, #tpu.memory_space<vmem>>[vector<16xi32>, vector<16xi32>], vector<16xf32>,
      %gather3A_1270 = tpu.vector_load_idx %arg10[%broadcast_in_dim3A_1258, %gather3A_61] : memref<32x1000xf32, #tpu.memory_space<vmem>>[vector<16xi32>, vector<16xi32>], vector<16xf32>,
      %gather3A_1271 = tpu.vector_load_idx %arg10[%broadcast_in_dim3A_1258, %gather3A_64] : memref<32x1000xf32, #tpu.memory_space<vmem>>[vector<16xi32>, vector<16xi32>], vector<16xf32>,
      %gather3A_1272 = tpu.vector_load_idx %arg10[%broadcast_in_dim3A_1258, %gather3A_67] : memref<32x1000xf32, #tpu.memory_space<vmem>>[vector<16xi32>, vector<16xi32>], vector<16xf32>,
      %gather3A_1273 = tpu.vector_load_idx %arg10[%broadcast_in_dim3A_1258, %gather3A_70] : memref<32x1000xf32, #tpu.memory_space<vmem>>[vector<16xi32>, vector<16xi32>], vector<16xf32>,
      %gather3A_1274 = tpu.vector_load_idx %arg10[%broadcast_in_dim3A_1258, %gather3A_73] : memref<32x1000xf32, #tpu.memory_space<vmem>>[vector<16xi32>, vector<16xi32>], vector<16xf32>,
      %gather3A_1275 = tpu.vector_load_idx %arg10[%broadcast_in_dim3A_1258, %gather3A_76] : memref<32x1000xf32, #tpu.memory_space<vmem>>[vector<16xi32>, vector<16xi32>], vector<16xf32>,
      %gather3A_1276 = tpu.vector_load_idx %arg10[%broadcast_in_dim3A_1258, %gather3A_79] : memref<32x1000xf32, #tpu.memory_space<vmem>>[vector<16xi32>, vector<16xi32>], vector<16xf32>,
      %gather3A_1277 = tpu.vector_load_idx %arg10[%broadcast_in_dim3A_1258, %gather3A_82] : memref<32x1000xf32, #tpu.memory_space<vmem>>[vector<16xi32>, vector<16xi32>], vector<16xf32>,
      %gather3A_1278 = tpu.vector_load_idx %arg10[%broadcast_in_dim3A_1258, %gather3A_85] : memref<32x1000xf32, #tpu.memory_space<vmem>>[vector<16xi32>, vector<16xi32>], vector<16xf32>,
      %add3A_1279 = arith.addf %gather3A_1259, %gather3A_1260 : vector<16xf32>
      %add3A_1280 = arith.addf %gather3A_1261, %gather3A_1262 : vector<16xf32>
      %add3A_1281 = arith.addf %gather3A_1263, %gather3A_1264 : vector<16xf32>
      %add3A_1282 = arith.addf %gather3A_1265, %gather3A_1266 : vector<16xf32>
      %add3A_1283 = arith.addf %gather3A_1267, %gather3A_1268 : vector<16xf32>
      %add3A_1284 = arith.addf %gather3A_1269, %gather3A_1270 : vector<16xf32>
      %add3A_1285 = arith.addf %gather3A_1271, %gather3A_1272 : vector<16xf32>
      %add3A_1286 = arith.addf %gather3A_1273, %gather3A_1274 : vector<16xf32>
      %add3A_1287 = arith.addf %gather3A_1275, %gather3A_1276 : vector<16xf32>
      %add3A_1288 = arith.addf %gather3A_1277, %gather3A_1278 : vector<16xf32>
      %add3A_1289 = arith.addf %add3A_1279, %add3A_1280 : vector<16xf32>
      %add3A_1290 = arith.addf %add3A_1281, %add3A_1282 : vector<16xf32>
      %add3A_1291 = arith.addf %add3A_1283, %add3A_1284 : vector<16xf32>
      %add3A_1292 = arith.addf %add3A_1285, %add3A_1286 : vector<16xf32>
      %add3A_1293 = arith.addf %add3A_1287, %add3A_1288 : vector<16xf32>
      %add3A_1294 = arith.addf %add3A_1289, %add3A_1290 : vector<16xf32>
      %add3A_1295 = arith.addf %add3A_1291, %add3A_1292 : vector<16xf32>
      %add3A_1296 = arith.addf %add3A_1294, %add3A_1295 : vector<16xf32>
      %add3A_1297 = arith.addf %add3A_1296, %add3A_1293 : vector<16xf32>
      %mul3A_1298 = arith.mulf %add3A_1297, %div3A_206 : vector<16xf32>
      tpu.vector_store_idx %arg12[%broadcast_in_dim3A_1258, %add3A_26], %mul3A_1298 : memref<32x512xf32, #tpu.memory_space<vmem>>[vector<16xi32>, vector<16xi32>], vector<16xf32>,
      %broadcast_in_dim3A_1299 = arith.constant 26 : i32
      %broadcast_in_dim3A_1300 = vector.broadcast %broadcast_in_dim3A_1299 : i32 to vector<16xi32>
      %gather3A_1301 = tpu.vector_load_idx %arg10[%broadcast_in_dim3A_1300, %gather3A] : memref<32x1000xf32, #tpu.memory_space<vmem>>[vector<16xi32>, vector<16xi32>], vector<16xf32>,
      %gather3A_1302 = tpu.vector_load_idx %arg10[%broadcast_in_dim3A_1300, %gather3A_31] : memref<32x1000xf32, #tpu.memory_space<vmem>>[vector<16xi32>, vector<16xi32>], vector<16xf32>,
      %gather3A_1303 = tpu.vector_load_idx %arg10[%broadcast_in_dim3A_1300, %gather3A_34] : memref<32x1000xf32, #tpu.memory_space<vmem>>[vector<16xi32>, vector<16xi32>], vector<16xf32>,
      %gather3A_1304 = tpu.vector_load_idx %arg10[%broadcast_in_dim3A_1300, %gather3A_37] : memref<32x1000xf32, #tpu.memory_space<vmem>>[vector<16xi32>, vector<16xi32>], vector<16xf32>,
      %gather3A_1305 = tpu.vector_load_idx %arg10[%broadcast_in_dim3A_1300, %gather3A_40] : memref<32x1000xf32, #tpu.memory_space<vmem>>[vector<16xi32>, vector<16xi32>], vector<16xf32>,
      %gather3A_1306 = tpu.vector_load_idx %arg10[%broadcast_in_dim3A_1300, %gather3A_43] : memref<32x1000xf32, #tpu.memory_space<vmem>>[vector<16xi32>, vector<16xi32>], vector<16xf32>,
      %gather3A_1307 = tpu.vector_load_idx %arg10[%broadcast_in_dim3A_1300, %gather3A_46] : memref<32x1000xf32, #tpu.memory_space<vmem>>[vector<16xi32>, vector<16xi32>], vector<16xf32>,
      %gather3A_1308 = tpu.vector_load_idx %arg10[%broadcast_in_dim3A_1300, %gather3A_49] : memref<32x1000xf32, #tpu.memory_space<vmem>>[vector<16xi32>, vector<16xi32>], vector<16xf32>,
      %gather3A_1309 = tpu.vector_load_idx %arg10[%broadcast_in_dim3A_1300, %gather3A_52] : memref<32x1000xf32, #tpu.memory_space<vmem>>[vector<16xi32>, vector<16xi32>], vector<16xf32>,
      %gather3A_1310 = tpu.vector_load_idx %arg10[%broadcast_in_dim3A_1300, %gather3A_55] : memref<32x1000xf32, #tpu.memory_space<vmem>>[vector<16xi32>, vector<16xi32>], vector<16xf32>,
      %gather3A_1311 = tpu.vector_load_idx %arg10[%broadcast_in_dim3A_1300, %gather3A_58] : memref<32x1000xf32, #tpu.memory_space<vmem>>[vector<16xi32>, vector<16xi32>], vector<16xf32>,
      %gather3A_1312 = tpu.vector_load_idx %arg10[%broadcast_in_dim3A_1300, %gather3A_61] : memref<32x1000xf32, #tpu.memory_space<vmem>>[vector<16xi32>, vector<16xi32>], vector<16xf32>,
      %gather3A_1313 = tpu.vector_load_idx %arg10[%broadcast_in_dim3A_1300, %gather3A_64] : memref<32x1000xf32, #tpu.memory_space<vmem>>[vector<16xi32>, vector<16xi32>], vector<16xf32>,
      %gather3A_1314 = tpu.vector_load_idx %arg10[%broadcast_in_dim3A_1300, %gather3A_67] : memref<32x1000xf32, #tpu.memory_space<vmem>>[vector<16xi32>, vector<16xi32>], vector<16xf32>,
      %gather3A_1315 = tpu.vector_load_idx %arg10[%broadcast_in_dim3A_1300, %gather3A_70] : memref<32x1000xf32, #tpu.memory_space<vmem>>[vector<16xi32>, vector<16xi32>], vector<16xf32>,
      %gather3A_1316 = tpu.vector_load_idx %arg10[%broadcast_in_dim3A_1300, %gather3A_73] : memref<32x1000xf32, #tpu.memory_space<vmem>>[vector<16xi32>, vector<16xi32>], vector<16xf32>,
      %gather3A_1317 = tpu.vector_load_idx %arg10[%broadcast_in_dim3A_1300, %gather3A_76] : memref<32x1000xf32, #tpu.memory_space<vmem>>[vector<16xi32>, vector<16xi32>], vector<16xf32>,
      %gather3A_1318 = tpu.vector_load_idx %arg10[%broadcast_in_dim3A_1300, %gather3A_79] : memref<32x1000xf32, #tpu.memory_space<vmem>>[vector<16xi32>, vector<16xi32>], vector<16xf32>,
      %gather3A_1319 = tpu.vector_load_idx %arg10[%broadcast_in_dim3A_1300, %gather3A_82] : memref<32x1000xf32, #tpu.memory_space<vmem>>[vector<16xi32>, vector<16xi32>], vector<16xf32>,
      %gather3A_1320 = tpu.vector_load_idx %arg10[%broadcast_in_dim3A_1300, %gather3A_85] : memref<32x1000xf32, #tpu.memory_space<vmem>>[vector<16xi32>, vector<16xi32>], vector<16xf32>,
      %add3A_1321 = arith.addf %gather3A_1301, %gather3A_1302 : vector<16xf32>
      %add3A_1322 = arith.addf %gather3A_1303, %gather3A_1304 : vector<16xf32>
      %add3A_1323 = arith.addf %gather3A_1305, %gather3A_1306 : vector<16xf32>
      %add3A_1324 = arith.addf %gather3A_1307, %gather3A_1308 : vector<16xf32>
      %add3A_1325 = arith.addf %gather3A_1309, %gather3A_1310 : vector<16xf32>
      %add3A_1326 = arith.addf %gather3A_1311, %gather3A_1312 : vector<16xf32>
      %add3A_1327 = arith.addf %gather3A_1313, %gather3A_1314 : vector<16xf32>
      %add3A_1328 = arith.addf %gather3A_1315, %gather3A_1316 : vector<16xf32>
      %add3A_1329 = arith.addf %gather3A_1317, %gather3A_1318 : vector<16xf32>
      %add3A_1330 = arith.addf %gather3A_1319, %gather3A_1320 : vector<16xf32>
      %add3A_1331 = arith.addf %add3A_1321, %add3A_1322 : vector<16xf32>
      %add3A_1332 = arith.addf %add3A_1323, %add3A_1324 : vector<16xf32>
      %add3A_1333 = arith.addf %add3A_1325, %add3A_1326 : vector<16xf32>
      %add3A_1334 = arith.addf %add3A_1327, %add3A_1328 : vector<16xf32>
      %add3A_1335 = arith.addf %add3A_1329, %add3A_1330 : vector<16xf32>
      %add3A_1336 = arith.addf %add3A_1331, %add3A_1332 : vector<16xf32>
      %add3A_1337 = arith.addf %add3A_1333, %add3A_1334 : vector<16xf32>
      %add3A_1338 = arith.addf %add3A_1336, %add3A_1337 : vector<16xf32>
      %add3A_1339 = arith.addf %add3A_1338, %add3A_1335 : vector<16xf32>
      %mul3A_1340 = arith.mulf %add3A_1339, %div3A_206 : vector<16xf32>
      tpu.vector_store_idx %arg12[%broadcast_in_dim3A_1300, %add3A_26], %mul3A_1340 : memref<32x512xf32, #tpu.memory_space<vmem>>[vector<16xi32>, vector<16xi32>], vector<16xf32>,
      %broadcast_in_dim3A_1341 = arith.constant 27 : i32
      %broadcast_in_dim3A_1342 = vector.broadcast %broadcast_in_dim3A_1341 : i32 to vector<16xi32>
      %gather3A_1343 = tpu.vector_load_idx %arg10[%broadcast_in_dim3A_1342, %gather3A] : memref<32x1000xf32, #tpu.memory_space<vmem>>[vector<16xi32>, vector<16xi32>], vector<16xf32>,
      %gather3A_1344 = tpu.vector_load_idx %arg10[%broadcast_in_dim3A_1342, %gather3A_31] : memref<32x1000xf32, #tpu.memory_space<vmem>>[vector<16xi32>, vector<16xi32>], vector<16xf32>,
      %gather3A_1345 = tpu.vector_load_idx %arg10[%broadcast_in_dim3A_1342, %gather3A_34] : memref<32x1000xf32, #tpu.memory_space<vmem>>[vector<16xi32>, vector<16xi32>], vector<16xf32>,
      %gather3A_1346 = tpu.vector_load_idx %arg10[%broadcast_in_dim3A_1342, %gather3A_37] : memref<32x1000xf32, #tpu.memory_space<vmem>>[vector<16xi32>, vector<16xi32>], vector<16xf32>,
      %gather3A_1347 = tpu.vector_load_idx %arg10[%broadcast_in_dim3A_1342, %gather3A_40] : memref<32x1000xf32, #tpu.memory_space<vmem>>[vector<16xi32>, vector<16xi32>], vector<16xf32>,
      %gather3A_1348 = tpu.vector_load_idx %arg10[%broadcast_in_dim3A_1342, %gather3A_43] : memref<32x1000xf32, #tpu.memory_space<vmem>>[vector<16xi32>, vector<16xi32>], vector<16xf32>,
      %gather3A_1349 = tpu.vector_load_idx %arg10[%broadcast_in_dim3A_1342, %gather3A_46] : memref<32x1000xf32, #tpu.memory_space<vmem>>[vector<16xi32>, vector<16xi32>], vector<16xf32>,
      %gather3A_1350 = tpu.vector_load_idx %arg10[%broadcast_in_dim3A_1342, %gather3A_49] : memref<32x1000xf32, #tpu.memory_space<vmem>>[vector<16xi32>, vector<16xi32>], vector<16xf32>,
      %gather3A_1351 = tpu.vector_load_idx %arg10[%broadcast_in_dim3A_1342, %gather3A_52] : memref<32x1000xf32, #tpu.memory_space<vmem>>[vector<16xi32>, vector<16xi32>], vector<16xf32>,
      %gather3A_1352 = tpu.vector_load_idx %arg10[%broadcast_in_dim3A_1342, %gather3A_55] : memref<32x1000xf32, #tpu.memory_space<vmem>>[vector<16xi32>, vector<16xi32>], vector<16xf32>,
      %gather3A_1353 = tpu.vector_load_idx %arg10[%broadcast_in_dim3A_1342, %gather3A_58] : memref<32x1000xf32, #tpu.memory_space<vmem>>[vector<16xi32>, vector<16xi32>], vector<16xf32>,
      %gather3A_1354 = tpu.vector_load_idx %arg10[%broadcast_in_dim3A_1342, %gather3A_61] : memref<32x1000xf32, #tpu.memory_space<vmem>>[vector<16xi32>, vector<16xi32>], vector<16xf32>,
      %gather3A_1355 = tpu.vector_load_idx %arg10[%broadcast_in_dim3A_1342, %gather3A_64] : memref<32x1000xf32, #tpu.memory_space<vmem>>[vector<16xi32>, vector<16xi32>], vector<16xf32>,
      %gather3A_1356 = tpu.vector_load_idx %arg10[%broadcast_in_dim3A_1342, %gather3A_67] : memref<32x1000xf32, #tpu.memory_space<vmem>>[vector<16xi32>, vector<16xi32>], vector<16xf32>,
      %gather3A_1357 = tpu.vector_load_idx %arg10[%broadcast_in_dim3A_1342, %gather3A_70] : memref<32x1000xf32, #tpu.memory_space<vmem>>[vector<16xi32>, vector<16xi32>], vector<16xf32>,
      %gather3A_1358 = tpu.vector_load_idx %arg10[%broadcast_in_dim3A_1342, %gather3A_73] : memref<32x1000xf32, #tpu.memory_space<vmem>>[vector<16xi32>, vector<16xi32>], vector<16xf32>,
      %gather3A_1359 = tpu.vector_load_idx %arg10[%broadcast_in_dim3A_1342, %gather3A_76] : memref<32x1000xf32, #tpu.memory_space<vmem>>[vector<16xi32>, vector<16xi32>], vector<16xf32>,
      %gather3A_1360 = tpu.vector_load_idx %arg10[%broadcast_in_dim3A_1342, %gather3A_79] : memref<32x1000xf32, #tpu.memory_space<vmem>>[vector<16xi32>, vector<16xi32>], vector<16xf32>,
      %gather3A_1361 = tpu.vector_load_idx %arg10[%broadcast_in_dim3A_1342, %gather3A_82] : memref<32x1000xf32, #tpu.memory_space<vmem>>[vector<16xi32>, vector<16xi32>], vector<16xf32>,
      %gather3A_1362 = tpu.vector_load_idx %arg10[%broadcast_in_dim3A_1342, %gather3A_85] : memref<32x1000xf32, #tpu.memory_space<vmem>>[vector<16xi32>, vector<16xi32>], vector<16xf32>,
      %add3A_1363 = arith.addf %gather3A_1343, %gather3A_1344 : vector<16xf32>
      %add3A_1364 = arith.addf %gather3A_1345, %gather3A_1346 : vector<16xf32>
      %add3A_1365 = arith.addf %gather3A_1347, %gather3A_1348 : vector<16xf32>
      %add3A_1366 = arith.addf %gather3A_1349, %gather3A_1350 : vector<16xf32>
      %add3A_1367 = arith.addf %gather3A_1351, %gather3A_1352 : vector<16xf32>
      %add3A_1368 = arith.addf %gather3A_1353, %gather3A_1354 : vector<16xf32>
      %add3A_1369 = arith.addf %gather3A_1355, %gather3A_1356 : vector<16xf32>
      %add3A_1370 = arith.addf %gather3A_1357, %gather3A_1358 : vector<16xf32>
      %add3A_1371 = arith.addf %gather3A_1359, %gather3A_1360 : vector<16xf32>
      %add3A_1372 = arith.addf %gather3A_1361, %gather3A_1362 : vector<16xf32>
      %add3A_1373 = arith.addf %add3A_1363, %add3A_1364 : vector<16xf32>
      %add3A_1374 = arith.addf %add3A_1365, %add3A_1366 : vector<16xf32>
      %add3A_1375 = arith.addf %add3A_1367, %add3A_1368 : vector<16xf32>
      %add3A_1376 = arith.addf %add3A_1369, %add3A_1370 : vector<16xf32>
      %add3A_1377 = arith.addf %add3A_1371, %add3A_1372 : vector<16xf32>
      %add3A_1378 = arith.addf %add3A_1373, %add3A_1374 : vector<16xf32>
      %add3A_1379 = arith.addf %add3A_1375, %add3A_1376 : vector<16xf32>
      %add3A_1380 = arith.addf %add3A_1378, %add3A_1379 : vector<16xf32>
      %add3A_1381 = arith.addf %add3A_1380, %add3A_1377 : vector<16xf32>
      %mul3A_1382 = arith.mulf %add3A_1381, %div3A_206 : vector<16xf32>
      tpu.vector_store_idx %arg12[%broadcast_in_dim3A_1342, %add3A_26], %mul3A_1382 : memref<32x512xf32, #tpu.memory_space<vmem>>[vector<16xi32>, vector<16xi32>], vector<16xf32>,
      %broadcast_in_dim3A_1383 = arith.constant 28 : i32
      %broadcast_in_dim3A_1384 = vector.broadcast %broadcast_in_dim3A_1383 : i32 to vector<16xi32>
      %gather3A_1385 = tpu.vector_load_idx %arg10[%broadcast_in_dim3A_1384, %gather3A] : memref<32x1000xf32, #tpu.memory_space<vmem>>[vector<16xi32>, vector<16xi32>], vector<16xf32>,
      %gather3A_1386 = tpu.vector_load_idx %arg10[%broadcast_in_dim3A_1384, %gather3A_31] : memref<32x1000xf32, #tpu.memory_space<vmem>>[vector<16xi32>, vector<16xi32>], vector<16xf32>,
      %gather3A_1387 = tpu.vector_load_idx %arg10[%broadcast_in_dim3A_1384, %gather3A_34] : memref<32x1000xf32, #tpu.memory_space<vmem>>[vector<16xi32>, vector<16xi32>], vector<16xf32>,
      %gather3A_1388 = tpu.vector_load_idx %arg10[%broadcast_in_dim3A_1384, %gather3A_37] : memref<32x1000xf32, #tpu.memory_space<vmem>>[vector<16xi32>, vector<16xi32>], vector<16xf32>,
      %gather3A_1389 = tpu.vector_load_idx %arg10[%broadcast_in_dim3A_1384, %gather3A_40] : memref<32x1000xf32, #tpu.memory_space<vmem>>[vector<16xi32>, vector<16xi32>], vector<16xf32>,
      %gather3A_1390 = tpu.vector_load_idx %arg10[%broadcast_in_dim3A_1384, %gather3A_43] : memref<32x1000xf32, #tpu.memory_space<vmem>>[vector<16xi32>, vector<16xi32>], vector<16xf32>,
      %gather3A_1391 = tpu.vector_load_idx %arg10[%broadcast_in_dim3A_1384, %gather3A_46] : memref<32x1000xf32, #tpu.memory_space<vmem>>[vector<16xi32>, vector<16xi32>], vector<16xf32>,
      %gather3A_1392 = tpu.vector_load_idx %arg10[%broadcast_in_dim3A_1384, %gather3A_49] : memref<32x1000xf32, #tpu.memory_space<vmem>>[vector<16xi32>, vector<16xi32>], vector<16xf32>,
      %gather3A_1393 = tpu.vector_load_idx %arg10[%broadcast_in_dim3A_1384, %gather3A_52] : memref<32x1000xf32, #tpu.memory_space<vmem>>[vector<16xi32>, vector<16xi32>], vector<16xf32>,
      %gather3A_1394 = tpu.vector_load_idx %arg10[%broadcast_in_dim3A_1384, %gather3A_55] : memref<32x1000xf32, #tpu.memory_space<vmem>>[vector<16xi32>, vector<16xi32>], vector<16xf32>,
      %gather3A_1395 = tpu.vector_load_idx %arg10[%broadcast_in_dim3A_1384, %gather3A_58] : memref<32x1000xf32, #tpu.memory_space<vmem>>[vector<16xi32>, vector<16xi32>], vector<16xf32>,
      %gather3A_1396 = tpu.vector_load_idx %arg10[%broadcast_in_dim3A_1384, %gather3A_61] : memref<32x1000xf32, #tpu.memory_space<vmem>>[vector<16xi32>, vector<16xi32>], vector<16xf32>,
      %gather3A_1397 = tpu.vector_load_idx %arg10[%broadcast_in_dim3A_1384, %gather3A_64] : memref<32x1000xf32, #tpu.memory_space<vmem>>[vector<16xi32>, vector<16xi32>], vector<16xf32>,
      %gather3A_1398 = tpu.vector_load_idx %arg10[%broadcast_in_dim3A_1384, %gather3A_67] : memref<32x1000xf32, #tpu.memory_space<vmem>>[vector<16xi32>, vector<16xi32>], vector<16xf32>,
      %gather3A_1399 = tpu.vector_load_idx %arg10[%broadcast_in_dim3A_1384, %gather3A_70] : memref<32x1000xf32, #tpu.memory_space<vmem>>[vector<16xi32>, vector<16xi32>], vector<16xf32>,
      %gather3A_1400 = tpu.vector_load_idx %arg10[%broadcast_in_dim3A_1384, %gather3A_73] : memref<32x1000xf32, #tpu.memory_space<vmem>>[vector<16xi32>, vector<16xi32>], vector<16xf32>,
      %gather3A_1401 = tpu.vector_load_idx %arg10[%broadcast_in_dim3A_1384, %gather3A_76] : memref<32x1000xf32, #tpu.memory_space<vmem>>[vector<16xi32>, vector<16xi32>], vector<16xf32>,
      %gather3A_1402 = tpu.vector_load_idx %arg10[%broadcast_in_dim3A_1384, %gather3A_79] : memref<32x1000xf32, #tpu.memory_space<vmem>>[vector<16xi32>, vector<16xi32>], vector<16xf32>,
      %gather3A_1403 = tpu.vector_load_idx %arg10[%broadcast_in_dim3A_1384, %gather3A_82] : memref<32x1000xf32, #tpu.memory_space<vmem>>[vector<16xi32>, vector<16xi32>], vector<16xf32>,
      %gather3A_1404 = tpu.vector_load_idx %arg10[%broadcast_in_dim3A_1384, %gather3A_85] : memref<32x1000xf32, #tpu.memory_space<vmem>>[vector<16xi32>, vector<16xi32>], vector<16xf32>,
      %add3A_1405 = arith.addf %gather3A_1385, %gather3A_1386 : vector<16xf32>
      %add3A_1406 = arith.addf %gather3A_1387, %gather3A_1388 : vector<16xf32>
      %add3A_1407 = arith.addf %gather3A_1389, %gather3A_1390 : vector<16xf32>
      %add3A_1408 = arith.addf %gather3A_1391, %gather3A_1392 : vector<16xf32>
      %add3A_1409 = arith.addf %gather3A_1393, %gather3A_1394 : vector<16xf32>
      %add3A_1410 = arith.addf %gather3A_1395, %gather3A_1396 : vector<16xf32>
      %add3A_1411 = arith.addf %gather3A_1397, %gather3A_1398 : vector<16xf32>
      %add3A_1412 = arith.addf %gather3A_1399, %gather3A_1400 : vector<16xf32>
      %add3A_1413 = arith.addf %gather3A_1401, %gather3A_1402 : vector<16xf32>
      %add3A_1414 = arith.addf %gather3A_1403, %gather3A_1404 : vector<16xf32>
      %add3A_1415 = arith.addf %add3A_1405, %add3A_1406 : vector<16xf32>
      %add3A_1416 = arith.addf %add3A_1407, %add3A_1408 : vector<16xf32>
      %add3A_1417 = arith.addf %add3A_1409, %add3A_1410 : vector<16xf32>
      %add3A_1418 = arith.addf %add3A_1411, %add3A_1412 : vector<16xf32>
      %add3A_1419 = arith.addf %add3A_1413, %add3A_1414 : vector<16xf32>
      %add3A_1420 = arith.addf %add3A_1415, %add3A_1416 : vector<16xf32>
      %add3A_1421 = arith.addf %add3A_1417, %add3A_1418 : vector<16xf32>
      %add3A_1422 = arith.addf %add3A_1420, %add3A_1421 : vector<16xf32>
      %add3A_1423 = arith.addf %add3A_1422, %add3A_1419 : vector<16xf32>
      %mul3A_1424 = arith.mulf %add3A_1423, %div3A_206 : vector<16xf32>
      tpu.vector_store_idx %arg12[%broadcast_in_dim3A_1384, %add3A_26], %mul3A_1424 : memref<32x512xf32, #tpu.memory_space<vmem>>[vector<16xi32>, vector<16xi32>], vector<16xf32>,
      %broadcast_in_dim3A_1425 = arith.constant 29 : i32
      %broadcast_in_dim3A_1426 = vector.broadcast %broadcast_in_dim3A_1425 : i32 to vector<16xi32>
      %gather3A_1427 = tpu.vector_load_idx %arg10[%broadcast_in_dim3A_1426, %gather3A] : memref<32x1000xf32, #tpu.memory_space<vmem>>[vector<16xi32>, vector<16xi32>], vector<16xf32>,
      %gather3A_1428 = tpu.vector_load_idx %arg10[%broadcast_in_dim3A_1426, %gather3A_31] : memref<32x1000xf32, #tpu.memory_space<vmem>>[vector<16xi32>, vector<16xi32>], vector<16xf32>,
      %gather3A_1429 = tpu.vector_load_idx %arg10[%broadcast_in_dim3A_1426, %gather3A_34] : memref<32x1000xf32, #tpu.memory_space<vmem>>[vector<16xi32>, vector<16xi32>], vector<16xf32>,
      %gather3A_1430 = tpu.vector_load_idx %arg10[%broadcast_in_dim3A_1426, %gather3A_37] : memref<32x1000xf32, #tpu.memory_space<vmem>>[vector<16xi32>, vector<16xi32>], vector<16xf32>,
      %gather3A_1431 = tpu.vector_load_idx %arg10[%broadcast_in_dim3A_1426, %gather3A_40] : memref<32x1000xf32, #tpu.memory_space<vmem>>[vector<16xi32>, vector<16xi32>], vector<16xf32>,
      %gather3A_1432 = tpu.vector_load_idx %arg10[%broadcast_in_dim3A_1426, %gather3A_43] : memref<32x1000xf32, #tpu.memory_space<vmem>>[vector<16xi32>, vector<16xi32>], vector<16xf32>,
      %gather3A_1433 = tpu.vector_load_idx %arg10[%broadcast_in_dim3A_1426, %gather3A_46] : memref<32x1000xf32, #tpu.memory_space<vmem>>[vector<16xi32>, vector<16xi32>], vector<16xf32>,
      %gather3A_1434 = tpu.vector_load_idx %arg10[%broadcast_in_dim3A_1426, %gather3A_49] : memref<32x1000xf32, #tpu.memory_space<vmem>>[vector<16xi32>, vector<16xi32>], vector<16xf32>,
      %gather3A_1435 = tpu.vector_load_idx %arg10[%broadcast_in_dim3A_1426, %gather3A_52] : memref<32x1000xf32, #tpu.memory_space<vmem>>[vector<16xi32>, vector<16xi32>], vector<16xf32>,
      %gather3A_1436 = tpu.vector_load_idx %arg10[%broadcast_in_dim3A_1426, %gather3A_55] : memref<32x1000xf32, #tpu.memory_space<vmem>>[vector<16xi32>, vector<16xi32>], vector<16xf32>,
      %gather3A_1437 = tpu.vector_load_idx %arg10[%broadcast_in_dim3A_1426, %gather3A_58] : memref<32x1000xf32, #tpu.memory_space<vmem>>[vector<16xi32>, vector<16xi32>], vector<16xf32>,
      %gather3A_1438 = tpu.vector_load_idx %arg10[%broadcast_in_dim3A_1426, %gather3A_61] : memref<32x1000xf32, #tpu.memory_space<vmem>>[vector<16xi32>, vector<16xi32>], vector<16xf32>,
      %gather3A_1439 = tpu.vector_load_idx %arg10[%broadcast_in_dim3A_1426, %gather3A_64] : memref<32x1000xf32, #tpu.memory_space<vmem>>[vector<16xi32>, vector<16xi32>], vector<16xf32>,
      %gather3A_1440 = tpu.vector_load_idx %arg10[%broadcast_in_dim3A_1426, %gather3A_67] : memref<32x1000xf32, #tpu.memory_space<vmem>>[vector<16xi32>, vector<16xi32>], vector<16xf32>,
      %gather3A_1441 = tpu.vector_load_idx %arg10[%broadcast_in_dim3A_1426, %gather3A_70] : memref<32x1000xf32, #tpu.memory_space<vmem>>[vector<16xi32>, vector<16xi32>], vector<16xf32>,
      %gather3A_1442 = tpu.vector_load_idx %arg10[%broadcast_in_dim3A_1426, %gather3A_73] : memref<32x1000xf32, #tpu.memory_space<vmem>>[vector<16xi32>, vector<16xi32>], vector<16xf32>,
      %gather3A_1443 = tpu.vector_load_idx %arg10[%broadcast_in_dim3A_1426, %gather3A_76] : memref<32x1000xf32, #tpu.memory_space<vmem>>[vector<16xi32>, vector<16xi32>], vector<16xf32>,
      %gather3A_1444 = tpu.vector_load_idx %arg10[%broadcast_in_dim3A_1426, %gather3A_79] : memref<32x1000xf32, #tpu.memory_space<vmem>>[vector<16xi32>, vector<16xi32>], vector<16xf32>,
      %gather3A_1445 = tpu.vector_load_idx %arg10[%broadcast_in_dim3A_1426, %gather3A_82] : memref<32x1000xf32, #tpu.memory_space<vmem>>[vector<16xi32>, vector<16xi32>], vector<16xf32>,
      %gather3A_1446 = tpu.vector_load_idx %arg10[%broadcast_in_dim3A_1426, %gather3A_85] : memref<32x1000xf32, #tpu.memory_space<vmem>>[vector<16xi32>, vector<16xi32>], vector<16xf32>,
      %add3A_1447 = arith.addf %gather3A_1427, %gather3A_1428 : vector<16xf32>
      %add3A_1448 = arith.addf %gather3A_1429, %gather3A_1430 : vector<16xf32>
      %add3A_1449 = arith.addf %gather3A_1431, %gather3A_1432 : vector<16xf32>
      %add3A_1450 = arith.addf %gather3A_1433, %gather3A_1434 : vector<16xf32>
      %add3A_1451 = arith.addf %gather3A_1435, %gather3A_1436 : vector<16xf32>
      %add3A_1452 = arith.addf %gather3A_1437, %gather3A_1438 : vector<16xf32>
      %add3A_1453 = arith.addf %gather3A_1439, %gather3A_1440 : vector<16xf32>
      %add3A_1454 = arith.addf %gather3A_1441, %gather3A_1442 : vector<16xf32>
      %add3A_1455 = arith.addf %gather3A_1443, %gather3A_1444 : vector<16xf32>
      %add3A_1456 = arith.addf %gather3A_1445, %gather3A_1446 : vector<16xf32>
      %add3A_1457 = arith.addf %add3A_1447, %add3A_1448 : vector<16xf32>
      %add3A_1458 = arith.addf %add3A_1449, %add3A_1450 : vector<16xf32>
      %add3A_1459 = arith.addf %add3A_1451, %add3A_1452 : vector<16xf32>
      %add3A_1460 = arith.addf %add3A_1453, %add3A_1454 : vector<16xf32>
      %add3A_1461 = arith.addf %add3A_1455, %add3A_1456 : vector<16xf32>
      %add3A_1462 = arith.addf %add3A_1457, %add3A_1458 : vector<16xf32>
      %add3A_1463 = arith.addf %add3A_1459, %add3A_1460 : vector<16xf32>
      %add3A_1464 = arith.addf %add3A_1462, %add3A_1463 : vector<16xf32>
      %add3A_1465 = arith.addf %add3A_1464, %add3A_1461 : vector<16xf32>
      %mul3A_1466 = arith.mulf %add3A_1465, %div3A_206 : vector<16xf32>
      tpu.vector_store_idx %arg12[%broadcast_in_dim3A_1426, %add3A_26], %mul3A_1466 : memref<32x512xf32, #tpu.memory_space<vmem>>[vector<16xi32>, vector<16xi32>], vector<16xf32>,
      %broadcast_in_dim3A_1467 = arith.constant 30 : i32
      %broadcast_in_dim3A_1468 = vector.broadcast %broadcast_in_dim3A_1467 : i32 to vector<16xi32>
      %gather3A_1469 = tpu.vector_load_idx %arg10[%broadcast_in_dim3A_1468, %gather3A] : memref<32x1000xf32, #tpu.memory_space<vmem>>[vector<16xi32>, vector<16xi32>], vector<16xf32>,
      %gather3A_1470 = tpu.vector_load_idx %arg10[%broadcast_in_dim3A_1468, %gather3A_31] : memref<32x1000xf32, #tpu.memory_space<vmem>>[vector<16xi32>, vector<16xi32>], vector<16xf32>,
      %gather3A_1471 = tpu.vector_load_idx %arg10[%broadcast_in_dim3A_1468, %gather3A_34] : memref<32x1000xf32, #tpu.memory_space<vmem>>[vector<16xi32>, vector<16xi32>], vector<16xf32>,
      %gather3A_1472 = tpu.vector_load_idx %arg10[%broadcast_in_dim3A_1468, %gather3A_37] : memref<32x1000xf32, #tpu.memory_space<vmem>>[vector<16xi32>, vector<16xi32>], vector<16xf32>,
      %gather3A_1473 = tpu.vector_load_idx %arg10[%broadcast_in_dim3A_1468, %gather3A_40] : memref<32x1000xf32, #tpu.memory_space<vmem>>[vector<16xi32>, vector<16xi32>], vector<16xf32>,
      %gather3A_1474 = tpu.vector_load_idx %arg10[%broadcast_in_dim3A_1468, %gather3A_43] : memref<32x1000xf32, #tpu.memory_space<vmem>>[vector<16xi32>, vector<16xi32>], vector<16xf32>,
      %gather3A_1475 = tpu.vector_load_idx %arg10[%broadcast_in_dim3A_1468, %gather3A_46] : memref<32x1000xf32, #tpu.memory_space<vmem>>[vector<16xi32>, vector<16xi32>], vector<16xf32>,
      %gather3A_1476 = tpu.vector_load_idx %arg10[%broadcast_in_dim3A_1468, %gather3A_49] : memref<32x1000xf32, #tpu.memory_space<vmem>>[vector<16xi32>, vector<16xi32>], vector<16xf32>,
      %gather3A_1477 = tpu.vector_load_idx %arg10[%broadcast_in_dim3A_1468, %gather3A_52] : memref<32x1000xf32, #tpu.memory_space<vmem>>[vector<16xi32>, vector<16xi32>], vector<16xf32>,
      %gather3A_1478 = tpu.vector_load_idx %arg10[%broadcast_in_dim3A_1468, %gather3A_55] : memref<32x1000xf32, #tpu.memory_space<vmem>>[vector<16xi32>, vector<16xi32>], vector<16xf32>,
      %gather3A_1479 = tpu.vector_load_idx %arg10[%broadcast_in_dim3A_1468, %gather3A_58] : memref<32x1000xf32, #tpu.memory_space<vmem>>[vector<16xi32>, vector<16xi32>], vector<16xf32>,
      %gather3A_1480 = tpu.vector_load_idx %arg10[%broadcast_in_dim3A_1468, %gather3A_61] : memref<32x1000xf32, #tpu.memory_space<vmem>>[vector<16xi32>, vector<16xi32>], vector<16xf32>,
      %gather3A_1481 = tpu.vector_load_idx %arg10[%broadcast_in_dim3A_1468, %gather3A_64] : memref<32x1000xf32, #tpu.memory_space<vmem>>[vector<16xi32>, vector<16xi32>], vector<16xf32>,
      %gather3A_1482 = tpu.vector_load_idx %arg10[%broadcast_in_dim3A_1468, %gather3A_67] : memref<32x1000xf32, #tpu.memory_space<vmem>>[vector<16xi32>, vector<16xi32>], vector<16xf32>,
      %gather3A_1483 = tpu.vector_load_idx %arg10[%broadcast_in_dim3A_1468, %gather3A_70] : memref<32x1000xf32, #tpu.memory_space<vmem>>[vector<16xi32>, vector<16xi32>], vector<16xf32>,
      %gather3A_1484 = tpu.vector_load_idx %arg10[%broadcast_in_dim3A_1468, %gather3A_73] : memref<32x1000xf32, #tpu.memory_space<vmem>>[vector<16xi32>, vector<16xi32>], vector<16xf32>,
      %gather3A_1485 = tpu.vector_load_idx %arg10[%broadcast_in_dim3A_1468, %gather3A_76] : memref<32x1000xf32, #tpu.memory_space<vmem>>[vector<16xi32>, vector<16xi32>], vector<16xf32>,
      %gather3A_1486 = tpu.vector_load_idx %arg10[%broadcast_in_dim3A_1468, %gather3A_79] : memref<32x1000xf32, #tpu.memory_space<vmem>>[vector<16xi32>, vector<16xi32>], vector<16xf32>,
      %gather3A_1487 = tpu.vector_load_idx %arg10[%broadcast_in_dim3A_1468, %gather3A_82] : memref<32x1000xf32, #tpu.memory_space<vmem>>[vector<16xi32>, vector<16xi32>], vector<16xf32>,
      %gather3A_1488 = tpu.vector_load_idx %arg10[%broadcast_in_dim3A_1468, %gather3A_85] : memref<32x1000xf32, #tpu.memory_space<vmem>>[vector<16xi32>, vector<16xi32>], vector<16xf32>,
      %add3A_1489 = arith.addf %gather3A_1469, %gather3A_1470 : vector<16xf32>
      %add3A_1490 = arith.addf %gather3A_1471, %gather3A_1472 : vector<16xf32>
      %add3A_1491 = arith.addf %gather3A_1473, %gather3A_1474 : vector<16xf32>
      %add3A_1492 = arith.addf %gather3A_1475, %gather3A_1476 : vector<16xf32>
      %add3A_1493 = arith.addf %gather3A_1477, %gather3A_1478 : vector<16xf32>
      %add3A_1494 = arith.addf %gather3A_1479, %gather3A_1480 : vector<16xf32>
      %add3A_1495 = arith.addf %gather3A_1481, %gather3A_1482 : vector<16xf32>
      %add3A_1496 = arith.addf %gather3A_1483, %gather3A_1484 : vector<16xf32>
      %add3A_1497 = arith.addf %gather3A_1485, %gather3A_1486 : vector<16xf32>
      %add3A_1498 = arith.addf %gather3A_1487, %gather3A_1488 : vector<16xf32>
      %add3A_1499 = arith.addf %add3A_1489, %add3A_1490 : vector<16xf32>
      %add3A_1500 = arith.addf %add3A_1491, %add3A_1492 : vector<16xf32>
      %add3A_1501 = arith.addf %add3A_1493, %add3A_1494 : vector<16xf32>
      %add3A_1502 = arith.addf %add3A_1495, %add3A_1496 : vector<16xf32>
      %add3A_1503 = arith.addf %add3A_1497, %add3A_1498 : vector<16xf32>
      %add3A_1504 = arith.addf %add3A_1499, %add3A_1500 : vector<16xf32>
      %add3A_1505 = arith.addf %add3A_1501, %add3A_1502 : vector<16xf32>
      %add3A_1506 = arith.addf %add3A_1504, %add3A_1505 : vector<16xf32>
      %add3A_1507 = arith.addf %add3A_1506, %add3A_1503 : vector<16xf32>
      %mul3A_1508 = arith.mulf %add3A_1507, %div3A_206 : vector<16xf32>
      tpu.vector_store_idx %arg12[%broadcast_in_dim3A_1468, %add3A_26], %mul3A_1508 : memref<32x512xf32, #tpu.memory_space<vmem>>[vector<16xi32>, vector<16xi32>], vector<16xf32>,
      %broadcast_in_dim3A_1509 = arith.constant 31 : i32
      %broadcast_in_dim3A_1510 = vector.broadcast %broadcast_in_dim3A_1509 : i32 to vector<16xi32>
      %gather3A_1511 = tpu.vector_load_idx %arg10[%broadcast_in_dim3A_1510, %gather3A] : memref<32x1000xf32, #tpu.memory_space<vmem>>[vector<16xi32>, vector<16xi32>], vector<16xf32>,
      %gather3A_1512 = tpu.vector_load_idx %arg10[%broadcast_in_dim3A_1510, %gather3A_31] : memref<32x1000xf32, #tpu.memory_space<vmem>>[vector<16xi32>, vector<16xi32>], vector<16xf32>,
      %gather3A_1513 = tpu.vector_load_idx %arg10[%broadcast_in_dim3A_1510, %gather3A_34] : memref<32x1000xf32, #tpu.memory_space<vmem>>[vector<16xi32>, vector<16xi32>], vector<16xf32>,
      %gather3A_1514 = tpu.vector_load_idx %arg10[%broadcast_in_dim3A_1510, %gather3A_37] : memref<32x1000xf32, #tpu.memory_space<vmem>>[vector<16xi32>, vector<16xi32>], vector<16xf32>,
      %gather3A_1515 = tpu.vector_load_idx %arg10[%broadcast_in_dim3A_1510, %gather3A_40] : memref<32x1000xf32, #tpu.memory_space<vmem>>[vector<16xi32>, vector<16xi32>], vector<16xf32>,
      %gather3A_1516 = tpu.vector_load_idx %arg10[%broadcast_in_dim3A_1510, %gather3A_43] : memref<32x1000xf32, #tpu.memory_space<vmem>>[vector<16xi32>, vector<16xi32>], vector<16xf32>,
      %gather3A_1517 = tpu.vector_load_idx %arg10[%broadcast_in_dim3A_1510, %gather3A_46] : memref<32x1000xf32, #tpu.memory_space<vmem>>[vector<16xi32>, vector<16xi32>], vector<16xf32>,
      %gather3A_1518 = tpu.vector_load_idx %arg10[%broadcast_in_dim3A_1510, %gather3A_49] : memref<32x1000xf32, #tpu.memory_space<vmem>>[vector<16xi32>, vector<16xi32>], vector<16xf32>,
      %gather3A_1519 = tpu.vector_load_idx %arg10[%broadcast_in_dim3A_1510, %gather3A_52] : memref<32x1000xf32, #tpu.memory_space<vmem>>[vector<16xi32>, vector<16xi32>], vector<16xf32>,
      %gather3A_1520 = tpu.vector_load_idx %arg10[%broadcast_in_dim3A_1510, %gather3A_55] : memref<32x1000xf32, #tpu.memory_space<vmem>>[vector<16xi32>, vector<16xi32>], vector<16xf32>,
      %gather3A_1521 = tpu.vector_load_idx %arg10[%broadcast_in_dim3A_1510, %gather3A_58] : memref<32x1000xf32, #tpu.memory_space<vmem>>[vector<16xi32>, vector<16xi32>], vector<16xf32>,
      %gather3A_1522 = tpu.vector_load_idx %arg10[%broadcast_in_dim3A_1510, %gather3A_61] : memref<32x1000xf32, #tpu.memory_space<vmem>>[vector<16xi32>, vector<16xi32>], vector<16xf32>,
      %gather3A_1523 = tpu.vector_load_idx %arg10[%broadcast_in_dim3A_1510, %gather3A_64] : memref<32x1000xf32, #tpu.memory_space<vmem>>[vector<16xi32>, vector<16xi32>], vector<16xf32>,
      %gather3A_1524 = tpu.vector_load_idx %arg10[%broadcast_in_dim3A_1510, %gather3A_67] : memref<32x1000xf32, #tpu.memory_space<vmem>>[vector<16xi32>, vector<16xi32>], vector<16xf32>,
      %gather3A_1525 = tpu.vector_load_idx %arg10[%broadcast_in_dim3A_1510, %gather3A_70] : memref<32x1000xf32, #tpu.memory_space<vmem>>[vector<16xi32>, vector<16xi32>], vector<16xf32>,
      %gather3A_1526 = tpu.vector_load_idx %arg10[%broadcast_in_dim3A_1510, %gather3A_73] : memref<32x1000xf32, #tpu.memory_space<vmem>>[vector<16xi32>, vector<16xi32>], vector<16xf32>,
      %gather3A_1527 = tpu.vector_load_idx %arg10[%broadcast_in_dim3A_1510, %gather3A_76] : memref<32x1000xf32, #tpu.memory_space<vmem>>[vector<16xi32>, vector<16xi32>], vector<16xf32>,
      %gather3A_1528 = tpu.vector_load_idx %arg10[%broadcast_in_dim3A_1510, %gather3A_79] : memref<32x1000xf32, #tpu.memory_space<vmem>>[vector<16xi32>, vector<16xi32>], vector<16xf32>,
      %gather3A_1529 = tpu.vector_load_idx %arg10[%broadcast_in_dim3A_1510, %gather3A_82] : memref<32x1000xf32, #tpu.memory_space<vmem>>[vector<16xi32>, vector<16xi32>], vector<16xf32>,
      %gather3A_1530 = tpu.vector_load_idx %arg10[%broadcast_in_dim3A_1510, %gather3A_85] : memref<32x1000xf32, #tpu.memory_space<vmem>>[vector<16xi32>, vector<16xi32>], vector<16xf32>,
      %add3A_1531 = arith.addf %gather3A_1511, %gather3A_1512 : vector<16xf32>
      %add3A_1532 = arith.addf %gather3A_1513, %gather3A_1514 : vector<16xf32>
      %add3A_1533 = arith.addf %gather3A_1515, %gather3A_1516 : vector<16xf32>
      %add3A_1534 = arith.addf %gather3A_1517, %gather3A_1518 : vector<16xf32>
      %add3A_1535 = arith.addf %gather3A_1519, %gather3A_1520 : vector<16xf32>
      %add3A_1536 = arith.addf %gather3A_1521, %gather3A_1522 : vector<16xf32>
      %add3A_1537 = arith.addf %gather3A_1523, %gather3A_1524 : vector<16xf32>
      %add3A_1538 = arith.addf %gather3A_1525, %gather3A_1526 : vector<16xf32>
      %add3A_1539 = arith.addf %gather3A_1527, %gather3A_1528 : vector<16xf32>
      %add3A_1540 = arith.addf %gather3A_1529, %gather3A_1530 : vector<16xf32>
      %add3A_1541 = arith.addf %add3A_1531, %add3A_1532 : vector<16xf32>
      %add3A_1542 = arith.addf %add3A_1533, %add3A_1534 : vector<16xf32>
      %add3A_1543 = arith.addf %add3A_1535, %add3A_1536 : vector<16xf32>
      %add3A_1544 = arith.addf %add3A_1537, %add3A_1538 : vector<16xf32>
      %add3A_1545 = arith.addf %add3A_1539, %add3A_1540 : vector<16xf32>
      %add3A_1546 = arith.addf %add3A_1541, %add3A_1542 : vector<16xf32>
      %add3A_1547 = arith.addf %add3A_1543, %add3A_1544 : vector<16xf32>
      %add3A_1548 = arith.addf %add3A_1546, %add3A_1547 : vector<16xf32>
      %add3A_1549 = arith.addf %add3A_1548, %add3A_1545 : vector<16xf32>
      %mul3A_1550 = arith.mulf %add3A_1549, %div3A_206 : vector<16xf32>
      tpu.vector_store_idx %arg12[%broadcast_in_dim3A_1510, %add3A_26], %mul3A_1550 : memref<32x512xf32, #tpu.memory_space<vmem>>[vector<16xi32>, vector<16xi32>], vector<16xf32>,
    }
    %scan3A_21 = arith.constant 32 : i32
    "tpu.region"() ({
      %run_scoped3A = tpu.sem_alloc : memref<!tpu.dma_semaphore, #tpu.memory_space<semaphore_mem>>
      %dma_start3A = arith.constant 0 : i32
      %dma_start3A_22 = tpu.memref_slice %arg6[%dma_start3A, %mul3A_2] : memref<64x16384xf32, #tpu.memory_space<hbm>> -> memref<32x512xf32, #tpu.memory_space<hbm>>
      %dma_start3A_23 = arith.constant 0 : i32
      %dma_start3A_24 = tpu.memref_slice %arg6[%dma_start3A_23, %mul3A_2] : memref<64x16384xf32, #tpu.memory_space<hbm>> -> memref<32x512xf32, #tpu.memory_space<hbm>>
      tpu.enqueue_dma source(%arg9 : memref<32x512xf32, #tpu.memory_space<vmem>>) target(%dma_start3A_24 : memref<32x512xf32, #tpu.memory_space<hbm>>) target_semaphore(%run_scoped3A : memref<!tpu.dma_semaphore, #tpu.memory_space<semaphore_mem>>)
      %dma_wait3A = arith.constant 0 : i32
      %dma_wait3A_25 = tpu.memref_slice %arg6[%dma_wait3A, %mul3A_2] : memref<64x16384xf32, #tpu.memory_space<hbm>> -> memref<32x512xf32, #tpu.memory_space<hbm>>
      %dma_wait3A_26 = arith.constant 0 : i32
      %dma_wait3A_27 = tpu.memref_slice %arg6[%dma_wait3A_26, %mul3A_2] : memref<64x16384xf32, #tpu.memory_space<hbm>> -> memref<32x512xf32, #tpu.memory_space<hbm>>
      tpu.wait_dma2 semaphore(%run_scoped3A : memref<!tpu.dma_semaphore, #tpu.memory_space<semaphore_mem>>) src(%arg9 : memref<32x512xf32, #tpu.memory_space<vmem>>) dst(%dma_wait3A_27 : memref<32x512xf32, #tpu.memory_space<hbm>>)
      tpu.yield
    }) : () -> ()
    "tpu.region"() ({
      %run_scoped3A = tpu.sem_alloc : memref<!tpu.dma_semaphore, #tpu.memory_space<semaphore_mem>>
      %dma_start3A = arith.constant 32 : i32
      %dma_start3A_22 = tpu.memref_slice %arg6[%dma_start3A, %mul3A_2] : memref<64x16384xf32, #tpu.memory_space<hbm>> -> memref<32x512xf32, #tpu.memory_space<hbm>>
      %dma_start3A_23 = arith.constant 32 : i32
      %dma_start3A_24 = tpu.memref_slice %arg6[%dma_start3A_23, %mul3A_2] : memref<64x16384xf32, #tpu.memory_space<hbm>> -> memref<32x512xf32, #tpu.memory_space<hbm>>
      tpu.enqueue_dma source(%arg12 : memref<32x512xf32, #tpu.memory_space<vmem>>) target(%dma_start3A_24 : memref<32x512xf32, #tpu.memory_space<hbm>>) target_semaphore(%run_scoped3A : memref<!tpu.dma_semaphore, #tpu.memory_space<semaphore_mem>>)
      %dma_wait3A = arith.constant 32 : i32
      %dma_wait3A_25 = tpu.memref_slice %arg6[%dma_wait3A, %mul3A_2] : memref<64x16384xf32, #tpu.memory_space<hbm>> -> memref<32x512xf32, #tpu.memory_space<hbm>>
      %dma_wait3A_26 = arith.constant 32 : i32
      %dma_wait3A_27 = tpu.memref_slice %arg6[%dma_wait3A_26, %mul3A_2] : memref<64x16384xf32, #tpu.memory_space<hbm>> -> memref<32x512xf32, #tpu.memory_space<hbm>>
      tpu.wait_dma2 semaphore(%run_scoped3A : memref<!tpu.dma_semaphore, #tpu.memory_space<semaphore_mem>>) src(%arg12 : memref<32x512xf32, #tpu.memory_space<vmem>>) dst(%dma_wait3A_27 : memref<32x512xf32, #tpu.memory_space<hbm>>)
      tpu.yield
    }) : () -> ()
    return
  }
}

</mosaic_0001>

<sc_bundles>
// kernel: kernel.3.cloned.1.call-start
scs
__scs_entry_jumppad:
0x0: {  	(pc) =	sbr.rel $0x88, $3  }
0x1: {  	(tag) =	ssettag $0x0;
	lr =	simm.s32 $0x1  }
0x2: {  	[smem:$0x3F9D] =	sst lr;
	_ =	strace $0xD0000000  }
0x3: {  	_ = 	snop  }
0x4: {  	_ = 	snop  }
0x5: {  	_ = 	snop  }
0x6: {  	_ = 	snop  }
0x7: {  	_ = 	snop  }
__scs_overlays_trampoline_lowered:
0x8: {  	[smem:$0x3FAC] =	sst s0  }
0x9: {  	[smem:$0x3FAD] =	sst s1  }
0xa: {  	[smem:$0x3FAE] =	sst s2  }
0xb: {  	[smem:$0x3FAF] =	sst s3  }
0xc: {  	[smem:$0x3FB0] =	sst s4  }
0xd: {  	[smem:$0x3FB1] =	sst s5  }
0xe: {  	[smem:$0x3FB2] =	sst s6  }
0xf: {  	[smem:$0x3FB3] =	sst s7  }
0x10: {  	[smem:$0x3FB4] =	sst s8  }
0x11: {  	[smem:$0x3FB5] =	sst s9;
	s0 =	simm.s32 @!p0 $0x0  }
0x12: {  	s1 =	sld [smem:$0x3F9B];
	s0 =	simm.s32 @p0 $0x1  }
0x13: {  	[smem:$0x3FB6] =	sst s0;
	s0 =	simm.s32 @!p1 $0x0  }
0x14: {  	s2 =	sld [smem:$0x3F9A];
	s0 =	simm.s32 @p1 $0x1  }
0x15: {  	[smem:$0x3FB7] =	sst s0;
	s0 =	simm.s32 @!p2 $0x0  }
0x16: {  	s3 =	sld [smem:$0x3FDB];
	s0 =	simm.s32 @p2 $0x1  }
0x17: {  	s4 =	simm.s32 $0x1BF5;
	[smem:$0x3FB9] =	sst s0  }
0x18: {  	s0 =	sld [smem:$0x3F9C];
	_ =	swait.ge [sflag:s4], $0x0  }
0x19: {  	s7 =	sld [smem:$0x3F9D]  }
0x1a: {  	s8 =	sadd.s32 $0xFFFFE003, lr  }
0x1b: {  	s9 =	sadd.s32 $0xFFFFFEF7, lr;
	s5 =	simm.s32 $0xFFFFFFFF;
	p2 =	slt.u32 s8, $0xFFFFF086  }
0x1c: {  	p1 =	slt.u32 s9, $0xF7A;
	s5 =	simm.s32 @!p2 $0x0  }
0x1d: {  	s5 =	simm.s32 @p1 $0x1;
	p0 =	seq.s32 s7, s2  }
0x1e: {  	s7 =	smul.u32 @!p0 $0xF7A, s2;
	p2 =	seq.s32 @!p0 s5, $0x0  }
0x1f: {  	s9 =	smul.u32 $0xF7A, s1;
	s8 =	simm.s32 @!p0 $0x1BF5;
	p2 =	por !p2, p0  }
0x20: {  	[sflag:s8] =	ssyncset.s32 @!p0 $0xFFFFF086;
	s6 =	sadd.s32 @!p0 s3, s7;
	s7 =	simm.s32 @!p0 $0x108  }
0x21: {  	s3 =	sadd.s32 s3, s9;
	s6 =	sadd.s32 @!p0 $0x88, s6;
	s7 =	simm.s32 @p2 $0x1082  }
0x22: {  	[simem:s7], [sflag:s8] =	dma.local @!p0 [hbm:s6], $0xF7A  }
0x23: {  	s9 =	sor.u32 $0xD0000000, s2;
	s6 =	simm.s32 $0x108;
	_ =	swait.ge @!p0 [sflag:s8], $0x0  }
0x24: {  	s3 =	sadd.s32 $0x88, s3;
	s6 =	simm.s32 @!p1 $0x1082;
	[sflag:s4] =	ssyncset.s32 $0xFFFFF086  }
0x25: {  	[simem:s6], [sflag:s4] =	dma.local [hbm:s3], $0xF7A  }
0x26: {  	[smem:$0x3F9D] =	sst s1;
	(tag) =	ssettag s2;
	_ =	strace s9  }
0x27: {  	s1 =	sld [smem:$0x3FAD]  }
0x28: {  	s2 =	sld [smem:$0x3FAE]  }
0x29: {  	s4 =	sld [smem:$0x3FB0]  }
0x2a: {  	p0 =	seq.s32 s5, $0x0;
	s5 =	sld [smem:$0x3FB1]  }
0x2b: {  	s6 =	sld [smem:$0x3FB2]  }
0x2c: {  	s7 =	sld [smem:$0x3FB3]  }
0x2d: {  	s3 =	simm.s32 $0x108;
	s8 =	sld [smem:$0x3FB4]  }
0x2e: {  	s3 =	simm.s32 @!p0 $0x1082;
	s9 =	sld [smem:$0x3FB5]  }
0x2f: {  	lr =	sadd.s32 s0, s3;
	s0 =	sld [smem:$0x3FAC]  }
0x30: {  	s3 =	sld [smem:$0x3FAF]  }
0x31: {  	[smem:$0x3FB8] =	sst s10  }
0x32: {  	s10 =	sld [smem:$0x3FB6];
	_ =	sdelay $0x3  }
0x33: {  	p0 =	seq.s32 s10, $0x1;
	s10 =	sld [smem:$0x3FB8];
	_ =	sdelay $0x3  }
0x34: {  	[smem:$0x3FB8] =	sst s10  }
0x35: {  	s10 =	sld [smem:$0x3FB7];
	_ =	sdelay $0x3  }
0x36: {  	p1 =	seq.s32 s10, $0x1;
	s10 =	sld [smem:$0x3FB8];
	_ =	sdelay $0x3  }
0x37: {  	[smem:$0x3FB8] =	sst s10  }
0x38: {  	s10 =	sld [smem:$0x3FB9]  }
0x39: {  	_ = 	snop;
	(pc) =	sbr.ind lr, $3  }
0x3a: {  	_ = 	snop  }
0x3b: {  	_ = 	snop  }
0x3c: {  	p2 =	seq.s32 s10, $0x1;
	s10 =	sld [smem:$0x3FB8]  }
0x3d: {  	_ =	shalt  }
0x3e: {  	_ =	shalt  }
0x3f: {  	_ =	shalt  }
0x40: {  	_ =	shalt  }
0x41: {  	_ =	shalt  }
0x42: {  	_ =	shalt  }
0x43: {  	_ =	shalt  }
0x44: {  	_ =	shalt  }
0x45: {  	_ =	shalt  }
0x46: {  	_ =	shalt  }
0x47: {  	_ =	shalt  }
0x48: {  	_ =	shalt  }
0x49: {  	_ =	shalt  }
0x4a: {  	_ =	shalt  }
0x4b: {  	_ =	shalt  }
0x4c: {  	_ =	shalt  }
0x4d: {  	_ =	shalt  }
0x4e: {  	_ =	shalt  }
0x4f: {  	_ =	shalt  }
0x50: {  	_ =	shalt  }
0x51: {  	_ =	shalt  }
0x52: {  	_ =	shalt  }
0x53: {  	_ =	shalt  }
0x54: {  	_ =	shalt  }
0x55: {  	_ =	shalt  }
0x56: {  	_ =	shalt  }
0x57: {  	_ =	shalt  }
0x58: {  	_ =	shalt  }
0x59: {  	_ =	shalt  }
0x5a: {  	_ =	shalt  }
0x5b: {  	_ =	shalt  }
0x5c: {  	_ =	shalt  }
0x5d: {  	_ =	shalt  }
0x5e: {  	_ =	shalt  }
0x5f: {  	_ =	shalt  }
0x60: {  	_ =	shalt  }
0x61: {  	_ =	shalt  }
0x62: {  	_ =	shalt  }
0x63: {  	_ =	shalt  }
0x64: {  	_ =	shalt  }
0x65: {  	_ =	shalt  }
0x66: {  	_ =	shalt  }
0x67: {  	_ =	shalt  }
0x68: {  	_ =	shalt  }
0x69: {  	_ =	shalt  }
0x6a: {  	_ =	shalt  }
0x6b: {  	_ =	shalt  }
0x6c: {  	_ =	shalt  }
0x6d: {  	_ =	shalt  }
0x6e: {  	_ =	shalt  }
0x6f: {  	_ =	shalt  }
0x70: {  	_ =	shalt  }
0x71: {  	_ =	shalt  }
0x72: {  	_ =	shalt  }
0x73: {  	_ =	shalt  }
0x74: {  	_ =	shalt  }
0x75: {  	_ =	shalt  }
0x76: {  	_ =	shalt  }
0x77: {  	_ =	shalt  }
0x78: {  	_ =	shalt  }
0x79: {  	_ =	shalt  }
0x7a: {  	_ =	shalt  }
0x7b: {  	_ =	shalt  }
0x7c: {  	_ =	shalt  }
0x7d: {  	_ =	shalt  }
0x7e: {  	_ =	shalt  }
0x7f: {  	_ =	shalt  }
0x80: {  	_ =	shalt  }
0x81: {  	_ =	shalt  }
0x82: {  	_ =	shalt  }
0x83: {  	_ =	shalt  }
0x84: {  	_ =	shalt  }
0x85: {  	_ =	shalt  }
0x86: {  	_ =	shalt  }
0x87: {  	_ =	shalt  }
.Lfunc_end0:
.L_simem_size_0:
called_computation_lowered:
.L_overlay_start_0:
0x88: {  	s2 =	sld [smem:$0x3FD9]  }
0x89: {  	s3 =	sld [smem:$0x3FFE];
	_ =	sdelay $0x1  }
0x8a: {  	s1 =	srdreg.scid  }
0x8b: {  	s0 =	sand.u32 $0x1, s1  }
0x8c: {  	s18 =	sshll.u32 s0, $0xA;
	s2 =	sadd.s32 s3, s2  }
0x8d: {  	s2 =	sadd.s32 s2, s18  }
0x8e: {  	[smem:$0x3FC4] =	sst s2  }
0x8f: {  	_ = 	snop  }
0x90: {  	s2 =	sld [smem:$0x3FC9]  }
0x91: {  	s19 =	sld [smem:$0x3FC8]  }
0x92: {  	s4 =	sld [smem:$0x3FC7]  }
0x93: {  	s5 =	sld [smem:$0x3FC6]  }
0x94: {  	s6 =	sld [smem:$0x3FD0];
	(tm) =	ssettm $0x1  }
0x95: {  	s7 =	sld [smem:$0x3FFB];
	_ =	sdelay $0x3  }
0x96: {  	_ =	strace s7  }
0x97: {  	s7 =	sld [smem:$0x3FFC];
	_ =	sdelay $0x3  }
0x98: {  	_ =	strace s7  }
0x99: {  	s7 =	sld [smem:$0x3FFD];
	_ =	sdelay $0x3  }
0x9a: {  	_ =	strace s7  }
0x9b: {  	_ =	strace $0x8FFFFFFF  }
0x9c: {  	s20 =	sld [smem:$0x3FDB];
	_ =	sdelay $0x1  }
0x9d: {  	s8 =	simm.s32 $_scs_section_size  }
0x9e: {  	s9 =	simm.s32 $_size__tile_overlayer_lowered;
	s10 =	simm.s32 $_tile_overlayer_lowered  }
0x9f: {  	s23 =	simm.s32 $0x1BFF;
	s22 =	sshll.u32 s10, $0x1;
	s7 =	sadd.s32 s8, s20  }
0xa0: {  	s11 =	simm.s32 $0x0;
	s21 =	sshll.u32 s9, $0x1;
	s9 =	sadd.s32 s22, s7  }
0xa1: {  	[timem:s11], [sflag:s23] =	dma.local [hbm:s9], s21  }
0xa2: {  	_ =	swait.ge [sflag:s23], s21  }
0xa3: {  	s8 =	ssub.s32 $0x0, s21;
	[sflag:s23] =	ssyncset.done $0x0  }
0xa4: {  	[sflag:s23] =	ssyncadd.s32 s8;
	_ =	sdelay $0x1  }
0xa5: {  	s24 =	simm.s32 $0x1B8B  }
0xa6: {  	_ =	swait.ge [sflag:s24], $0x1  }
0xa7: {  	[sflag:s24] =	ssyncset.done $0x0  }
0xa8: {  	s25 =	simm.s32 $0x1B8E;
	[sflag:s24] =	ssyncadd.s32 $0xFFFFFFFF  }
0xa9: {  	s26 =	simm.s32 $execute0_lowered;
	[smem:$0x3FD2] =	sst s25  }
0xaa: {  	s8 =	sshll.u32 s26, $0x1;
	_ =	strace $0x80000046;
	[dreg:$0x1] =	wrdreg $0xFFFFFFFF  }
0xab: {  	s28 =	simm.s32 $_size_execute0_lowered;
	s7 =	sadd.s32 s7, s8;
	[dreg:$0x0] =	wrdreg $0x0  }
0xac: {  	s8 =	sshll.u32 s28, $0x1;
	[dreg:$0x2] =	wrdreg s7  }
0xad: {  	[dreg:$0x3] =	wrdreg s8  }
0xae: {  	[dreg:$0x4] =	wrdreg $0xC0  }
0xaf: {  	_ =	task [dreg:s11], $0x5FFFF  }
0xb0: {  	[dreg:$0x1] =	wrdreg $0xFFFFFFFF  }
0xb1: {  	[dreg:$0x0] =	wrdreg $0x60  }
0xb2: {  	[dreg:$0x2] =	wrdreg s2  }
0xb3: {  	[dreg:$0x3] =	wrdreg s19  }
0xb4: {  	[dreg:$0x4] =	wrdreg s4  }
0xb5: {  	[dreg:$0x5] =	wrdreg s5  }
0xb6: {  	[dreg:$0x6] =	wrdreg s6  }
0xb7: {  	[dreg:$0x7] =	wrdreg $0x9  }
0xb8: {  	_ =	task.clear_ibuf [dreg:s11], $0x8FFFF;
	_ =	strace $0x90000046  }
0xb9: {  	s29 =	simm.s32 $0x9;
	_ =	strace $0x80000048  }
0xba: {  	_ =	swait.ge [sflag:s29], $0x1  }
0xbb: {  	[sflag:s29] =	ssyncadd.s32 $0xFFFFFFFF  }
0xbc: {  	_ =	strace $0x90000048  }
0xbd: {  	_ =	sfence  }
0xbe: {  	s30 =	sld [smem:$0x0];
	_ =	sdelay $0x2  }
0xbf: {  	s31 =	sshll.u32 s1, $0xD;
	s1 =	sshrl.u32 s1, $0x2  }
0xc0: {  	s3 =	sand.u32 $0x4000, s31;
	s1 =	sadd.s32 s1, s30  }
0xc1: {  	s0 =	sor.u32 s3, s0;
	s1 =	sshll.u32 s1, $0x11  }
0xc2: {  	s0 =	sor.u32 s1, s0  }
0xc3: {  	s0 =	sadd.s32 $0x8F2B, s0  }
0xc4: {  	[sflag:s0] =	ssyncadd.remote.s32 $0x1  }
0xc5: {  	_ =	sfence.sel $0xFFFF  }
0xc6: {  	[dreg:$0x0] =	wrdreg $0xFFFFFFFF;
	(pc) =	sbr.abs _section_cstart, $3  }
0xc7: {  	[dreg:$0x1] =	wrdreg $0xFFFFFFFF  }
0xc8: {  	_ =	task.clear_ibuf [dreg:s11], $0x2FFFF;
	_ =	strace $0x9FFFFFFF  }
0xc9: {  	(tm) =	ssettm $0x7FFFFFFF  }
tec
execute0_lowered:
.L_overlay_start_1:
0x0: {  	(tag) =	ssettag $0x1  }
0x1: {  	v0 =	vimm.s32 $0x2380;
	vm14 =	vcmask $0x300  }
0x2: {  	vm13 =	vcmask $0x704;
	vm12 =	vcmask $0xB08;
	vm11 =	vcmask $0xF0C  }
0x3: {  	vm10 =	vcmask $0x1310;
	vm9 =	vcmask $0x1714;
	vm8 =	vcmask $0x1B18  }
0x4: {  	vm7 =	vcmask $0x1F1C;
	vm6 =	vcmask $0x2320;
	vm5 =	vcmask $0x2724  }
0x5: {  	vm4 =	vcmask $0x2B28;
	vm2 =	vcmask $0x2F2C;
	v1 =	vimm.s32 $0x6380  }
0x6: {  	vm3 =	vcmask $0x3330;
	vm1 =	vcmask $0x3734;
	vm0 =	vcmask $0x3B38  }
0x7: {  	v2 =	vimm.s32 $0x1380;
	v3 =	vimm.s32 $0x3380;
	v0 =	vsel vm14, $0x0, v0  }
0x8: {  	v1 =	vsel vm14, $0x4000, v1;
	v2 =	vsel vm14, $0x0, v2;
	v0 =	vsel vm13, $0x80, v0  }
0x9: {  	s0 =	rddreg [dreg:$0x0];
	v3 =	vsel vm14, $0x2000, v3;
	v1 =	vsel vm13, $0x4080, v1;
	v0 =	vsel vm12, $0x100, v0  }
0xa: {  	s1 =	rddreg [dreg:$0x1];
	v2 =	vsel vm13, $0x80, v2;
	v3 =	vsel vm13, $0x2080, v3;
	v0 =	vsel vm11, $0x180, v0  }
0xb: {  	s2 =	rddreg [dreg:$0x2];
	v1 =	vsel vm12, $0x4100, v1;
	v2 =	vsel vm12, $0x100, v2;
	v0 =	vsel vm10, $0x200, v0  }
0xc: {  	s3 =	rddreg [dreg:$0x4];
	s20 =	simm.s32 $0x0;
	s4 =	srdreg.scid;
	v3 =	vsel vm12, $0x2100, v3;
	v1 =	vsel vm11, $0x4180, v1;
	v0 =	vsel vm9, $0x280, v0  }
0xd: {  	s9 =	simm.s32 $0x9;
	s10 =	simm.s32 $0x1000;
	s11 =	simm.s32 $0x20000;
	v2 =	vsel vm11, $0x180, v2;
	v3 =	vsel vm11, $0x2180, v3;
	v0 =	vsel vm8, $0x300, v0  }
0xe: {  	s12 =	simm.s32 $0x14200;
	s13 =	simm.s32 $0xC200;
	s14 =	simm.s32 $0x400;
	v1 =	vsel vm10, $0x4200, v1;
	v2 =	vsel vm10, $0x200, v2;
	v0 =	vsel vm7, $0x380, v0  }
0xf: {  	s21 =	stileid.u32;
	s15 =	simm.s32 $0x7A1400;
	s16 =	simm.s32 $0x200;
	v3 =	vsel vm10, $0x2200, v3;
	v1 =	vsel vm9, $0x4280, v1;
	v0 =	vsel vm6, $0x2000, v0  }
0x10: {  	s17 =	simm.s32 $0x1200;
	s18 =	simm.s32 $0x2200;
	s19 =	simm.s32 $0x3200;
	v2 =	vsel vm9, $0x280, v2;
	v1 =	vsel vm8, $0x4300, v1;
	v0 =	vsel vm5, $0x2080, v0  }
0x11: {  	s28 =	simm.s32 $0x3;
	s29 =	simm.s32 $0x4;
	s30 =	simm.s32 $0x5;
	v3 =	vsel vm9, $0x2280, v3;
	v1 =	vsel vm7, $0x4380, v1;
	v0 =	vsel vm4, $0x2100, v0  }
0x12: {  	s31 =	simm.s32 $0x6;
	[dreg:$0x6] =	wrdreg s2;
	s4 =	sand.u32 $0x1, s4;
	v2 =	vsel vm8, $0x300, v2;
	v1 =	vsel vm6, $0x6000, v1;
	v0 =	vsel vm2, $0x2180, v0  }
0x13: {  	s6 =	sshll.u32 s21, $0xA;
	s5 =	ssub.s32 $0x2, s4;
	s4 =	sshll.u32 s4, $0x9;
	v3 =	vsel vm8, $0x2300, v3;
	v1 =	vsel vm5, $0x6080, v1;
	v0 =	vsel vm3, $0x2200, v0  }
0x14: {  	[smem:$0x7FF] =	sst s20;
	s20 =	simm.s32 $0x4200;
	s6 =	sor.u32 s4, s6;
	v2 =	vsel vm7, $0x380, v2;
	v1 =	vsel vm4, $0x6100, v1;
	v0 =	vsel vm1, $0x2280, v0  }
0x15: {  	s21 =	simm.s32 $0x5200;
	s7 =	sshrl.u32 s5, $0x1;
	s22 =	sshrl.u32 s6, $0x3;
	v3 =	vsel vm7, $0x2380, v3;
	v1 =	vsel vm2, $0x6180, v1;
	v0 =	vsel vm0, $0x2300, v0  }
0x16: {  	s5 =	ssub.s32 s5, s7;
	s23 =	sadd.s32 s3, s6;
	s0 =	sadd.s32 s0, s22;
	v2 =	vsel vm6, $0x1000, v2;
	v3 =	vsel vm6, $0x3000, v3;
	v4 =	vsel vm3, $0x6200, v1;
	[tilespmem:$0x1FFE0] =	vst v0  }
0x17: {  	s24 =	sadd.s32 s1, s6;
	v5 =	vsel vm5, $0x1080, v2;
	v3 =	vsel vm5, $0x3080, v3;
	v4 =	vsel vm1, $0x6280, v4;
	_ =	strace $0x80000047;
	[dreg:$0x8] =	wrdreg s0  }
0x18: {  	s1 =	simm.s32 $0x7;
	s3 =	simm.s32 $0x8;
	v0 =	vsel vm0, $0x6300, v4;
	v4 =	vsel vm4, $0x1100, v5;
	v5 =	vsel vm4, $0x3100, v3;
	[dreg:$0x9] =	wrdreg s24  }
0x19: {  	s25 =	sadd.s32 $0x10000, s23;
	s26 =	smax.u32 s5, $0x1;
	v2 =	vlaneseq.u32;
	[dreg:$0x7] =	wrdreg s23;
	v6 =	vsel vm2, $0x1180, v4;
	v5 =	vsel vm2, $0x3180, v5  }
0x1a: {  	s22 =	simm.s32 $0x6200;
	s5 =	simm.s32 $0x0;
	[dreg:$0xa] =	wrdreg s25;
	v4 =	vmul.u32 $0x80, v2;
	v6 =	vsel vm3, $0x1200, v6;
	v7 =	vsel vm3, $0x3200, v5  }
0x1b: {  	v34 =	vimm.s32 $0x0;
	[dreg:$0xb] =	wrdreg s26;
	s23 =	simm.s32 $0x7200;
	s24 =	simm.s32 $0x1;
	v8 =	vsel vm1, $0x1280, v6;
	v9 =	vsel vm1, $0x3280, v7  }
0x1c: {  	[tilespmem:$0x1FFF0] =	vst v0;
	s25 =	simm.s32 $0x8200;
	s26 =	simm.s32 $0x2;
	s0 =	simm.s32 $0x17200;
	v6 =	vor.u32 $0x800, v4;
	v7 =	vsel vm0, $0x1300, v8;
	v8 =	vsel vm0, $0x3300, v9  }
.LBB2_1:
0x1d: {  	s4 =	simm.s32 $0x0;
	s2 =	rddreg [dreg:$0x8]  }
0x1e: {  	[tilespmem:s4], [sflag:$0x9] =	stream.linear.gather [hbm4b:s2+s4], $0x200, $0x38;
	[tilespmem:$0x1B200] =	vst v63  }
0x1f: {  	_ =	swait.ge [sflag:s9], $0x200  }
0x20: {  	[sflag:s9] =	ssyncset.done $0x0  }
0x21: {  	s7 =	rddreg [dreg:$0x9];
	[sflag:s9] =	ssyncadd.s32 $0xFFFFFE00  }
0x22: {  	[tilespmem:s12], [sflag:$0x9] =	stream.strided.gather [hbm4b:s7+s10], $0x3000, s11, s10, $0x38;
	[tilespmem:$0x1B200] =	vst v63  }
0x23: {  	_ =	swait.ge [sflag:s9], $0x3000  }
0x24: {  	[sflag:s9] =	ssyncset.done $0x0  }
0x25: {  	[sflag:s9] =	ssyncadd.s32 $0xFFFFD000  }
0x26: {  	s8 =	rddreg [dreg:$0x3]  }
0x27: {  	[tilespmem:s13], [sflag:$0x9] =	stream.linear.gather [hbm4b:s8+s4], $0x8000, $0x38;
	[tilespmem:$0x1B200] =	vst v63  }
0x28: {  	_ =	swait.ge [sflag:s9], $0x8000  }
0x29: {  	v0 =	vld [tilespmem:$0x1FFE0];
	_ =	sdelay $0x5  }
0x2a: {  	[sflag:s9] =	ssyncset.done $0x0  }
0x2b: {  	v1 =	vimm.f32 $0.0e+00;
	[sflag:s9] =	ssyncadd.s32 $0xFFFF8000  }
0x2c: {  	[tilespmem:v0+s13+$0x0] =	vst.idx.msk $0xffff, v1;
	v0 =	vld [tilespmem:$0x1FFF0];
	_ =	sdelay $0x7  }
0x2d: {  	[tilespmem:v0+s13+$0x0] =	vst.idx.msk $0xffff, v1  }
0x2e: {  	v9 =	vld [tilespmem:s4+$0x0];
	_ =	sdelay $0x4  }
0x2f: {  	v10 =	vshra.s32 v9, $0x1F  }
0x30: {  	v10 =	vshrl.u32 v10, $0x19  }
0x31: {  	v10 =	vadd.s32 v10, v9  }
0x32: {  	v10 =	vshra.s32 v10, $0x7  }
0x33: {  	v11 =	vshll.u32 v10, $0x7  }
0x34: {  	vm0 =	vlt.s32 v9, $0x1;
	vm1 =	vne.s32 v9, v11  }
0x35: {  	vm0 =	vmand vm0, vm1  }
0x36: {  	v12 =	vsel vm0, $0xFFFFFFFF, v34  }
0x37: {  	v10 =	vadd.s32 v12, v10  }
0x38: {  	s6 =	rddreg [dreg:$0x6];
	v10 =	vshll.u32 v10, $0x7  }
0x39: {  	v10 =	vadd.s32 s6, v10  }
0x3a: {  	(v2sf) =	vpush v10, $0x0;
	_ =	sdelay $0x1  }
0x3b: {  	(v2sf) =	vpush v10, $0x1;
	_ =	sdelay $0x1  }
0x3c: {  	(v2sf) =	vpush v10, $0x2;
	_ =	sdelay $0x1  }
0x3d: {  	(v2sf) =	vpush v10, $0x3;
	_ =	sdelay $0x1  }
0x3e: {  	(v2sf) =	vpush v10, $0x4;
	_ =	sdelay $0x1  }
0x3f: {  	(v2sf) =	vpush v10, $0x5;
	_ =	sdelay $0x1  }
0x40: {  	(v2sf) =	vpush v10, $0x6;
	_ =	sdelay $0x1  }
0x41: {  	(v2sf) =	vpush v10, $0x7  }
0x42: {  	s4 =	spop (v2sf)  }
0x43: {  	[tilespmem:s16], [sflag:$0x1] =	stream.strided.gather [hbm4b:s4+s14], $0x1000, s15, s14, $0x38;
	[tilespmem:$0x1B200] =	vst v63  }
0x44: {  	s7 =	spop (v2sf)  }
0x45: {  	[tilespmem:s17], [sflag:$0x2] =	stream.strided.gather [hbm4b:s7+s14], $0x1000, s15, s14, $0x38;
	[tilespmem:$0x1B200] =	vst v63  }
0x46: {  	s8 =	spop (v2sf)  }
0x47: {  	[tilespmem:s18], [sflag:$0x3] =	stream.strided.gather [hbm4b:s8+s14], $0x1000, s15, s14, $0x38;
	[tilespmem:$0x1B200] =	vst v63  }
0x48: {  	s2 =	spop (v2sf)  }
0x49: {  	(v2sf) =	vpush v10, $0x8;
	[tilespmem:s19], [sflag:$0x4] =	stream.strided.gather [hbm4b:s2+s14], $0x1000, s15, s14, $0x38;
	[tilespmem:$0x1B200] =	vst v63  }
0x4a: {  	s4 =	spop (v2sf)  }
0x4b: {  	[tilespmem:s20], [sflag:$0x5] =	stream.strided.gather [hbm4b:s4+s14], $0x1000, s15, s14, $0x38;
	[tilespmem:$0x1B200] =	vst v63  }
0x4c: {  	s7 =	spop (v2sf)  }
0x4d: {  	v9 =	vsub.s32 v9, v11;
	[tilespmem:s21], [sflag:$0x6] =	stream.strided.gather [hbm4b:s7+s14], $0x1000, s15, s14, $0x38;
	[tilespmem:$0x1B200] =	vst v63  }
0x4e: {  	v11 =	vbroadcast v9, $0x0;
	s8 =	spop (v2sf)  }
0x4f: {  	[tilespmem:s22], [sflag:$0x7] =	stream.strided.gather [hbm4b:s8+s14], $0x1000, s15, s14, $0x38;
	[tilespmem:$0x1B200] =	vst v63  }
0x50: {  	v59 =	vadd.s32 v4, v11;
	s2 =	simm.s32 $0x0;
	s7 =	spop (v2sf)  }
0x51: {  	v11 =	vadd.s32 v6, v11;
	v13 =	vmov s2;
	[tilespmem:s23], [sflag:$0x8] =	stream.strided.gather [hbm4b:s7+s14], $0x1000, s15, s14, $0x38;
	[tilespmem:$0x1B200] =	vst v63  }
0x52: {  	v14 =	vshll.u32 v13, $0x3;
	_ =	swait.ge [sflag:s24], $0x1000  }
0x53: {  	v13 =	vand.u32 $0x70, v13;
	v14 =	vand.u32 $0xC00, v14;
	(v2sf) =	vpush v10, $0x9;
	[sflag:s24] =	ssyncset.done $0x0  }
0x54: {  	v13 =	vor.u32 v13, v14;
	[sflag:s24] =	ssyncadd.s32 $0xFFFFF000  }
0x55: {  	v14 =	vor.u32 v7, v13;
	v12 =	vld.idx.msk [tilespmem:v59+s16+$0x0], $0xffff  }
0x56: {  	v13 =	vor.u32 v8, v13;
	v11 =	vld.idx.msk [tilespmem:v11+s16+$0x0], $0xffff;
	_ =	sdelay $0x1  }
0x57: {  	v15 =	vbroadcast v9, $0x1;
	s4 =	spop (v2sf)  }
0x58: {  	[tilespmem:s16], [sflag:$0x1] =	stream.strided.gather [hbm4b:s4+s14], $0x1000, s15, s14, $0x38;
	[tilespmem:$0x1B200] =	vst v63  }
0x59: {  	v60 =	vadd.s32 v4, v15;
	s7 =	simm.s32 $0x1;
	[tilespmem:v14+s25+$0x0] =	vst.idx.msk $0xffff, v12  }
0x5a: {  	v61 =	vmov s7;
	[tilespmem:v13+s25+$0x0] =	vst.idx.msk $0xffff, v11;
	v11 =	vadd.s32 v6, v15  }
0x5b: {  	v62 =	vshll.u32 v61, $0x3;
	_ =	swait.ge [sflag:s26], $0x1000  }
0x5c: {  	v14 =	vand.u32 $0xC00, v62;
	v13 =	vand.u32 $0x71, v61;
	(v2sf) =	vpush v10, $0xA;
	[sflag:s26] =	ssyncset.done $0x0  }
0x5d: {  	v13 =	vor.u32 v13, v14;
	[sflag:s26] =	ssyncadd.s32 $0xFFFFF000  }
0x5e: {  	v14 =	vor.u32 v7, v13;
	v12 =	vld.idx.msk [tilespmem:v60+s17+$0x0], $0xffff  }
0x5f: {  	v13 =	vor.u32 v8, v13;
	v11 =	vld.idx.msk [tilespmem:v11+s17+$0x0], $0xffff;
	_ =	sdelay $0x1  }
0x60: {  	v63 =	vbroadcast v9, $0x2;
	s8 =	spop (v2sf)  }
0x61: {  	[tilespmem:s17], [sflag:$0x2] =	stream.strided.gather [hbm4b:s8+s14], $0x1000, s15, s14, $0x38;
	[tilespmem:$0x1B200] =	vst v63  }
0x62: {  	v17 =	vadd.s32 v4, v63;
	s2 =	simm.s32 $0x2;
	[tilespmem:v14+s25+$0x0] =	vst.idx.msk $0xffff, v12  }
0x63: {  	v18 =	vmov s2;
	[tilespmem:v13+s25+$0x0] =	vst.idx.msk $0xffff, v11;
	v11 =	vadd.s32 v6, v63  }
0x64: {  	v19 =	vshll.u32 v18, $0x3;
	_ =	swait.ge [sflag:s28], $0x1000  }
0x65: {  	v14 =	vand.u32 $0xC00, v19;
	v13 =	vand.u32 $0x72, v18;
	(v2sf) =	vpush v10, $0xB;
	[sflag:s28] =	ssyncset.done $0x0  }
0x66: {  	v13 =	vor.u32 v13, v14;
	[sflag:s28] =	ssyncadd.s32 $0xFFFFF000  }
0x67: {  	v14 =	vor.u32 v7, v13;
	v12 =	vld.idx.msk [tilespmem:v17+s18+$0x0], $0xffff  }
0x68: {  	v13 =	vor.u32 v8, v13;
	v11 =	vld.idx.msk [tilespmem:v11+s18+$0x0], $0xffff;
	_ =	sdelay $0x1  }
0x69: {  	v20 =	vbroadcast v9, $0x3;
	s4 =	spop (v2sf)  }
0x6a: {  	[tilespmem:s18], [sflag:$0x3] =	stream.strided.gather [hbm4b:s4+s14], $0x1000, s15, s14, $0x38;
	[tilespmem:$0x1B200] =	vst v63  }
0x6b: {  	v21 =	vadd.s32 v4, v20;
	s7 =	simm.s32 $0x3;
	[tilespmem:v14+s25+$0x0] =	vst.idx.msk $0xffff, v12  }
0x6c: {  	v22 =	vmov s7;
	[tilespmem:v13+s25+$0x0] =	vst.idx.msk $0xffff, v11;
	v11 =	vadd.s32 v6, v20  }
0x6d: {  	v23 =	vshll.u32 v22, $0x3;
	_ =	swait.ge [sflag:s29], $0x1000  }
0x6e: {  	v14 =	vand.u32 $0xC00, v23;
	v13 =	vand.u32 $0x73, v22;
	(v2sf) =	vpush v10, $0xC;
	[sflag:s29] =	ssyncset.done $0x0  }
0x6f: {  	v13 =	vor.u32 v13, v14;
	[sflag:s29] =	ssyncadd.s32 $0xFFFFF000  }
0x70: {  	v14 =	vor.u32 v7, v13;
	v12 =	vld.idx.msk [tilespmem:v21+s19+$0x0], $0xffff  }
0x71: {  	v13 =	vor.u32 v8, v13;
	v11 =	vld.idx.msk [tilespmem:v11+s19+$0x0], $0xffff;
	_ =	sdelay $0x1  }
0x72: {  	v24 =	vbroadcast v9, $0x4;
	s8 =	spop (v2sf)  }
0x73: {  	[tilespmem:s19], [sflag:$0x4] =	stream.strided.gather [hbm4b:s8+s14], $0x1000, s15, s14, $0x38;
	[tilespmem:$0x1B200] =	vst v63  }
0x74: {  	v25 =	vadd.s32 v4, v24;
	s2 =	simm.s32 $0x4;
	[tilespmem:v14+s25+$0x0] =	vst.idx.msk $0xffff, v12  }
0x75: {  	v26 =	vmov s2;
	[tilespmem:v13+s25+$0x0] =	vst.idx.msk $0xffff, v11;
	v11 =	vadd.s32 v6, v24  }
0x76: {  	v27 =	vshll.u32 v26, $0x3;
	_ =	swait.ge [sflag:s30], $0x1000  }
0x77: {  	v14 =	vand.u32 $0xC00, v27;
	v13 =	vand.u32 $0x74, v26;
	(v2sf) =	vpush v10, $0xD;
	[sflag:s30] =	ssyncset.done $0x0  }
0x78: {  	v13 =	vor.u32 v13, v14;
	[sflag:s30] =	ssyncadd.s32 $0xFFFFF000  }
0x79: {  	v14 =	vor.u32 v7, v13;
	v12 =	vld.idx.msk [tilespmem:v25+s20+$0x0], $0xffff  }
0x7a: {  	v13 =	vor.u32 v8, v13;
	v11 =	vld.idx.msk [tilespmem:v11+s20+$0x0], $0xffff;
	_ =	sdelay $0x1  }
0x7b: {  	v28 =	vbroadcast v9, $0x5;
	s4 =	spop (v2sf)  }
0x7c: {  	[tilespmem:s20], [sflag:$0x5] =	stream.strided.gather [hbm4b:s4+s14], $0x1000, s15, s14, $0x38;
	[tilespmem:$0x1B200] =	vst v63  }
0x7d: {  	v29 =	vadd.s32 v4, v28;
	s7 =	simm.s32 $0x5;
	[tilespmem:v14+s25+$0x0] =	vst.idx.msk $0xffff, v12  }
0x7e: {  	v30 =	vmov s7;
	[tilespmem:v13+s25+$0x0] =	vst.idx.msk $0xffff, v11;
	v11 =	vadd.s32 v6, v28  }
0x7f: {  	v31 =	vshll.u32 v30, $0x3;
	_ =	swait.ge [sflag:s31], $0x1000  }
0x80: {  	v14 =	vand.u32 $0xC00, v31;
	v13 =	vand.u32 $0x75, v30;
	(v2sf) =	vpush v10, $0xE;
	[sflag:s31] =	ssyncset.done $0x0  }
0x81: {  	v13 =	vor.u32 v13, v14;
	[sflag:s31] =	ssyncadd.s32 $0xFFFFF000  }
0x82: {  	v14 =	vor.u32 v7, v13;
	v12 =	vld.idx.msk [tilespmem:v29+s21+$0x0], $0xffff  }
0x83: {  	v13 =	vor.u32 v8, v13;
	v11 =	vld.idx.msk [tilespmem:v11+s21+$0x0], $0xffff;
	_ =	sdelay $0x1  }
0x84: {  	v32 =	vbroadcast v9, $0x6;
	s8 =	spop (v2sf)  }
0x85: {  	[tilespmem:s21], [sflag:$0x6] =	stream.strided.gather [hbm4b:s8+s14], $0x1000, s15, s14, $0x38;
	[tilespmem:$0x1B200] =	vst v63  }
0x86: {  	v33 =	vadd.s32 v4, v32;
	s2 =	simm.s32 $0x6;
	[tilespmem:v14+s25+$0x0] =	vst.idx.msk $0xffff, v12  }
0x87: {  	v35 =	vmov s2;
	[tilespmem:v13+s25+$0x0] =	vst.idx.msk $0xffff, v11;
	v11 =	vadd.s32 v6, v32  }
0x88: {  	v36 =	vshll.u32 v35, $0x3;
	_ =	swait.ge [sflag:s1], $0x1000  }
0x89: {  	v37 =	vand.u32 $0xC00, v36;
	(v2sf) =	vpush v10, $0xF;
	[sflag:s1] =	ssyncset.done $0x0;
	v10 =	vand.u32 $0x76, v35  }
0x8a: {  	[sflag:s1] =	ssyncadd.s32 $0xFFFFF000;
	v10 =	vor.u32 v10, v37  }
0x8b: {  	v12 =	vld.idx.msk [tilespmem:v33+s22+$0x0], $0xffff;
	v13 =	vor.u32 v7, v10  }
0x8c: {  	v10 =	vor.u32 v8, v10;
	v11 =	vld.idx.msk [tilespmem:v11+s22+$0x0], $0xffff;
	_ =	sdelay $0x1  }
0x8d: {  	v38 =	vbroadcast v9, $0x7;
	s4 =	spop (v2sf)  }
0x8e: {  	[tilespmem:s22], [sflag:$0x7] =	stream.strided.gather [hbm4b:s4+s14], $0x1000, s15, s14, $0x38;
	[tilespmem:$0x1B200] =	vst v63  }
0x8f: {  	v39 =	vadd.s32 v4, v38;
	s7 =	simm.s32 $0x7;
	[tilespmem:v13+s25+$0x0] =	vst.idx.msk $0xffff, v12  }
0x90: {  	[tilespmem:v10+s25+$0x0] =	vst.idx.msk $0xffff, v11;
	v10 =	vadd.s32 v6, v38;
	v11 =	vmov s7  }
0x91: {  	_ =	swait.ge [sflag:s3], $0x1000;
	v40 =	vshll.u32 v11, $0x3  }
0x92: {  	v11 =	vand.u32 $0x77, v11;
	[sflag:s3] =	ssyncset.done $0x0;
	v13 =	vand.u32 $0xC00, v40  }
0x93: {  	[sflag:s3] =	ssyncadd.s32 $0xFFFFF000;
	v11 =	vor.u32 v11, v13  }
0x94: {  	v12 =	vld.idx.msk [tilespmem:v39+s23+$0x0], $0xffff;
	v13 =	vor.u32 v7, v11  }
0x95: {  	v11 =	vor.u32 v8, v11;
	v10 =	vld.idx.msk [tilespmem:v10+s23+$0x0], $0xffff;
	_ =	sdelay $0x1  }
0x96: {  	v41 =	vbroadcast v9, $0x8;
	s8 =	spop (v2sf)  }
0x97: {  	[tilespmem:s23], [sflag:$0x8] =	stream.strided.gather [hbm4b:s8+s14], $0x1000, s15, s14, $0x38;
	[tilespmem:$0x1B200] =	vst v63  }
0x98: {  	v42 =	vadd.s32 v4, v41;
	s2 =	simm.s32 $0x8;
	[tilespmem:v13+s25+$0x0] =	vst.idx.msk $0xffff, v12  }
0x99: {  	[tilespmem:v11+s25+$0x0] =	vst.idx.msk $0xffff, v10;
	v10 =	vadd.s32 v6, v41;
	v11 =	vmov s2  }
0x9a: {  	_ =	swait.ge [sflag:s24], $0x1000;
	v43 =	vshll.u32 v11, $0x3  }
0x9b: {  	v11 =	vand.u32 $0x78, v11;
	[sflag:s24] =	ssyncset.done $0x0;
	v13 =	vand.u32 $0xC00, v43  }
0x9c: {  	[sflag:s24] =	ssyncadd.s32 $0xFFFFF000;
	v11 =	vor.u32 v11, v13  }
0x9d: {  	v12 =	vld.idx.msk [tilespmem:v42+s16+$0x0], $0xffff;
	v13 =	vor.u32 v7, v11  }
0x9e: {  	v11 =	vor.u32 v8, v11;
	v10 =	vld.idx.msk [tilespmem:v10+s16+$0x0], $0xffff;
	_ =	sdelay $0x1  }
0x9f: {  	v44 =	vbroadcast v9, $0x9;
	_ =	sdelay $0x1  }
0xa0: {  	v45 =	vadd.s32 v4, v44;
	s4 =	simm.s32 $0x9;
	[tilespmem:v13+s25+$0x0] =	vst.idx.msk $0xffff, v12  }
0xa1: {  	[tilespmem:v11+s25+$0x0] =	vst.idx.msk $0xffff, v10;
	v10 =	vadd.s32 v6, v44;
	v11 =	vmov s4  }
0xa2: {  	_ =	swait.ge [sflag:s26], $0x1000;
	v46 =	vshll.u32 v11, $0x3  }
0xa3: {  	v11 =	vand.u32 $0x79, v11;
	[sflag:s26] =	ssyncset.done $0x0;
	v13 =	vand.u32 $0xC00, v46  }
0xa4: {  	[sflag:s26] =	ssyncadd.s32 $0xFFFFF000;
	v11 =	vor.u32 v11, v13  }
0xa5: {  	v12 =	vld.idx.msk [tilespmem:v45+s17+$0x0], $0xffff;
	v13 =	vor.u32 v7, v11  }
0xa6: {  	v11 =	vor.u32 v8, v11;
	v10 =	vld.idx.msk [tilespmem:v10+s17+$0x0], $0xffff;
	_ =	sdelay $0x1  }
0xa7: {  	v47 =	vbroadcast v9, $0xA;
	_ =	sdelay $0x1  }
0xa8: {  	v48 =	vadd.s32 v4, v47;
	s7 =	simm.s32 $0xA;
	[tilespmem:v13+s25+$0x0] =	vst.idx.msk $0xffff, v12  }
0xa9: {  	[tilespmem:v11+s25+$0x0] =	vst.idx.msk $0xffff, v10;
	v10 =	vadd.s32 v6, v47;
	v11 =	vmov s7  }
0xaa: {  	_ =	swait.ge [sflag:s28], $0x1000;
	v49 =	vshll.u32 v11, $0x3  }
0xab: {  	v11 =	vand.u32 $0x7A, v11;
	[sflag:s28] =	ssyncset.done $0x0;
	v13 =	vand.u32 $0xC00, v49  }
0xac: {  	[sflag:s28] =	ssyncadd.s32 $0xFFFFF000;
	v11 =	vor.u32 v11, v13  }
0xad: {  	v12 =	vld.idx.msk [tilespmem:v48+s18+$0x0], $0xffff;
	v13 =	vor.u32 v7, v11  }
0xae: {  	v11 =	vor.u32 v8, v11;
	v10 =	vld.idx.msk [tilespmem:v10+s18+$0x0], $0xffff;
	_ =	sdelay $0x1  }
0xaf: {  	v50 =	vbroadcast v9, $0xB;
	_ =	sdelay $0x1  }
0xb0: {  	v51 =	vadd.s32 v4, v50;
	s8 =	simm.s32 $0xB;
	[tilespmem:v13+s25+$0x0] =	vst.idx.msk $0xffff, v12  }
0xb1: {  	[tilespmem:v11+s25+$0x0] =	vst.idx.msk $0xffff, v10;
	v10 =	vadd.s32 v6, v50;
	v11 =	vmov s8  }
0xb2: {  	_ =	swait.ge [sflag:s29], $0x1000;
	v52 =	vshll.u32 v11, $0x3  }
0xb3: {  	v11 =	vand.u32 $0x7B, v11;
	[sflag:s29] =	ssyncset.done $0x0;
	v13 =	vand.u32 $0xC00, v52  }
0xb4: {  	[sflag:s29] =	ssyncadd.s32 $0xFFFFF000;
	v11 =	vor.u32 v11, v13  }
0xb5: {  	v12 =	vld.idx.msk [tilespmem:v51+s19+$0x0], $0xffff;
	v13 =	vor.u32 v7, v11  }
0xb6: {  	v11 =	vor.u32 v8, v11;
	v10 =	vld.idx.msk [tilespmem:v10+s19+$0x0], $0xffff;
	_ =	sdelay $0x1  }
0xb7: {  	v53 =	vbroadcast v9, $0xC;
	_ =	sdelay $0x1  }
0xb8: {  	v54 =	vadd.s32 v4, v53;
	s2 =	simm.s32 $0xC;
	[tilespmem:v13+s25+$0x0] =	vst.idx.msk $0xffff, v12  }
0xb9: {  	[tilespmem:v11+s25+$0x0] =	vst.idx.msk $0xffff, v10;
	v10 =	vadd.s32 v6, v53;
	v11 =	vmov s2  }
0xba: {  	_ =	swait.ge [sflag:s30], $0x1000;
	v55 =	vshll.u32 v11, $0x3  }
0xbb: {  	v11 =	vand.u32 $0x7C, v11;
	[sflag:s30] =	ssyncset.done $0x0;
	v13 =	vand.u32 $0xC00, v55  }
0xbc: {  	[sflag:s30] =	ssyncadd.s32 $0xFFFFF000;
	v11 =	vor.u32 v11, v13  }
0xbd: {  	v12 =	vld.idx.msk [tilespmem:v54+s20+$0x0], $0xffff;
	v13 =	vor.u32 v7, v11  }
0xbe: {  	v11 =	vor.u32 v8, v11;
	v10 =	vld.idx.msk [tilespmem:v10+s20+$0x0], $0xffff;
	_ =	sdelay $0x1  }
0xbf: {  	v56 =	vbroadcast v9, $0xD;
	_ =	sdelay $0x1  }
0xc0: {  	v57 =	vadd.s32 v4, v56;
	s4 =	simm.s32 $0xD;
	[tilespmem:v13+s25+$0x0] =	vst.idx.msk $0xffff, v12  }
0xc1: {  	[tilespmem:v11+s25+$0x0] =	vst.idx.msk $0xffff, v10;
	v10 =	vadd.s32 v6, v56;
	v11 =	vmov s4  }
0xc2: {  	_ =	swait.ge [sflag:s31], $0x1000;
	v58 =	vshll.u32 v11, $0x3  }
0xc3: {  	v11 =	vand.u32 $0x7D, v11;
	[sflag:s31] =	ssyncset.done $0x0;
	v13 =	vand.u32 $0xC00, v58  }
0xc4: {  	[sflag:s31] =	ssyncadd.s32 $0xFFFFF000;
	v11 =	vor.u32 v11, v13  }
0xc5: {  	v12 =	vld.idx.msk [tilespmem:v57+s21+$0x0], $0xffff;
	v13 =	vor.u32 v7, v11  }
0xc6: {  	v11 =	vor.u32 v8, v11;
	v10 =	vld.idx.msk [tilespmem:v10+s21+$0x0], $0xffff;
	_ =	sdelay $0x1  }
0xc7: {  	v59 =	vbroadcast v9, $0xE;
	_ =	sdelay $0x1  }
0xc8: {  	v60 =	vadd.s32 v4, v59;
	s7 =	simm.s32 $0xE;
	[tilespmem:v13+s25+$0x0] =	vst.idx.msk $0xffff, v12  }
0xc9: {  	[tilespmem:v11+s25+$0x0] =	vst.idx.msk $0xffff, v10;
	v10 =	vadd.s32 v6, v59;
	v11 =	vmov s7  }
0xca: {  	_ =	swait.ge [sflag:s1], $0x1000;
	v61 =	vshll.u32 v11, $0x3  }
0xcb: {  	v11 =	vand.u32 $0x7E, v11;
	[sflag:s1] =	ssyncset.done $0x0;
	v13 =	vand.u32 $0xC00, v61  }
0xcc: {  	[sflag:s1] =	ssyncadd.s32 $0xFFFFF000;
	v11 =	vor.u32 v11, v13  }
0xcd: {  	v12 =	vld.idx.msk [tilespmem:v60+s22+$0x0], $0xffff;
	v13 =	vor.u32 v7, v11  }
0xce: {  	v11 =	vor.u32 v8, v11;
	v10 =	vld.idx.msk [tilespmem:v10+s22+$0x0], $0xffff;
	_ =	sdelay $0x1  }
0xcf: {  	v9 =	vbroadcast v9, $0xF;
	_ =	sdelay $0x1  }
0xd0: {  	v62 =	vadd.s32 v4, v9;
	s8 =	simm.s32 $0xF;
	[tilespmem:v13+s25+$0x0] =	vst.idx.msk $0xffff, v12  }
0xd1: {  	[tilespmem:v11+s25+$0x0] =	vst.idx.msk $0xffff, v10;
	v10 =	vmov s8  }
0xd2: {  	_ =	swait.ge [sflag:s3], $0x1000;
	v11 =	vshll.u32 v10, $0x3  }
0xd3: {  	v10 =	vand.u32 $0x7F, v10;
	[sflag:s3] =	ssyncset.done $0x0;
	v11 =	vand.u32 $0xC00, v11  }
0xd4: {  	[sflag:s3] =	ssyncadd.s32 $0xFFFFF000;
	v10 =	vor.u32 v10, v11  }
0xd5: {  	v9 =	vadd.s32 v6, v9;
	v11 =	vld.idx.msk [tilespmem:v62+s23+$0x0], $0xffff;
	v63 =	vor.u32 v7, v10;
	_ =	sdelay $0x4  }
0xd6: {  	s6 =	simm.s32 $0x1F;
	s7 =	simm.s32 $0x0;
	v9 =	vld.idx.msk [tilespmem:v9+s23+$0x0], $0xffff;
	v10 =	vor.u32 v8, v10;
	[tilespmem:v63+s25+$0x0] =	vst.idx.msk $0xffff, v11  }
.LBB2_2:
0xd7: {  	_ =	sdelay $0x3  }
0xd8: {  	s7 =	sadd.s32 $0x10, s7;
	[tilespmem:v10+s25+$0x0] =	vst.idx.msk $0xffff, v9  }
0xd9: {  	v9 =	vld [tilespmem:s7+$0x0];
	_ =	sdelay $0x4  }
0xda: {  	v10 =	vshra.s32 v9, $0x1F  }
0xdb: {  	v10 =	vshrl.u32 v10, $0x19  }
0xdc: {  	v10 =	vadd.s32 v10, v9  }
0xdd: {  	v10 =	vshra.s32 v10, $0x7  }
0xde: {  	v11 =	vshll.u32 v10, $0x7  }
0xdf: {  	vm0 =	vlt.s32 v9, $0x1;
	vm1 =	vne.s32 v9, v11  }
0xe0: {  	vm0 =	vmand vm0, vm1  }
0xe1: {  	v24 =	vsub.s32 v9, v11;
	v9 =	vsel vm0, $0xFFFFFFFF, v34  }
0xe2: {  	v9 =	vadd.s32 v9, v10  }
0xe3: {  	s4 =	rddreg [dreg:$0x6];
	v9 =	vshll.u32 v9, $0x7  }
0xe4: {  	v18 =	vadd.s32 s4, v9  }
0xe5: {  	(v2sf) =	vpush v18, $0x0;
	_ =	sdelay $0x1  }
0xe6: {  	(v2sf) =	vpush v18, $0x1;
	_ =	sdelay $0x1  }
0xe7: {  	(v2sf) =	vpush v18, $0x2;
	_ =	sdelay $0x1  }
0xe8: {  	(v2sf) =	vpush v18, $0x3;
	_ =	sdelay $0x1  }
0xe9: {  	(v2sf) =	vpush v18, $0x4;
	_ =	sdelay $0x1  }
0xea: {  	(v2sf) =	vpush v18, $0x5;
	_ =	sdelay $0x1  }
0xeb: {  	(v2sf) =	vpush v18, $0x6;
	_ =	sdelay $0x1  }
0xec: {  	(v2sf) =	vpush v18, $0x7  }
0xed: {  	s2 =	spop (v2sf)  }
0xee: {  	[tilespmem:s16], [sflag:$0x1] =	stream.strided.gather [hbm4b:s2+s14], $0x1000, s15, s14, $0x38;
	[tilespmem:$0x1B200] =	vst v63  }
0xef: {  	s2 =	spop (v2sf)  }
0xf0: {  	[tilespmem:s17], [sflag:$0x2] =	stream.strided.gather [hbm4b:s2+s14], $0x1000, s15, s14, $0x38;
	[tilespmem:$0x1B200] =	vst v63  }
0xf1: {  	s2 =	spop (v2sf)  }
0xf2: {  	[tilespmem:s18], [sflag:$0x3] =	stream.strided.gather [hbm4b:s2+s14], $0x1000, s15, s14, $0x38;
	[tilespmem:$0x1B200] =	vst v63  }
0xf3: {  	s2 =	spop (v2sf)  }
0xf4: {  	(v2sf) =	vpush v18, $0x8;
	[tilespmem:s19], [sflag:$0x4] =	stream.strided.gather [hbm4b:s2+s14], $0x1000, s15, s14, $0x38;
	[tilespmem:$0x1B200] =	vst v63  }
0xf5: {  	s2 =	spop (v2sf)  }
0xf6: {  	[tilespmem:s20], [sflag:$0x5] =	stream.strided.gather [hbm4b:s2+s14], $0x1000, s15, s14, $0x38;
	[tilespmem:$0x1B200] =	vst v63  }
0xf7: {  	v25 =	vbroadcast v24, $0x0;
	s2 =	spop (v2sf)  }
0xf8: {  	v26 =	vbroadcast v24, $0x1;
	v23 =	vbroadcast v24, $0x2;
	[tilespmem:s21], [sflag:$0x6] =	stream.strided.gather [hbm4b:s2+s14], $0x1000, s15, s14, $0x38;
	[tilespmem:$0x1B200] =	vst v63  }
0xf9: {  	s8 =	smov.u32 s6;
	v22 =	vbroadcast v24, $0x3;
	v21 =	vbroadcast v24, $0x4;
	s2 =	spop (v2sf)  }
0xfa: {  	v20 =	vbroadcast v24, $0x5;
	v19 =	vbroadcast v24, $0x6;
	[tilespmem:s22], [sflag:$0x7] =	stream.strided.gather [hbm4b:s2+s14], $0x1000, s15, s14, $0x38;
	[tilespmem:$0x1B200] =	vst v63  }
0xfb: {  	v17 =	vbroadcast v24, $0x7;
	v16 =	vbroadcast v24, $0x8;
	v54 =	vadd.s32 v4, v25;
	s4 =	sadd.s32 $0xFFFFFFF1, s8;
	s2 =	spop (v2sf)  }
0xfc: {  	v15 =	vbroadcast v24, $0x9;
	v25 =	vadd.s32 v6, v25;
	v27 =	vmov s4;
	[tilespmem:s23], [sflag:$0x8] =	stream.strided.gather [hbm4b:s2+s14], $0x1000, s15, s14, $0x38;
	[tilespmem:$0x1B200] =	vst v63  }
0xfd: {  	v14 =	vbroadcast v24, $0xA;
	v13 =	vbroadcast v24, $0xB;
	v28 =	vshll.u32 v27, $0x3;
	_ =	swait.ge [sflag:s24], $0x1000  }
0xfe: {  	v27 =	vand.u32 $0x70, v27;
	v28 =	vand.u32 $0xC00, v28;
	(v2sf) =	vpush v18, $0x9;
	[sflag:s24] =	ssyncset.done $0x0  }
0xff: {  	v12 =	vbroadcast v24, $0xC;
	v11 =	vbroadcast v24, $0xD;
	v27 =	vor.u32 v27, v28;
	[sflag:s24] =	ssyncadd.s32 $0xFFFFF000  }
0x100: {  	v10 =	vbroadcast v24, $0xE;
	v9 =	vbroadcast v24, $0xF;
	v28 =	vor.u32 v7, v27;
	v24 =	vld.idx.msk [tilespmem:v54+s16+$0x0], $0xffff  }
0x101: {  	v27 =	vor.u32 v8, v27;
	v25 =	vld.idx.msk [tilespmem:v25+s16+$0x0], $0xffff;
	_ =	sdelay $0x1  }
0x102: {  	s4 =	spop (v2sf)  }
0x103: {  	[tilespmem:s16], [sflag:$0x1] =	stream.strided.gather [hbm4b:s4+s14], $0x1000, s15, s14, $0x38;
	[tilespmem:$0x1B200] =	vst v63  }
0x104: {  	v55 =	vadd.s32 v4, v26;
	s4 =	sadd.s32 $0xFFFFFFF2, s8;
	[tilespmem:v28+s25+$0x0] =	vst.idx.msk $0xffff, v24  }
0x105: {  	v56 =	vadd.s32 v6, v26;
	v57 =	vmov s4;
	[tilespmem:v27+s25+$0x0] =	vst.idx.msk $0xffff, v25  }
0x106: {  	v58 =	vshll.u32 v57, $0x3;
	_ =	swait.ge [sflag:s26], $0x1000  }
0x107: {  	v26 =	vand.u32 $0x71, v57;
	v27 =	vand.u32 $0xC00, v58;
	(v2sf) =	vpush v18, $0xA;
	[sflag:s26] =	ssyncset.done $0x0  }
0x108: {  	v26 =	vor.u32 v26, v27;
	[sflag:s26] =	ssyncadd.s32 $0xFFFFF000  }
0x109: {  	v27 =	vor.u32 v7, v26;
	v24 =	vld.idx.msk [tilespmem:v55+s17+$0x0], $0xffff  }
0x10a: {  	v26 =	vor.u32 v8, v26;
	v25 =	vld.idx.msk [tilespmem:v56+s17+$0x0], $0xffff;
	_ =	sdelay $0x1  }
0x10b: {  	s4 =	spop (v2sf)  }
0x10c: {  	[tilespmem:s17], [sflag:$0x2] =	stream.strided.gather [hbm4b:s4+s14], $0x1000, s15, s14, $0x38;
	[tilespmem:$0x1B200] =	vst v63  }
0x10d: {  	v59 =	vadd.s32 v4, v23;
	s4 =	sadd.s32 $0xFFFFFFF3, s8;
	[tilespmem:v27+s25+$0x0] =	vst.idx.msk $0xffff, v24  }
0x10e: {  	v23 =	vadd.s32 v6, v23;
	v60 =	vmov s4;
	[tilespmem:v26+s25+$0x0] =	vst.idx.msk $0xffff, v25  }
0x10f: {  	v61 =	vshll.u32 v60, $0x3;
	_ =	swait.ge [sflag:s28], $0x1000  }
0x110: {  	v25 =	vand.u32 $0x72, v60;
	v26 =	vand.u32 $0xC00, v61;
	(v2sf) =	vpush v18, $0xB;
	[sflag:s28] =	ssyncset.done $0x0  }
0x111: {  	v25 =	vor.u32 v25, v26;
	[sflag:s28] =	ssyncadd.s32 $0xFFFFF000  }
0x112: {  	v26 =	vor.u32 v7, v25;
	v24 =	vld.idx.msk [tilespmem:v59+s18+$0x0], $0xffff  }
0x113: {  	v25 =	vor.u32 v8, v25;
	v23 =	vld.idx.msk [tilespmem:v23+s18+$0x0], $0xffff;
	_ =	sdelay $0x1  }
0x114: {  	s4 =	spop (v2sf)  }
0x115: {  	[tilespmem:s18], [sflag:$0x3] =	stream.strided.gather [hbm4b:s4+s14], $0x1000, s15, s14, $0x38;
	[tilespmem:$0x1B200] =	vst v63  }
0x116: {  	v62 =	vadd.s32 v4, v22;
	s4 =	sadd.s32 $0xFFFFFFF4, s8;
	[tilespmem:v26+s25+$0x0] =	vst.idx.msk $0xffff, v24  }
0x117: {  	v22 =	vadd.s32 v6, v22;
	v63 =	vmov s4;
	[tilespmem:v25+s25+$0x0] =	vst.idx.msk $0xffff, v23  }
0x118: {  	v28 =	vshll.u32 v63, $0x3;
	_ =	swait.ge [sflag:s29], $0x1000  }
0x119: {  	v23 =	vand.u32 $0x73, v63;
	v25 =	vand.u32 $0xC00, v28;
	(v2sf) =	vpush v18, $0xC;
	[sflag:s29] =	ssyncset.done $0x0  }
0x11a: {  	v23 =	vor.u32 v23, v25;
	[sflag:s29] =	ssyncadd.s32 $0xFFFFF000  }
0x11b: {  	v25 =	vor.u32 v7, v23;
	v24 =	vld.idx.msk [tilespmem:v62+s19+$0x0], $0xffff  }
0x11c: {  	v23 =	vor.u32 v8, v23;
	v22 =	vld.idx.msk [tilespmem:v22+s19+$0x0], $0xffff;
	_ =	sdelay $0x1  }
0x11d: {  	s4 =	spop (v2sf)  }
0x11e: {  	[tilespmem:s19], [sflag:$0x4] =	stream.strided.gather [hbm4b:s4+s14], $0x1000, s15, s14, $0x38;
	[tilespmem:$0x1B200] =	vst v63  }
0x11f: {  	v29 =	vadd.s32 v4, v21;
	s4 =	sadd.s32 $0xFFFFFFF5, s8;
	[tilespmem:v25+s25+$0x0] =	vst.idx.msk $0xffff, v24  }
0x120: {  	v21 =	vadd.s32 v6, v21;
	v30 =	vmov s4;
	[tilespmem:v23+s25+$0x0] =	vst.idx.msk $0xffff, v22  }
0x121: {  	v31 =	vshll.u32 v30, $0x3;
	_ =	swait.ge [sflag:s30], $0x1000  }
0x122: {  	v22 =	vand.u32 $0x74, v30;
	v23 =	vand.u32 $0xC00, v31;
	(v2sf) =	vpush v18, $0xD;
	[sflag:s30] =	ssyncset.done $0x0  }
0x123: {  	v22 =	vor.u32 v22, v23;
	[sflag:s30] =	ssyncadd.s32 $0xFFFFF000  }
0x124: {  	v23 =	vor.u32 v7, v22;
	v24 =	vld.idx.msk [tilespmem:v29+s20+$0x0], $0xffff  }
0x125: {  	v22 =	vor.u32 v8, v22;
	v21 =	vld.idx.msk [tilespmem:v21+s20+$0x0], $0xffff;
	_ =	sdelay $0x1  }
0x126: {  	s4 =	spop (v2sf)  }
0x127: {  	[tilespmem:s20], [sflag:$0x5] =	stream.strided.gather [hbm4b:s4+s14], $0x1000, s15, s14, $0x38;
	[tilespmem:$0x1B200] =	vst v63  }
0x128: {  	v32 =	vadd.s32 v4, v20;
	s4 =	sadd.s32 $0xFFFFFFF6, s8;
	[tilespmem:v23+s25+$0x0] =	vst.idx.msk $0xffff, v24  }
0x129: {  	v20 =	vadd.s32 v6, v20;
	v33 =	vmov s4;
	[tilespmem:v22+s25+$0x0] =	vst.idx.msk $0xffff, v21  }
0x12a: {  	v35 =	vshll.u32 v33, $0x3;
	_ =	swait.ge [sflag:s31], $0x1000  }
0x12b: {  	v21 =	vand.u32 $0x75, v33;
	v22 =	vand.u32 $0xC00, v35;
	(v2sf) =	vpush v18, $0xE;
	[sflag:s31] =	ssyncset.done $0x0  }
0x12c: {  	v21 =	vor.u32 v21, v22;
	[sflag:s31] =	ssyncadd.s32 $0xFFFFF000  }
0x12d: {  	v22 =	vor.u32 v7, v21;
	v23 =	vld.idx.msk [tilespmem:v32+s21+$0x0], $0xffff  }
0x12e: {  	v21 =	vor.u32 v8, v21;
	v20 =	vld.idx.msk [tilespmem:v20+s21+$0x0], $0xffff;
	_ =	sdelay $0x1  }
0x12f: {  	s4 =	spop (v2sf)  }
0x130: {  	[tilespmem:s21], [sflag:$0x6] =	stream.strided.gather [hbm4b:s4+s14], $0x1000, s15, s14, $0x38;
	[tilespmem:$0x1B200] =	vst v63  }
0x131: {  	v36 =	vadd.s32 v4, v19;
	s4 =	sadd.s32 $0xFFFFFFF7, s8;
	[tilespmem:v22+s25+$0x0] =	vst.idx.msk $0xffff, v23  }
0x132: {  	v19 =	vadd.s32 v6, v19;
	v37 =	vmov s4;
	[tilespmem:v21+s25+$0x0] =	vst.idx.msk $0xffff, v20  }
0x133: {  	v38 =	vshll.u32 v37, $0x3;
	_ =	swait.ge [sflag:s1], $0x1000  }
0x134: {  	v20 =	vand.u32 $0x76, v37;
	(v2sf) =	vpush v18, $0xF;
	[sflag:s1] =	ssyncset.done $0x0;
	v18 =	vand.u32 $0xC00, v38  }
0x135: {  	[sflag:s1] =	ssyncadd.s32 $0xFFFFF000;
	v18 =	vor.u32 v20, v18  }
0x136: {  	v39 =	vld.idx.msk [tilespmem:v36+s22+$0x0], $0xffff;
	v20 =	vor.u32 v7, v18  }
0x137: {  	v19 =	vld.idx.msk [tilespmem:v19+s22+$0x0], $0xffff;
	v18 =	vor.u32 v8, v18;
	_ =	sdelay $0x1  }
0x138: {  	s4 =	spop (v2sf)  }
0x139: {  	[tilespmem:s22], [sflag:$0x7] =	stream.strided.gather [hbm4b:s4+s14], $0x1000, s15, s14, $0x38;
	[tilespmem:$0x1B200] =	vst v63  }
0x13a: {  	v40 =	vadd.s32 v4, v17;
	s4 =	sadd.s32 $0xFFFFFFF8, s8;
	[tilespmem:v20+s25+$0x0] =	vst.idx.msk $0xffff, v39  }
0x13b: {  	v17 =	vadd.s32 v6, v17;
	v41 =	vmov s4;
	[tilespmem:v18+s25+$0x0] =	vst.idx.msk $0xffff, v19  }
0x13c: {  	v42 =	vshll.u32 v41, $0x3;
	_ =	swait.ge [sflag:s3], $0x1000  }
0x13d: {  	v18 =	vand.u32 $0x77, v41;
	v19 =	vand.u32 $0xC00, v42;
	[sflag:s3] =	ssyncset.done $0x0  }
0x13e: {  	v18 =	vor.u32 v18, v19;
	[sflag:s3] =	ssyncadd.s32 $0xFFFFF000  }
0x13f: {  	v19 =	vor.u32 v7, v18;
	v20 =	vld.idx.msk [tilespmem:v40+s23+$0x0], $0xffff  }
0x140: {  	v18 =	vor.u32 v8, v18;
	v17 =	vld.idx.msk [tilespmem:v17+s23+$0x0], $0xffff;
	_ =	sdelay $0x1  }
0x141: {  	s4 =	spop (v2sf)  }
0x142: {  	[tilespmem:s23], [sflag:$0x8] =	stream.strided.gather [hbm4b:s4+s14], $0x1000, s15, s14, $0x38;
	[tilespmem:$0x1B200] =	vst v63  }
0x143: {  	v43 =	vadd.s32 v4, v16;
	s4 =	sadd.s32 $0xFFFFFFF9, s8;
	[tilespmem:v19+s25+$0x0] =	vst.idx.msk $0xffff, v20  }
0x144: {  	v16 =	vadd.s32 v6, v16;
	v44 =	vmov s4;
	[tilespmem:v18+s25+$0x0] =	vst.idx.msk $0xffff, v17  }
0x145: {  	v45 =	vshll.u32 v44, $0x3;
	_ =	swait.ge [sflag:s24], $0x1000  }
0x146: {  	v17 =	vand.u32 $0x78, v44;
	v18 =	vand.u32 $0xC00, v45;
	[sflag:s24] =	ssyncset.done $0x0  }
0x147: {  	v17 =	vor.u32 v17, v18;
	[sflag:s24] =	ssyncadd.s32 $0xFFFFF000  }
0x148: {  	v18 =	vor.u32 v7, v17;
	v19 =	vld.idx.msk [tilespmem:v43+s16+$0x0], $0xffff  }
0x149: {  	v17 =	vor.u32 v8, v17;
	v16 =	vld.idx.msk [tilespmem:v16+s16+$0x0], $0xffff;
	_ =	sdelay $0x3  }
0x14a: {  	v46 =	vadd.s32 v4, v15;
	s4 =	sadd.s32 $0xFFFFFFFA, s8;
	[tilespmem:v18+s25+$0x0] =	vst.idx.msk $0xffff, v19  }
0x14b: {  	v15 =	vadd.s32 v6, v15;
	v47 =	vmov s4;
	[tilespmem:v17+s25+$0x0] =	vst.idx.msk $0xffff, v16  }
0x14c: {  	v48 =	vshll.u32 v47, $0x3;
	_ =	swait.ge [sflag:s26], $0x1000  }
0x14d: {  	v16 =	vand.u32 $0x79, v47;
	v17 =	vand.u32 $0xC00, v48;
	[sflag:s26] =	ssyncset.done $0x0  }
0x14e: {  	v16 =	vor.u32 v16, v17;
	[sflag:s26] =	ssyncadd.s32 $0xFFFFF000  }
0x14f: {  	v17 =	vor.u32 v7, v16;
	v18 =	vld.idx.msk [tilespmem:v46+s17+$0x0], $0xffff  }
0x150: {  	v16 =	vor.u32 v8, v16;
	v15 =	vld.idx.msk [tilespmem:v15+s17+$0x0], $0xffff;
	_ =	sdelay $0x3  }
0x151: {  	v49 =	vadd.s32 v4, v14;
	s4 =	sadd.s32 $0xFFFFFFFB, s8;
	[tilespmem:v17+s25+$0x0] =	vst.idx.msk $0xffff, v18  }
0x152: {  	v14 =	vadd.s32 v6, v14;
	v50 =	vmov s4;
	[tilespmem:v16+s25+$0x0] =	vst.idx.msk $0xffff, v15  }
0x153: {  	v51 =	vshll.u32 v50, $0x3;
	_ =	swait.ge [sflag:s28], $0x1000  }
0x154: {  	v15 =	vand.u32 $0x7A, v50;
	v16 =	vand.u32 $0xC00, v51;
	[sflag:s28] =	ssyncset.done $0x0  }
0x155: {  	v15 =	vor.u32 v15, v16;
	[sflag:s28] =	ssyncadd.s32 $0xFFFFF000  }
0x156: {  	v16 =	vor.u32 v7, v15;
	v17 =	vld.idx.msk [tilespmem:v49+s18+$0x0], $0xffff  }
0x157: {  	v15 =	vor.u32 v8, v15;
	v14 =	vld.idx.msk [tilespmem:v14+s18+$0x0], $0xffff;
	_ =	sdelay $0x3  }
0x158: {  	v52 =	vadd.s32 v4, v13;
	s4 =	sadd.s32 $0xFFFFFFFC, s8;
	[tilespmem:v16+s25+$0x0] =	vst.idx.msk $0xffff, v17  }
0x159: {  	v13 =	vadd.s32 v6, v13;
	v53 =	vmov s4;
	[tilespmem:v15+s25+$0x0] =	vst.idx.msk $0xffff, v14  }
0x15a: {  	v54 =	vshll.u32 v53, $0x3;
	_ =	swait.ge [sflag:s29], $0x1000  }
0x15b: {  	v14 =	vand.u32 $0x7B, v53;
	v15 =	vand.u32 $0xC00, v54;
	[sflag:s29] =	ssyncset.done $0x0  }
0x15c: {  	v14 =	vor.u32 v14, v15;
	[sflag:s29] =	ssyncadd.s32 $0xFFFFF000  }
0x15d: {  	v15 =	vor.u32 v7, v14;
	v16 =	vld.idx.msk [tilespmem:v52+s19+$0x0], $0xffff  }
0x15e: {  	v14 =	vor.u32 v8, v14;
	v13 =	vld.idx.msk [tilespmem:v13+s19+$0x0], $0xffff;
	_ =	sdelay $0x3  }
0x15f: {  	v55 =	vadd.s32 v4, v12;
	s4 =	sadd.s32 $0xFFFFFFFD, s8;
	[tilespmem:v15+s25+$0x0] =	vst.idx.msk $0xffff, v16  }
0x160: {  	v12 =	vadd.s32 v6, v12;
	v56 =	vmov s4;
	[tilespmem:v14+s25+$0x0] =	vst.idx.msk $0xffff, v13  }
0x161: {  	v57 =	vshll.u32 v56, $0x3;
	_ =	swait.ge [sflag:s30], $0x1000  }
0x162: {  	v13 =	vand.u32 $0x7C, v56;
	v14 =	vand.u32 $0xC00, v57;
	[sflag:s30] =	ssyncset.done $0x0  }
0x163: {  	v13 =	vor.u32 v13, v14;
	[sflag:s30] =	ssyncadd.s32 $0xFFFFF000  }
0x164: {  	v14 =	vor.u32 v7, v13;
	v15 =	vld.idx.msk [tilespmem:v55+s20+$0x0], $0xffff  }
0x165: {  	v13 =	vor.u32 v8, v13;
	v12 =	vld.idx.msk [tilespmem:v12+s20+$0x0], $0xffff;
	_ =	sdelay $0x3  }
0x166: {  	v58 =	vadd.s32 v4, v11;
	s4 =	sadd.s32 $0xFFFFFFFE, s8;
	[tilespmem:v14+s25+$0x0] =	vst.idx.msk $0xffff, v15  }
0x167: {  	v11 =	vadd.s32 v6, v11;
	v59 =	vmov s4;
	[tilespmem:v13+s25+$0x0] =	vst.idx.msk $0xffff, v12  }
0x168: {  	v60 =	vshll.u32 v59, $0x3;
	_ =	swait.ge [sflag:s31], $0x1000  }
0x169: {  	v12 =	vand.u32 $0x7D, v59;
	v13 =	vand.u32 $0xC00, v60;
	[sflag:s31] =	ssyncset.done $0x0  }
0x16a: {  	v12 =	vor.u32 v12, v13;
	[sflag:s31] =	ssyncadd.s32 $0xFFFFF000  }
0x16b: {  	v13 =	vor.u32 v7, v12;
	v14 =	vld.idx.msk [tilespmem:v58+s21+$0x0], $0xffff  }
0x16c: {  	v12 =	vor.u32 v8, v12;
	v11 =	vld.idx.msk [tilespmem:v11+s21+$0x0], $0xffff;
	_ =	sdelay $0x3  }
0x16d: {  	v61 =	vadd.s32 v4, v10;
	s4 =	sadd.s32 $0xFFFFFFFF, s8;
	[tilespmem:v13+s25+$0x0] =	vst.idx.msk $0xffff, v14  }
0x16e: {  	v10 =	vadd.s32 v6, v10;
	[tilespmem:v12+s25+$0x0] =	vst.idx.msk $0xffff, v11;
	v11 =	vmov s4  }
0x16f: {  	_ =	swait.ge [sflag:s1], $0x1000;
	v62 =	vshll.u32 v11, $0x3  }
0x170: {  	v11 =	vand.u32 $0x7E, v11;
	[sflag:s1] =	ssyncset.done $0x0;
	v12 =	vand.u32 $0xC00, v62  }
0x171: {  	[sflag:s1] =	ssyncadd.s32 $0xFFFFF000;
	v11 =	vor.u32 v11, v12  }
0x172: {  	v13 =	vld.idx.msk [tilespmem:v61+s22+$0x0], $0xffff;
	v12 =	vor.u32 v7, v11  }
0x173: {  	v10 =	vld.idx.msk [tilespmem:v10+s22+$0x0], $0xffff;
	v11 =	vor.u32 v8, v11;
	_ =	sdelay $0x3  }
0x174: {  	v63 =	vadd.s32 v4, v9;
	[tilespmem:v12+s25+$0x0] =	vst.idx.msk $0xffff, v13  }
0x175: {  	[tilespmem:v11+s25+$0x0] =	vst.idx.msk $0xffff, v10;
	v10 =	vmov s8  }
0x176: {  	_ =	swait.ge [sflag:s3], $0x1000;
	v11 =	vshll.u32 v10, $0x3  }
0x177: {  	v10 =	vand.u32 $0x7F, v10;
	[sflag:s3] =	ssyncset.done $0x0;
	v11 =	vand.u32 $0xC00, v11  }
0x178: {  	[sflag:s3] =	ssyncadd.s32 $0xFFFFF000;
	v10 =	vor.u32 v10, v11  }
0x179: {  	p0 =	sne.s32 s6, $0x1FF;
	v9 =	vadd.s32 v6, v9;
	v12 =	vld.idx.msk [tilespmem:v63+s23+$0x0], $0xffff;
	v11 =	vor.u32 v7, v10  }
.Ltmp0:
0x17a: {  	_ = 	snop;
	(pc) =	sbr.rel @p0 .LBB2_2-.Ltmp0, $2  }
0x17b: {  	_ =	sdelay $0x2  }
0x17c: {  	s6 =	sadd.s32 $0x10, s6;
	v9 =	vld.idx.msk [tilespmem:v9+s23+$0x0], $0xffff;
	v10 =	vor.u32 v8, v10;
	[tilespmem:v11+s25+$0x0] =	vst.idx.msk $0xffff, v12  }
0x17d: {  	_ =	sdelay $0x3  }
0x17e: {  	s6 =	simm.s32 $0x0;
	[tilespmem:v10+s25+$0x0] =	vst.idx.msk $0xffff, v9  }
.LBB2_4:
0x17f: {  	v9 =	vmov s6  }
0x180: {  	v10 =	vor.u32 s6, v2;
	v9 =	vshll.u32 v9, $0x3  }
0x181: {  	v11 =	vand.u32 $0x7F, v10;
	v10 =	vand.u32 $0xC00, v9  }
0x182: {  	v0 =	vor.u32 v9, v11;
	v10 =	vor.u32 v11, v10  }
0x183: {  	v44 =	vor.u32 $0x380, v0  }
0x184: {  	v50 =	vor.u32 $0x80, v10  }
0x185: {  	v49 =	vor.u32 $0x100, v10  }
0x186: {  	v48 =	vor.u32 $0x180, v10  }
0x187: {  	v47 =	vor.u32 $0x200, v10;
	v12 =	vld.idx.msk [tilespmem:v10+s12+$0x0], $0xffff  }
0x188: {  	v46 =	vor.u32 $0x280, v10;
	v19 =	vld.idx.msk [tilespmem:v44+s12+$0x0], $0xffff  }
0x189: {  	v45 =	vor.u32 $0x300, v10;
	v13 =	vld.idx.msk [tilespmem:v50+s12+$0x0], $0xffff  }
0x18a: {  	v43 =	vor.u32 $0x1000, v10;
	v14 =	vld.idx.msk [tilespmem:v49+s12+$0x0], $0xffff  }
0x18b: {  	v42 =	vor.u32 $0x1080, v10;
	v15 =	vld.idx.msk [tilespmem:v48+s12+$0x0], $0xffff  }
0x18c: {  	v41 =	vor.u32 $0x1100, v10;
	v16 =	vld.idx.msk [tilespmem:v47+s12+$0x0], $0xffff  }
0x18d: {  	v40 =	vor.u32 $0x1180, v10;
	v17 =	vld.idx.msk [tilespmem:v46+s12+$0x0], $0xffff  }
0x18e: {  	v39 =	vor.u32 $0x1200, v10;
	v18 =	vld.idx.msk [tilespmem:v45+s12+$0x0], $0xffff  }
0x18f: {  	v38 =	vor.u32 $0x1280, v10;
	v20 =	vld.idx.msk [tilespmem:v43+s12+$0x0], $0xffff  }
0x190: {  	v37 =	vor.u32 $0x1300, v10;
	v21 =	vld.idx.msk [tilespmem:v42+s12+$0x0], $0xffff  }
0x191: {  	v1 =	vor.u32 $0x2180, v10;
	v22 =	vld.idx.msk [tilespmem:v41+s12+$0x0], $0xffff  }
0x192: {  	v23 =	vld.idx.msk [tilespmem:v40+s12+$0x0], $0xffff  }
0x193: {  	v24 =	vld.idx.msk [tilespmem:v39+s12+$0x0], $0xffff  }
0x194: {  	v36 =	vor.u32 $0x1380, v0;
	v26 =	vld.idx.msk [tilespmem:v38+s12+$0x0], $0xffff  }
0x195: {  	[tilespmem:$0x1FFD0] =	vst v0;
	v35 =	vor.u32 $0x2000, v10;
	v9 =	vor.u32 $0x2080, v10;
	v0 =	vor.u32 $0x2100, v10;
	v27 =	vld.idx.msk [tilespmem:v37+s12+$0x0], $0xffff  }
0x196: {  	[tilespmem:$0x1FFC0] =	vst v1;
	v1 =	vld.idx.msk [tilespmem:v1+s12+$0x0], $0xffff;
	vm0 =	vne.s32 v12, $0x0;
	vm15 =	vne.s32 v19, $0x0;
	vm1 =	vne.s32 v13, $0x0  }
0x197: {  	v11 =	vsel vm0, $0x3F800000, v34;
	vm11 =	vne.s32 v14, $0x0;
	vm12 =	vne.s32 v15, $0x0  }
0x198: {  	vm2 =	vne.s32 v16, $0x0;
	vm13 =	vne.s32 v17, $0x0;
	vm14 =	vne.s32 v18, $0x0  }
0x199: {  	v31 =	vld.idx.msk [tilespmem:v36+s12+$0x0], $0xffff;
	v54 =	vsel vm15, $0x3F800000, v34;
	vm4 =	vne.s32 v20, $0x0;
	vm5 =	vne.s32 v21, $0x0  }
0x19a: {  	v51 =	vld.idx.msk [tilespmem:v35+s12+$0x0], $0xffff;
	vm6 =	vne.s32 v22, $0x0;
	vm7 =	vne.s32 v23, $0x0;
	vm8 =	vne.s32 v24, $0x0  }
0x19b: {  	v55 =	vld.idx.msk [tilespmem:v9+s12+$0x0], $0xffff;
	vm9 =	vne.s32 v26, $0x0;
	vm10 =	vne.s32 v27, $0x0;
	vm15 =	vne.s32 v1, $0x0  }
0x19c: {  	v59 =	vld.idx.msk [tilespmem:v0+s12+$0x0], $0xffff;
	v25 =	vsel vm1, $0x3F800000, v34;
	v28 =	vsel vm11, $0x3F800000, v34;
	v29 =	vsel vm12, $0x3F800000, v34  }
0x19d: {  	v30 =	vsel vm2, $0x3F800000, v34;
	v52 =	vsel vm13, $0x3F800000, v34;
	v53 =	vsel vm14, $0x3F800000, v34  }
0x19e: {  	v56 =	vsel vm4, $0x3F800000, v34;
	v57 =	vsel vm5, $0x3F800000, v34;
	v58 =	vsel vm6, $0x3F800000, v34  }
0x19f: {  	v60 =	vsel vm7, $0x3F800000, v34;
	v61 =	vsel vm8, $0x3F800000, v34;
	v62 =	vsel vm9, $0x3F800000, v34  }
0x1a0: {  	vm11 =	vne.s32 v31, $0x0;
	vm12 =	vne.s32 v51, $0x0;
	v63 =	vsel vm10, $0x3F800000, v34  }
0x1a1: {  	[tilespmem:$0x1FFB0] =	vst v0;
	vm13 =	vne.s32 v55, $0x0;
	vm14 =	vne.s32 v59, $0x0;
	v0 =	vsel vm11, $0x3F800000, v34  }
0x1a2: {  	v2 =	vsel vm12, $0x3F800000, v34;
	v11 =	vadd.f32 v25, v11;
	v25 =	vadd.f32 v29, v28  }
0x1a3: {  	v28 =	vsel vm13, $0x3F800000, v34;
	v29 =	vadd.f32 v52, v30;
	v30 =	vadd.f32 v54, v53  }
0x1a4: {  	v32 =	vadd.f32 v57, v56;
	v33 =	vadd.f32 v60, v58;
	v60 =	vsel vm14, $0x3F800000, v34  }
0x1a5: {  	v61 =	vadd.f32 v62, v61;
	v57 =	vshll.u32 v13, $0x3;
	v58 =	vand.u32 $0x7F, v13  }
0x1a6: {  	v54 =	vshll.u32 v18, $0x3;
	v18 =	vand.u32 $0x7F, v18;
	v0 =	vadd.f32 v0, v63  }
0x1a7: {  	v56 =	vshll.u32 v19, $0x3;
	v2 =	vadd.f32 v28, v2;
	v11 =	vadd.f32 v25, v11  }
0x1a8: {  	v63 =	vsel vm15, $0x3F800000, v34;
	v62 =	vadd.f32 v30, v29;
	v33 =	vadd.f32 v33, v32  }
0x1a9: {  	v52 =	vadd.f32 v63, v60;
	v60 =	vand.u32 $0xFFFFFC00, v57;
	v32 =	vand.u32 $0x7F, v16  }
0x1aa: {  	v16 =	vshll.u32 v16, $0x3;
	v57 =	vand.u32 $0x7F, v19;
	v29 =	vshll.u32 v24, $0x3  }
0x1ab: {  	v24 =	vand.u32 $0x7F, v24;
	v30 =	vshll.u32 v26, $0x3;
	v0 =	vadd.f32 v0, v61  }
0x1ac: {  	v61 =	vand.u32 $0x7F, v14;
	v14 =	vshll.u32 v14, $0x3;
	v16 =	vand.u32 $0xFFFFFC00, v16  }
0x1ad: {  	v53 =	vadd.f32 v62, v11;
	v11 =	vshll.u32 v12, $0x3;
	v12 =	vand.u32 $0x7F, v12  }
0x1ae: {  	v62 =	vshll.u32 v15, $0x3;
	v63 =	vand.u32 $0xFFFFFC00, v14;
	v15 =	vand.u32 $0x7F, v15  }
0x1af: {  	v14 =	vor.u32 v58, v60;
	v16 =	vor.u32 v32, v16;
	v58 =	vand.u32 $0xFFFFFC00, v56  }
0x1b0: {  	v60 =	vand.u32 $0x7F, v20;
	v20 =	vshll.u32 v20, $0x3;
	v32 =	vshll.u32 v27, $0x3  }
0x1b1: {  	v0 =	vadd.f32 v0, v33;
	v11 =	vand.u32 $0xFFFFFC00, v11;
	v28 =	vand.u32 $0xFFFFFC00, v62  }
0x1b2: {  	v33 =	vshll.u32 v17, $0x3;
	v62 =	vand.u32 $0xFFFFFC00, v20;
	v20 =	vor.u32 v57, v58  }
0x1b3: {  	v17 =	vand.u32 $0x7F, v17;
	v11 =	vor.u32 v12, v11;
	v12 =	vor.u32 v61, v63  }
0x1b4: {  	v13 =	vor.u32 v15, v28;
	v25 =	vand.u32 $0xFFFFFC00, v33;
	v61 =	vshll.u32 v21, $0x3  }
0x1b5: {  	v21 =	vand.u32 $0x7F, v21;
	v63 =	vand.u32 $0x7F, v22;
	v22 =	vshll.u32 v22, $0x3;
	v56 =	vld.idx.msk [tilespmem:v14+s13+$0x0], $0xffff  }
0x1b6: {  	v19 =	vor.u32 v60, v62;
	v15 =	vor.u32 v17, v25;
	v22 =	vand.u32 $0xFFFFFC00, v22;
	v60 =	vld.idx.msk [tilespmem:v16+s13+$0x0], $0xffff  }
0x1b7: {  	v17 =	vand.u32 $0xFFFFFC00, v54;
	v28 =	vand.u32 $0xFFFFFC00, v61;
	v22 =	vor.u32 v63, v22;
	v63 =	vld.idx.msk [tilespmem:v20+s13+$0x0], $0xffff  }
0x1b8: {  	v17 =	vor.u32 v18, v17;
	v18 =	vor.u32 v21, v28;
	v28 =	vshll.u32 v23, $0x3;
	v54 =	vld.idx.msk [tilespmem:v11+s13+$0x0], $0xffff  }
0x1b9: {  	v33 =	vand.u32 $0x7F, v31;
	v23 =	vand.u32 $0x7F, v23;
	v25 =	vand.u32 $0xFFFFFC00, v28;
	v57 =	vld.idx.msk [tilespmem:v12+s13+$0x0], $0xffff  }
0x1ba: {  	v28 =	vand.u32 $0x7F, v27;
	v27 =	vshll.u32 v31, $0x3;
	v21 =	vor.u32 v23, v25;
	v58 =	vld.idx.msk [tilespmem:v13+s13+$0x0], $0xffff  }
0x1bb: {  	v23 =	vand.u32 $0xFFFFFC00, v29;
	v25 =	vand.u32 $0xFFFFFC00, v30;
	v29 =	vand.u32 $0xFFFFFC00, v32;
	v31 =	vld.idx.msk [tilespmem:v19+s13+$0x0], $0xffff  }
0x1bc: {  	v27 =	vand.u32 $0xFFFFFC00, v27;
	v23 =	vor.u32 v24, v23;
	v24 =	vand.u32 $0x7F, v26;
	v61 =	vld.idx.msk [tilespmem:v15+s13+$0x0], $0xffff  }
0x1bd: {  	v32 =	vshll.u32 v51, $0x3;
	v26 =	vor.u32 v24, v25;
	v25 =	vor.u32 v28, v29;
	v62 =	vld.idx.msk [tilespmem:v17+s13+$0x0], $0xffff  }
0x1be: {  	v24 =	vor.u32 v33, v27;
	v27 =	vand.u32 $0x7F, v51;
	v29 =	vshll.u32 v55, $0x3;
	v3 =	vld.idx.msk [tilespmem:v18+s13+$0x0], $0xffff  }
0x1bf: {  	v28 =	vand.u32 $0xFFFFFC00, v32;
	v33 =	vand.u32 $0x7F, v55;
	v51 =	vld.idx.msk [tilespmem:v22+s13+$0x0], $0xffff;
	v29 =	vand.u32 $0xFFFFFC00, v29  }
0x1c0: {  	v28 =	vor.u32 v27, v28;
	v27 =	vor.u32 v33, v29;
	v33 =	vshll.u32 v59, $0x3;
	v55 =	vld.idx.msk [tilespmem:v21+s13+$0x0], $0xffff  }
0x1c1: {  	v30 =	vand.u32 $0x7F, v59;
	v59 =	vshll.u32 v1, $0x3;
	v29 =	vand.u32 $0xFFFFFC00, v33;
	v5 =	vld.idx.msk [tilespmem:v23+s13+$0x0], $0xffff  }
0x1c2: {  	v1 =	vand.u32 $0x7F, v1;
	v33 =	vand.u32 $0xFFFFFC00, v59;
	v29 =	vor.u32 v30, v29;
	v32 =	vld.idx.msk [tilespmem:v26+s13+$0x0], $0xffff  }
0x1c3: {  	v30 =	vor.u32 v1, v33;
	v59 =	vld.idx.msk [tilespmem:v25+s13+$0x0], $0xffff  }
0x1c4: {  	v0 =	vadd.f32 v0, v53;
	v1 =	vadd.f32 v52, v2;
	v2 =	vld.idx.msk [tilespmem:v24+s13+$0x0], $0xffff  }
0x1c5: {  	v54 =	vadd.f32 v56, v54;
	v52 =	vld.idx.msk [tilespmem:v28+s13+$0x0], $0xffff  }
0x1c6: {  	v56 =	vadd.f32 v58, v57;
	v0 =	vadd.f32 v1, v0;
	v1 =	vld.idx.msk [tilespmem:v27+s13+$0x0], $0xffff  }
0x1c7: {  	v58 =	vadd.f32 v61, v60;
	v33 =	vadd.f32 v63, v62;
	v53 =	vld.idx.msk [tilespmem:v29+s13+$0x0], $0xffff  }
0x1c8: {  	v3 =	vadd.f32 v3, v31;
	v0 =	vmax.f32 v0, $9.999999710e-10;
	v55 =	vadd.f32 v55, v51;
	v57 =	vld.idx.msk [tilespmem:v30+s13+$0x0], $0xffff  }
0x1c9: {  	(erf) = vrcp.f32 v0;
	v0 =	vadd.f32 v32, v5;
	v2 =	vadd.f32 v2, v59  }
0x1ca: {  	v5 =	vadd.f32 v56, v54;
	v56 =	vadd.f32 v33, v58  }
0x1cb: {  	v3 =	vadd.f32 v55, v3;
	v0 =	vadd.f32 v2, v0  }
0x1cc: {  	v1 =	vadd.f32 v1, v52;
	v5 =	vadd.f32 v56, v5  }
0x1cd: {  	v2 =	vadd.f32 v57, v53;
	v0 =	vadd.f32 v0, v3;
	_ =	sdelay $0x1  }
0x1ce: {  	v1 =	vadd.f32 v2, v1;
	v0 =	vadd.f32 v0, v5;
	_ =	sdelay $0x1  }
0x1cf: {  	v0 =	vadd.f32 v1, v0;
	v1 =	vor.u32 $0x80, v11  }
0x1d0: {  	v2 =	vor.u32 $0x80, v14;
	v31 =	vpop (erf)  }
0x1d1: {  	v3 =	vor.u32 $0x80, v12;
	v0 =	vmul.f32 v0, v31  }
0x1d2: {  	v5 =	vor.u32 $0x80, v13  }
0x1d3: {  	v58 =	vor.u32 $0x80, v15;
	[tilespmem:v10+s0+$0x0] =	vst.idx.msk $0xffff, v0  }
0x1d4: {  	v59 =	vor.u32 $0x80, v17;
	v1 =	vld.idx.msk [tilespmem:v1+s13+$0x0], $0xffff  }
0x1d5: {  	v60 =	vor.u32 $0x80, v20;
	v2 =	vld.idx.msk [tilespmem:v2+s13+$0x0], $0xffff  }
0x1d6: {  	v61 =	vor.u32 $0x80, v19;
	v3 =	vld.idx.msk [tilespmem:v3+s13+$0x0], $0xffff  }
0x1d7: {  	v62 =	vor.u32 $0x80, v18;
	v5 =	vld.idx.msk [tilespmem:v5+s13+$0x0], $0xffff  }
0x1d8: {  	v63 =	vor.u32 $0x80, v22;
	v32 =	vld.idx.msk [tilespmem:v58+s13+$0x0], $0xffff  }
0x1d9: {  	v56 =	vor.u32 $0x80, v21;
	v51 =	vld.idx.msk [tilespmem:v59+s13+$0x0], $0xffff  }
0x1da: {  	v57 =	vor.u32 $0x80, v23;
	v52 =	vld.idx.msk [tilespmem:v60+s13+$0x0], $0xffff  }
0x1db: {  	v33 =	vor.u32 $0x80, v25;
	v53 =	vld.idx.msk [tilespmem:v61+s13+$0x0], $0xffff  }
0x1dc: {  	v0 =	vor.u32 $0x80, v16;
	v54 =	vld.idx.msk [tilespmem:v62+s13+$0x0], $0xffff  }
0x1dd: {  	v58 =	vor.u32 $0x80, v26;
	v55 =	vld.idx.msk [tilespmem:v63+s13+$0x0], $0xffff  }
0x1de: {  	v60 =	vor.u32 $0x80, v24;
	v56 =	vld.idx.msk [tilespmem:v56+s13+$0x0], $0xffff  }
0x1df: {  	v61 =	vor.u32 $0x80, v28;
	v57 =	vld.idx.msk [tilespmem:v57+s13+$0x0], $0xffff  }
0x1e0: {  	v62 =	vor.u32 $0x80, v27;
	v59 =	vld.idx.msk [tilespmem:v33+s13+$0x0], $0xffff  }
0x1e1: {  	v63 =	vor.u32 $0x80, v29;
	v0 =	vld.idx.msk [tilespmem:v0+s13+$0x0], $0xffff  }
0x1e2: {  	v33 =	vor.u32 $0x80, v30;
	v58 =	vld.idx.msk [tilespmem:v58+s13+$0x0], $0xffff  }
0x1e3: {  	v60 =	vld.idx.msk [tilespmem:v60+s13+$0x0], $0xffff  }
0x1e4: {  	v61 =	vld.idx.msk [tilespmem:v61+s13+$0x0], $0xffff  }
0x1e5: {  	v62 =	vld.idx.msk [tilespmem:v62+s13+$0x0], $0xffff  }
0x1e6: {  	v63 =	vld.idx.msk [tilespmem:v63+s13+$0x0], $0xffff;
	v1 =	vadd.f32 v2, v1;
	v2 =	vadd.f32 v5, v3  }
0x1e7: {  	v3 =	vld.idx.msk [tilespmem:v33+s13+$0x0], $0xffff;
	v5 =	vadd.f32 v52, v51;
	v56 =	vadd.f32 v56, v55  }
0x1e8: {  	v0 =	vadd.f32 v32, v0;
	v32 =	vadd.f32 v54, v53  }
0x1e9: {  	v58 =	vadd.f32 v58, v57;
	v60 =	vadd.f32 v60, v59  }
0x1ea: {  	v1 =	vadd.f32 v2, v1;
	v0 =	vadd.f32 v5, v0  }
0x1eb: {  	v2 =	vadd.f32 v56, v32;
	v5 =	vadd.f32 v60, v58  }
0x1ec: {  	v55 =	vadd.f32 v62, v61;
	v3 =	vadd.f32 v3, v63  }
0x1ed: {  	v0 =	vadd.f32 v0, v1;
	v1 =	vadd.f32 v5, v2;
	_ =	sdelay $0x1  }
0x1ee: {  	v2 =	vadd.f32 v3, v55;
	v0 =	vadd.f32 v1, v0;
	_ =	sdelay $0x1  }
0x1ef: {  	v1 =	vor.u32 $0x100, v11;
	v0 =	vadd.f32 v2, v0  }
0x1f0: {  	v2 =	vor.u32 $0x100, v14  }
0x1f1: {  	v3 =	vor.u32 $0x100, v12;
	v0 =	vmul.f32 v0, v31  }
0x1f2: {  	v5 =	vor.u32 $0x100, v13  }
0x1f3: {  	v56 =	vor.u32 $0x100, v15;
	[tilespmem:v50+s0+$0x0] =	vst.idx.msk $0xffff, v0  }
0x1f4: {  	v57 =	vor.u32 $0x100, v17;
	v1 =	vld.idx.msk [tilespmem:v1+s13+$0x0], $0xffff  }
0x1f5: {  	v58 =	vor.u32 $0x100, v20;
	v2 =	vld.idx.msk [tilespmem:v2+s13+$0x0], $0xffff  }
0x1f6: {  	v59 =	vor.u32 $0x100, v19;
	v3 =	vld.idx.msk [tilespmem:v3+s13+$0x0], $0xffff  }
0x1f7: {  	v60 =	vor.u32 $0x100, v18;
	v5 =	vld.idx.msk [tilespmem:v5+s13+$0x0], $0xffff  }
0x1f8: {  	v61 =	vor.u32 $0x100, v22;
	v32 =	vld.idx.msk [tilespmem:v56+s13+$0x0], $0xffff  }
0x1f9: {  	v62 =	vor.u32 $0x100, v21;
	v33 =	vld.idx.msk [tilespmem:v57+s13+$0x0], $0xffff  }
0x1fa: {  	v63 =	vor.u32 $0x100, v23;
	v50 =	vld.idx.msk [tilespmem:v58+s13+$0x0], $0xffff  }
0x1fb: {  	v0 =	vor.u32 $0x100, v16;
	v51 =	vld.idx.msk [tilespmem:v59+s13+$0x0], $0xffff  }
0x1fc: {  	v56 =	vor.u32 $0x100, v26;
	v52 =	vld.idx.msk [tilespmem:v60+s13+$0x0], $0xffff  }
0x1fd: {  	v57 =	vor.u32 $0x100, v25;
	v53 =	vld.idx.msk [tilespmem:v61+s13+$0x0], $0xffff  }
0x1fe: {  	v58 =	vor.u32 $0x100, v24;
	v54 =	vld.idx.msk [tilespmem:v62+s13+$0x0], $0xffff  }
0x1ff: {  	v59 =	vor.u32 $0x100, v28;
	v55 =	vld.idx.msk [tilespmem:v63+s13+$0x0], $0xffff  }
0x200: {  	v60 =	vor.u32 $0x100, v27;
	v0 =	vld.idx.msk [tilespmem:v0+s13+$0x0], $0xffff  }
0x201: {  	v61 =	vor.u32 $0x100, v29;
	v56 =	vld.idx.msk [tilespmem:v56+s13+$0x0], $0xffff  }
0x202: {  	v62 =	vor.u32 $0x100, v30;
	v57 =	vld.idx.msk [tilespmem:v57+s13+$0x0], $0xffff  }
0x203: {  	v58 =	vld.idx.msk [tilespmem:v58+s13+$0x0], $0xffff  }
0x204: {  	v59 =	vld.idx.msk [tilespmem:v59+s13+$0x0], $0xffff  }
0x205: {  	v60 =	vld.idx.msk [tilespmem:v60+s13+$0x0], $0xffff  }
0x206: {  	v61 =	vld.idx.msk [tilespmem:v61+s13+$0x0], $0xffff;
	v1 =	vadd.f32 v2, v1;
	v2 =	vadd.f32 v5, v3  }
0x207: {  	v3 =	vld.idx.msk [tilespmem:v62+s13+$0x0], $0xffff;
	v5 =	vadd.f32 v50, v33;
	v54 =	vadd.f32 v54, v53  }
0x208: {  	v0 =	vadd.f32 v32, v0;
	v32 =	vadd.f32 v52, v51  }
0x209: {  	v62 =	vadd.f32 v56, v55;
	v63 =	vadd.f32 v58, v57  }
0x20a: {  	v1 =	vadd.f32 v2, v1;
	v0 =	vadd.f32 v5, v0  }
0x20b: {  	v2 =	vadd.f32 v54, v32;
	v5 =	vadd.f32 v63, v62  }
0x20c: {  	v3 =	vadd.f32 v3, v61;
	v54 =	vadd.f32 v60, v59  }
0x20d: {  	v0 =	vadd.f32 v0, v1;
	v1 =	vadd.f32 v5, v2;
	_ =	sdelay $0x1  }
0x20e: {  	v2 =	vadd.f32 v3, v54;
	v0 =	vadd.f32 v1, v0;
	_ =	sdelay $0x1  }
0x20f: {  	v1 =	vor.u32 $0x180, v11;
	v0 =	vadd.f32 v2, v0  }
0x210: {  	v2 =	vor.u32 $0x180, v14  }
0x211: {  	v3 =	vor.u32 $0x180, v12;
	v0 =	vmul.f32 v0, v31  }
0x212: {  	v5 =	vor.u32 $0x180, v13  }
0x213: {  	v55 =	vor.u32 $0x180, v15;
	[tilespmem:v49+s0+$0x0] =	vst.idx.msk $0xffff, v0  }
0x214: {  	v56 =	vor.u32 $0x180, v17;
	v1 =	vld.idx.msk [tilespmem:v1+s13+$0x0], $0xffff  }
0x215: {  	v57 =	vor.u32 $0x180, v20;
	v2 =	vld.idx.msk [tilespmem:v2+s13+$0x0], $0xffff  }
0x216: {  	v58 =	vor.u32 $0x180, v19;
	v3 =	vld.idx.msk [tilespmem:v3+s13+$0x0], $0xffff  }
0x217: {  	v59 =	vor.u32 $0x180, v18;
	v5 =	vld.idx.msk [tilespmem:v5+s13+$0x0], $0xffff  }
0x218: {  	v61 =	vor.u32 $0x180, v22;
	v32 =	vld.idx.msk [tilespmem:v55+s13+$0x0], $0xffff  }
0x219: {  	v62 =	vor.u32 $0x180, v21;
	v33 =	vld.idx.msk [tilespmem:v56+s13+$0x0], $0xffff  }
0x21a: {  	v63 =	vor.u32 $0x180, v23;
	v49 =	vld.idx.msk [tilespmem:v57+s13+$0x0], $0xffff  }
0x21b: {  	v60 =	vor.u32 $0x180, v26;
	v50 =	vld.idx.msk [tilespmem:v58+s13+$0x0], $0xffff  }
0x21c: {  	v0 =	vor.u32 $0x180, v16;
	v51 =	vld.idx.msk [tilespmem:v59+s13+$0x0], $0xffff  }
0x21d: {  	v56 =	vor.u32 $0x180, v25;
	v52 =	vld.idx.msk [tilespmem:v61+s13+$0x0], $0xffff  }
0x21e: {  	v57 =	vor.u32 $0x180, v24;
	v53 =	vld.idx.msk [tilespmem:v62+s13+$0x0], $0xffff  }
0x21f: {  	v58 =	vor.u32 $0x180, v28;
	v54 =	vld.idx.msk [tilespmem:v63+s13+$0x0], $0xffff  }
0x220: {  	v59 =	vor.u32 $0x180, v27;
	v55 =	vld.idx.msk [tilespmem:v60+s13+$0x0], $0xffff  }
0x221: {  	v60 =	vor.u32 $0x180, v29;
	v0 =	vld.idx.msk [tilespmem:v0+s13+$0x0], $0xffff  }
0x222: {  	v61 =	vor.u32 $0x180, v30;
	v56 =	vld.idx.msk [tilespmem:v56+s13+$0x0], $0xffff  }
0x223: {  	v57 =	vld.idx.msk [tilespmem:v57+s13+$0x0], $0xffff  }
0x224: {  	v58 =	vld.idx.msk [tilespmem:v58+s13+$0x0], $0xffff  }
0x225: {  	v59 =	vld.idx.msk [tilespmem:v59+s13+$0x0], $0xffff  }
0x226: {  	v60 =	vld.idx.msk [tilespmem:v60+s13+$0x0], $0xffff;
	v1 =	vadd.f32 v2, v1;
	v2 =	vadd.f32 v5, v3  }
0x227: {  	v3 =	vld.idx.msk [tilespmem:v61+s13+$0x0], $0xffff;
	v5 =	vadd.f32 v49, v33;
	v61 =	vadd.f32 v51, v50  }
0x228: {  	v62 =	vadd.f32 v53, v52;
	v63 =	vadd.f32 v55, v54  }
0x229: {  	v0 =	vadd.f32 v32, v0;
	v52 =	vadd.f32 v57, v56  }
0x22a: {  	v1 =	vadd.f32 v2, v1;
	v2 =	vadd.f32 v62, v61  }
0x22b: {  	v0 =	vadd.f32 v5, v0;
	v5 =	vadd.f32 v52, v63  }
0x22c: {  	v53 =	vadd.f32 v59, v58;
	v3 =	vadd.f32 v3, v60  }
0x22d: {  	v0 =	vadd.f32 v0, v1;
	v1 =	vadd.f32 v5, v2;
	_ =	sdelay $0x1  }
0x22e: {  	v2 =	vadd.f32 v3, v53;
	v0 =	vadd.f32 v1, v0;
	_ =	sdelay $0x1  }
0x22f: {  	v1 =	vor.u32 $0x200, v11;
	v0 =	vadd.f32 v2, v0  }
0x230: {  	v2 =	vor.u32 $0x200, v14  }
0x231: {  	v3 =	vor.u32 $0x200, v12;
	v0 =	vmul.f32 v0, v31  }
0x232: {  	v5 =	vor.u32 $0x200, v13  }
0x233: {  	v54 =	vor.u32 $0x200, v15;
	[tilespmem:v48+s0+$0x0] =	vst.idx.msk $0xffff, v0  }
0x234: {  	v55 =	vor.u32 $0x200, v17;
	v1 =	vld.idx.msk [tilespmem:v1+s13+$0x0], $0xffff  }
0x235: {  	v56 =	vor.u32 $0x200, v20;
	v2 =	vld.idx.msk [tilespmem:v2+s13+$0x0], $0xffff  }
0x236: {  	v57 =	vor.u32 $0x200, v19;
	v3 =	vld.idx.msk [tilespmem:v3+s13+$0x0], $0xffff  }
0x237: {  	v58 =	vor.u32 $0x200, v18;
	v5 =	vld.idx.msk [tilespmem:v5+s13+$0x0], $0xffff  }
0x238: {  	v59 =	vor.u32 $0x200, v22;
	v32 =	vld.idx.msk [tilespmem:v54+s13+$0x0], $0xffff  }
0x239: {  	v61 =	vor.u32 $0x200, v21;
	v33 =	vld.idx.msk [tilespmem:v55+s13+$0x0], $0xffff  }
0x23a: {  	v62 =	vor.u32 $0x200, v23;
	v48 =	vld.idx.msk [tilespmem:v56+s13+$0x0], $0xffff  }
0x23b: {  	v63 =	vor.u32 $0x200, v26;
	v49 =	vld.idx.msk [tilespmem:v57+s13+$0x0], $0xffff  }
0x23c: {  	v60 =	vor.u32 $0x200, v25;
	v50 =	vld.idx.msk [tilespmem:v58+s13+$0x0], $0xffff  }
0x23d: {  	v0 =	vor.u32 $0x200, v16;
	v51 =	vld.idx.msk [tilespmem:v59+s13+$0x0], $0xffff  }
0x23e: {  	v56 =	vor.u32 $0x200, v24;
	v52 =	vld.idx.msk [tilespmem:v61+s13+$0x0], $0xffff  }
0x23f: {  	v57 =	vor.u32 $0x200, v28;
	v53 =	vld.idx.msk [tilespmem:v62+s13+$0x0], $0xffff  }
0x240: {  	v58 =	vor.u32 $0x200, v27;
	v54 =	vld.idx.msk [tilespmem:v63+s13+$0x0], $0xffff  }
0x241: {  	v59 =	vor.u32 $0x200, v29;
	v55 =	vld.idx.msk [tilespmem:v60+s13+$0x0], $0xffff  }
0x242: {  	v60 =	vor.u32 $0x200, v30;
	v0 =	vld.idx.msk [tilespmem:v0+s13+$0x0], $0xffff  }
0x243: {  	v56 =	vld.idx.msk [tilespmem:v56+s13+$0x0], $0xffff  }
0x244: {  	v57 =	vld.idx.msk [tilespmem:v57+s13+$0x0], $0xffff  }
0x245: {  	v58 =	vld.idx.msk [tilespmem:v58+s13+$0x0], $0xffff  }
0x246: {  	v59 =	vld.idx.msk [tilespmem:v59+s13+$0x0], $0xffff;
	v1 =	vadd.f32 v2, v1;
	v2 =	vadd.f32 v5, v3  }
0x247: {  	v3 =	vld.idx.msk [tilespmem:v60+s13+$0x0], $0xffff;
	v5 =	vadd.f32 v48, v33;
	v61 =	vadd.f32 v50, v49  }
0x248: {  	v62 =	vadd.f32 v52, v51;
	v63 =	vadd.f32 v54, v53  }
0x249: {  	v0 =	vadd.f32 v32, v0;
	v52 =	vadd.f32 v56, v55  }
0x24a: {  	v1 =	vadd.f32 v2, v1;
	v2 =	vadd.f32 v62, v61  }
0x24b: {  	v0 =	vadd.f32 v5, v0;
	v5 =	vadd.f32 v52, v63  }
0x24c: {  	v53 =	vadd.f32 v58, v57;
	v3 =	vadd.f32 v3, v59  }
0x24d: {  	v0 =	vadd.f32 v0, v1;
	v1 =	vadd.f32 v5, v2;
	_ =	sdelay $0x1  }
0x24e: {  	v2 =	vadd.f32 v3, v53;
	v0 =	vadd.f32 v1, v0;
	_ =	sdelay $0x1  }
0x24f: {  	v1 =	vor.u32 $0x280, v11;
	v0 =	vadd.f32 v2, v0  }
0x250: {  	v2 =	vor.u32 $0x280, v14  }
0x251: {  	v3 =	vor.u32 $0x280, v12;
	v0 =	vmul.f32 v0, v31  }
0x252: {  	v5 =	vor.u32 $0x280, v13  }
0x253: {  	v54 =	vor.u32 $0x280, v15;
	[tilespmem:v47+s0+$0x0] =	vst.idx.msk $0xffff, v0  }
0x254: {  	v55 =	vor.u32 $0x280, v17;
	v1 =	vld.idx.msk [tilespmem:v1+s13+$0x0], $0xffff  }
0x255: {  	v56 =	vor.u32 $0x280, v20;
	v2 =	vld.idx.msk [tilespmem:v2+s13+$0x0], $0xffff  }
0x256: {  	v57 =	vor.u32 $0x280, v19;
	v3 =	vld.idx.msk [tilespmem:v3+s13+$0x0], $0xffff  }
0x257: {  	v58 =	vor.u32 $0x280, v18;
	v5 =	vld.idx.msk [tilespmem:v5+s13+$0x0], $0xffff  }
0x258: {  	v59 =	vor.u32 $0x280, v22;
	v32 =	vld.idx.msk [tilespmem:v54+s13+$0x0], $0xffff  }
0x259: {  	v61 =	vor.u32 $0x280, v21;
	v33 =	vld.idx.msk [tilespmem:v55+s13+$0x0], $0xffff  }
0x25a: {  	v62 =	vor.u32 $0x280, v23;
	v47 =	vld.idx.msk [tilespmem:v56+s13+$0x0], $0xffff  }
0x25b: {  	v63 =	vor.u32 $0x280, v26;
	v48 =	vld.idx.msk [tilespmem:v57+s13+$0x0], $0xffff  }
0x25c: {  	v60 =	vor.u32 $0x280, v25;
	v49 =	vld.idx.msk [tilespmem:v58+s13+$0x0], $0xffff  }
0x25d: {  	v0 =	vor.u32 $0x280, v16;
	v50 =	vld.idx.msk [tilespmem:v59+s13+$0x0], $0xffff  }
0x25e: {  	v55 =	vor.u32 $0x280, v24;
	v51 =	vld.idx.msk [tilespmem:v61+s13+$0x0], $0xffff  }
0x25f: {  	v61 =	vor.u32 $0x280, v28;
	v52 =	vld.idx.msk [tilespmem:v62+s13+$0x0], $0xffff  }
0x260: {  	v62 =	vor.u32 $0x280, v27;
	v53 =	vld.idx.msk [tilespmem:v63+s13+$0x0], $0xffff  }
0x261: {  	v63 =	vor.u32 $0x280, v29;
	v54 =	vld.idx.msk [tilespmem:v60+s13+$0x0], $0xffff  }
0x262: {  	v60 =	vor.u32 $0x280, v30;
	v0 =	vld.idx.msk [tilespmem:v0+s13+$0x0], $0xffff  }
0x263: {  	v55 =	vld.idx.msk [tilespmem:v55+s13+$0x0], $0xffff  }
0x264: {  	v56 =	vld.idx.msk [tilespmem:v61+s13+$0x0], $0xffff  }
0x265: {  	v57 =	vld.idx.msk [tilespmem:v62+s13+$0x0], $0xffff  }
0x266: {  	v58 =	vld.idx.msk [tilespmem:v63+s13+$0x0], $0xffff;
	v1 =	vadd.f32 v2, v1;
	v2 =	vadd.f32 v5, v3  }
0x267: {  	v3 =	vld.idx.msk [tilespmem:v60+s13+$0x0], $0xffff;
	v5 =	vadd.f32 v47, v33;
	v61 =	vadd.f32 v49, v48  }
0x268: {  	v62 =	vadd.f32 v51, v50;
	v63 =	vadd.f32 v53, v52  }
0x269: {  	v0 =	vadd.f32 v32, v0;
	v52 =	vadd.f32 v55, v54  }
0x26a: {  	v1 =	vadd.f32 v2, v1;
	v2 =	vadd.f32 v62, v61  }
0x26b: {  	v0 =	vadd.f32 v5, v0;
	v5 =	vadd.f32 v52, v63  }
0x26c: {  	v53 =	vadd.f32 v57, v56;
	v3 =	vadd.f32 v3, v58  }
0x26d: {  	v0 =	vadd.f32 v0, v1;
	v1 =	vadd.f32 v5, v2;
	_ =	sdelay $0x1  }
0x26e: {  	v2 =	vadd.f32 v3, v53;
	v0 =	vadd.f32 v1, v0;
	_ =	sdelay $0x1  }
0x26f: {  	v1 =	vor.u32 $0x300, v11;
	v0 =	vadd.f32 v2, v0  }
0x270: {  	v2 =	vor.u32 $0x300, v14  }
0x271: {  	v3 =	vor.u32 $0x300, v12;
	v0 =	vmul.f32 v0, v31  }
0x272: {  	v5 =	vor.u32 $0x300, v13  }
0x273: {  	v54 =	vor.u32 $0x300, v15;
	[tilespmem:v46+s0+$0x0] =	vst.idx.msk $0xffff, v0  }
0x274: {  	v55 =	vor.u32 $0x300, v17;
	v1 =	vld.idx.msk [tilespmem:v1+s13+$0x0], $0xffff  }
0x275: {  	v56 =	vor.u32 $0x300, v20;
	v2 =	vld.idx.msk [tilespmem:v2+s13+$0x0], $0xffff  }
0x276: {  	v57 =	vor.u32 $0x300, v19;
	v3 =	vld.idx.msk [tilespmem:v3+s13+$0x0], $0xffff  }
0x277: {  	v58 =	vor.u32 $0x300, v18;
	v5 =	vld.idx.msk [tilespmem:v5+s13+$0x0], $0xffff  }
0x278: {  	v59 =	vor.u32 $0x300, v22;
	v32 =	vld.idx.msk [tilespmem:v54+s13+$0x0], $0xffff  }
0x279: {  	v60 =	vor.u32 $0x300, v21;
	v33 =	vld.idx.msk [tilespmem:v55+s13+$0x0], $0xffff  }
0x27a: {  	v61 =	vor.u32 $0x300, v23;
	v46 =	vld.idx.msk [tilespmem:v56+s13+$0x0], $0xffff  }
0x27b: {  	v62 =	vor.u32 $0x300, v26;
	v47 =	vld.idx.msk [tilespmem:v57+s13+$0x0], $0xffff  }
0x27c: {  	v63 =	vor.u32 $0x300, v25;
	v48 =	vld.idx.msk [tilespmem:v58+s13+$0x0], $0xffff  }
0x27d: {  	v0 =	vor.u32 $0x300, v16;
	v49 =	vld.idx.msk [tilespmem:v59+s13+$0x0], $0xffff  }
0x27e: {  	v54 =	vor.u32 $0x300, v24;
	v50 =	vld.idx.msk [tilespmem:v60+s13+$0x0], $0xffff  }
0x27f: {  	v60 =	vor.u32 $0x300, v28;
	v51 =	vld.idx.msk [tilespmem:v61+s13+$0x0], $0xffff  }
0x280: {  	v61 =	vor.u32 $0x300, v27;
	v52 =	vld.idx.msk [tilespmem:v62+s13+$0x0], $0xffff  }
0x281: {  	v62 =	vor.u32 $0x300, v29;
	v53 =	vld.idx.msk [tilespmem:v63+s13+$0x0], $0xffff  }
0x282: {  	v63 =	vor.u32 $0x300, v30;
	v0 =	vld.idx.msk [tilespmem:v0+s13+$0x0], $0xffff  }
0x283: {  	v54 =	vld.idx.msk [tilespmem:v54+s13+$0x0], $0xffff  }
0x284: {  	v55 =	vld.idx.msk [tilespmem:v60+s13+$0x0], $0xffff  }
0x285: {  	v56 =	vld.idx.msk [tilespmem:v61+s13+$0x0], $0xffff  }
0x286: {  	v57 =	vld.idx.msk [tilespmem:v62+s13+$0x0], $0xffff;
	v1 =	vadd.f32 v2, v1;
	v2 =	vadd.f32 v5, v3  }
0x287: {  	v3 =	vld.idx.msk [tilespmem:v63+s13+$0x0], $0xffff;
	v5 =	vadd.f32 v46, v33;
	v48 =	vadd.f32 v48, v47  }
0x288: {  	v49 =	vadd.f32 v50, v49;
	v50 =	vadd.f32 v52, v51  }
0x289: {  	v0 =	vadd.f32 v32, v0;
	v51 =	vadd.f32 v54, v53  }
0x28a: {  	v1 =	vadd.f32 v2, v1;
	v2 =	vadd.f32 v49, v48  }
0x28b: {  	v0 =	vadd.f32 v5, v0;
	v5 =	vadd.f32 v51, v50  }
0x28c: {  	v52 =	vadd.f32 v56, v55;
	v3 =	vadd.f32 v3, v57  }
0x28d: {  	v0 =	vadd.f32 v0, v1;
	v1 =	vadd.f32 v5, v2;
	_ =	sdelay $0x1  }
0x28e: {  	v2 =	vadd.f32 v3, v52;
	v0 =	vadd.f32 v1, v0;
	_ =	sdelay $0x1  }
0x28f: {  	v1 =	vor.u32 $0x380, v11;
	v0 =	vadd.f32 v2, v0  }
0x290: {  	v2 =	vor.u32 $0x380, v14  }
0x291: {  	v3 =	vor.u32 $0x380, v12;
	v0 =	vmul.f32 v0, v31  }
0x292: {  	v5 =	vor.u32 $0x380, v13  }
0x293: {  	v53 =	vor.u32 $0x380, v15;
	[tilespmem:v45+s0+$0x0] =	vst.idx.msk $0xffff, v0  }
0x294: {  	v54 =	vor.u32 $0x380, v17;
	v1 =	vld.idx.msk [tilespmem:v1+s13+$0x0], $0xffff  }
0x295: {  	v55 =	vor.u32 $0x380, v20;
	v2 =	vld.idx.msk [tilespmem:v2+s13+$0x0], $0xffff  }
0x296: {  	v56 =	vor.u32 $0x380, v19;
	v3 =	vld.idx.msk [tilespmem:v3+s13+$0x0], $0xffff  }
0x297: {  	v57 =	vor.u32 $0x380, v18;
	v5 =	vld.idx.msk [tilespmem:v5+s13+$0x0], $0xffff  }
0x298: {  	v58 =	vor.u32 $0x380, v22;
	v32 =	vld.idx.msk [tilespmem:v53+s13+$0x0], $0xffff  }
0x299: {  	v59 =	vor.u32 $0x380, v21;
	v33 =	vld.idx.msk [tilespmem:v54+s13+$0x0], $0xffff  }
0x29a: {  	v60 =	vor.u32 $0x380, v23;
	v45 =	vld.idx.msk [tilespmem:v55+s13+$0x0], $0xffff  }
0x29b: {  	v61 =	vor.u32 $0x380, v26;
	v46 =	vld.idx.msk [tilespmem:v56+s13+$0x0], $0xffff  }
0x29c: {  	v62 =	vor.u32 $0x380, v25;
	v47 =	vld.idx.msk [tilespmem:v57+s13+$0x0], $0xffff  }
0x29d: {  	v63 =	vor.u32 $0x380, v28;
	v48 =	vld.idx.msk [tilespmem:v58+s13+$0x0], $0xffff  }
0x29e: {  	v0 =	vor.u32 $0x380, v16;
	v49 =	vld.idx.msk [tilespmem:v59+s13+$0x0], $0xffff  }
0x29f: {  	v53 =	vor.u32 $0x380, v24;
	v50 =	vld.idx.msk [tilespmem:v60+s13+$0x0], $0xffff  }
0x2a0: {  	v60 =	vor.u32 $0x380, v27;
	v51 =	vld.idx.msk [tilespmem:v61+s13+$0x0], $0xffff  }
0x2a1: {  	v61 =	vor.u32 $0x380, v29;
	v52 =	vld.idx.msk [tilespmem:v62+s13+$0x0], $0xffff  }
0x2a2: {  	v62 =	vor.u32 $0x380, v30;
	v54 =	vld.idx.msk [tilespmem:v63+s13+$0x0], $0xffff  }
0x2a3: {  	v0 =	vld.idx.msk [tilespmem:v0+s13+$0x0], $0xffff  }
0x2a4: {  	v53 =	vld.idx.msk [tilespmem:v53+s13+$0x0], $0xffff  }
0x2a5: {  	v55 =	vld.idx.msk [tilespmem:v60+s13+$0x0], $0xffff  }
0x2a6: {  	v56 =	vld.idx.msk [tilespmem:v61+s13+$0x0], $0xffff;
	v1 =	vadd.f32 v2, v1;
	v2 =	vadd.f32 v5, v3  }
0x2a7: {  	v3 =	vld.idx.msk [tilespmem:v62+s13+$0x0], $0xffff;
	v5 =	vadd.f32 v45, v33;
	v63 =	vadd.f32 v47, v46  }
0x2a8: {  	v49 =	vadd.f32 v49, v48;
	v50 =	vadd.f32 v51, v50  }
0x2a9: {  	v0 =	vadd.f32 v32, v0;
	v51 =	vadd.f32 v53, v52  }
0x2aa: {  	v1 =	vadd.f32 v2, v1;
	v2 =	vadd.f32 v49, v63  }
0x2ab: {  	v0 =	vadd.f32 v5, v0;
	v5 =	vadd.f32 v51, v50  }
0x2ac: {  	v52 =	vadd.f32 v55, v54;
	v3 =	vadd.f32 v3, v56  }
0x2ad: {  	v0 =	vadd.f32 v0, v1;
	v1 =	vadd.f32 v5, v2;
	_ =	sdelay $0x1  }
0x2ae: {  	v2 =	vadd.f32 v3, v52;
	v0 =	vadd.f32 v1, v0;
	_ =	sdelay $0x1  }
0x2af: {  	v1 =	vadd.s32 $0x2000, v11;
	v0 =	vadd.f32 v2, v0  }
0x2b0: {  	v2 =	vadd.s32 $0x2000, v14  }
0x2b1: {  	v3 =	vadd.s32 $0x2000, v12;
	v0 =	vmul.f32 v0, v31  }
0x2b2: {  	v5 =	vadd.s32 $0x2000, v13  }
0x2b3: {  	v53 =	vadd.s32 $0x2000, v15;
	[tilespmem:v44+s0+$0x0] =	vst.idx.msk $0xffff, v0  }
0x2b4: {  	v54 =	vadd.s32 $0x2000, v17;
	v1 =	vld.idx.msk [tilespmem:v1+s13+$0x0], $0xffff  }
0x2b5: {  	v0 =	vadd.s32 $0x2000, v16;
	v2 =	vld.idx.msk [tilespmem:v2+s13+$0x0], $0xffff  }
0x2b6: {  	v55 =	vadd.s32 $0x2000, v20;
	v3 =	vld.idx.msk [tilespmem:v3+s13+$0x0], $0xffff  }
0x2b7: {  	v56 =	vadd.s32 $0x2000, v19;
	v5 =	vld.idx.msk [tilespmem:v5+s13+$0x0], $0xffff  }
0x2b8: {  	v57 =	vadd.s32 $0x2000, v18;
	v32 =	vld.idx.msk [tilespmem:v53+s13+$0x0], $0xffff  }
0x2b9: {  	v58 =	vadd.s32 $0x2000, v22;
	v33 =	vld.idx.msk [tilespmem:v54+s13+$0x0], $0xffff  }
0x2ba: {  	v59 =	vadd.s32 $0x2000, v21;
	v0 =	vld.idx.msk [tilespmem:v0+s13+$0x0], $0xffff  }
0x2bb: {  	v60 =	vadd.s32 $0x2000, v23;
	v44 =	vld.idx.msk [tilespmem:v55+s13+$0x0], $0xffff  }
0x2bc: {  	v61 =	vadd.s32 $0x2000, v26;
	v45 =	vld.idx.msk [tilespmem:v56+s13+$0x0], $0xffff  }
0x2bd: {  	v62 =	vadd.s32 $0x2000, v25;
	v46 =	vld.idx.msk [tilespmem:v57+s13+$0x0], $0xffff  }
0x2be: {  	v52 =	vadd.s32 $0x2000, v24;
	v47 =	vld.idx.msk [tilespmem:v58+s13+$0x0], $0xffff  }
0x2bf: {  	v48 =	vld.idx.msk [tilespmem:v59+s13+$0x0], $0xffff  }
0x2c0: {  	v63 =	vadd.s32 $0x2000, v28;
	v49 =	vld.idx.msk [tilespmem:v60+s13+$0x0], $0xffff  }
0x2c1: {  	v60 =	vadd.s32 $0x2000, v27;
	v50 =	vld.idx.msk [tilespmem:v61+s13+$0x0], $0xffff  }
0x2c2: {  	v61 =	vadd.s32 $0x2000, v29;
	v51 =	vld.idx.msk [tilespmem:v62+s13+$0x0], $0xffff  }
0x2c3: {  	v62 =	vadd.s32 $0x2000, v30;
	v52 =	vld.idx.msk [tilespmem:v52+s13+$0x0], $0xffff;
	_ =	sdelay $0x1  }
0x2c4: {  	v53 =	vld.idx.msk [tilespmem:v63+s13+$0x0], $0xffff;
	v1 =	vadd.f32 v2, v1;
	v2 =	vadd.f32 v5, v3  }
0x2c5: {  	v54 =	vld.idx.msk [tilespmem:v60+s13+$0x0], $0xffff;
	v0 =	vadd.f32 v32, v0;
	v5 =	vadd.f32 v44, v33  }
0x2c6: {  	v55 =	vld.idx.msk [tilespmem:v61+s13+$0x0], $0xffff;
	v63 =	vadd.f32 v46, v45;
	v48 =	vadd.f32 v48, v47  }
0x2c7: {  	v3 =	vld.idx.msk [tilespmem:v62+s13+$0x0], $0xffff;
	v49 =	vadd.f32 v50, v49;
	v50 =	vadd.f32 v52, v51  }
0x2c8: {  	v1 =	vadd.f32 v2, v1;
	v0 =	vadd.f32 v5, v0  }
0x2c9: {  	v2 =	vadd.f32 v48, v63;
	v5 =	vadd.f32 v50, v49;
	_ =	sdelay $0x1  }
0x2ca: {  	v0 =	vadd.f32 v0, v1;
	v1 =	vadd.f32 v5, v2  }
0x2cb: {  	v51 =	vadd.f32 v54, v53;
	v3 =	vadd.f32 v3, v55;
	_ =	sdelay $0x1  }
0x2cc: {  	v0 =	vadd.f32 v1, v0;
	v2 =	vadd.f32 v3, v51;
	_ =	sdelay $0x1  }
0x2cd: {  	v1 =	vadd.s32 $0x2080, v11;
	v0 =	vadd.f32 v2, v0  }
0x2ce: {  	v2 =	vadd.s32 $0x2080, v14  }
0x2cf: {  	v3 =	vadd.s32 $0x2080, v12;
	v0 =	vmul.f32 v0, v31  }
0x2d0: {  	v5 =	vadd.s32 $0x2080, v13  }
0x2d1: {  	v52 =	vadd.s32 $0x2080, v15;
	[tilespmem:v43+s0+$0x0] =	vst.idx.msk $0xffff, v0  }
0x2d2: {  	v53 =	vadd.s32 $0x2080, v17;
	v1 =	vld.idx.msk [tilespmem:v1+s13+$0x0], $0xffff  }
0x2d3: {  	v54 =	vadd.s32 $0x2080, v20;
	v2 =	vld.idx.msk [tilespmem:v2+s13+$0x0], $0xffff  }
0x2d4: {  	v55 =	vadd.s32 $0x2080, v19;
	v3 =	vld.idx.msk [tilespmem:v3+s13+$0x0], $0xffff  }
0x2d5: {  	v56 =	vadd.s32 $0x2080, v18;
	v5 =	vld.idx.msk [tilespmem:v5+s13+$0x0], $0xffff  }
0x2d6: {  	v57 =	vadd.s32 $0x2080, v22;
	v32 =	vld.idx.msk [tilespmem:v52+s13+$0x0], $0xffff  }
0x2d7: {  	v58 =	vadd.s32 $0x2080, v21;
	v33 =	vld.idx.msk [tilespmem:v53+s13+$0x0], $0xffff  }
0x2d8: {  	v59 =	vadd.s32 $0x2080, v23;
	v43 =	vld.idx.msk [tilespmem:v54+s13+$0x0], $0xffff  }
0x2d9: {  	v60 =	vadd.s32 $0x2080, v26;
	v44 =	vld.idx.msk [tilespmem:v55+s13+$0x0], $0xffff  }
0x2da: {  	v61 =	vadd.s32 $0x2080, v25;
	v45 =	vld.idx.msk [tilespmem:v56+s13+$0x0], $0xffff  }
0x2db: {  	v62 =	vadd.s32 $0x2080, v24;
	v46 =	vld.idx.msk [tilespmem:v57+s13+$0x0], $0xffff  }
0x2dc: {  	v63 =	vadd.s32 $0x2080, v28;
	v47 =	vld.idx.msk [tilespmem:v58+s13+$0x0], $0xffff  }
0x2dd: {  	v0 =	vadd.s32 $0x2080, v16;
	v48 =	vld.idx.msk [tilespmem:v59+s13+$0x0], $0xffff  }
0x2de: {  	v57 =	vadd.s32 $0x2080, v27;
	v49 =	vld.idx.msk [tilespmem:v60+s13+$0x0], $0xffff  }
0x2df: {  	v58 =	vadd.s32 $0x2080, v29;
	v50 =	vld.idx.msk [tilespmem:v61+s13+$0x0], $0xffff  }
0x2e0: {  	v59 =	vadd.s32 $0x2080, v30;
	v51 =	vld.idx.msk [tilespmem:v62+s13+$0x0], $0xffff  }
0x2e1: {  	v52 =	vld.idx.msk [tilespmem:v63+s13+$0x0], $0xffff  }
0x2e2: {  	v0 =	vld.idx.msk [tilespmem:v0+s13+$0x0], $0xffff  }
0x2e3: {  	v53 =	vld.idx.msk [tilespmem:v57+s13+$0x0], $0xffff  }
0x2e4: {  	v54 =	vld.idx.msk [tilespmem:v58+s13+$0x0], $0xffff;
	v1 =	vadd.f32 v2, v1;
	v2 =	vadd.f32 v5, v3  }
0x2e5: {  	v3 =	vld.idx.msk [tilespmem:v59+s13+$0x0], $0xffff;
	v5 =	vadd.f32 v43, v33;
	v60 =	vadd.f32 v45, v44  }
0x2e6: {  	v61 =	vadd.f32 v47, v46;
	v62 =	vadd.f32 v49, v48  }
0x2e7: {  	v63 =	vadd.f32 v51, v50;
	v0 =	vadd.f32 v32, v0  }
0x2e8: {  	v1 =	vadd.f32 v2, v1;
	v2 =	vadd.f32 v61, v60  }
0x2e9: {  	v0 =	vadd.f32 v5, v0;
	v5 =	vadd.f32 v63, v62  }
0x2ea: {  	v47 =	vadd.f32 v53, v52;
	v3 =	vadd.f32 v3, v54  }
0x2eb: {  	v0 =	vadd.f32 v0, v1;
	v1 =	vadd.f32 v5, v2;
	_ =	sdelay $0x1  }
0x2ec: {  	v2 =	vadd.f32 v3, v47;
	v0 =	vadd.f32 v1, v0;
	_ =	sdelay $0x1  }
0x2ed: {  	v1 =	vadd.s32 $0x2100, v11;
	v0 =	vadd.f32 v2, v0  }
0x2ee: {  	v2 =	vadd.s32 $0x2100, v14  }
0x2ef: {  	v3 =	vadd.s32 $0x2100, v12;
	v0 =	vmul.f32 v0, v31  }
0x2f0: {  	v5 =	vadd.s32 $0x2100, v13  }
0x2f1: {  	v48 =	vadd.s32 $0x2100, v15;
	[tilespmem:v42+s0+$0x0] =	vst.idx.msk $0xffff, v0  }
0x2f2: {  	v49 =	vadd.s32 $0x2100, v17;
	v1 =	vld.idx.msk [tilespmem:v1+s13+$0x0], $0xffff  }
0x2f3: {  	v50 =	vadd.s32 $0x2100, v20;
	v2 =	vld.idx.msk [tilespmem:v2+s13+$0x0], $0xffff  }
0x2f4: {  	v51 =	vadd.s32 $0x2100, v19;
	v3 =	vld.idx.msk [tilespmem:v3+s13+$0x0], $0xffff  }
0x2f5: {  	v52 =	vadd.s32 $0x2100, v18;
	v5 =	vld.idx.msk [tilespmem:v5+s13+$0x0], $0xffff  }
0x2f6: {  	v53 =	vadd.s32 $0x2100, v22;
	v32 =	vld.idx.msk [tilespmem:v48+s13+$0x0], $0xffff  }
0x2f7: {  	v54 =	vadd.s32 $0x2100, v21;
	v33 =	vld.idx.msk [tilespmem:v49+s13+$0x0], $0xffff  }
0x2f8: {  	v55 =	vadd.s32 $0x2100, v23;
	v42 =	vld.idx.msk [tilespmem:v50+s13+$0x0], $0xffff  }
0x2f9: {  	v56 =	vadd.s32 $0x2100, v26;
	v43 =	vld.idx.msk [tilespmem:v51+s13+$0x0], $0xffff  }
0x2fa: {  	v57 =	vadd.s32 $0x2100, v25;
	v44 =	vld.idx.msk [tilespmem:v52+s13+$0x0], $0xffff  }
0x2fb: {  	v58 =	vadd.s32 $0x2100, v24;
	v45 =	vld.idx.msk [tilespmem:v53+s13+$0x0], $0xffff  }
0x2fc: {  	v59 =	vadd.s32 $0x2100, v28;
	v46 =	vld.idx.msk [tilespmem:v54+s13+$0x0], $0xffff  }
0x2fd: {  	v0 =	vadd.s32 $0x2100, v16;
	v47 =	vld.idx.msk [tilespmem:v55+s13+$0x0], $0xffff  }
0x2fe: {  	v60 =	vadd.s32 $0x2100, v27;
	v48 =	vld.idx.msk [tilespmem:v56+s13+$0x0], $0xffff  }
0x2ff: {  	v61 =	vadd.s32 $0x2100, v29;
	v49 =	vld.idx.msk [tilespmem:v57+s13+$0x0], $0xffff  }
0x300: {  	v62 =	vadd.s32 $0x2100, v30;
	v50 =	vld.idx.msk [tilespmem:v58+s13+$0x0], $0xffff  }
0x301: {  	v51 =	vld.idx.msk [tilespmem:v59+s13+$0x0], $0xffff  }
0x302: {  	v0 =	vld.idx.msk [tilespmem:v0+s13+$0x0], $0xffff  }
0x303: {  	v52 =	vld.idx.msk [tilespmem:v60+s13+$0x0], $0xffff  }
0x304: {  	v53 =	vld.idx.msk [tilespmem:v61+s13+$0x0], $0xffff;
	v1 =	vadd.f32 v2, v1;
	v2 =	vadd.f32 v5, v3  }
0x305: {  	v3 =	vld.idx.msk [tilespmem:v62+s13+$0x0], $0xffff;
	v5 =	vadd.f32 v42, v33;
	v63 =	vadd.f32 v44, v43  }
0x306: {  	v46 =	vadd.f32 v46, v45;
	v48 =	vadd.f32 v48, v47  }
0x307: {  	v50 =	vadd.f32 v50, v49;
	v0 =	vadd.f32 v32, v0  }
0x308: {  	v1 =	vadd.f32 v2, v1;
	v2 =	vadd.f32 v46, v63  }
0x309: {  	v0 =	vadd.f32 v5, v0;
	v5 =	vadd.f32 v50, v48  }
0x30a: {  	v52 =	vadd.f32 v52, v51;
	v3 =	vadd.f32 v3, v53  }
0x30b: {  	v0 =	vadd.f32 v0, v1;
	v1 =	vadd.f32 v5, v2;
	_ =	sdelay $0x1  }
0x30c: {  	v2 =	vadd.f32 v3, v52;
	v0 =	vadd.f32 v1, v0;
	_ =	sdelay $0x1  }
0x30d: {  	v1 =	vadd.s32 $0x2180, v11;
	v0 =	vadd.f32 v2, v0  }
0x30e: {  	v2 =	vadd.s32 $0x2180, v14  }
0x30f: {  	v3 =	vadd.s32 $0x2180, v12;
	v0 =	vmul.f32 v0, v31  }
0x310: {  	v5 =	vadd.s32 $0x2180, v13  }
0x311: {  	v54 =	vadd.s32 $0x2180, v15;
	[tilespmem:v41+s0+$0x0] =	vst.idx.msk $0xffff, v0  }
0x312: {  	v55 =	vadd.s32 $0x2180, v17;
	v1 =	vld.idx.msk [tilespmem:v1+s13+$0x0], $0xffff  }
0x313: {  	v56 =	vadd.s32 $0x2180, v20;
	v2 =	vld.idx.msk [tilespmem:v2+s13+$0x0], $0xffff  }
0x314: {  	v57 =	vadd.s32 $0x2180, v19;
	v3 =	vld.idx.msk [tilespmem:v3+s13+$0x0], $0xffff  }
0x315: {  	v58 =	vadd.s32 $0x2180, v18;
	v5 =	vld.idx.msk [tilespmem:v5+s13+$0x0], $0xffff  }
0x316: {  	v59 =	vadd.s32 $0x2180, v22;
	v32 =	vld.idx.msk [tilespmem:v54+s13+$0x0], $0xffff  }
0x317: {  	v60 =	vadd.s32 $0x2180, v21;
	v33 =	vld.idx.msk [tilespmem:v55+s13+$0x0], $0xffff  }
0x318: {  	v61 =	vadd.s32 $0x2180, v23;
	v41 =	vld.idx.msk [tilespmem:v56+s13+$0x0], $0xffff  }
0x319: {  	v62 =	vadd.s32 $0x2180, v26;
	v42 =	vld.idx.msk [tilespmem:v57+s13+$0x0], $0xffff  }
0x31a: {  	v63 =	vadd.s32 $0x2180, v25;
	v43 =	vld.idx.msk [tilespmem:v58+s13+$0x0], $0xffff  }
0x31b: {  	v0 =	vadd.s32 $0x2180, v16;
	v44 =	vld.idx.msk [tilespmem:v59+s13+$0x0], $0xffff  }
0x31c: {  	v56 =	vadd.s32 $0x2180, v24;
	v45 =	vld.idx.msk [tilespmem:v60+s13+$0x0], $0xffff  }
0x31d: {  	v57 =	vadd.s32 $0x2180, v28;
	v46 =	vld.idx.msk [tilespmem:v61+s13+$0x0], $0xffff  }
0x31e: {  	v58 =	vadd.s32 $0x2180, v27;
	v47 =	vld.idx.msk [tilespmem:v62+s13+$0x0], $0xffff  }
0x31f: {  	v59 =	vadd.s32 $0x2180, v29;
	v48 =	vld.idx.msk [tilespmem:v63+s13+$0x0], $0xffff  }
0x320: {  	v60 =	vadd.s32 $0x2180, v30;
	v0 =	vld.idx.msk [tilespmem:v0+s13+$0x0], $0xffff  }
0x321: {  	v49 =	vld.idx.msk [tilespmem:v56+s13+$0x0], $0xffff  }
0x322: {  	v50 =	vld.idx.msk [tilespmem:v57+s13+$0x0], $0xffff  }
0x323: {  	v51 =	vld.idx.msk [tilespmem:v58+s13+$0x0], $0xffff  }
0x324: {  	v52 =	vld.idx.msk [tilespmem:v59+s13+$0x0], $0xffff;
	v1 =	vadd.f32 v2, v1;
	v2 =	vadd.f32 v5, v3  }
0x325: {  	v3 =	vld.idx.msk [tilespmem:v60+s13+$0x0], $0xffff;
	v5 =	vadd.f32 v41, v33;
	v61 =	vadd.f32 v43, v42  }
0x326: {  	v62 =	vadd.f32 v45, v44;
	v63 =	vadd.f32 v47, v46  }
0x327: {  	v0 =	vadd.f32 v32, v0;
	v45 =	vadd.f32 v49, v48  }
0x328: {  	v1 =	vadd.f32 v2, v1;
	v2 =	vadd.f32 v62, v61  }
0x329: {  	v0 =	vadd.f32 v5, v0;
	v5 =	vadd.f32 v45, v63  }
0x32a: {  	v46 =	vadd.f32 v51, v50;
	v3 =	vadd.f32 v3, v52  }
0x32b: {  	v0 =	vadd.f32 v0, v1;
	v1 =	vadd.f32 v5, v2;
	_ =	sdelay $0x1  }
0x32c: {  	v2 =	vadd.f32 v3, v46;
	v0 =	vadd.f32 v1, v0;
	_ =	sdelay $0x1  }
0x32d: {  	v1 =	vadd.s32 $0x2200, v11;
	v0 =	vadd.f32 v2, v0  }
0x32e: {  	v2 =	vadd.s32 $0x2200, v14  }
0x32f: {  	v3 =	vadd.s32 $0x2200, v12;
	v0 =	vmul.f32 v0, v31  }
0x330: {  	v5 =	vadd.s32 $0x2200, v13  }
0x331: {  	v47 =	vadd.s32 $0x2200, v15;
	[tilespmem:v40+s0+$0x0] =	vst.idx.msk $0xffff, v0  }
0x332: {  	v48 =	vadd.s32 $0x2200, v17;
	v1 =	vld.idx.msk [tilespmem:v1+s13+$0x0], $0xffff  }
0x333: {  	v49 =	vadd.s32 $0x2200, v20;
	v2 =	vld.idx.msk [tilespmem:v2+s13+$0x0], $0xffff  }
0x334: {  	v50 =	vadd.s32 $0x2200, v19;
	v3 =	vld.idx.msk [tilespmem:v3+s13+$0x0], $0xffff  }
0x335: {  	v51 =	vadd.s32 $0x2200, v18;
	v5 =	vld.idx.msk [tilespmem:v5+s13+$0x0], $0xffff  }
0x336: {  	v52 =	vadd.s32 $0x2200, v22;
	v32 =	vld.idx.msk [tilespmem:v47+s13+$0x0], $0xffff  }
0x337: {  	v53 =	vadd.s32 $0x2200, v21;
	v33 =	vld.idx.msk [tilespmem:v48+s13+$0x0], $0xffff  }
0x338: {  	v54 =	vadd.s32 $0x2200, v23;
	v40 =	vld.idx.msk [tilespmem:v49+s13+$0x0], $0xffff  }
0x339: {  	v55 =	vadd.s32 $0x2200, v26;
	v41 =	vld.idx.msk [tilespmem:v50+s13+$0x0], $0xffff  }
0x33a: {  	v56 =	vadd.s32 $0x2200, v25;
	v42 =	vld.idx.msk [tilespmem:v51+s13+$0x0], $0xffff  }
0x33b: {  	v57 =	vadd.s32 $0x2200, v24;
	v43 =	vld.idx.msk [tilespmem:v52+s13+$0x0], $0xffff  }
0x33c: {  	v58 =	vadd.s32 $0x2200, v28;
	v44 =	vld.idx.msk [tilespmem:v53+s13+$0x0], $0xffff  }
0x33d: {  	v0 =	vadd.s32 $0x2200, v16;
	v45 =	vld.idx.msk [tilespmem:v54+s13+$0x0], $0xffff  }
0x33e: {  	v59 =	vadd.s32 $0x2200, v27;
	v46 =	vld.idx.msk [tilespmem:v55+s13+$0x0], $0xffff  }
0x33f: {  	v60 =	vadd.s32 $0x2200, v29;
	v47 =	vld.idx.msk [tilespmem:v56+s13+$0x0], $0xffff  }
0x340: {  	v61 =	vadd.s32 $0x2200, v30;
	v48 =	vld.idx.msk [tilespmem:v57+s13+$0x0], $0xffff  }
0x341: {  	v49 =	vld.idx.msk [tilespmem:v58+s13+$0x0], $0xffff  }
0x342: {  	v0 =	vld.idx.msk [tilespmem:v0+s13+$0x0], $0xffff  }
0x343: {  	v50 =	vld.idx.msk [tilespmem:v59+s13+$0x0], $0xffff  }
0x344: {  	v51 =	vld.idx.msk [tilespmem:v60+s13+$0x0], $0xffff;
	v1 =	vadd.f32 v2, v1;
	v2 =	vadd.f32 v5, v3  }
0x345: {  	v3 =	vld.idx.msk [tilespmem:v61+s13+$0x0], $0xffff;
	v5 =	vadd.f32 v40, v33;
	v62 =	vadd.f32 v42, v41  }
0x346: {  	v63 =	vadd.f32 v44, v43;
	v44 =	vadd.f32 v46, v45  }
0x347: {  	v45 =	vadd.f32 v48, v47;
	v0 =	vadd.f32 v32, v0  }
0x348: {  	v1 =	vadd.f32 v2, v1;
	v2 =	vadd.f32 v63, v62  }
0x349: {  	v0 =	vadd.f32 v5, v0;
	v5 =	vadd.f32 v45, v44  }
0x34a: {  	v46 =	vadd.f32 v50, v49;
	v3 =	vadd.f32 v3, v51  }
0x34b: {  	v0 =	vadd.f32 v0, v1;
	v1 =	vadd.f32 v5, v2;
	_ =	sdelay $0x1  }
0x34c: {  	v2 =	vadd.f32 v3, v46;
	v0 =	vadd.f32 v1, v0;
	_ =	sdelay $0x1  }
0x34d: {  	v1 =	vadd.s32 $0x2280, v11;
	v0 =	vadd.f32 v2, v0  }
0x34e: {  	v2 =	vadd.s32 $0x2280, v14  }
0x34f: {  	v3 =	vadd.s32 $0x2280, v12;
	v0 =	vmul.f32 v0, v31  }
0x350: {  	v5 =	vadd.s32 $0x2280, v13  }
0x351: {  	v47 =	vadd.s32 $0x2280, v15;
	[tilespmem:v39+s0+$0x0] =	vst.idx.msk $0xffff, v0  }
0x352: {  	v48 =	vadd.s32 $0x2280, v17;
	v1 =	vld.idx.msk [tilespmem:v1+s13+$0x0], $0xffff  }
0x353: {  	v49 =	vadd.s32 $0x2280, v20;
	v2 =	vld.idx.msk [tilespmem:v2+s13+$0x0], $0xffff  }
0x354: {  	v50 =	vadd.s32 $0x2280, v19;
	v3 =	vld.idx.msk [tilespmem:v3+s13+$0x0], $0xffff  }
0x355: {  	v51 =	vadd.s32 $0x2280, v18;
	v5 =	vld.idx.msk [tilespmem:v5+s13+$0x0], $0xffff  }
0x356: {  	v52 =	vadd.s32 $0x2280, v22;
	v32 =	vld.idx.msk [tilespmem:v47+s13+$0x0], $0xffff  }
0x357: {  	v53 =	vadd.s32 $0x2280, v21;
	v33 =	vld.idx.msk [tilespmem:v48+s13+$0x0], $0xffff  }
0x358: {  	v54 =	vadd.s32 $0x2280, v23;
	v39 =	vld.idx.msk [tilespmem:v49+s13+$0x0], $0xffff  }
0x359: {  	v55 =	vadd.s32 $0x2280, v26;
	v40 =	vld.idx.msk [tilespmem:v50+s13+$0x0], $0xffff  }
0x35a: {  	v56 =	vadd.s32 $0x2280, v25;
	v41 =	vld.idx.msk [tilespmem:v51+s13+$0x0], $0xffff  }
0x35b: {  	v57 =	vadd.s32 $0x2280, v24;
	v42 =	vld.idx.msk [tilespmem:v52+s13+$0x0], $0xffff  }
0x35c: {  	v58 =	vadd.s32 $0x2280, v28;
	v43 =	vld.idx.msk [tilespmem:v53+s13+$0x0], $0xffff  }
0x35d: {  	v0 =	vadd.s32 $0x2280, v16;
	v44 =	vld.idx.msk [tilespmem:v54+s13+$0x0], $0xffff  }
0x35e: {  	v59 =	vadd.s32 $0x2280, v27;
	v45 =	vld.idx.msk [tilespmem:v55+s13+$0x0], $0xffff  }
0x35f: {  	v60 =	vadd.s32 $0x2280, v29;
	v46 =	vld.idx.msk [tilespmem:v56+s13+$0x0], $0xffff  }
0x360: {  	v61 =	vadd.s32 $0x2280, v30;
	v47 =	vld.idx.msk [tilespmem:v57+s13+$0x0], $0xffff  }
0x361: {  	v48 =	vld.idx.msk [tilespmem:v58+s13+$0x0], $0xffff  }
0x362: {  	v0 =	vld.idx.msk [tilespmem:v0+s13+$0x0], $0xffff  }
0x363: {  	v49 =	vld.idx.msk [tilespmem:v59+s13+$0x0], $0xffff  }
0x364: {  	v50 =	vld.idx.msk [tilespmem:v60+s13+$0x0], $0xffff;
	v1 =	vadd.f32 v2, v1;
	v2 =	vadd.f32 v5, v3  }
0x365: {  	v3 =	vld.idx.msk [tilespmem:v61+s13+$0x0], $0xffff;
	v5 =	vadd.f32 v39, v33;
	v62 =	vadd.f32 v41, v40  }
0x366: {  	v63 =	vadd.f32 v43, v42;
	v45 =	vadd.f32 v45, v44  }
0x367: {  	v46 =	vadd.f32 v47, v46;
	v0 =	vadd.f32 v32, v0  }
0x368: {  	v1 =	vadd.f32 v2, v1;
	v2 =	vadd.f32 v63, v62  }
0x369: {  	v0 =	vadd.f32 v5, v0;
	v5 =	vadd.f32 v46, v45  }
0x36a: {  	v47 =	vadd.f32 v49, v48;
	v3 =	vadd.f32 v3, v50  }
0x36b: {  	v0 =	vadd.f32 v0, v1;
	v1 =	vadd.f32 v5, v2;
	_ =	sdelay $0x1  }
0x36c: {  	v2 =	vadd.f32 v3, v47;
	v0 =	vadd.f32 v1, v0;
	_ =	sdelay $0x1  }
0x36d: {  	v1 =	vadd.s32 $0x2300, v11;
	v0 =	vadd.f32 v2, v0  }
0x36e: {  	v2 =	vadd.s32 $0x2300, v14  }
0x36f: {  	v3 =	vadd.s32 $0x2300, v12;
	v0 =	vmul.f32 v0, v31  }
0x370: {  	v5 =	vadd.s32 $0x2300, v13  }
0x371: {  	v48 =	vadd.s32 $0x2300, v15;
	[tilespmem:v38+s0+$0x0] =	vst.idx.msk $0xffff, v0  }
0x372: {  	v49 =	vadd.s32 $0x2300, v17;
	v1 =	vld.idx.msk [tilespmem:v1+s13+$0x0], $0xffff  }
0x373: {  	v50 =	vadd.s32 $0x2300, v20;
	v2 =	vld.idx.msk [tilespmem:v2+s13+$0x0], $0xffff  }
0x374: {  	v51 =	vadd.s32 $0x2300, v19;
	v3 =	vld.idx.msk [tilespmem:v3+s13+$0x0], $0xffff  }
0x375: {  	v52 =	vadd.s32 $0x2300, v18;
	v5 =	vld.idx.msk [tilespmem:v5+s13+$0x0], $0xffff  }
0x376: {  	v53 =	vadd.s32 $0x2300, v22;
	v32 =	vld.idx.msk [tilespmem:v48+s13+$0x0], $0xffff  }
0x377: {  	v54 =	vadd.s32 $0x2300, v21;
	v33 =	vld.idx.msk [tilespmem:v49+s13+$0x0], $0xffff  }
0x378: {  	v55 =	vadd.s32 $0x2300, v23;
	v38 =	vld.idx.msk [tilespmem:v50+s13+$0x0], $0xffff  }
0x379: {  	v56 =	vadd.s32 $0x2300, v26;
	v39 =	vld.idx.msk [tilespmem:v51+s13+$0x0], $0xffff  }
0x37a: {  	v57 =	vadd.s32 $0x2300, v25;
	v40 =	vld.idx.msk [tilespmem:v52+s13+$0x0], $0xffff  }
0x37b: {  	v58 =	vadd.s32 $0x2300, v24;
	v41 =	vld.idx.msk [tilespmem:v53+s13+$0x0], $0xffff  }
0x37c: {  	v59 =	vadd.s32 $0x2300, v28;
	v42 =	vld.idx.msk [tilespmem:v54+s13+$0x0], $0xffff  }
0x37d: {  	v0 =	vadd.s32 $0x2300, v16;
	v43 =	vld.idx.msk [tilespmem:v55+s13+$0x0], $0xffff  }
0x37e: {  	v60 =	vadd.s32 $0x2300, v27;
	v44 =	vld.idx.msk [tilespmem:v56+s13+$0x0], $0xffff  }
0x37f: {  	v61 =	vadd.s32 $0x2300, v29;
	v45 =	vld.idx.msk [tilespmem:v57+s13+$0x0], $0xffff  }
0x380: {  	v62 =	vadd.s32 $0x2300, v30;
	v46 =	vld.idx.msk [tilespmem:v58+s13+$0x0], $0xffff  }
0x381: {  	v47 =	vld.idx.msk [tilespmem:v59+s13+$0x0], $0xffff  }
0x382: {  	v0 =	vld.idx.msk [tilespmem:v0+s13+$0x0], $0xffff  }
0x383: {  	v48 =	vld.idx.msk [tilespmem:v60+s13+$0x0], $0xffff  }
0x384: {  	v49 =	vld.idx.msk [tilespmem:v61+s13+$0x0], $0xffff;
	v1 =	vadd.f32 v2, v1;
	v2 =	vadd.f32 v5, v3  }
0x385: {  	v3 =	vld.idx.msk [tilespmem:v62+s13+$0x0], $0xffff;
	v5 =	vadd.f32 v38, v33;
	v63 =	vadd.f32 v40, v39  }
0x386: {  	v42 =	vadd.f32 v42, v41;
	v44 =	vadd.f32 v44, v43  }
0x387: {  	v46 =	vadd.f32 v46, v45;
	v0 =	vadd.f32 v32, v0  }
0x388: {  	v1 =	vadd.f32 v2, v1;
	v2 =	vadd.f32 v42, v63  }
0x389: {  	v0 =	vadd.f32 v5, v0;
	v5 =	vadd.f32 v46, v44  }
0x38a: {  	v47 =	vadd.f32 v48, v47;
	v3 =	vadd.f32 v3, v49  }
0x38b: {  	v0 =	vadd.f32 v0, v1;
	v1 =	vadd.f32 v5, v2;
	_ =	sdelay $0x1  }
0x38c: {  	v2 =	vadd.f32 v3, v47;
	v0 =	vadd.f32 v1, v0;
	_ =	sdelay $0x1  }
0x38d: {  	v1 =	vadd.s32 $0x2380, v11;
	v0 =	vadd.f32 v2, v0  }
0x38e: {  	v2 =	vadd.s32 $0x2380, v14  }
0x38f: {  	v3 =	vadd.s32 $0x2380, v12;
	v0 =	vmul.f32 v0, v31  }
0x390: {  	v5 =	vadd.s32 $0x2380, v13  }
0x391: {  	v48 =	vadd.s32 $0x2380, v15;
	[tilespmem:v37+s0+$0x0] =	vst.idx.msk $0xffff, v0  }
0x392: {  	v49 =	vadd.s32 $0x2380, v17;
	v1 =	vld.idx.msk [tilespmem:v1+s13+$0x0], $0xffff  }
0x393: {  	v50 =	vadd.s32 $0x2380, v20;
	v2 =	vld.idx.msk [tilespmem:v2+s13+$0x0], $0xffff  }
0x394: {  	v51 =	vadd.s32 $0x2380, v19;
	v3 =	vld.idx.msk [tilespmem:v3+s13+$0x0], $0xffff  }
0x395: {  	v52 =	vadd.s32 $0x2380, v18;
	v5 =	vld.idx.msk [tilespmem:v5+s13+$0x0], $0xffff  }
0x396: {  	v53 =	vadd.s32 $0x2380, v22;
	v32 =	vld.idx.msk [tilespmem:v48+s13+$0x0], $0xffff  }
0x397: {  	v54 =	vadd.s32 $0x2380, v21;
	v33 =	vld.idx.msk [tilespmem:v49+s13+$0x0], $0xffff  }
0x398: {  	v55 =	vadd.s32 $0x2380, v23;
	v37 =	vld.idx.msk [tilespmem:v50+s13+$0x0], $0xffff  }
0x399: {  	v56 =	vadd.s32 $0x2380, v26;
	v38 =	vld.idx.msk [tilespmem:v51+s13+$0x0], $0xffff  }
0x39a: {  	v57 =	vadd.s32 $0x2380, v25;
	v39 =	vld.idx.msk [tilespmem:v52+s13+$0x0], $0xffff  }
0x39b: {  	v58 =	vadd.s32 $0x2380, v24;
	v40 =	vld.idx.msk [tilespmem:v53+s13+$0x0], $0xffff  }
0x39c: {  	v59 =	vadd.s32 $0x2380, v28;
	v41 =	vld.idx.msk [tilespmem:v54+s13+$0x0], $0xffff  }
0x39d: {  	v0 =	vadd.s32 $0x2380, v16;
	v42 =	vld.idx.msk [tilespmem:v55+s13+$0x0], $0xffff  }
0x39e: {  	v60 =	vadd.s32 $0x2380, v27;
	v43 =	vld.idx.msk [tilespmem:v56+s13+$0x0], $0xffff  }
0x39f: {  	v61 =	vadd.s32 $0x2380, v29;
	v44 =	vld.idx.msk [tilespmem:v57+s13+$0x0], $0xffff  }
0x3a0: {  	v62 =	vadd.s32 $0x2380, v30;
	v45 =	vld.idx.msk [tilespmem:v58+s13+$0x0], $0xffff  }
0x3a1: {  	v46 =	vld.idx.msk [tilespmem:v59+s13+$0x0], $0xffff  }
0x3a2: {  	v0 =	vld.idx.msk [tilespmem:v0+s13+$0x0], $0xffff  }
0x3a3: {  	v47 =	vld.idx.msk [tilespmem:v60+s13+$0x0], $0xffff  }
0x3a4: {  	v48 =	vld.idx.msk [tilespmem:v61+s13+$0x0], $0xffff;
	v1 =	vadd.f32 v2, v1;
	v2 =	vadd.f32 v5, v3  }
0x3a5: {  	v3 =	vld.idx.msk [tilespmem:v62+s13+$0x0], $0xffff;
	v5 =	vadd.f32 v37, v33;
	v63 =	vadd.f32 v39, v38  }
0x3a6: {  	v41 =	vadd.f32 v41, v40;
	v43 =	vadd.f32 v43, v42  }
0x3a7: {  	v45 =	vadd.f32 v45, v44;
	v0 =	vadd.f32 v32, v0  }
0x3a8: {  	v1 =	vadd.f32 v2, v1;
	v2 =	vadd.f32 v41, v63  }
0x3a9: {  	v0 =	vadd.f32 v5, v0;
	v5 =	vadd.f32 v45, v43  }
0x3aa: {  	v47 =	vadd.f32 v47, v46;
	v3 =	vadd.f32 v3, v48  }
0x3ab: {  	v0 =	vadd.f32 v0, v1;
	v1 =	vadd.f32 v5, v2;
	_ =	sdelay $0x1  }
0x3ac: {  	v2 =	vadd.f32 v3, v47;
	v0 =	vadd.f32 v1, v0;
	_ =	sdelay $0x1  }
0x3ad: {  	v1 =	vadd.s32 $0x4000, v11;
	v0 =	vadd.f32 v2, v0  }
0x3ae: {  	v2 =	vadd.s32 $0x4000, v14  }
0x3af: {  	v3 =	vadd.s32 $0x4000, v12;
	v0 =	vmul.f32 v0, v31  }
0x3b0: {  	v5 =	vadd.s32 $0x4000, v13  }
0x3b1: {  	v48 =	vadd.s32 $0x4000, v15;
	[tilespmem:v36+s0+$0x0] =	vst.idx.msk $0xffff, v0  }
0x3b2: {  	v49 =	vadd.s32 $0x4000, v17;
	v1 =	vld.idx.msk [tilespmem:v1+s13+$0x0], $0xffff  }
0x3b3: {  	v50 =	vadd.s32 $0x4000, v20;
	v2 =	vld.idx.msk [tilespmem:v2+s13+$0x0], $0xffff  }
0x3b4: {  	v51 =	vadd.s32 $0x4000, v19;
	v3 =	vld.idx.msk [tilespmem:v3+s13+$0x0], $0xffff  }
0x3b5: {  	v52 =	vadd.s32 $0x4000, v18;
	v5 =	vld.idx.msk [tilespmem:v5+s13+$0x0], $0xffff  }
0x3b6: {  	v53 =	vadd.s32 $0x4000, v22;
	v32 =	vld.idx.msk [tilespmem:v48+s13+$0x0], $0xffff  }
0x3b7: {  	v54 =	vadd.s32 $0x4000, v21;
	v33 =	vld.idx.msk [tilespmem:v49+s13+$0x0], $0xffff  }
0x3b8: {  	v55 =	vadd.s32 $0x4000, v23;
	v36 =	vld.idx.msk [tilespmem:v50+s13+$0x0], $0xffff  }
0x3b9: {  	v56 =	vadd.s32 $0x4000, v26;
	v37 =	vld.idx.msk [tilespmem:v51+s13+$0x0], $0xffff  }
0x3ba: {  	v57 =	vadd.s32 $0x4000, v25;
	v38 =	vld.idx.msk [tilespmem:v52+s13+$0x0], $0xffff  }
0x3bb: {  	v58 =	vadd.s32 $0x4000, v24;
	v39 =	vld.idx.msk [tilespmem:v53+s13+$0x0], $0xffff  }
0x3bc: {  	v59 =	vadd.s32 $0x4000, v28;
	v40 =	vld.idx.msk [tilespmem:v54+s13+$0x0], $0xffff  }
0x3bd: {  	v0 =	vadd.s32 $0x4000, v16;
	v41 =	vld.idx.msk [tilespmem:v55+s13+$0x0], $0xffff  }
0x3be: {  	v60 =	vadd.s32 $0x4000, v27;
	v42 =	vld.idx.msk [tilespmem:v56+s13+$0x0], $0xffff  }
0x3bf: {  	v61 =	vadd.s32 $0x4000, v29;
	v43 =	vld.idx.msk [tilespmem:v57+s13+$0x0], $0xffff  }
0x3c0: {  	v62 =	vadd.s32 $0x4000, v30;
	v44 =	vld.idx.msk [tilespmem:v58+s13+$0x0], $0xffff  }
0x3c1: {  	v45 =	vld.idx.msk [tilespmem:v59+s13+$0x0], $0xffff  }
0x3c2: {  	v0 =	vld.idx.msk [tilespmem:v0+s13+$0x0], $0xffff  }
0x3c3: {  	v46 =	vld.idx.msk [tilespmem:v60+s13+$0x0], $0xffff  }
0x3c4: {  	v47 =	vld.idx.msk [tilespmem:v61+s13+$0x0], $0xffff;
	v1 =	vadd.f32 v2, v1;
	v2 =	vadd.f32 v5, v3  }
0x3c5: {  	v3 =	vld.idx.msk [tilespmem:v62+s13+$0x0], $0xffff;
	v5 =	vadd.f32 v36, v33;
	v63 =	vadd.f32 v38, v37  }
0x3c6: {  	v40 =	vadd.f32 v40, v39;
	v42 =	vadd.f32 v42, v41  }
0x3c7: {  	v44 =	vadd.f32 v44, v43;
	v0 =	vadd.f32 v32, v0  }
0x3c8: {  	v1 =	vadd.f32 v2, v1;
	v2 =	vadd.f32 v40, v63  }
0x3c9: {  	v0 =	vadd.f32 v5, v0;
	v5 =	vadd.f32 v44, v42  }
0x3ca: {  	v46 =	vadd.f32 v46, v45;
	v3 =	vadd.f32 v3, v47  }
0x3cb: {  	v0 =	vadd.f32 v0, v1;
	v1 =	vadd.f32 v5, v2;
	_ =	sdelay $0x1  }
0x3cc: {  	v2 =	vadd.f32 v3, v46;
	v0 =	vadd.f32 v1, v0;
	_ =	sdelay $0x1  }
0x3cd: {  	v1 =	vadd.s32 $0x4080, v11;
	v0 =	vadd.f32 v2, v0  }
0x3ce: {  	v2 =	vadd.s32 $0x4080, v14  }
0x3cf: {  	v3 =	vadd.s32 $0x4080, v12;
	v0 =	vmul.f32 v0, v31  }
0x3d0: {  	v5 =	vadd.s32 $0x4080, v13  }
0x3d1: {  	v47 =	vadd.s32 $0x4080, v15;
	[tilespmem:v35+s0+$0x0] =	vst.idx.msk $0xffff, v0  }
0x3d2: {  	v48 =	vadd.s32 $0x4080, v17;
	v1 =	vld.idx.msk [tilespmem:v1+s13+$0x0], $0xffff  }
0x3d3: {  	v49 =	vadd.s32 $0x4080, v20;
	v2 =	vld.idx.msk [tilespmem:v2+s13+$0x0], $0xffff  }
0x3d4: {  	v50 =	vadd.s32 $0x4080, v19;
	v3 =	vld.idx.msk [tilespmem:v3+s13+$0x0], $0xffff  }
0x3d5: {  	v51 =	vadd.s32 $0x4080, v18;
	v5 =	vld.idx.msk [tilespmem:v5+s13+$0x0], $0xffff  }
0x3d6: {  	v52 =	vadd.s32 $0x4080, v22;
	v32 =	vld.idx.msk [tilespmem:v47+s13+$0x0], $0xffff  }
0x3d7: {  	v53 =	vadd.s32 $0x4080, v21;
	v33 =	vld.idx.msk [tilespmem:v48+s13+$0x0], $0xffff  }
0x3d8: {  	v54 =	vadd.s32 $0x4080, v23;
	v35 =	vld.idx.msk [tilespmem:v49+s13+$0x0], $0xffff  }
0x3d9: {  	v55 =	vadd.s32 $0x4080, v26;
	v36 =	vld.idx.msk [tilespmem:v50+s13+$0x0], $0xffff  }
0x3da: {  	v56 =	vadd.s32 $0x4080, v25;
	v37 =	vld.idx.msk [tilespmem:v51+s13+$0x0], $0xffff  }
0x3db: {  	v57 =	vadd.s32 $0x4080, v24;
	v38 =	vld.idx.msk [tilespmem:v52+s13+$0x0], $0xffff  }
0x3dc: {  	v58 =	vadd.s32 $0x4080, v28;
	v39 =	vld.idx.msk [tilespmem:v53+s13+$0x0], $0xffff  }
0x3dd: {  	v0 =	vadd.s32 $0x4080, v16;
	v40 =	vld.idx.msk [tilespmem:v54+s13+$0x0], $0xffff  }
0x3de: {  	v59 =	vadd.s32 $0x4080, v27;
	v41 =	vld.idx.msk [tilespmem:v55+s13+$0x0], $0xffff  }
0x3df: {  	v60 =	vadd.s32 $0x4080, v29;
	v42 =	vld.idx.msk [tilespmem:v56+s13+$0x0], $0xffff  }
0x3e0: {  	v61 =	vadd.s32 $0x4080, v30;
	v43 =	vld.idx.msk [tilespmem:v57+s13+$0x0], $0xffff  }
0x3e1: {  	v44 =	vld.idx.msk [tilespmem:v58+s13+$0x0], $0xffff  }
0x3e2: {  	v0 =	vld.idx.msk [tilespmem:v0+s13+$0x0], $0xffff  }
0x3e3: {  	v45 =	vld.idx.msk [tilespmem:v59+s13+$0x0], $0xffff  }
0x3e4: {  	v46 =	vld.idx.msk [tilespmem:v60+s13+$0x0], $0xffff;
	v1 =	vadd.f32 v2, v1;
	v2 =	vadd.f32 v5, v3  }
0x3e5: {  	v3 =	vld.idx.msk [tilespmem:v61+s13+$0x0], $0xffff;
	v5 =	vadd.f32 v35, v33;
	v62 =	vadd.f32 v37, v36  }
0x3e6: {  	v63 =	vadd.f32 v39, v38;
	v47 =	vadd.f32 v41, v40  }
0x3e7: {  	v48 =	vadd.f32 v43, v42;
	v0 =	vadd.f32 v32, v0  }
0x3e8: {  	v1 =	vadd.f32 v2, v1;
	v2 =	vadd.f32 v63, v62  }
0x3e9: {  	v0 =	vadd.f32 v5, v0;
	v5 =	vadd.f32 v48, v47  }
0x3ea: {  	v49 =	vadd.f32 v45, v44;
	v3 =	vadd.f32 v3, v46  }
0x3eb: {  	v0 =	vadd.f32 v0, v1;
	v1 =	vadd.f32 v5, v2;
	_ =	sdelay $0x1  }
0x3ec: {  	v2 =	vadd.f32 v3, v49;
	v0 =	vadd.f32 v1, v0;
	_ =	sdelay $0x1  }
0x3ed: {  	v1 =	vadd.s32 $0x4100, v11;
	v0 =	vadd.f32 v2, v0  }
0x3ee: {  	v2 =	vadd.s32 $0x4100, v14  }
0x3ef: {  	v3 =	vadd.s32 $0x4100, v12;
	v0 =	vmul.f32 v0, v31  }
0x3f0: {  	v5 =	vadd.s32 $0x4100, v13  }
0x3f1: {  	v50 =	vadd.s32 $0x4100, v17;
	[tilespmem:v9+s0+$0x0] =	vst.idx.msk $0xffff, v0  }
0x3f2: {  	v51 =	vadd.s32 $0x4100, v20;
	v1 =	vld.idx.msk [tilespmem:v1+s13+$0x0], $0xffff  }
0x3f3: {  	v52 =	vadd.s32 $0x4100, v19;
	v2 =	vld.idx.msk [tilespmem:v2+s13+$0x0], $0xffff  }
0x3f4: {  	v53 =	vadd.s32 $0x4100, v18;
	v3 =	vld.idx.msk [tilespmem:v3+s13+$0x0], $0xffff  }
0x3f5: {  	v54 =	vadd.s32 $0x4100, v22;
	v5 =	vld.idx.msk [tilespmem:v5+s13+$0x0], $0xffff  }
0x3f6: {  	v55 =	vadd.s32 $0x4100, v21;
	v32 =	vld.idx.msk [tilespmem:v50+s13+$0x0], $0xffff  }
0x3f7: {  	v56 =	vadd.s32 $0x4100, v23;
	v33 =	vld.idx.msk [tilespmem:v51+s13+$0x0], $0xffff  }
0x3f8: {  	v57 =	vadd.s32 $0x4100, v26;
	v35 =	vld.idx.msk [tilespmem:v52+s13+$0x0], $0xffff  }
0x3f9: {  	v58 =	vadd.s32 $0x4100, v25;
	v36 =	vld.idx.msk [tilespmem:v53+s13+$0x0], $0xffff  }
0x3fa: {  	v59 =	vadd.s32 $0x4100, v24;
	v37 =	vld.idx.msk [tilespmem:v54+s13+$0x0], $0xffff  }
0x3fb: {  	v62 =	vadd.s32 $0x4100, v29;
	v38 =	vld.idx.msk [tilespmem:v55+s13+$0x0], $0xffff  }
0x3fc: {  	v0 =	vadd.s32 $0x4100, v16;
	v39 =	vld.idx.msk [tilespmem:v56+s13+$0x0], $0xffff  }
0x3fd: {  	v9 =	vadd.s32 $0x4100, v15;
	v40 =	vld.idx.msk [tilespmem:v57+s13+$0x0], $0xffff  }
0x3fe: {  	v63 =	vadd.s32 $0x4100, v30;
	v41 =	vld.idx.msk [tilespmem:v58+s13+$0x0], $0xffff  }
0x3ff: {  	v60 =	vadd.s32 $0x4100, v28;
	v42 =	vld.idx.msk [tilespmem:v59+s13+$0x0], $0xffff  }
0x400: {  	v61 =	vadd.s32 $0x4100, v27;
	v45 =	vld.idx.msk [tilespmem:v62+s13+$0x0], $0xffff  }
0x401: {  	v0 =	vld.idx.msk [tilespmem:v0+s13+$0x0], $0xffff  }
0x402: {  	v9 =	vld.idx.msk [tilespmem:v9+s13+$0x0], $0xffff  }
0x403: {  	v1 =	vadd.f32 v2, v1;
	v2 =	vadd.f32 v5, v3;
	v3 =	vld.idx.msk [tilespmem:v63+s13+$0x0], $0xffff  }
0x404: {  	v43 =	vld.idx.msk [tilespmem:v60+s13+$0x0], $0xffff  }
0x405: {  	v44 =	vld.idx.msk [tilespmem:v61+s13+$0x0], $0xffff;
	v5 =	vadd.f32 v33, v32;
	v47 =	vadd.f32 v38, v37  }
0x406: {  	v48 =	vadd.f32 v40, v39;
	v49 =	vadd.f32 v42, v41  }
0x407: {  	v0 =	vadd.f32 v9, v0;
	v9 =	vadd.f32 v36, v35  }
0x408: {  	v1 =	vadd.f32 v2, v1;
	v3 =	vadd.f32 v3, v45  }
0x409: {  	v0 =	vadd.f32 v5, v0;
	v2 =	vadd.f32 v47, v9  }
0x40a: {  	v5 =	vadd.f32 v49, v48;
	v9 =	vadd.f32 v44, v43  }
0x40b: {  	v0 =	vadd.f32 v0, v1  }
0x40c: {  	v1 =	vadd.f32 v5, v2;
	v2 =	vadd.f32 v3, v9;
	v9 =	vld [tilespmem:$0x1FFB0];
	_ =	sdelay $0x1  }
0x40d: {  	v0 =	vadd.f32 v1, v0;
	_ =	sdelay $0x1  }
0x40e: {  	v1 =	vadd.s32 $0x4180, v11;
	v0 =	vadd.f32 v2, v0  }
0x40f: {  	v2 =	vadd.s32 $0x4180, v14  }
0x410: {  	v3 =	vadd.s32 $0x4180, v12;
	v0 =	vmul.f32 v0, v31  }
0x411: {  	v5 =	vadd.s32 $0x4180, v13  }
0x412: {  	v50 =	vadd.s32 $0x4180, v17;
	[tilespmem:v9+s0+$0x0] =	vst.idx.msk $0xffff, v0  }
0x413: {  	v51 =	vadd.s32 $0x4180, v20;
	v1 =	vld.idx.msk [tilespmem:v1+s13+$0x0], $0xffff  }
0x414: {  	v52 =	vadd.s32 $0x4180, v19;
	v2 =	vld.idx.msk [tilespmem:v2+s13+$0x0], $0xffff  }
0x415: {  	v53 =	vadd.s32 $0x4180, v18;
	v3 =	vld.idx.msk [tilespmem:v3+s13+$0x0], $0xffff  }
0x416: {  	v54 =	vadd.s32 $0x4180, v22;
	v5 =	vld.idx.msk [tilespmem:v5+s13+$0x0], $0xffff  }
0x417: {  	v55 =	vadd.s32 $0x4180, v21;
	v32 =	vld.idx.msk [tilespmem:v50+s13+$0x0], $0xffff  }
0x418: {  	v56 =	vadd.s32 $0x4180, v23;
	v33 =	vld.idx.msk [tilespmem:v51+s13+$0x0], $0xffff  }
0x419: {  	v57 =	vadd.s32 $0x4180, v26;
	v35 =	vld.idx.msk [tilespmem:v52+s13+$0x0], $0xffff  }
0x41a: {  	v58 =	vadd.s32 $0x4180, v25;
	v36 =	vld.idx.msk [tilespmem:v53+s13+$0x0], $0xffff  }
0x41b: {  	v59 =	vadd.s32 $0x4180, v24;
	v37 =	vld.idx.msk [tilespmem:v54+s13+$0x0], $0xffff  }
0x41c: {  	v62 =	vadd.s32 $0x4180, v29;
	v38 =	vld.idx.msk [tilespmem:v55+s13+$0x0], $0xffff  }
0x41d: {  	v0 =	vadd.s32 $0x4180, v16;
	v39 =	vld.idx.msk [tilespmem:v56+s13+$0x0], $0xffff  }
0x41e: {  	v9 =	vadd.s32 $0x4180, v15;
	v40 =	vld.idx.msk [tilespmem:v57+s13+$0x0], $0xffff  }
0x41f: {  	v63 =	vadd.s32 $0x4180, v30;
	v41 =	vld.idx.msk [tilespmem:v58+s13+$0x0], $0xffff  }
0x420: {  	v60 =	vadd.s32 $0x4180, v28;
	v42 =	vld.idx.msk [tilespmem:v59+s13+$0x0], $0xffff  }
0x421: {  	v61 =	vadd.s32 $0x4180, v27;
	v45 =	vld.idx.msk [tilespmem:v62+s13+$0x0], $0xffff  }
0x422: {  	v0 =	vld.idx.msk [tilespmem:v0+s13+$0x0], $0xffff  }
0x423: {  	v9 =	vld.idx.msk [tilespmem:v9+s13+$0x0], $0xffff  }
0x424: {  	v1 =	vadd.f32 v2, v1;
	v2 =	vadd.f32 v5, v3;
	v3 =	vld.idx.msk [tilespmem:v63+s13+$0x0], $0xffff  }
0x425: {  	v43 =	vld.idx.msk [tilespmem:v60+s13+$0x0], $0xffff  }
0x426: {  	v44 =	vld.idx.msk [tilespmem:v61+s13+$0x0], $0xffff;
	v5 =	vadd.f32 v33, v32;
	v47 =	vadd.f32 v38, v37  }
0x427: {  	v48 =	vadd.f32 v40, v39;
	v49 =	vadd.f32 v42, v41  }
0x428: {  	v0 =	vadd.f32 v9, v0;
	v9 =	vadd.f32 v36, v35  }
0x429: {  	v1 =	vadd.f32 v2, v1;
	v3 =	vadd.f32 v3, v45  }
0x42a: {  	v0 =	vadd.f32 v5, v0;
	v2 =	vadd.f32 v47, v9  }
0x42b: {  	v5 =	vadd.f32 v49, v48;
	v9 =	vadd.f32 v44, v43  }
0x42c: {  	v0 =	vadd.f32 v0, v1  }
0x42d: {  	v1 =	vadd.f32 v5, v2;
	v2 =	vadd.f32 v3, v9;
	v9 =	vld [tilespmem:$0x1FFC0];
	_ =	sdelay $0x1  }
0x42e: {  	v0 =	vadd.f32 v1, v0;
	_ =	sdelay $0x1  }
0x42f: {  	v1 =	vadd.s32 $0x4200, v11;
	v0 =	vadd.f32 v2, v0  }
0x430: {  	v2 =	vadd.s32 $0x4200, v14  }
0x431: {  	v3 =	vadd.s32 $0x4200, v12;
	v0 =	vmul.f32 v0, v31  }
0x432: {  	v5 =	vadd.s32 $0x4200, v13  }
0x433: {  	v50 =	vadd.s32 $0x4200, v17;
	[tilespmem:v9+s0+$0x0] =	vst.idx.msk $0xffff, v0  }
0x434: {  	v51 =	vadd.s32 $0x4200, v20;
	v1 =	vld.idx.msk [tilespmem:v1+s13+$0x0], $0xffff  }
0x435: {  	v52 =	vadd.s32 $0x4200, v19;
	v2 =	vld.idx.msk [tilespmem:v2+s13+$0x0], $0xffff  }
0x436: {  	v53 =	vadd.s32 $0x4200, v18;
	v3 =	vld.idx.msk [tilespmem:v3+s13+$0x0], $0xffff  }
0x437: {  	v54 =	vadd.s32 $0x4200, v22;
	v5 =	vld.idx.msk [tilespmem:v5+s13+$0x0], $0xffff  }
0x438: {  	v55 =	vadd.s32 $0x4200, v21;
	v32 =	vld.idx.msk [tilespmem:v50+s13+$0x0], $0xffff  }
0x439: {  	v56 =	vadd.s32 $0x4200, v23;
	v33 =	vld.idx.msk [tilespmem:v51+s13+$0x0], $0xffff  }
0x43a: {  	v57 =	vadd.s32 $0x4200, v26;
	v35 =	vld.idx.msk [tilespmem:v52+s13+$0x0], $0xffff  }
0x43b: {  	v58 =	vadd.s32 $0x4200, v25;
	v36 =	vld.idx.msk [tilespmem:v53+s13+$0x0], $0xffff  }
0x43c: {  	v59 =	vadd.s32 $0x4200, v24;
	v37 =	vld.idx.msk [tilespmem:v54+s13+$0x0], $0xffff  }
0x43d: {  	v0 =	vadd.s32 $0x4200, v16;
	v38 =	vld.idx.msk [tilespmem:v55+s13+$0x0], $0xffff  }
0x43e: {  	v9 =	vadd.s32 $0x4200, v15;
	v39 =	vld.idx.msk [tilespmem:v56+s13+$0x0], $0xffff  }
0x43f: {  	v60 =	vadd.s32 $0x4200, v28;
	v40 =	vld.idx.msk [tilespmem:v57+s13+$0x0], $0xffff  }
0x440: {  	v61 =	vadd.s32 $0x4200, v27;
	v41 =	vld.idx.msk [tilespmem:v58+s13+$0x0], $0xffff  }
0x441: {  	v62 =	vadd.s32 $0x4200, v29;
	v42 =	vld.idx.msk [tilespmem:v59+s13+$0x0], $0xffff  }
0x442: {  	v63 =	vadd.s32 $0x4200, v30;
	v0 =	vld.idx.msk [tilespmem:v0+s13+$0x0], $0xffff  }
0x443: {  	v9 =	vld.idx.msk [tilespmem:v9+s13+$0x0], $0xffff  }
0x444: {  	v43 =	vld.idx.msk [tilespmem:v60+s13+$0x0], $0xffff  }
0x445: {  	v44 =	vld.idx.msk [tilespmem:v61+s13+$0x0], $0xffff  }
0x446: {  	v45 =	vld.idx.msk [tilespmem:v62+s13+$0x0], $0xffff;
	v1 =	vadd.f32 v2, v1;
	v2 =	vadd.f32 v5, v3  }
0x447: {  	v3 =	vld.idx.msk [tilespmem:v63+s13+$0x0], $0xffff;
	v5 =	vadd.f32 v33, v32;
	v47 =	vadd.f32 v38, v37  }
0x448: {  	v48 =	vadd.f32 v40, v39;
	v0 =	vadd.f32 v9, v0  }
0x449: {  	v49 =	vadd.f32 v42, v41;
	v9 =	vadd.f32 v36, v35  }
0x44a: {  	v1 =	vadd.f32 v2, v1;
	v0 =	vadd.f32 v5, v0  }
0x44b: {  	v2 =	vadd.f32 v47, v9;
	v5 =	vadd.f32 v49, v48  }
0x44c: {  	v3 =	vadd.f32 v3, v45;
	v9 =	vadd.f32 v44, v43  }
0x44d: {  	v0 =	vadd.f32 v0, v1;
	v1 =	vadd.f32 v5, v2;
	_ =	sdelay $0x1  }
0x44e: {  	v2 =	vadd.f32 v3, v9;
	v0 =	vadd.f32 v1, v0  }
0x44f: {  	v1 =	vor.u32 $0x2200, v10  }
0x450: {  	v0 =	vadd.f32 v2, v0;
	v2 =	vadd.s32 $0x4280, v11  }
0x451: {  	v3 =	vadd.s32 $0x4280, v14  }
0x452: {  	v5 =	vadd.s32 $0x4280, v12;
	v0 =	vmul.f32 v0, v31  }
0x453: {  	v9 =	vadd.s32 $0x4280, v13  }
0x454: {  	v50 =	vadd.s32 $0x4280, v17;
	[tilespmem:v1+s0+$0x0] =	vst.idx.msk $0xffff, v0  }
0x455: {  	v51 =	vadd.s32 $0x4280, v20;
	v1 =	vld.idx.msk [tilespmem:v2+s13+$0x0], $0xffff  }
0x456: {  	v52 =	vadd.s32 $0x4280, v19;
	v3 =	vld.idx.msk [tilespmem:v3+s13+$0x0], $0xffff  }
0x457: {  	v53 =	vadd.s32 $0x4280, v18;
	v5 =	vld.idx.msk [tilespmem:v5+s13+$0x0], $0xffff  }
0x458: {  	v54 =	vadd.s32 $0x4280, v22;
	v9 =	vld.idx.msk [tilespmem:v9+s13+$0x0], $0xffff  }
0x459: {  	v55 =	vadd.s32 $0x4280, v21;
	v32 =	vld.idx.msk [tilespmem:v50+s13+$0x0], $0xffff  }
0x45a: {  	v56 =	vadd.s32 $0x4280, v23;
	v33 =	vld.idx.msk [tilespmem:v51+s13+$0x0], $0xffff  }
0x45b: {  	v57 =	vadd.s32 $0x4280, v26;
	v35 =	vld.idx.msk [tilespmem:v52+s13+$0x0], $0xffff  }
0x45c: {  	v58 =	vadd.s32 $0x4280, v25;
	v36 =	vld.idx.msk [tilespmem:v53+s13+$0x0], $0xffff  }
0x45d: {  	v59 =	vadd.s32 $0x4280, v24;
	v37 =	vld.idx.msk [tilespmem:v54+s13+$0x0], $0xffff  }
0x45e: {  	v60 =	vadd.s32 $0x4280, v28;
	v38 =	vld.idx.msk [tilespmem:v55+s13+$0x0], $0xffff  }
0x45f: {  	v0 =	vadd.s32 $0x4280, v16;
	v39 =	vld.idx.msk [tilespmem:v56+s13+$0x0], $0xffff  }
0x460: {  	v2 =	vadd.s32 $0x4280, v15;
	v40 =	vld.idx.msk [tilespmem:v57+s13+$0x0], $0xffff  }
0x461: {  	v61 =	vadd.s32 $0x4280, v27;
	v41 =	vld.idx.msk [tilespmem:v58+s13+$0x0], $0xffff  }
0x462: {  	v62 =	vadd.s32 $0x4280, v29;
	v42 =	vld.idx.msk [tilespmem:v59+s13+$0x0], $0xffff  }
0x463: {  	v63 =	vadd.s32 $0x4280, v30;
	v43 =	vld.idx.msk [tilespmem:v60+s13+$0x0], $0xffff  }
0x464: {  	v0 =	vld.idx.msk [tilespmem:v0+s13+$0x0], $0xffff  }
0x465: {  	v2 =	vld.idx.msk [tilespmem:v2+s13+$0x0], $0xffff  }
0x466: {  	v44 =	vld.idx.msk [tilespmem:v61+s13+$0x0], $0xffff  }
0x467: {  	v45 =	vld.idx.msk [tilespmem:v62+s13+$0x0], $0xffff;
	v1 =	vadd.f32 v3, v1;
	v3 =	vadd.f32 v9, v5  }
0x468: {  	v5 =	vld.idx.msk [tilespmem:v63+s13+$0x0], $0xffff;
	v9 =	vadd.f32 v36, v35;
	v47 =	vadd.f32 v38, v37  }
0x469: {  	v48 =	vadd.f32 v40, v39;
	v49 =	vadd.f32 v42, v41  }
0x46a: {  	v0 =	vadd.f32 v2, v0;
	v2 =	vadd.f32 v33, v32  }
0x46b: {  	v1 =	vadd.f32 v3, v1;
	v3 =	vadd.f32 v49, v48  }
0x46c: {  	v0 =	vadd.f32 v2, v0;
	v2 =	vadd.f32 v47, v9  }
0x46d: {  	v5 =	vadd.f32 v5, v45;
	v9 =	vadd.f32 v44, v43  }
0x46e: {  	v0 =	vadd.f32 v0, v1;
	v1 =	vadd.f32 v3, v2;
	_ =	sdelay $0x1  }
0x46f: {  	v2 =	vadd.f32 v5, v9;
	v0 =	vadd.f32 v1, v0  }
0x470: {  	v1 =	vor.u32 $0x2280, v10  }
0x471: {  	v0 =	vadd.f32 v2, v0;
	v2 =	vadd.s32 $0x4300, v11  }
0x472: {  	v3 =	vadd.s32 $0x4300, v14  }
0x473: {  	v5 =	vadd.s32 $0x4300, v12;
	v0 =	vmul.f32 v0, v31  }
0x474: {  	v9 =	vadd.s32 $0x4300, v13  }
0x475: {  	v50 =	vadd.s32 $0x4300, v17;
	[tilespmem:v1+s0+$0x0] =	vst.idx.msk $0xffff, v0  }
0x476: {  	v51 =	vadd.s32 $0x4300, v20;
	v1 =	vld.idx.msk [tilespmem:v2+s13+$0x0], $0xffff  }
0x477: {  	v52 =	vadd.s32 $0x4300, v19;
	v3 =	vld.idx.msk [tilespmem:v3+s13+$0x0], $0xffff  }
0x478: {  	v53 =	vadd.s32 $0x4300, v18;
	v5 =	vld.idx.msk [tilespmem:v5+s13+$0x0], $0xffff  }
0x479: {  	v54 =	vadd.s32 $0x4300, v22;
	v9 =	vld.idx.msk [tilespmem:v9+s13+$0x0], $0xffff  }
0x47a: {  	v55 =	vadd.s32 $0x4300, v21;
	v32 =	vld.idx.msk [tilespmem:v50+s13+$0x0], $0xffff  }
0x47b: {  	v56 =	vadd.s32 $0x4300, v23;
	v33 =	vld.idx.msk [tilespmem:v51+s13+$0x0], $0xffff  }
0x47c: {  	v57 =	vadd.s32 $0x4300, v26;
	v35 =	vld.idx.msk [tilespmem:v52+s13+$0x0], $0xffff  }
0x47d: {  	v58 =	vadd.s32 $0x4300, v25;
	v36 =	vld.idx.msk [tilespmem:v53+s13+$0x0], $0xffff  }
0x47e: {  	v59 =	vadd.s32 $0x4300, v24;
	v37 =	vld.idx.msk [tilespmem:v54+s13+$0x0], $0xffff  }
0x47f: {  	v60 =	vadd.s32 $0x4300, v28;
	v38 =	vld.idx.msk [tilespmem:v55+s13+$0x0], $0xffff  }
0x480: {  	v0 =	vadd.s32 $0x4300, v16;
	v39 =	vld.idx.msk [tilespmem:v56+s13+$0x0], $0xffff  }
0x481: {  	v2 =	vadd.s32 $0x4300, v15;
	v40 =	vld.idx.msk [tilespmem:v57+s13+$0x0], $0xffff  }
0x482: {  	v61 =	vadd.s32 $0x4300, v27;
	v41 =	vld.idx.msk [tilespmem:v58+s13+$0x0], $0xffff  }
0x483: {  	v62 =	vadd.s32 $0x4300, v29;
	v42 =	vld.idx.msk [tilespmem:v59+s13+$0x0], $0xffff  }
0x484: {  	v63 =	vadd.s32 $0x4300, v30;
	v43 =	vld.idx.msk [tilespmem:v60+s13+$0x0], $0xffff  }
0x485: {  	v0 =	vld.idx.msk [tilespmem:v0+s13+$0x0], $0xffff  }
0x486: {  	v2 =	vld.idx.msk [tilespmem:v2+s13+$0x0], $0xffff  }
0x487: {  	v44 =	vld.idx.msk [tilespmem:v61+s13+$0x0], $0xffff  }
0x488: {  	v45 =	vld.idx.msk [tilespmem:v62+s13+$0x0], $0xffff;
	v1 =	vadd.f32 v3, v1;
	v3 =	vadd.f32 v9, v5  }
0x489: {  	v5 =	vld.idx.msk [tilespmem:v63+s13+$0x0], $0xffff;
	v9 =	vadd.f32 v36, v35;
	v47 =	vadd.f32 v38, v37  }
0x48a: {  	v48 =	vadd.f32 v40, v39;
	v49 =	vadd.f32 v42, v41  }
0x48b: {  	v0 =	vadd.f32 v2, v0;
	v2 =	vadd.f32 v33, v32  }
0x48c: {  	v1 =	vadd.f32 v3, v1;
	v3 =	vadd.f32 v49, v48  }
0x48d: {  	v0 =	vadd.f32 v2, v0;
	v2 =	vadd.f32 v47, v9  }
0x48e: {  	v5 =	vadd.f32 v5, v45;
	v9 =	vadd.f32 v44, v43  }
0x48f: {  	v0 =	vadd.f32 v0, v1;
	v1 =	vadd.f32 v3, v2;
	_ =	sdelay $0x1  }
0x490: {  	v2 =	vadd.f32 v5, v9;
	v0 =	vadd.f32 v1, v0  }
0x491: {  	v1 =	vor.u32 $0x2300, v10  }
0x492: {  	v0 =	vadd.f32 v2, v0;
	v2 =	vadd.s32 $0x4380, v11  }
0x493: {  	v3 =	vadd.s32 $0x4380, v14  }
0x494: {  	v5 =	vadd.s32 $0x4380, v12;
	v0 =	vmul.f32 v0, v31  }
0x495: {  	v9 =	vadd.s32 $0x4380, v13  }
0x496: {  	v50 =	vadd.s32 $0x4380, v17;
	[tilespmem:v1+s0+$0x0] =	vst.idx.msk $0xffff, v0  }
0x497: {  	v51 =	vadd.s32 $0x4380, v20;
	v1 =	vld.idx.msk [tilespmem:v2+s13+$0x0], $0xffff  }
0x498: {  	v52 =	vadd.s32 $0x4380, v19;
	v3 =	vld.idx.msk [tilespmem:v3+s13+$0x0], $0xffff  }
0x499: {  	v53 =	vadd.s32 $0x4380, v18;
	v5 =	vld.idx.msk [tilespmem:v5+s13+$0x0], $0xffff  }
0x49a: {  	v54 =	vadd.s32 $0x4380, v22;
	v9 =	vld.idx.msk [tilespmem:v9+s13+$0x0], $0xffff  }
0x49b: {  	v55 =	vadd.s32 $0x4380, v21;
	v32 =	vld.idx.msk [tilespmem:v50+s13+$0x0], $0xffff  }
0x49c: {  	v56 =	vadd.s32 $0x4380, v23;
	v33 =	vld.idx.msk [tilespmem:v51+s13+$0x0], $0xffff  }
0x49d: {  	v57 =	vadd.s32 $0x4380, v26;
	v35 =	vld.idx.msk [tilespmem:v52+s13+$0x0], $0xffff  }
0x49e: {  	v58 =	vadd.s32 $0x4380, v25;
	v36 =	vld.idx.msk [tilespmem:v53+s13+$0x0], $0xffff  }
0x49f: {  	v59 =	vadd.s32 $0x4380, v24;
	v37 =	vld.idx.msk [tilespmem:v54+s13+$0x0], $0xffff  }
0x4a0: {  	v60 =	vadd.s32 $0x4380, v28;
	v38 =	vld.idx.msk [tilespmem:v55+s13+$0x0], $0xffff  }
0x4a1: {  	v0 =	vadd.s32 $0x4380, v16;
	v39 =	vld.idx.msk [tilespmem:v56+s13+$0x0], $0xffff  }
0x4a2: {  	v2 =	vadd.s32 $0x4380, v15;
	v40 =	vld.idx.msk [tilespmem:v57+s13+$0x0], $0xffff  }
0x4a3: {  	v61 =	vadd.s32 $0x4380, v27;
	v41 =	vld.idx.msk [tilespmem:v58+s13+$0x0], $0xffff  }
0x4a4: {  	v62 =	vadd.s32 $0x4380, v29;
	v42 =	vld.idx.msk [tilespmem:v59+s13+$0x0], $0xffff  }
0x4a5: {  	v63 =	vadd.s32 $0x4380, v30;
	v43 =	vld.idx.msk [tilespmem:v60+s13+$0x0], $0xffff  }
0x4a6: {  	v0 =	vld.idx.msk [tilespmem:v0+s13+$0x0], $0xffff  }
0x4a7: {  	v2 =	vld.idx.msk [tilespmem:v2+s13+$0x0], $0xffff  }
0x4a8: {  	v44 =	vld.idx.msk [tilespmem:v61+s13+$0x0], $0xffff  }
0x4a9: {  	v45 =	vld.idx.msk [tilespmem:v62+s13+$0x0], $0xffff;
	v1 =	vadd.f32 v3, v1;
	v3 =	vadd.f32 v9, v5  }
0x4aa: {  	v5 =	vld.idx.msk [tilespmem:v63+s13+$0x0], $0xffff;
	v9 =	vadd.f32 v36, v35;
	v47 =	vadd.f32 v38, v37  }
0x4ab: {  	v48 =	vadd.f32 v40, v39;
	v49 =	vadd.f32 v42, v41  }
0x4ac: {  	v0 =	vadd.f32 v2, v0;
	v2 =	vadd.f32 v33, v32  }
0x4ad: {  	v1 =	vadd.f32 v3, v1;
	v3 =	vadd.f32 v49, v48  }
0x4ae: {  	v0 =	vadd.f32 v2, v0;
	v2 =	vadd.f32 v47, v9;
	v47 =	vld [tilespmem:$0x1FFD0]  }
0x4af: {  	v5 =	vadd.f32 v5, v45;
	v9 =	vadd.f32 v44, v43  }
0x4b0: {  	v0 =	vadd.f32 v0, v1;
	v1 =	vadd.f32 v3, v2;
	_ =	sdelay $0x1  }
0x4b1: {  	v2 =	vadd.f32 v5, v9;
	v0 =	vadd.f32 v1, v0  }
0x4b2: {  	v1 =	vor.u32 $0x2380, v47  }
0x4b3: {  	v0 =	vadd.f32 v2, v0;
	v2 =	vadd.s32 $0x6000, v11  }
0x4b4: {  	v3 =	vadd.s32 $0x6000, v14  }
0x4b5: {  	v5 =	vadd.s32 $0x6000, v12;
	v0 =	vmul.f32 v0, v31  }
0x4b6: {  	v9 =	vadd.s32 $0x6000, v13  }
0x4b7: {  	v50 =	vadd.s32 $0x6000, v17;
	[tilespmem:v1+s0+$0x0] =	vst.idx.msk $0xffff, v0  }
0x4b8: {  	v51 =	vadd.s32 $0x6000, v20;
	v1 =	vld.idx.msk [tilespmem:v2+s13+$0x0], $0xffff  }
0x4b9: {  	v52 =	vadd.s32 $0x6000, v19;
	v3 =	vld.idx.msk [tilespmem:v3+s13+$0x0], $0xffff  }
0x4ba: {  	v53 =	vadd.s32 $0x6000, v18;
	v5 =	vld.idx.msk [tilespmem:v5+s13+$0x0], $0xffff  }
0x4bb: {  	v54 =	vadd.s32 $0x6000, v22;
	v9 =	vld.idx.msk [tilespmem:v9+s13+$0x0], $0xffff  }
0x4bc: {  	v55 =	vadd.s32 $0x6000, v21;
	v32 =	vld.idx.msk [tilespmem:v50+s13+$0x0], $0xffff  }
0x4bd: {  	v56 =	vadd.s32 $0x6000, v23;
	v33 =	vld.idx.msk [tilespmem:v51+s13+$0x0], $0xffff  }
0x4be: {  	v57 =	vadd.s32 $0x6000, v26;
	v35 =	vld.idx.msk [tilespmem:v52+s13+$0x0], $0xffff  }
0x4bf: {  	v58 =	vadd.s32 $0x6000, v25;
	v36 =	vld.idx.msk [tilespmem:v53+s13+$0x0], $0xffff  }
0x4c0: {  	v59 =	vadd.s32 $0x6000, v24;
	v37 =	vld.idx.msk [tilespmem:v54+s13+$0x0], $0xffff  }
0x4c1: {  	v60 =	vadd.s32 $0x6000, v28;
	v38 =	vld.idx.msk [tilespmem:v55+s13+$0x0], $0xffff  }
0x4c2: {  	v0 =	vadd.s32 $0x6000, v16;
	v39 =	vld.idx.msk [tilespmem:v56+s13+$0x0], $0xffff  }
0x4c3: {  	v2 =	vadd.s32 $0x6000, v15;
	v40 =	vld.idx.msk [tilespmem:v57+s13+$0x0], $0xffff  }
0x4c4: {  	v61 =	vadd.s32 $0x6000, v27;
	v41 =	vld.idx.msk [tilespmem:v58+s13+$0x0], $0xffff  }
0x4c5: {  	v62 =	vadd.s32 $0x6000, v29;
	v42 =	vld.idx.msk [tilespmem:v59+s13+$0x0], $0xffff  }
0x4c6: {  	v63 =	vadd.s32 $0x6000, v30;
	v43 =	vld.idx.msk [tilespmem:v60+s13+$0x0], $0xffff  }
0x4c7: {  	v0 =	vld.idx.msk [tilespmem:v0+s13+$0x0], $0xffff  }
0x4c8: {  	v2 =	vld.idx.msk [tilespmem:v2+s13+$0x0], $0xffff  }
0x4c9: {  	v44 =	vld.idx.msk [tilespmem:v61+s13+$0x0], $0xffff  }
0x4ca: {  	v45 =	vld.idx.msk [tilespmem:v62+s13+$0x0], $0xffff;
	v1 =	vadd.f32 v3, v1;
	v3 =	vadd.f32 v9, v5  }
0x4cb: {  	v5 =	vld.idx.msk [tilespmem:v63+s13+$0x0], $0xffff;
	v9 =	vadd.f32 v36, v35;
	v46 =	vadd.f32 v38, v37  }
0x4cc: {  	v48 =	vadd.f32 v40, v39;
	v49 =	vadd.f32 v42, v41  }
0x4cd: {  	v0 =	vadd.f32 v2, v0;
	v2 =	vadd.f32 v33, v32  }
0x4ce: {  	v1 =	vadd.f32 v3, v1;
	v3 =	vadd.f32 v49, v48  }
0x4cf: {  	v0 =	vadd.f32 v2, v0;
	v2 =	vadd.f32 v46, v9  }
0x4d0: {  	v5 =	vadd.f32 v5, v45;
	v9 =	vadd.f32 v44, v43  }
0x4d1: {  	v0 =	vadd.f32 v0, v1;
	v1 =	vadd.f32 v3, v2;
	_ =	sdelay $0x1  }
0x4d2: {  	v2 =	vadd.f32 v5, v9;
	v0 =	vadd.f32 v1, v0  }
0x4d3: {  	v1 =	vor.u32 $0x3000, v10  }
0x4d4: {  	v0 =	vadd.f32 v2, v0;
	v2 =	vadd.s32 $0x6080, v11  }
0x4d5: {  	v3 =	vadd.s32 $0x6080, v14  }
0x4d6: {  	v5 =	vadd.s32 $0x6080, v12;
	v0 =	vmul.f32 v0, v31  }
0x4d7: {  	v9 =	vadd.s32 $0x6080, v13  }
0x4d8: {  	v50 =	vadd.s32 $0x6080, v17;
	[tilespmem:v1+s0+$0x0] =	vst.idx.msk $0xffff, v0  }
0x4d9: {  	v51 =	vadd.s32 $0x6080, v20;
	v1 =	vld.idx.msk [tilespmem:v2+s13+$0x0], $0xffff  }
0x4da: {  	v52 =	vadd.s32 $0x6080, v19;
	v3 =	vld.idx.msk [tilespmem:v3+s13+$0x0], $0xffff  }
0x4db: {  	v53 =	vadd.s32 $0x6080, v18;
	v5 =	vld.idx.msk [tilespmem:v5+s13+$0x0], $0xffff  }
0x4dc: {  	v54 =	vadd.s32 $0x6080, v22;
	v9 =	vld.idx.msk [tilespmem:v9+s13+$0x0], $0xffff  }
0x4dd: {  	v55 =	vadd.s32 $0x6080, v21;
	v32 =	vld.idx.msk [tilespmem:v50+s13+$0x0], $0xffff  }
0x4de: {  	v56 =	vadd.s32 $0x6080, v23;
	v33 =	vld.idx.msk [tilespmem:v51+s13+$0x0], $0xffff  }
0x4df: {  	v57 =	vadd.s32 $0x6080, v26;
	v35 =	vld.idx.msk [tilespmem:v52+s13+$0x0], $0xffff  }
0x4e0: {  	v58 =	vadd.s32 $0x6080, v25;
	v36 =	vld.idx.msk [tilespmem:v53+s13+$0x0], $0xffff  }
0x4e1: {  	v59 =	vadd.s32 $0x6080, v24;
	v37 =	vld.idx.msk [tilespmem:v54+s13+$0x0], $0xffff  }
0x4e2: {  	v60 =	vadd.s32 $0x6080, v28;
	v38 =	vld.idx.msk [tilespmem:v55+s13+$0x0], $0xffff  }
0x4e3: {  	v0 =	vadd.s32 $0x6080, v16;
	v39 =	vld.idx.msk [tilespmem:v56+s13+$0x0], $0xffff  }
0x4e4: {  	v2 =	vadd.s32 $0x6080, v15;
	v40 =	vld.idx.msk [tilespmem:v57+s13+$0x0], $0xffff  }
0x4e5: {  	v61 =	vadd.s32 $0x6080, v27;
	v41 =	vld.idx.msk [tilespmem:v58+s13+$0x0], $0xffff  }
0x4e6: {  	v62 =	vadd.s32 $0x6080, v29;
	v42 =	vld.idx.msk [tilespmem:v59+s13+$0x0], $0xffff  }
0x4e7: {  	v63 =	vadd.s32 $0x6080, v30;
	v43 =	vld.idx.msk [tilespmem:v60+s13+$0x0], $0xffff  }
0x4e8: {  	v0 =	vld.idx.msk [tilespmem:v0+s13+$0x0], $0xffff  }
0x4e9: {  	v2 =	vld.idx.msk [tilespmem:v2+s13+$0x0], $0xffff  }
0x4ea: {  	v44 =	vld.idx.msk [tilespmem:v61+s13+$0x0], $0xffff  }
0x4eb: {  	v45 =	vld.idx.msk [tilespmem:v62+s13+$0x0], $0xffff;
	v1 =	vadd.f32 v3, v1;
	v3 =	vadd.f32 v9, v5  }
0x4ec: {  	v5 =	vld.idx.msk [tilespmem:v63+s13+$0x0], $0xffff;
	v9 =	vadd.f32 v36, v35;
	v46 =	vadd.f32 v38, v37  }
0x4ed: {  	v48 =	vadd.f32 v40, v39;
	v49 =	vadd.f32 v42, v41  }
0x4ee: {  	v0 =	vadd.f32 v2, v0;
	v2 =	vadd.f32 v33, v32  }
0x4ef: {  	v1 =	vadd.f32 v3, v1;
	v3 =	vadd.f32 v49, v48  }
0x4f0: {  	v0 =	vadd.f32 v2, v0;
	v2 =	vadd.f32 v46, v9  }
0x4f1: {  	v5 =	vadd.f32 v5, v45;
	v9 =	vadd.f32 v44, v43  }
0x4f2: {  	v0 =	vadd.f32 v0, v1;
	v1 =	vadd.f32 v3, v2;
	_ =	sdelay $0x1  }
0x4f3: {  	v2 =	vadd.f32 v5, v9;
	v0 =	vadd.f32 v1, v0  }
0x4f4: {  	v1 =	vor.u32 $0x3080, v10  }
0x4f5: {  	v0 =	vadd.f32 v2, v0;
	v2 =	vadd.s32 $0x6100, v11  }
0x4f6: {  	v3 =	vadd.s32 $0x6100, v14  }
0x4f7: {  	v5 =	vadd.s32 $0x6100, v12;
	v0 =	vmul.f32 v0, v31  }
0x4f8: {  	v9 =	vadd.s32 $0x6100, v13  }
0x4f9: {  	v50 =	vadd.s32 $0x6100, v17;
	[tilespmem:v1+s0+$0x0] =	vst.idx.msk $0xffff, v0  }
0x4fa: {  	v51 =	vadd.s32 $0x6100, v20;
	v1 =	vld.idx.msk [tilespmem:v2+s13+$0x0], $0xffff  }
0x4fb: {  	v52 =	vadd.s32 $0x6100, v19;
	v3 =	vld.idx.msk [tilespmem:v3+s13+$0x0], $0xffff  }
0x4fc: {  	v53 =	vadd.s32 $0x6100, v18;
	v5 =	vld.idx.msk [tilespmem:v5+s13+$0x0], $0xffff  }
0x4fd: {  	v54 =	vadd.s32 $0x6100, v22;
	v9 =	vld.idx.msk [tilespmem:v9+s13+$0x0], $0xffff  }
0x4fe: {  	v55 =	vadd.s32 $0x6100, v21;
	v32 =	vld.idx.msk [tilespmem:v50+s13+$0x0], $0xffff  }
0x4ff: {  	v56 =	vadd.s32 $0x6100, v23;
	v33 =	vld.idx.msk [tilespmem:v51+s13+$0x0], $0xffff  }
0x500: {  	v57 =	vadd.s32 $0x6100, v26;
	v35 =	vld.idx.msk [tilespmem:v52+s13+$0x0], $0xffff  }
0x501: {  	v58 =	vadd.s32 $0x6100, v25;
	v36 =	vld.idx.msk [tilespmem:v53+s13+$0x0], $0xffff  }
0x502: {  	v59 =	vadd.s32 $0x6100, v24;
	v37 =	vld.idx.msk [tilespmem:v54+s13+$0x0], $0xffff  }
0x503: {  	v60 =	vadd.s32 $0x6100, v28;
	v38 =	vld.idx.msk [tilespmem:v55+s13+$0x0], $0xffff  }
0x504: {  	v0 =	vadd.s32 $0x6100, v16;
	v39 =	vld.idx.msk [tilespmem:v56+s13+$0x0], $0xffff  }
0x505: {  	v2 =	vadd.s32 $0x6100, v15;
	v40 =	vld.idx.msk [tilespmem:v57+s13+$0x0], $0xffff  }
0x506: {  	v61 =	vadd.s32 $0x6100, v27;
	v41 =	vld.idx.msk [tilespmem:v58+s13+$0x0], $0xffff  }
0x507: {  	v62 =	vadd.s32 $0x6100, v29;
	v42 =	vld.idx.msk [tilespmem:v59+s13+$0x0], $0xffff  }
0x508: {  	v63 =	vadd.s32 $0x6100, v30;
	v43 =	vld.idx.msk [tilespmem:v60+s13+$0x0], $0xffff  }
0x509: {  	v0 =	vld.idx.msk [tilespmem:v0+s13+$0x0], $0xffff  }
0x50a: {  	v2 =	vld.idx.msk [tilespmem:v2+s13+$0x0], $0xffff  }
0x50b: {  	v44 =	vld.idx.msk [tilespmem:v61+s13+$0x0], $0xffff  }
0x50c: {  	v45 =	vld.idx.msk [tilespmem:v62+s13+$0x0], $0xffff;
	v1 =	vadd.f32 v3, v1;
	v3 =	vadd.f32 v9, v5  }
0x50d: {  	v5 =	vld.idx.msk [tilespmem:v63+s13+$0x0], $0xffff;
	v9 =	vadd.f32 v36, v35;
	v46 =	vadd.f32 v38, v37  }
0x50e: {  	v48 =	vadd.f32 v40, v39;
	v49 =	vadd.f32 v42, v41  }
0x50f: {  	v0 =	vadd.f32 v2, v0;
	v2 =	vadd.f32 v33, v32  }
0x510: {  	v1 =	vadd.f32 v3, v1;
	v3 =	vadd.f32 v49, v48  }
0x511: {  	v0 =	vadd.f32 v2, v0;
	v2 =	vadd.f32 v46, v9  }
0x512: {  	v5 =	vadd.f32 v5, v45;
	v9 =	vadd.f32 v44, v43  }
0x513: {  	v0 =	vadd.f32 v0, v1;
	v1 =	vadd.f32 v3, v2;
	_ =	sdelay $0x1  }
0x514: {  	v2 =	vadd.f32 v5, v9;
	v0 =	vadd.f32 v1, v0  }
0x515: {  	v1 =	vor.u32 $0x3100, v10  }
0x516: {  	v0 =	vadd.f32 v2, v0;
	v2 =	vadd.s32 $0x6180, v11  }
0x517: {  	v3 =	vadd.s32 $0x6180, v14  }
0x518: {  	v5 =	vadd.s32 $0x6180, v12;
	v0 =	vmul.f32 v0, v31  }
0x519: {  	v9 =	vadd.s32 $0x6180, v13  }
0x51a: {  	v50 =	vadd.s32 $0x6180, v17;
	[tilespmem:v1+s0+$0x0] =	vst.idx.msk $0xffff, v0  }
0x51b: {  	v51 =	vadd.s32 $0x6180, v20;
	v1 =	vld.idx.msk [tilespmem:v2+s13+$0x0], $0xffff  }
0x51c: {  	v52 =	vadd.s32 $0x6180, v19;
	v3 =	vld.idx.msk [tilespmem:v3+s13+$0x0], $0xffff  }
0x51d: {  	v53 =	vadd.s32 $0x6180, v18;
	v5 =	vld.idx.msk [tilespmem:v5+s13+$0x0], $0xffff  }
0x51e: {  	v54 =	vadd.s32 $0x6180, v22;
	v9 =	vld.idx.msk [tilespmem:v9+s13+$0x0], $0xffff  }
0x51f: {  	v55 =	vadd.s32 $0x6180, v21;
	v32 =	vld.idx.msk [tilespmem:v50+s13+$0x0], $0xffff  }
0x520: {  	v56 =	vadd.s32 $0x6180, v23;
	v33 =	vld.idx.msk [tilespmem:v51+s13+$0x0], $0xffff  }
0x521: {  	v57 =	vadd.s32 $0x6180, v26;
	v35 =	vld.idx.msk [tilespmem:v52+s13+$0x0], $0xffff  }
0x522: {  	v58 =	vadd.s32 $0x6180, v25;
	v36 =	vld.idx.msk [tilespmem:v53+s13+$0x0], $0xffff  }
0x523: {  	v59 =	vadd.s32 $0x6180, v24;
	v37 =	vld.idx.msk [tilespmem:v54+s13+$0x0], $0xffff  }
0x524: {  	v60 =	vadd.s32 $0x6180, v28;
	v38 =	vld.idx.msk [tilespmem:v55+s13+$0x0], $0xffff  }
0x525: {  	v0 =	vadd.s32 $0x6180, v16;
	v39 =	vld.idx.msk [tilespmem:v56+s13+$0x0], $0xffff  }
0x526: {  	v2 =	vadd.s32 $0x6180, v15;
	v40 =	vld.idx.msk [tilespmem:v57+s13+$0x0], $0xffff  }
0x527: {  	v61 =	vadd.s32 $0x6180, v27;
	v41 =	vld.idx.msk [tilespmem:v58+s13+$0x0], $0xffff  }
0x528: {  	v62 =	vadd.s32 $0x6180, v29;
	v42 =	vld.idx.msk [tilespmem:v59+s13+$0x0], $0xffff  }
0x529: {  	v63 =	vadd.s32 $0x6180, v30;
	v43 =	vld.idx.msk [tilespmem:v60+s13+$0x0], $0xffff  }
0x52a: {  	v0 =	vld.idx.msk [tilespmem:v0+s13+$0x0], $0xffff  }
0x52b: {  	v2 =	vld.idx.msk [tilespmem:v2+s13+$0x0], $0xffff  }
0x52c: {  	v44 =	vld.idx.msk [tilespmem:v61+s13+$0x0], $0xffff  }
0x52d: {  	v45 =	vld.idx.msk [tilespmem:v62+s13+$0x0], $0xffff;
	v1 =	vadd.f32 v3, v1;
	v3 =	vadd.f32 v9, v5  }
0x52e: {  	v5 =	vld.idx.msk [tilespmem:v63+s13+$0x0], $0xffff;
	v9 =	vadd.f32 v36, v35;
	v46 =	vadd.f32 v38, v37  }
0x52f: {  	v48 =	vadd.f32 v40, v39;
	v49 =	vadd.f32 v42, v41  }
0x530: {  	v0 =	vadd.f32 v2, v0;
	v2 =	vadd.f32 v33, v32  }
0x531: {  	v1 =	vadd.f32 v3, v1;
	v3 =	vadd.f32 v49, v48  }
0x532: {  	v0 =	vadd.f32 v2, v0;
	v2 =	vadd.f32 v46, v9  }
0x533: {  	v5 =	vadd.f32 v5, v45;
	v9 =	vadd.f32 v44, v43  }
0x534: {  	v0 =	vadd.f32 v0, v1;
	v1 =	vadd.f32 v3, v2;
	_ =	sdelay $0x1  }
0x535: {  	v2 =	vadd.f32 v5, v9;
	v0 =	vadd.f32 v1, v0  }
0x536: {  	v1 =	vor.u32 $0x3180, v10  }
0x537: {  	v0 =	vadd.f32 v2, v0;
	v2 =	vadd.s32 $0x6200, v11  }
0x538: {  	v3 =	vadd.s32 $0x6200, v14  }
0x539: {  	v5 =	vadd.s32 $0x6200, v12;
	v0 =	vmul.f32 v0, v31  }
0x53a: {  	v9 =	vadd.s32 $0x6200, v13  }
0x53b: {  	v50 =	vadd.s32 $0x6200, v17;
	[tilespmem:v1+s0+$0x0] =	vst.idx.msk $0xffff, v0  }
0x53c: {  	v51 =	vadd.s32 $0x6200, v20;
	v1 =	vld.idx.msk [tilespmem:v2+s13+$0x0], $0xffff  }
0x53d: {  	v52 =	vadd.s32 $0x6200, v19;
	v3 =	vld.idx.msk [tilespmem:v3+s13+$0x0], $0xffff  }
0x53e: {  	v53 =	vadd.s32 $0x6200, v18;
	v5 =	vld.idx.msk [tilespmem:v5+s13+$0x0], $0xffff  }
0x53f: {  	v54 =	vadd.s32 $0x6200, v22;
	v9 =	vld.idx.msk [tilespmem:v9+s13+$0x0], $0xffff  }
0x540: {  	v55 =	vadd.s32 $0x6200, v21;
	v32 =	vld.idx.msk [tilespmem:v50+s13+$0x0], $0xffff  }
0x541: {  	v56 =	vadd.s32 $0x6200, v23;
	v33 =	vld.idx.msk [tilespmem:v51+s13+$0x0], $0xffff  }
0x542: {  	v57 =	vadd.s32 $0x6200, v26;
	v35 =	vld.idx.msk [tilespmem:v52+s13+$0x0], $0xffff  }
0x543: {  	v58 =	vadd.s32 $0x6200, v25;
	v36 =	vld.idx.msk [tilespmem:v53+s13+$0x0], $0xffff  }
0x544: {  	v59 =	vadd.s32 $0x6200, v24;
	v37 =	vld.idx.msk [tilespmem:v54+s13+$0x0], $0xffff  }
0x545: {  	v60 =	vadd.s32 $0x6200, v28;
	v38 =	vld.idx.msk [tilespmem:v55+s13+$0x0], $0xffff  }
0x546: {  	v0 =	vadd.s32 $0x6200, v16;
	v39 =	vld.idx.msk [tilespmem:v56+s13+$0x0], $0xffff  }
0x547: {  	v2 =	vadd.s32 $0x6200, v15;
	v40 =	vld.idx.msk [tilespmem:v57+s13+$0x0], $0xffff  }
0x548: {  	v61 =	vadd.s32 $0x6200, v27;
	v41 =	vld.idx.msk [tilespmem:v58+s13+$0x0], $0xffff  }
0x549: {  	v62 =	vadd.s32 $0x6200, v29;
	v42 =	vld.idx.msk [tilespmem:v59+s13+$0x0], $0xffff  }
0x54a: {  	v63 =	vadd.s32 $0x6200, v30;
	v43 =	vld.idx.msk [tilespmem:v60+s13+$0x0], $0xffff  }
0x54b: {  	v0 =	vld.idx.msk [tilespmem:v0+s13+$0x0], $0xffff  }
0x54c: {  	v2 =	vld.idx.msk [tilespmem:v2+s13+$0x0], $0xffff  }
0x54d: {  	v44 =	vld.idx.msk [tilespmem:v61+s13+$0x0], $0xffff  }
0x54e: {  	v45 =	vld.idx.msk [tilespmem:v62+s13+$0x0], $0xffff;
	v1 =	vadd.f32 v3, v1;
	v3 =	vadd.f32 v9, v5  }
0x54f: {  	v5 =	vld.idx.msk [tilespmem:v63+s13+$0x0], $0xffff;
	v9 =	vadd.f32 v36, v35;
	v46 =	vadd.f32 v38, v37  }
0x550: {  	v48 =	vadd.f32 v40, v39;
	v49 =	vadd.f32 v42, v41  }
0x551: {  	v0 =	vadd.f32 v2, v0;
	v2 =	vadd.f32 v33, v32  }
0x552: {  	v1 =	vadd.f32 v3, v1;
	v3 =	vadd.f32 v49, v48  }
0x553: {  	v0 =	vadd.f32 v2, v0;
	v2 =	vadd.f32 v46, v9  }
0x554: {  	v5 =	vadd.f32 v5, v45;
	v9 =	vadd.f32 v44, v43  }
0x555: {  	v0 =	vadd.f32 v0, v1;
	v1 =	vadd.f32 v3, v2;
	_ =	sdelay $0x1  }
0x556: {  	v2 =	vadd.f32 v5, v9;
	v0 =	vadd.f32 v1, v0  }
0x557: {  	v1 =	vor.u32 $0x3200, v10  }
0x558: {  	v0 =	vadd.f32 v2, v0;
	v2 =	vadd.s32 $0x6280, v11  }
0x559: {  	v3 =	vadd.s32 $0x6280, v14  }
0x55a: {  	v5 =	vadd.s32 $0x6280, v12;
	v0 =	vmul.f32 v0, v31  }
0x55b: {  	v9 =	vadd.s32 $0x6280, v13  }
0x55c: {  	v50 =	vadd.s32 $0x6280, v17;
	[tilespmem:v1+s0+$0x0] =	vst.idx.msk $0xffff, v0  }
0x55d: {  	v51 =	vadd.s32 $0x6280, v20;
	v1 =	vld.idx.msk [tilespmem:v2+s13+$0x0], $0xffff  }
0x55e: {  	v52 =	vadd.s32 $0x6280, v19;
	v3 =	vld.idx.msk [tilespmem:v3+s13+$0x0], $0xffff  }
0x55f: {  	v53 =	vadd.s32 $0x6280, v18;
	v5 =	vld.idx.msk [tilespmem:v5+s13+$0x0], $0xffff  }
0x560: {  	v54 =	vadd.s32 $0x6280, v22;
	v9 =	vld.idx.msk [tilespmem:v9+s13+$0x0], $0xffff  }
0x561: {  	v55 =	vadd.s32 $0x6280, v21;
	v32 =	vld.idx.msk [tilespmem:v50+s13+$0x0], $0xffff  }
0x562: {  	v56 =	vadd.s32 $0x6280, v23;
	v33 =	vld.idx.msk [tilespmem:v51+s13+$0x0], $0xffff  }
0x563: {  	v57 =	vadd.s32 $0x6280, v26;
	v35 =	vld.idx.msk [tilespmem:v52+s13+$0x0], $0xffff  }
0x564: {  	v58 =	vadd.s32 $0x6280, v25;
	v36 =	vld.idx.msk [tilespmem:v53+s13+$0x0], $0xffff  }
0x565: {  	v59 =	vadd.s32 $0x6280, v24;
	v37 =	vld.idx.msk [tilespmem:v54+s13+$0x0], $0xffff  }
0x566: {  	v60 =	vadd.s32 $0x6280, v28;
	v38 =	vld.idx.msk [tilespmem:v55+s13+$0x0], $0xffff  }
0x567: {  	v0 =	vadd.s32 $0x6280, v16;
	v39 =	vld.idx.msk [tilespmem:v56+s13+$0x0], $0xffff  }
0x568: {  	v2 =	vadd.s32 $0x6280, v15;
	v40 =	vld.idx.msk [tilespmem:v57+s13+$0x0], $0xffff  }
0x569: {  	v61 =	vadd.s32 $0x6280, v27;
	v41 =	vld.idx.msk [tilespmem:v58+s13+$0x0], $0xffff  }
0x56a: {  	v62 =	vadd.s32 $0x6280, v29;
	v42 =	vld.idx.msk [tilespmem:v59+s13+$0x0], $0xffff  }
0x56b: {  	v63 =	vadd.s32 $0x6280, v30;
	v43 =	vld.idx.msk [tilespmem:v60+s13+$0x0], $0xffff  }
0x56c: {  	v0 =	vld.idx.msk [tilespmem:v0+s13+$0x0], $0xffff  }
0x56d: {  	v2 =	vld.idx.msk [tilespmem:v2+s13+$0x0], $0xffff  }
0x56e: {  	v44 =	vld.idx.msk [tilespmem:v61+s13+$0x0], $0xffff  }
0x56f: {  	v45 =	vld.idx.msk [tilespmem:v62+s13+$0x0], $0xffff;
	v1 =	vadd.f32 v3, v1;
	v3 =	vadd.f32 v9, v5  }
0x570: {  	v5 =	vld.idx.msk [tilespmem:v63+s13+$0x0], $0xffff;
	v9 =	vadd.f32 v36, v35;
	v46 =	vadd.f32 v38, v37  }
0x571: {  	v48 =	vadd.f32 v40, v39;
	v49 =	vadd.f32 v42, v41  }
0x572: {  	v0 =	vadd.f32 v2, v0;
	v2 =	vadd.f32 v33, v32  }
0x573: {  	v1 =	vadd.f32 v3, v1;
	v3 =	vadd.f32 v49, v48  }
0x574: {  	v0 =	vadd.f32 v2, v0;
	v2 =	vadd.f32 v46, v9  }
0x575: {  	v5 =	vadd.f32 v5, v45;
	v9 =	vadd.f32 v44, v43  }
0x576: {  	v0 =	vadd.f32 v0, v1;
	v1 =	vadd.f32 v3, v2;
	_ =	sdelay $0x1  }
0x577: {  	v2 =	vadd.f32 v5, v9;
	v0 =	vadd.f32 v1, v0  }
0x578: {  	v1 =	vor.u32 $0x3280, v10  }
0x579: {  	v0 =	vadd.f32 v2, v0;
	v2 =	vadd.s32 $0x6300, v11  }
0x57a: {  	v3 =	vadd.s32 $0x6300, v14  }
0x57b: {  	v5 =	vadd.s32 $0x6300, v12;
	v0 =	vmul.f32 v0, v31  }
0x57c: {  	v9 =	vadd.s32 $0x6300, v13  }
0x57d: {  	v50 =	vadd.s32 $0x6300, v17;
	[tilespmem:v1+s0+$0x0] =	vst.idx.msk $0xffff, v0  }
0x57e: {  	v51 =	vadd.s32 $0x6300, v20;
	v1 =	vld.idx.msk [tilespmem:v2+s13+$0x0], $0xffff  }
0x57f: {  	v52 =	vadd.s32 $0x6300, v19;
	v3 =	vld.idx.msk [tilespmem:v3+s13+$0x0], $0xffff  }
0x580: {  	v53 =	vadd.s32 $0x6300, v18;
	v5 =	vld.idx.msk [tilespmem:v5+s13+$0x0], $0xffff  }
0x581: {  	v54 =	vadd.s32 $0x6300, v22;
	v9 =	vld.idx.msk [tilespmem:v9+s13+$0x0], $0xffff  }
0x582: {  	v55 =	vadd.s32 $0x6300, v21;
	v32 =	vld.idx.msk [tilespmem:v50+s13+$0x0], $0xffff  }
0x583: {  	v56 =	vadd.s32 $0x6300, v23;
	v33 =	vld.idx.msk [tilespmem:v51+s13+$0x0], $0xffff  }
0x584: {  	v57 =	vadd.s32 $0x6300, v26;
	v35 =	vld.idx.msk [tilespmem:v52+s13+$0x0], $0xffff  }
0x585: {  	v58 =	vadd.s32 $0x6300, v25;
	v36 =	vld.idx.msk [tilespmem:v53+s13+$0x0], $0xffff  }
0x586: {  	v59 =	vadd.s32 $0x6300, v24;
	v37 =	vld.idx.msk [tilespmem:v54+s13+$0x0], $0xffff  }
0x587: {  	v60 =	vadd.s32 $0x6300, v28;
	v38 =	vld.idx.msk [tilespmem:v55+s13+$0x0], $0xffff  }
0x588: {  	v0 =	vadd.s32 $0x6300, v16;
	v39 =	vld.idx.msk [tilespmem:v56+s13+$0x0], $0xffff  }
0x589: {  	v2 =	vadd.s32 $0x6300, v15;
	v40 =	vld.idx.msk [tilespmem:v57+s13+$0x0], $0xffff  }
0x58a: {  	v61 =	vadd.s32 $0x6300, v27;
	v41 =	vld.idx.msk [tilespmem:v58+s13+$0x0], $0xffff  }
0x58b: {  	v62 =	vadd.s32 $0x6300, v29;
	v42 =	vld.idx.msk [tilespmem:v59+s13+$0x0], $0xffff  }
0x58c: {  	v63 =	vadd.s32 $0x6300, v30;
	v43 =	vld.idx.msk [tilespmem:v60+s13+$0x0], $0xffff  }
0x58d: {  	v0 =	vld.idx.msk [tilespmem:v0+s13+$0x0], $0xffff  }
0x58e: {  	v2 =	vld.idx.msk [tilespmem:v2+s13+$0x0], $0xffff  }
0x58f: {  	v44 =	vld.idx.msk [tilespmem:v61+s13+$0x0], $0xffff  }
0x590: {  	v45 =	vld.idx.msk [tilespmem:v62+s13+$0x0], $0xffff;
	v1 =	vadd.f32 v3, v1;
	v3 =	vadd.f32 v9, v5  }
0x591: {  	v5 =	vld.idx.msk [tilespmem:v63+s13+$0x0], $0xffff;
	v9 =	vadd.f32 v36, v35;
	v48 =	vadd.f32 v38, v37  }
0x592: {  	v49 =	vadd.f32 v40, v39;
	v50 =	vadd.f32 v42, v41  }
0x593: {  	v0 =	vadd.f32 v2, v0;
	v2 =	vadd.f32 v33, v32  }
0x594: {  	v1 =	vadd.f32 v3, v1;
	v3 =	vadd.f32 v50, v49  }
0x595: {  	v0 =	vadd.f32 v2, v0;
	v2 =	vadd.f32 v48, v9  }
0x596: {  	v5 =	vadd.f32 v5, v45;
	v9 =	vadd.f32 v44, v43  }
0x597: {  	v0 =	vadd.f32 v0, v1;
	v1 =	vadd.f32 v3, v2;
	_ =	sdelay $0x1  }
0x598: {  	v2 =	vadd.f32 v5, v9;
	v0 =	vadd.f32 v1, v0  }
0x599: {  	v1 =	vor.u32 $0x3300, v10  }
0x59a: {  	v0 =	vadd.f32 v2, v0;
	v2 =	vadd.s32 $0x6380, v11  }
0x59b: {  	v3 =	vadd.s32 $0x6380, v14  }
0x59c: {  	v5 =	vadd.s32 $0x6380, v12;
	v0 =	vmul.f32 v0, v31  }
0x59d: {  	v9 =	vadd.s32 $0x6380, v13  }
0x59e: {  	v10 =	vadd.s32 $0x6380, v17;
	[tilespmem:v1+s0+$0x0] =	vst.idx.msk $0xffff, v0  }
0x59f: {  	v11 =	vadd.s32 $0x6380, v20;
	v1 =	vld.idx.msk [tilespmem:v2+s13+$0x0], $0xffff  }
0x5a0: {  	v51 =	vadd.s32 $0x6380, v19;
	v3 =	vld.idx.msk [tilespmem:v3+s13+$0x0], $0xffff  }
0x5a1: {  	v52 =	vadd.s32 $0x6380, v18;
	v5 =	vld.idx.msk [tilespmem:v5+s13+$0x0], $0xffff  }
0x5a2: {  	v53 =	vadd.s32 $0x6380, v22;
	v9 =	vld.idx.msk [tilespmem:v9+s13+$0x0], $0xffff  }
0x5a3: {  	v54 =	vadd.s32 $0x6380, v21;
	v10 =	vld.idx.msk [tilespmem:v10+s13+$0x0], $0xffff  }
0x5a4: {  	v55 =	vadd.s32 $0x6380, v23;
	v11 =	vld.idx.msk [tilespmem:v11+s13+$0x0], $0xffff  }
0x5a5: {  	v56 =	vadd.s32 $0x6380, v26;
	v12 =	vld.idx.msk [tilespmem:v51+s13+$0x0], $0xffff  }
0x5a6: {  	v57 =	vadd.s32 $0x6380, v25;
	v13 =	vld.idx.msk [tilespmem:v52+s13+$0x0], $0xffff  }
0x5a7: {  	v58 =	vadd.s32 $0x6380, v24;
	v14 =	vld.idx.msk [tilespmem:v53+s13+$0x0], $0xffff  }
0x5a8: {  	v0 =	vadd.s32 $0x6380, v16;
	v2 =	vadd.s32 $0x6380, v15;
	v15 =	vld.idx.msk [tilespmem:v54+s13+$0x0], $0xffff  }
0x5a9: {  	v16 =	vld.idx.msk [tilespmem:v55+s13+$0x0], $0xffff  }
0x5aa: {  	v59 =	vadd.s32 $0x6380, v28;
	v17 =	vld.idx.msk [tilespmem:v56+s13+$0x0], $0xffff  }
0x5ab: {  	v60 =	vadd.s32 $0x6380, v27;
	v18 =	vld.idx.msk [tilespmem:v57+s13+$0x0], $0xffff  }
0x5ac: {  	v61 =	vadd.s32 $0x6380, v29;
	v19 =	vld.idx.msk [tilespmem:v58+s13+$0x0], $0xffff  }
0x5ad: {  	v62 =	vadd.s32 $0x6380, v30;
	v0 =	vld.idx.msk [tilespmem:v0+s13+$0x0], $0xffff  }
0x5ae: {  	v2 =	vld.idx.msk [tilespmem:v2+s13+$0x0], $0xffff  }
0x5af: {  	v20 =	vld.idx.msk [tilespmem:v59+s13+$0x0], $0xffff  }
0x5b0: {  	v21 =	vld.idx.msk [tilespmem:v60+s13+$0x0], $0xffff  }
0x5b1: {  	v22 =	vld.idx.msk [tilespmem:v61+s13+$0x0], $0xffff;
	v1 =	vadd.f32 v3, v1;
	v3 =	vadd.f32 v9, v5  }
0x5b2: {  	v5 =	vld.idx.msk [tilespmem:v62+s13+$0x0], $0xffff;
	v9 =	vadd.f32 v13, v12;
	v63 =	vadd.f32 v19, v18  }
0x5b3: {  	v0 =	vadd.f32 v2, v0;
	v2 =	vadd.f32 v11, v10  }
0x5b4: {  	v10 =	vadd.f32 v15, v14;
	v11 =	vadd.f32 v17, v16  }
0x5b5: {  	v1 =	vadd.f32 v3, v1;
	v0 =	vadd.f32 v2, v0  }
0x5b6: {  	v2 =	vadd.f32 v10, v9;
	v3 =	vadd.f32 v63, v11  }
0x5b7: {  	v5 =	vadd.f32 v5, v22;
	v9 =	vadd.f32 v21, v20  }
0x5b8: {  	v0 =	vadd.f32 v0, v1;
	v1 =	vadd.f32 v3, v2;
	_ =	sdelay $0x1  }
0x5b9: {  	v2 =	vadd.f32 v5, v9;
	v0 =	vadd.f32 v1, v0  }
0x5ba: {  	p0 =	sne.s32 s6, $0x1F0;
	v1 =	vor.u32 $0x3380, v47  }
.Ltmp1:
0x5bb: {  	v0 =	vadd.f32 v2, v0;
	(pc) =	sbr.rel @p0 .LBB2_4-.Ltmp1, $3  }
0x5bc: {  	_ = 	snop  }
0x5bd: {  	v0 =	vmul.f32 v0, v31;
	_ =	sdelay $0x1  }
0x5be: {  	s6 =	sadd.s32 $0x10, s6;
	v2 =	vlaneseq.u32;
	[tilespmem:v1+s0+$0x0] =	vst.idx.msk $0xffff, v0  }
0x5bf: {  	s2 =	rddreg [dreg:$0x7]  }
0x5c0: {  	[hbm4b:s2+s10] =	stream.strided.scatter [tilespmem:s25], [sflag:$0x9], $0x4000, s11, s10, $0x38;
	[tilespmem:$0x1B200] =	vst v63  }
0x5c1: {  	_ =	swait.ge [sflag:s9], $0x4000  }
0x5c2: {  	[sflag:s9] =	ssyncset.done $0x0  }
0x5c3: {  	s7 =	rddreg [dreg:$0xa];
	[sflag:s9] =	ssyncadd.s32 $0xFFFFC000  }
0x5c4: {  	[hbm4b:s7+s10] =	stream.strided.scatter [tilespmem:s0], [sflag:$0x9], $0x4000, s11, s10, $0x38;
	[tilespmem:$0x1B200] =	vst v63  }
0x5c5: {  	_ =	swait.ge [sflag:s9], $0x4000  }
0x5c6: {  	s5 =	sadd.s32 $0x1, s5;
	s8 =	rddreg [dreg:$0xb]  }
0x5c7: {  	p0 =	sne.s32 s5, s8  }
.Ltmp2:
0x5c8: {  	_ = 	snop;
	(pc) =	sbr.rel @p0 .LBB2_1-.Ltmp2, $3  }
0x5c9: {  	_ =	sdelay $0x1  }
0x5ca: {  	[sflag:s9] =	ssyncset.done $0x0  }
0x5cb: {  	[sflag:s9] =	ssyncadd.s32 $0xFFFFC000  }
0x5cc: {  	_ =	sfence.sel $0x180000  }
0x5cd: {  	[bflag:$0x0] =	sbarrier.arrive $0xFFFF  }
0x5ce: {  	_ =	strace $0x90000047  }
0x5cf: {  	s0 =	stileid.u32;
	[bflag:$0x2] =	sbarrier.arrive $0xFFFF  }
0x5d0: {  	p0 =	sne.s32 s0, $0x0;
	s0 =	rddreg [dreg:$0x5]  }
0x5d1: {  	s0 =	sadd.s32 @!p0 $0x100000, s0  }
0x5d2: {  	[sflag:s0] =	ssyncadd.tile.s32 @!p0 $0x1;
	_ =	shalt  }
.Lfunc_end2:
_tile_overlayer_lowered:
.L_overlay_start_2:
0x5d3: {  	(tag) =	ssettag $0x2  }
0x5d4: {  	s0 =	rddreg [dreg:$0x0];
	s2 =	stileid.u32  }
0x5d5: {  	s1 =	rddreg [dreg:$0x1];
	p0 =	sne.s32 s2, $0x0  }
0x5d6: {  	s3 =	rddreg [dreg:$0x2];
	[bflag:$0x3] =	sbarrier.arrive $0xFFFF;
	s2 =	simm.s32 @!p0 $0x1C09  }
0x5d7: {  	[timem:s3], [sflag:s2] =	dma.local @!p0 [hbm:s0], s1  }
0x5d8: {  	s0 =	simm.s32 @!p0 $0x9  }
0x5d9: {  	_ =	swait.ge @!p0 [sflag:s0], s1  }
0x5da: {  	s1 =	ssub.s32 @!p0 $0x0, s1;
	[sflag:s0] =	ssyncset.done @!p0 $0x0  }
0x5db: {  	[sflag:s0] =	ssyncadd.s32 @!p0 s1  }
0x5dc: {  	[bflag:$0x3] =	sbarrier.arrive $0xFFFF  }
0x5dd: {  	_ =	shalt  }

</sc_bundles>
